<compile_context>
chip_gen: v7x
topology: tpu7x:2x2x1
jax: 0.10.2.dev20260603
libtpu: 0.0.44.dev20260713+nightly
codegen_flags: <defaults>
</compile_context>

<pallas_src>
import functools

import jax
import jax.numpy as jnp
from jax import lax
from jax.experimental import pallas as pl
from jax.experimental.pallas import tpu as pltpu
from jax.experimental.pallas import tpu_sc as plsc

N = 10000
E = 320000
D = 128
H = 128

NC = 2
NS = 16
NW = NC * NS
L = 16

EPW = E // NW
CB = 80
NCH = EPW // CB
NCHA = 63
NCHB = NCH - NCHA

BN = 2000
BE = 2000

_SC_MESH = dict(core_axis_name="c", subcore_axis_name="s")



def _node_tables_body(h_ref, p_ref, wr_ref, wc_ref, w3_ref, be1_ref, a_ref, b_ref):
    h = h_ref[...]
    p = p_ref[...]
    sr = jnp.sum(p * p, axis=1, keepdims=True)
    w3 = w3_ref[...]
    base = sr * w3
    a_ref[...] = jnp.dot(h, wr_ref[...], preferred_element_type=jnp.float32) \
        + base + be1_ref[...]
    b_ref[...] = jnp.dot(h, wc_ref[...], preferred_element_type=jnp.float32) + base


def _node_tables(h, positions, Wr, Wc, w3row, be1row):
    return pl.pallas_call(
        _node_tables_body,
        grid=(N // BN,),
        in_specs=[
            pl.BlockSpec((BN, D), lambda i: (i, 0)),
            pl.BlockSpec((BN, 3), lambda i: (i, 0)),
            pl.BlockSpec((D, H), lambda i: (0, 0)),
            pl.BlockSpec((D, H), lambda i: (0, 0)),
            pl.BlockSpec((1, H), lambda i: (0, 0)),
            pl.BlockSpec((1, H), lambda i: (0, 0)),
        ],
        out_specs=[
            pl.BlockSpec((BN, H), lambda i: (i, 0)),
            pl.BlockSpec((BN, H), lambda i: (i, 0)),
        ],
        out_shape=[
            jax.ShapeDtypeStruct((N, H), jnp.float32),
            jax.ShapeDtypeStruct((N, H), jnp.float32),
        ],
    )(h, positions, Wr, Wc, w3row, be1row)



def _edge_pre_body(nch, a_hbm, b_hbm, row3_hbm, col3_hbm, px_hbm, py_hbm,
                   pz_hbm, w3_hbm, out_hbm,
                   idxR2, idxC2, bufA0, bufB0, bufA1, bufB1, bufO,
                   radv, pxv, pyv, pzv, w3v,
                   semA0, semB0, semA1, semB1, semO):
    wid = lax.axis_index("s") * NC + lax.axis_index("c")
    base = wid * (nch * CB)

    pltpu.sync_copy(row3_hbm.at[wid], idxR2)
    pltpu.sync_copy(col3_hbm.at[wid], idxC2)
    pltpu.sync_copy(px_hbm, pxv)
    pltpu.sync_copy(py_hbm, pyv)
    pltpu.sync_copy(pz_hbm, pzv)
    pltpu.sync_copy(w3_hbm, w3v)

    w3g = [w3v[pl.ds(g * L, L)] for g in range(H // L)]

    def issue(ci, bA, bB, sA, sB):
        pltpu.async_copy(a_hbm.at[idxR2.at[ci]], bA, sA)
        pltpu.async_copy(b_hbm.at[idxC2.at[ci]], bB, sB)

    def wait_gather(bA, bB, sA, sB):
        pltpu.make_async_copy(a_hbm.at[idxR2.at[0]], bA, sA).wait()
        pltpu.make_async_copy(b_hbm.at[idxC2.at[0]], bB, sB).wait()

    def compute(ci, bA, bB):
        for g in range(CB // L):
            sl = pl.ds(g * L, L)
            ir = idxR2[ci, sl]
            ic = idxC2[ci, sl]
            xr = plsc.load_gather(pxv, [ir])
            xc = plsc.load_gather(pxv, [ic])
            yr = plsc.load_gather(pyv, [ir])
            yc = plsc.load_gather(pyv, [ic])
            zr = plsc.load_gather(pzv, [ir])
            zc = plsc.load_gather(pzv, [ic])
            radv[sl] = -2.0 * (xr * xc + yr * yc + zr * zc)

        @pl.when(ci > 0)
        def _():
            pltpu.make_async_copy(bufO, out_hbm.at[pl.ds(base, CB)], semO).wait()

        def edge(e, c2):
            r = radv[pl.ds(e, L)][0]
            for g in range(H // L):
                sl = pl.ds(g * L, L)
                bufO[e, sl] = jnp.maximum(bA[e, sl] + bB[e, sl] + r * w3g[g], 0.0)
            return c2

        lax.fori_loop(0, CB, edge, 0)
        pltpu.async_copy(bufO, out_hbm.at[pl.ds(base + ci * CB, CB)], semO)

    issue(0, bufA0, bufB0, semA0, semB0)

    def pair(k, carry):
        c0 = 2 * k
        issue(c0 + 1, bufA1, bufB1, semA1, semB1)
        wait_gather(bufA0, bufB0, semA0, semB0)
        compute(c0, bufA0, bufB0)
        issue(c0 + 2, bufA0, bufB0, semA0, semB0)
        wait_gather(bufA1, bufB1, semA1, semB1)
        compute(c0 + 1, bufA1, bufB1)
        return carry

    if nch % 2 == 1:
        lax.fori_loop(0, (nch - 1) // 2, pair, 0)
        wait_gather(bufA0, bufB0, semA0, semB0)
        compute(nch - 1, bufA0, bufB0)
    else:
        lax.fori_loop(0, (nch - 2) // 2, pair, 0)
        issue(nch - 1, bufA1, bufB1, semA1, semB1)
        wait_gather(bufA0, bufB0, semA0, semB0)
        compute(nch - 2, bufA0, bufB0)
        wait_gather(bufA1, bufB1, semA1, semB1)
        compute(nch - 1, bufA1, bufB1)
    pltpu.make_async_copy(bufO, out_hbm.at[pl.ds(base, CB)], semO).wait()


def _edge_pre(A, B, row3, col3, px, py, pz, w3, nch):
    return pl.kernel(
        functools.partial(_edge_pre_body, nch),
        out_type=jax.ShapeDtypeStruct((NW * nch * CB, H), jnp.float32),
        mesh=plsc.VectorSubcoreMesh(**_SC_MESH),
        compiler_params=pltpu.CompilerParams(needs_layout_passes=False),
        scratch_types=[
            pltpu.VMEM((nch, CB), jnp.int32),
            pltpu.VMEM((nch, CB), jnp.int32),
            pltpu.VMEM((CB, H), jnp.float32),
            pltpu.VMEM((CB, H), jnp.float32),
            pltpu.VMEM((CB, H), jnp.float32),
            pltpu.VMEM((CB, H), jnp.float32),
            pltpu.VMEM((CB, H), jnp.float32),
            pltpu.VMEM((CB + L,), jnp.float32),
            pltpu.VMEM((N,), jnp.float32),
            pltpu.VMEM((N,), jnp.float32),
            pltpu.VMEM((N,), jnp.float32),
            pltpu.VMEM((H,), jnp.float32),
            pltpu.SemaphoreType.DMA,
            pltpu.SemaphoreType.DMA,
            pltpu.SemaphoreType.DMA,
            pltpu.SemaphoreType.DMA,
            pltpu.SemaphoreType.DMA,
        ],
    )(A, B, row3, col3, px, py, pz, w3)



def _edge_mlp_body(pre_ref, w2_ref, be2_ref, f_ref):
    pre = pre_ref[...].astype(jnp.bfloat16)
    f_ref[...] = jnp.maximum(
        jnp.dot(pre, w2_ref[...].astype(jnp.bfloat16),
                preferred_element_type=jnp.float32)
        + be2_ref[...], 0.0)


def _edge_mlp(pre, We2, be2row):
    ne = pre.shape[0]
    be = ne // 64 if ne % 64 == 0 else BE
    assert ne % be == 0 and be % 8 == 0
    return pl.pallas_call(
        _edge_mlp_body,
        grid=(ne // be,),
        in_specs=[
            pl.BlockSpec((be, H), lambda i: (i, 0)),
            pl.BlockSpec((H, H), lambda i: (0, 0)),
            pl.BlockSpec((1, H), lambda i: (0, 0)),
        ],
        out_specs=pl.BlockSpec((be, H), lambda i: (i, 0)),
        out_shape=jax.ShapeDtypeStruct((ne, H), jnp.float32),
    )(pre, We2, be2row)



ZR = 125
RPT = N // NS


def _scatter_body(nch, f_hbm, row_hbm, out_hbm, idxb0, idxb1, fbuf0, fbuf1,
                  zbuf, aggsh, semI0, semI1, semL0, semL1):
    c = lax.axis_index("c")
    s = lax.axis_index("s")
    wid = s * NC + c
    base = wid * (nch * CB)

    def issue_load(ci, ib, fb, sI, sL):
        off = base + ci * CB
        pltpu.async_copy(row_hbm.at[pl.ds(off, CB)], ib, sI)
        pltpu.async_copy(f_hbm.at[pl.ds(off, CB)], fb, sL)

    def wait_load(ib, fb, sI, sL):
        pltpu.make_async_copy(row_hbm.at[pl.ds(base, CB)], ib, sI).wait()
        pltpu.make_async_copy(f_hbm.at[pl.ds(base, CB)], fb, sL).wait()

    def do_scatter(ib, fb):
        pltpu.sync_copy(fb, aggsh.at[ib], add=True)

    issue_load(0, idxb0, fbuf0, semI0, semL0)

    z16 = jnp.zeros((L,), jnp.float32)

    def zrow(i, carry):
        for g in range(H // L):
            zbuf[i, pl.ds(g * L, L)] = z16
        return carry

    lax.fori_loop(0, ZR, zrow, 0)
    for k in range(RPT // ZR):
        pltpu.sync_copy(zbuf, aggsh.at[pl.ds(s * RPT + k * ZR, ZR)])
    plsc.subcore_barrier()

    def pair(k, carry):
        c0 = 2 * k
        issue_load(c0 + 1, idxb1, fbuf1, semI1, semL1)
        wait_load(idxb0, fbuf0, semI0, semL0)
        do_scatter(idxb0, fbuf0)
        issue_load(c0 + 2, idxb0, fbuf0, semI0, semL0)
        wait_load(idxb1, fbuf1, semI1, semL1)
        do_scatter(idxb1, fbuf1)
        return carry

    if nch % 2 == 1:
        lax.fori_loop(0, (nch - 1) // 2, pair, 0)
        wait_load(idxb0, fbuf0, semI0, semL0)
        do_scatter(idxb0, fbuf0)
    else:
        lax.fori_loop(0, (nch - 2) // 2, pair, 0)
        issue_load(nch - 1, idxb1, fbuf1, semI1, semL1)
        wait_load(idxb0, fbuf0, semI0, semL0)
        do_scatter(idxb0, fbuf0)
        wait_load(idxb1, fbuf1, semI1, semL1)
        do_scatter(idxb1, fbuf1)

    plsc.subcore_barrier()
    pltpu.sync_copy(aggsh.at[pl.ds(s * RPT, RPT)], out_hbm.at[c, s])


def _scatter(f, row, nch):
    return pl.kernel(
        functools.partial(_scatter_body, nch),
        out_type=jax.ShapeDtypeStruct((NC, NS, RPT, H), jnp.float32),
        mesh=plsc.VectorSubcoreMesh(**_SC_MESH),
        scratch_types=[
            pltpu.VMEM((CB,), jnp.int32),
            pltpu.VMEM((CB,), jnp.int32),
            pltpu.VMEM((CB, H), jnp.float32),
            pltpu.VMEM((CB, H), jnp.float32),
            pltpu.VMEM((ZR, H), jnp.float32),
            pltpu.VMEM_SHARED((N, H), jnp.float32),
            pltpu.SemaphoreType.DMA,
            pltpu.SemaphoreType.DMA,
            pltpu.SemaphoreType.DMA,
            pltpu.SemaphoreType.DMA,
        ],
    )(f, row)



BN5 = 5000
TPB = BN5 // RPT


def _node_mlp_body(h_ref, agga_ref, aggb_ref, wn1h_ref, wn1a_ref, bn1_ref,
                   wn2_ref, bn2_ref, o_ref):
    hh = h_ref[...]
    agg = (agga_ref[0] + agga_ref[1] + aggb_ref[0] + aggb_ref[1]).reshape(BN5, H)
    t = jnp.maximum(
        jnp.dot(hh, wn1h_ref[...], preferred_element_type=jnp.float32)
        + jnp.dot(agg, wn1a_ref[...], preferred_element_type=jnp.float32)
        + bn1_ref[...], 0.0)
    o_ref[...] = hh + jnp.dot(t, wn2_ref[...], preferred_element_type=jnp.float32) \
        + bn2_ref[...]


def _node_mlp(h, aggpa, aggpb, Wn1h, Wn1a, bn1row, Wn2, bn2row):
    return pl.pallas_call(
        _node_mlp_body,
        grid=(N // BN5,),
        in_specs=[
            pl.BlockSpec((BN5, D), lambda i: (i, 0)),
            pl.BlockSpec((NC, TPB, RPT, H), lambda i: (0, i, 0, 0)),
            pl.BlockSpec((NC, TPB, RPT, H), lambda i: (0, i, 0, 0)),
            pl.BlockSpec((D, H), lambda i: (0, 0)),
            pl.BlockSpec((H, H), lambda i: (0, 0)),
            pl.BlockSpec((1, H), lambda i: (0, 0)),
            pl.BlockSpec((H, D), lambda i: (0, 0)),
            pl.BlockSpec((1, D), lambda i: (0, 0)),
        ],
        out_specs=pl.BlockSpec((BN5, D), lambda i: (i, 0)),
        out_shape=jax.ShapeDtypeStruct((N, D), jnp.float32),
    )(h, aggpa, aggpb, Wn1h, Wn1a, bn1row, Wn2, bn2row)



def kernel(h, positions, edge_index, We1, be1, We2, be2, Wn1, bn1, Wn2, bn2):
    row = edge_index[0]
    col = edge_index[1]
    row3 = row.reshape(NW, NCH, CB)
    col3 = col.reshape(NW, NCH, CB)
    row3a, row3b = row3[:, :NCHA], row3[:, NCHA:]
    col3a, col3b = col3[:, :NCHA], col3[:, NCHA:]
    rowa = row3a.reshape(-1)
    rowb = row3b.reshape(-1)
    pT = positions.T
    px, py, pz = pT[0], pT[1], pT[2]
    Wr = We1[:D]
    Wc = We1[D:2 * D]
    w3 = We1[2 * D]

    A, B = _node_tables(h, positions, Wr, Wc, w3.reshape(1, H), be1.reshape(1, H))
    be2row = be2.reshape(1, H)
    prea = _edge_pre(A, B, row3a, col3a, px, py, pz, w3, NCHA)
    preb = _edge_pre(A, B, row3b, col3b, px, py, pz, w3, NCHB)
    fa = _edge_mlp(prea, We2, be2row)
    fb = _edge_mlp(preb, We2, be2row)
    aggpa = _scatter(fa, rowa, NCHA)
    aggpb = _scatter(fb, rowb, NCHB)
    h_out = _node_mlp(h, aggpa, aggpb, Wn1[:D], Wn1[D:], bn1.reshape(1, H),
                      Wn2, bn2.reshape(1, D))
    return (h_out, positions)

# --- scband reference (transcript-rebuilt; emitter-appended) ---
"""Pipeline reference for scband-e-gcl-31825707663881 (READ-ONLY COPY).

The authoritative reference and input builder live on the scoring server;
editing this copy changes nothing except your own understanding.
"""

import jax, jax.numpy as jnp
import numpy as np

N = 10000
E = 320000
D = 128
H = 128

def _glorot(key, shape):
    fan_in, fan_out = shape
    lim = jnp.sqrt(6.0 / (fan_in + fan_out))
    return jax.random.uniform(key, shape, jnp.float32, -lim, lim)

def setup_inputs(seed: int = 0):
    key = jax.random.key(seed)
    ks = jax.random.split(key, 12)
    h = jax.random.normal(ks[0], (N, D), jnp.float32)
    positions = jax.random.normal(ks[1], (N, 3), jnp.float32)
    edge_index = jax.random.randint(ks[2], (2, E), 0, N, jnp.int32)
    # edge_mlp: Linear(2*D+1, H) -> ReLU -> Linear(H, H) -> ReLU
    We1 = _glorot(ks[3], (2 * D + 1, H))
    be1 = jnp.zeros((H,), jnp.float32)
    We2 = _glorot(ks[4], (H, H))
    be2 = jnp.zeros((H,), jnp.float32)
    # node_mlp: Linear(H + D, H) -> ReLU -> Linear(H, D)
    Wn1 = _glorot(ks[5], (H + D, H))
    bn1 = jnp.zeros((H,), jnp.float32)
    Wn2 = _glorot(ks[6], (H, D))
    bn2 = jnp.zeros((D,), jnp.float32)
    return {"h": h, "positions": positions, "edge_index": edge_index,
            "We1": We1, "be1": be1, "We2": We2, "be2": be2,
            "Wn1": Wn1, "bn1": bn1, "Wn2": Wn2, "bn2": bn2}

def reference(h, positions, edge_index, We1, be1, We2, be2, Wn1, bn1, Wn2, bn2):
    row = edge_index[0]
    col = edge_index[1]
    # positions2radial (norm_diff=False)
    positions_diff = positions[row] - positions[col]
    radial = jnp.sum(positions_diff ** 2, axis=1, keepdims=True)
    # edge_model (edge_attr=None, attention=False)
    e_in = jnp.concatenate([h[row], h[col], radial], axis=1)
    edge_feat = jax.nn.relu(e_in @ We1 + be1)
    edge_feat = jax.nn.relu(edge_feat @ We2 + be2)
    # node_model: unsorted_segment_sum over row, node_attr=None, recurrent=True
    agg = jax.ops.segment_sum(edge_feat, row, num_segments=h.shape[0])
    n_in = jnp.concatenate([h, agg], axis=1)
    out = jax.nn.relu(n_in @ Wn1 + bn1)
    out = out @ Wn2 + bn2
    h_out = h + out
    # forward returns (h, positions, edge_attr) with edge_attr=None
    return (h_out, positions)

if __name__ == "__main__":
    import jax
    _d = setup_inputs()
    print(jax.jit(kernel)(*tuple(_d.values())))

</pallas_src>

<mosaic_0001>
#map = affine_map<(d0, d1) -> (0, 0)>
#map1 = affine_map<(d0, d1) -> (0)>
#map2 = affine_map<(d0, d1) -> (0, 0, 0, 0)>
module attributes {stable_mosaic.version = 14 : i64} {
  func.func @_scatter_body(%arg0: i32, %arg1: i32, %arg2: memref<161280x128xf32, #tpu.memory_space<hbm>>, %arg3: memref<161280xi32, #tpu.memory_space<hbm>>, %arg4: memref<2x16x625x128xf32, #tpu.memory_space<hbm>>, %arg5: memref<80xi32, #tpu.memory_space<vmem>>, %arg6: memref<80xi32, #tpu.memory_space<vmem>>, %arg7: memref<80x128xf32, #tpu.memory_space<vmem>>, %arg8: memref<80x128xf32, #tpu.memory_space<vmem>>, %arg9: memref<125x128xf32, #tpu.memory_space<vmem>>, %arg10: memref<10000x128xf32, #tpu.memory_space<vmem_shared>>, %arg11: memref<!tpu.dma_semaphore, #tpu.memory_space<semaphore_mem>>, %arg12: memref<!tpu.dma_semaphore, #tpu.memory_space<semaphore_mem>>, %arg13: memref<!tpu.dma_semaphore, #tpu.memory_space<semaphore_mem>>, %arg14: memref<!tpu.dma_semaphore, #tpu.memory_space<semaphore_mem>>) attributes {dimension_semantics = [#tpu.dimension_semantics<core_parallel>, #tpu.dimension_semantics<subcore_parallel>], iteration_bounds = array<i64: 2, 16>, scalar_prefetch = 0 : i64, scratch_operands = 10 : i64, tpu.core_type = #tpu.core_type<sc_vector_subcore>, window_params = [{transform_indices = #map}, {transform_indices = #map1}, {transform_indices = #map2}]} {
    %mul3A = arith.constant 2 : i32
    %mul3A_0 = arith.muli %arg1, %mul3A : i32
    %add3A = arith.addi %mul3A_0, %arg0 : i32
    %mul3A_1 = arith.constant 5040 : i32
    %mul3A_2 = arith.muli %add3A, %mul3A_1 : i32
    %add3A_3 = arith.constant 0 : i32
    %add3A_4 = arith.addi %mul3A_2, %add3A_3 : i32
    %dma_start3A = tpu.memref_slice %arg3[%add3A_4] : memref<161280xi32, #tpu.memory_space<hbm>> -> memref<80xi32, #tpu.memory_space<hbm>>
    %dma_start3A_5 = tpu.memref_slice %arg3[%add3A_4] : memref<161280xi32, #tpu.memory_space<hbm>> -> memref<80xi32, #tpu.memory_space<hbm>>
    tpu.enqueue_dma source(%dma_start3A_5 : memref<80xi32, #tpu.memory_space<hbm>>) target(%arg5 : memref<80xi32, #tpu.memory_space<vmem>>) target_semaphore(%arg11 : memref<!tpu.dma_semaphore, #tpu.memory_space<semaphore_mem>>)
    %dma_start3A_6 = arith.constant 0 : i32
    %dma_start3A_7 = tpu.memref_slice %arg2[%add3A_4, %dma_start3A_6] : memref<161280x128xf32, #tpu.memory_space<hbm>> -> memref<80x128xf32, #tpu.memory_space<hbm>>
    %dma_start3A_8 = arith.constant 0 : i32
    %dma_start3A_9 = tpu.memref_slice %arg2[%add3A_4, %dma_start3A_8] : memref<161280x128xf32, #tpu.memory_space<hbm>> -> memref<80x128xf32, #tpu.memory_space<hbm>>
    tpu.enqueue_dma source(%dma_start3A_9 : memref<80x128xf32, #tpu.memory_space<hbm>>) target(%arg7 : memref<80x128xf32, #tpu.memory_space<vmem>>) target_semaphore(%arg13 : memref<!tpu.dma_semaphore, #tpu.memory_space<semaphore_mem>>)
    %broadcast_in_dim3A = arith.constant 0.000000e+00 : f32
    %broadcast_in_dim3A_10 = vector.broadcast %broadcast_in_dim3A : f32 to vector<16xf32>
    %scan3A = arith.constant 0 : i32
    %scan3A_11 = arith.constant 0 : i32
    %scan3A_12 = arith.constant 125 : i32
    %scan3A_13 = arith.addi %scan3A_11, %scan3A_12 : i32
    %scan3A_14 = arith.constant 1 : i32
    scf.for %scan3A_50 = %scan3A_11 to %scan3A_13 step %scan3A_14  : i32 {
      %swap3A = arith.index_cast %scan3A_50 : i32 to index
      %swap3A_51 = arith.constant 0 : index
      %swap3A_52 = tpu.vector_load %arg9[%swap3A, %swap3A_51] {strides = array<i32>} : memref<125x128xf32, #tpu.memory_space<vmem>>, vector<1x16xf32>,
      %swap3A_53 = vector.shape_cast %swap3A_52 : vector<1x16xf32> to vector<16xf32>
      %swap3A_54 = vector.shape_cast %broadcast_in_dim3A_10 : vector<16xf32> to vector<1x16xf32>
      tpu.vector_store %arg9[%swap3A, %swap3A_51], %swap3A_54 {strides = array<i32>} : memref<125x128xf32, #tpu.memory_space<vmem>>, vector<1x16xf32>,
      %swap3A_55 = arith.index_cast %scan3A_50 : i32 to index
      %swap3A_56 = arith.constant 16 : index
      %swap3A_57 = tpu.vector_load %arg9[%swap3A_55, %swap3A_56] {strides = array<i32>} : memref<125x128xf32, #tpu.memory_space<vmem>>, vector<1x16xf32>,
      %swap3A_58 = vector.shape_cast %swap3A_57 : vector<1x16xf32> to vector<16xf32>
      %swap3A_59 = vector.shape_cast %broadcast_in_dim3A_10 : vector<16xf32> to vector<1x16xf32>
      tpu.vector_store %arg9[%swap3A_55, %swap3A_56], %swap3A_59 {strides = array<i32>} : memref<125x128xf32, #tpu.memory_space<vmem>>, vector<1x16xf32>,
      %swap3A_60 = arith.index_cast %scan3A_50 : i32 to index
      %swap3A_61 = arith.constant 32 : index
      %swap3A_62 = tpu.vector_load %arg9[%swap3A_60, %swap3A_61] {strides = array<i32>} : memref<125x128xf32, #tpu.memory_space<vmem>>, vector<1x16xf32>,
      %swap3A_63 = vector.shape_cast %swap3A_62 : vector<1x16xf32> to vector<16xf32>
      %swap3A_64 = vector.shape_cast %broadcast_in_dim3A_10 : vector<16xf32> to vector<1x16xf32>
      tpu.vector_store %arg9[%swap3A_60, %swap3A_61], %swap3A_64 {strides = array<i32>} : memref<125x128xf32, #tpu.memory_space<vmem>>, vector<1x16xf32>,
      %swap3A_65 = arith.index_cast %scan3A_50 : i32 to index
      %swap3A_66 = arith.constant 48 : index
      %swap3A_67 = tpu.vector_load %arg9[%swap3A_65, %swap3A_66] {strides = array<i32>} : memref<125x128xf32, #tpu.memory_space<vmem>>, vector<1x16xf32>,
      %swap3A_68 = vector.shape_cast %swap3A_67 : vector<1x16xf32> to vector<16xf32>
      %swap3A_69 = vector.shape_cast %broadcast_in_dim3A_10 : vector<16xf32> to vector<1x16xf32>
      tpu.vector_store %arg9[%swap3A_65, %swap3A_66], %swap3A_69 {strides = array<i32>} : memref<125x128xf32, #tpu.memory_space<vmem>>, vector<1x16xf32>,
      %swap3A_70 = arith.index_cast %scan3A_50 : i32 to index
      %swap3A_71 = arith.constant 64 : index
      %swap3A_72 = tpu.vector_load %arg9[%swap3A_70, %swap3A_71] {strides = array<i32>} : memref<125x128xf32, #tpu.memory_space<vmem>>, vector<1x16xf32>,
      %swap3A_73 = vector.shape_cast %swap3A_72 : vector<1x16xf32> to vector<16xf32>
      %swap3A_74 = vector.shape_cast %broadcast_in_dim3A_10 : vector<16xf32> to vector<1x16xf32>
      tpu.vector_store %arg9[%swap3A_70, %swap3A_71], %swap3A_74 {strides = array<i32>} : memref<125x128xf32, #tpu.memory_space<vmem>>, vector<1x16xf32>,
      %swap3A_75 = arith.index_cast %scan3A_50 : i32 to index
      %swap3A_76 = arith.constant 80 : index
      %swap3A_77 = tpu.vector_load %arg9[%swap3A_75, %swap3A_76] {strides = array<i32>} : memref<125x128xf32, #tpu.memory_space<vmem>>, vector<1x16xf32>,
      %swap3A_78 = vector.shape_cast %swap3A_77 : vector<1x16xf32> to vector<16xf32>
      %swap3A_79 = vector.shape_cast %broadcast_in_dim3A_10 : vector<16xf32> to vector<1x16xf32>
      tpu.vector_store %arg9[%swap3A_75, %swap3A_76], %swap3A_79 {strides = array<i32>} : memref<125x128xf32, #tpu.memory_space<vmem>>, vector<1x16xf32>,
      %swap3A_80 = arith.index_cast %scan3A_50 : i32 to index
      %swap3A_81 = arith.constant 96 : index
      %swap3A_82 = tpu.vector_load %arg9[%swap3A_80, %swap3A_81] {strides = array<i32>} : memref<125x128xf32, #tpu.memory_space<vmem>>, vector<1x16xf32>,
      %swap3A_83 = vector.shape_cast %swap3A_82 : vector<1x16xf32> to vector<16xf32>
      %swap3A_84 = vector.shape_cast %broadcast_in_dim3A_10 : vector<16xf32> to vector<1x16xf32>
      tpu.vector_store %arg9[%swap3A_80, %swap3A_81], %swap3A_84 {strides = array<i32>} : memref<125x128xf32, #tpu.memory_space<vmem>>, vector<1x16xf32>,
      %swap3A_85 = arith.index_cast %scan3A_50 : i32 to index
      %swap3A_86 = arith.constant 112 : index
      %swap3A_87 = tpu.vector_load %arg9[%swap3A_85, %swap3A_86] {strides = array<i32>} : memref<125x128xf32, #tpu.memory_space<vmem>>, vector<1x16xf32>,
      %swap3A_88 = vector.shape_cast %swap3A_87 : vector<1x16xf32> to vector<16xf32>
      %swap3A_89 = vector.shape_cast %broadcast_in_dim3A_10 : vector<16xf32> to vector<1x16xf32>
      tpu.vector_store %arg9[%swap3A_85, %swap3A_86], %swap3A_89 {strides = array<i32>} : memref<125x128xf32, #tpu.memory_space<vmem>>, vector<1x16xf32>,
    }
    %scan3A_15 = arith.constant 125 : i32
    %mul3A_16 = arith.constant 625 : i32
    %mul3A_17 = arith.muli %arg1, %mul3A_16 : i32
    %add3A_18 = arith.constant 0 : i32
    %add3A_19 = arith.addi %mul3A_17, %add3A_18 : i32
    "tpu.region"() ({
      %run_scoped3A = tpu.sem_alloc : memref<!tpu.dma_semaphore, #tpu.memory_space<semaphore_mem>>
      %dma_start3A_50 = arith.constant 0 : i32
      %dma_start3A_51 = tpu.memref_slice %arg10[%add3A_19, %dma_start3A_50] : memref<10000x128xf32, #tpu.memory_space<vmem_shared>> -> memref<125x128xf32, #tpu.memory_space<vmem_shared>>
      %dma_start3A_52 = arith.constant 0 : i32
      %dma_start3A_53 = tpu.memref_slice %arg10[%add3A_19, %dma_start3A_52] : memref<10000x128xf32, #tpu.memory_space<vmem_shared>> -> memref<125x128xf32, #tpu.memory_space<vmem_shared>>
      tpu.enqueue_dma source(%arg9 : memref<125x128xf32, #tpu.memory_space<vmem>>) target(%dma_start3A_53 : memref<125x128xf32, #tpu.memory_space<vmem_shared>>) target_semaphore(%run_scoped3A : memref<!tpu.dma_semaphore, #tpu.memory_space<semaphore_mem>>)
      %dma_wait3A_54 = arith.constant 0 : i32
      %dma_wait3A_55 = tpu.memref_slice %arg10[%add3A_19, %dma_wait3A_54] : memref<10000x128xf32, #tpu.memory_space<vmem_shared>> -> memref<125x128xf32, #tpu.memory_space<vmem_shared>>
      %dma_wait3A_56 = arith.constant 0 : i32
      %dma_wait3A_57 = tpu.memref_slice %arg10[%add3A_19, %dma_wait3A_56] : memref<10000x128xf32, #tpu.memory_space<vmem_shared>> -> memref<125x128xf32, #tpu.memory_space<vmem_shared>>
      tpu.wait_dma2 semaphore(%run_scoped3A : memref<!tpu.dma_semaphore, #tpu.memory_space<semaphore_mem>>) src(%arg9 : memref<125x128xf32, #tpu.memory_space<vmem>>) dst(%dma_wait3A_57 : memref<125x128xf32, #tpu.memory_space<vmem_shared>>)
      tpu.yield
    }) : () -> ()
    %mul3A_20 = arith.constant 625 : i32
    %mul3A_21 = arith.muli %arg1, %mul3A_20 : i32
    %add3A_22 = arith.constant 125 : i32
    %add3A_23 = arith.addi %mul3A_21, %add3A_22 : i32
    "tpu.region"() ({
      %run_scoped3A = tpu.sem_alloc : memref<!tpu.dma_semaphore, #tpu.memory_space<semaphore_mem>>
      %dma_start3A_50 = arith.constant 0 : i32
      %dma_start3A_51 = tpu.memref_slice %arg10[%add3A_23, %dma_start3A_50] : memref<10000x128xf32, #tpu.memory_space<vmem_shared>> -> memref<125x128xf32, #tpu.memory_space<vmem_shared>>
      %dma_start3A_52 = arith.constant 0 : i32
      %dma_start3A_53 = tpu.memref_slice %arg10[%add3A_23, %dma_start3A_52] : memref<10000x128xf32, #tpu.memory_space<vmem_shared>> -> memref<125x128xf32, #tpu.memory_space<vmem_shared>>
      tpu.enqueue_dma source(%arg9 : memref<125x128xf32, #tpu.memory_space<vmem>>) target(%dma_start3A_53 : memref<125x128xf32, #tpu.memory_space<vmem_shared>>) target_semaphore(%run_scoped3A : memref<!tpu.dma_semaphore, #tpu.memory_space<semaphore_mem>>)
      %dma_wait3A_54 = arith.constant 0 : i32
      %dma_wait3A_55 = tpu.memref_slice %arg10[%add3A_23, %dma_wait3A_54] : memref<10000x128xf32, #tpu.memory_space<vmem_shared>> -> memref<125x128xf32, #tpu.memory_space<vmem_shared>>
      %dma_wait3A_56 = arith.constant 0 : i32
      %dma_wait3A_57 = tpu.memref_slice %arg10[%add3A_23, %dma_wait3A_56] : memref<10000x128xf32, #tpu.memory_space<vmem_shared>> -> memref<125x128xf32, #tpu.memory_space<vmem_shared>>
      tpu.wait_dma2 semaphore(%run_scoped3A : memref<!tpu.dma_semaphore, #tpu.memory_space<semaphore_mem>>) src(%arg9 : memref<125x128xf32, #tpu.memory_space<vmem>>) dst(%dma_wait3A_57 : memref<125x128xf32, #tpu.memory_space<vmem_shared>>)
      tpu.yield
    }) : () -> ()
    %mul3A_24 = arith.constant 625 : i32
    %mul3A_25 = arith.muli %arg1, %mul3A_24 : i32
    %add3A_26 = arith.constant 250 : i32
    %add3A_27 = arith.addi %mul3A_25, %add3A_26 : i32
    "tpu.region"() ({
      %run_scoped3A = tpu.sem_alloc : memref<!tpu.dma_semaphore, #tpu.memory_space<semaphore_mem>>
      %dma_start3A_50 = arith.constant 0 : i32
      %dma_start3A_51 = tpu.memref_slice %arg10[%add3A_27, %dma_start3A_50] : memref<10000x128xf32, #tpu.memory_space<vmem_shared>> -> memref<125x128xf32, #tpu.memory_space<vmem_shared>>
      %dma_start3A_52 = arith.constant 0 : i32
      %dma_start3A_53 = tpu.memref_slice %arg10[%add3A_27, %dma_start3A_52] : memref<10000x128xf32, #tpu.memory_space<vmem_shared>> -> memref<125x128xf32, #tpu.memory_space<vmem_shared>>
      tpu.enqueue_dma source(%arg9 : memref<125x128xf32, #tpu.memory_space<vmem>>) target(%dma_start3A_53 : memref<125x128xf32, #tpu.memory_space<vmem_shared>>) target_semaphore(%run_scoped3A : memref<!tpu.dma_semaphore, #tpu.memory_space<semaphore_mem>>)
      %dma_wait3A_54 = arith.constant 0 : i32
      %dma_wait3A_55 = tpu.memref_slice %arg10[%add3A_27, %dma_wait3A_54] : memref<10000x128xf32, #tpu.memory_space<vmem_shared>> -> memref<125x128xf32, #tpu.memory_space<vmem_shared>>
      %dma_wait3A_56 = arith.constant 0 : i32
      %dma_wait3A_57 = tpu.memref_slice %arg10[%add3A_27, %dma_wait3A_56] : memref<10000x128xf32, #tpu.memory_space<vmem_shared>> -> memref<125x128xf32, #tpu.memory_space<vmem_shared>>
      tpu.wait_dma2 semaphore(%run_scoped3A : memref<!tpu.dma_semaphore, #tpu.memory_space<semaphore_mem>>) src(%arg9 : memref<125x128xf32, #tpu.memory_space<vmem>>) dst(%dma_wait3A_57 : memref<125x128xf32, #tpu.memory_space<vmem_shared>>)
      tpu.yield
    }) : () -> ()
    %mul3A_28 = arith.constant 625 : i32
    %mul3A_29 = arith.muli %arg1, %mul3A_28 : i32
    %add3A_30 = arith.constant 375 : i32
    %add3A_31 = arith.addi %mul3A_29, %add3A_30 : i32
    "tpu.region"() ({
      %run_scoped3A = tpu.sem_alloc : memref<!tpu.dma_semaphore, #tpu.memory_space<semaphore_mem>>
      %dma_start3A_50 = arith.constant 0 : i32
      %dma_start3A_51 = tpu.memref_slice %arg10[%add3A_31, %dma_start3A_50] : memref<10000x128xf32, #tpu.memory_space<vmem_shared>> -> memref<125x128xf32, #tpu.memory_space<vmem_shared>>
      %dma_start3A_52 = arith.constant 0 : i32
      %dma_start3A_53 = tpu.memref_slice %arg10[%add3A_31, %dma_start3A_52] : memref<10000x128xf32, #tpu.memory_space<vmem_shared>> -> memref<125x128xf32, #tpu.memory_space<vmem_shared>>
      tpu.enqueue_dma source(%arg9 : memref<125x128xf32, #tpu.memory_space<vmem>>) target(%dma_start3A_53 : memref<125x128xf32, #tpu.memory_space<vmem_shared>>) target_semaphore(%run_scoped3A : memref<!tpu.dma_semaphore, #tpu.memory_space<semaphore_mem>>)
      %dma_wait3A_54 = arith.constant 0 : i32
      %dma_wait3A_55 = tpu.memref_slice %arg10[%add3A_31, %dma_wait3A_54] : memref<10000x128xf32, #tpu.memory_space<vmem_shared>> -> memref<125x128xf32, #tpu.memory_space<vmem_shared>>
      %dma_wait3A_56 = arith.constant 0 : i32
      %dma_wait3A_57 = tpu.memref_slice %arg10[%add3A_31, %dma_wait3A_56] : memref<10000x128xf32, #tpu.memory_space<vmem_shared>> -> memref<125x128xf32, #tpu.memory_space<vmem_shared>>
      tpu.wait_dma2 semaphore(%run_scoped3A : memref<!tpu.dma_semaphore, #tpu.memory_space<semaphore_mem>>) src(%arg9 : memref<125x128xf32, #tpu.memory_space<vmem>>) dst(%dma_wait3A_57 : memref<125x128xf32, #tpu.memory_space<vmem_shared>>)
      tpu.yield
    }) : () -> ()
    %mul3A_32 = arith.constant 625 : i32
    %mul3A_33 = arith.muli %arg1, %mul3A_32 : i32
    %add3A_34 = arith.constant 500 : i32
    %add3A_35 = arith.addi %mul3A_33, %add3A_34 : i32
    "tpu.region"() ({
      %run_scoped3A = tpu.sem_alloc : memref<!tpu.dma_semaphore, #tpu.memory_space<semaphore_mem>>
      %dma_start3A_50 = arith.constant 0 : i32
      %dma_start3A_51 = tpu.memref_slice %arg10[%add3A_35, %dma_start3A_50] : memref<10000x128xf32, #tpu.memory_space<vmem_shared>> -> memref<125x128xf32, #tpu.memory_space<vmem_shared>>
      %dma_start3A_52 = arith.constant 0 : i32
      %dma_start3A_53 = tpu.memref_slice %arg10[%add3A_35, %dma_start3A_52] : memref<10000x128xf32, #tpu.memory_space<vmem_shared>> -> memref<125x128xf32, #tpu.memory_space<vmem_shared>>
      tpu.enqueue_dma source(%arg9 : memref<125x128xf32, #tpu.memory_space<vmem>>) target(%dma_start3A_53 : memref<125x128xf32, #tpu.memory_space<vmem_shared>>) target_semaphore(%run_scoped3A : memref<!tpu.dma_semaphore, #tpu.memory_space<semaphore_mem>>)
      %dma_wait3A_54 = arith.constant 0 : i32
      %dma_wait3A_55 = tpu.memref_slice %arg10[%add3A_35, %dma_wait3A_54] : memref<10000x128xf32, #tpu.memory_space<vmem_shared>> -> memref<125x128xf32, #tpu.memory_space<vmem_shared>>
      %dma_wait3A_56 = arith.constant 0 : i32
      %dma_wait3A_57 = tpu.memref_slice %arg10[%add3A_35, %dma_wait3A_56] : memref<10000x128xf32, #tpu.memory_space<vmem_shared>> -> memref<125x128xf32, #tpu.memory_space<vmem_shared>>
      tpu.wait_dma2 semaphore(%run_scoped3A : memref<!tpu.dma_semaphore, #tpu.memory_space<semaphore_mem>>) src(%arg9 : memref<125x128xf32, #tpu.memory_space<vmem>>) dst(%dma_wait3A_57 : memref<125x128xf32, #tpu.memory_space<vmem_shared>>)
      tpu.yield
    }) : () -> ()
    %barrier3A = arith.constant 0 : index
    tpu.barrier barrier_id(%barrier3A)
    %scan3A_36 = arith.constant 0 : i32
    %scan3A_37 = arith.constant 0 : i32
    %scan3A_38 = arith.constant 31 : i32
    %scan3A_39 = arith.addi %scan3A_37, %scan3A_38 : i32
    %scan3A_40 = arith.constant 1 : i32
    scf.for %scan3A_50 = %scan3A_37 to %scan3A_39 step %scan3A_40  : i32 {
      %mul3A_51 = arith.constant 2 : i32
      %mul3A_52 = arith.muli %mul3A_51, %scan3A_50 : i32
      %add3A_53 = arith.constant 1 : i32
      %add3A_54 = arith.addi %mul3A_52, %add3A_53 : i32
      %mul3A_55 = arith.constant 80 : i32
      %mul3A_56 = arith.muli %add3A_54, %mul3A_55 : i32
      %add3A_57 = arith.addi %mul3A_2, %mul3A_56 : i32
      %dma_start3A_58 = tpu.memref_slice %arg3[%add3A_57] : memref<161280xi32, #tpu.memory_space<hbm>> -> memref<80xi32, #tpu.memory_space<hbm>>
      %dma_start3A_59 = tpu.memref_slice %arg3[%add3A_57] : memref<161280xi32, #tpu.memory_space<hbm>> -> memref<80xi32, #tpu.memory_space<hbm>>
      tpu.enqueue_dma source(%dma_start3A_59 : memref<80xi32, #tpu.memory_space<hbm>>) target(%arg6 : memref<80xi32, #tpu.memory_space<vmem>>) target_semaphore(%arg12 : memref<!tpu.dma_semaphore, #tpu.memory_space<semaphore_mem>>)
      %dma_start3A_60 = arith.constant 0 : i32
      %dma_start3A_61 = tpu.memref_slice %arg2[%add3A_57, %dma_start3A_60] : memref<161280x128xf32, #tpu.memory_space<hbm>> -> memref<80x128xf32, #tpu.memory_space<hbm>>
      %dma_start3A_62 = arith.constant 0 : i32
      %dma_start3A_63 = tpu.memref_slice %arg2[%add3A_57, %dma_start3A_62] : memref<161280x128xf32, #tpu.memory_space<hbm>> -> memref<80x128xf32, #tpu.memory_space<hbm>>
      tpu.enqueue_dma source(%dma_start3A_63 : memref<80x128xf32, #tpu.memory_space<hbm>>) target(%arg8 : memref<80x128xf32, #tpu.memory_space<vmem>>) target_semaphore(%arg14 : memref<!tpu.dma_semaphore, #tpu.memory_space<semaphore_mem>>)
      %dma_wait3A_64 = tpu.memref_slice %arg3[%mul3A_2] : memref<161280xi32, #tpu.memory_space<hbm>> -> memref<80xi32, #tpu.memory_space<hbm>>
      %dma_wait3A_65 = tpu.memref_slice %arg3[%mul3A_2] : memref<161280xi32, #tpu.memory_space<hbm>> -> memref<80xi32, #tpu.memory_space<hbm>>
      tpu.wait_dma2 semaphore(%arg11 : memref<!tpu.dma_semaphore, #tpu.memory_space<semaphore_mem>>) src(%dma_wait3A_65 : memref<80xi32, #tpu.memory_space<hbm>>) dst(%arg5 : memref<80xi32, #tpu.memory_space<vmem>>)
      %dma_wait3A_66 = arith.constant 0 : i32
      %dma_wait3A_67 = tpu.memref_slice %arg2[%mul3A_2, %dma_wait3A_66] : memref<161280x128xf32, #tpu.memory_space<hbm>> -> memref<80x128xf32, #tpu.memory_space<hbm>>
      %dma_wait3A_68 = arith.constant 0 : i32
      %dma_wait3A_69 = tpu.memref_slice %arg2[%mul3A_2, %dma_wait3A_68] : memref<161280x128xf32, #tpu.memory_space<hbm>> -> memref<80x128xf32, #tpu.memory_space<hbm>>
      tpu.wait_dma2 semaphore(%arg13 : memref<!tpu.dma_semaphore, #tpu.memory_space<semaphore_mem>>) src(%dma_wait3A_69 : memref<80x128xf32, #tpu.memory_space<hbm>>) dst(%arg7 : memref<80x128xf32, #tpu.memory_space<vmem>>)
      "tpu.region"() ({
        %run_scoped3A = tpu.sem_alloc : memref<!tpu.dma_semaphore, #tpu.memory_space<semaphore_mem>>
        %dma_start3A_87 = arith.constant 0 : i32
        %dma_start3A_88 = arith.constant 0 : i32
        %dma_start3A_89 = tpu.memref_slice %arg10[%dma_start3A_87, %dma_start3A_88] : memref<10000x128xf32, #tpu.memory_space<vmem_shared>> -> memref<10000x128xf32, #tpu.memory_space<vmem_shared>>
        tpu.enqueue_indirect_dma source(%arg7 : memref<80x128xf32, #tpu.memory_space<vmem>>) target(%dma_start3A_89 : memref<10000x128xf32, #tpu.memory_space<vmem_shared>>) offsets(%arg5 : memref<80xi32, #tpu.memory_space<vmem>>) semaphore(%run_scoped3A : memref<!tpu.dma_semaphore, #tpu.memory_space<semaphore_mem>>) {add = true}
        %dma_wait3A_90 = arith.constant 0 : i32
        %dma_wait3A_91 = arith.constant 0 : i32
        %dma_wait3A_92 = tpu.memref_slice %arg10[%dma_wait3A_90, %dma_wait3A_91] : memref<10000x128xf32, #tpu.memory_space<vmem_shared>> -> memref<10000x128xf32, #tpu.memory_space<vmem_shared>>
        tpu.wait_indirect_dma semaphore(%run_scoped3A : memref<!tpu.dma_semaphore, #tpu.memory_space<semaphore_mem>>) src(%arg7 : memref<80x128xf32, #tpu.memory_space<vmem>>) dst(%dma_wait3A_92 : memref<10000x128xf32, #tpu.memory_space<vmem_shared>>)
        tpu.yield
      }) : () -> ()
      %add3A_70 = arith.constant 2 : i32
      %add3A_71 = arith.addi %mul3A_52, %add3A_70 : i32
      %mul3A_72 = arith.constant 80 : i32
      %mul3A_73 = arith.muli %add3A_71, %mul3A_72 : i32
      %add3A_74 = arith.addi %mul3A_2, %mul3A_73 : i32
      %dma_start3A_75 = tpu.memref_slice %arg3[%add3A_74] : memref<161280xi32, #tpu.memory_space<hbm>> -> memref<80xi32, #tpu.memory_space<hbm>>
      %dma_start3A_76 = tpu.memref_slice %arg3[%add3A_74] : memref<161280xi32, #tpu.memory_space<hbm>> -> memref<80xi32, #tpu.memory_space<hbm>>
      tpu.enqueue_dma source(%dma_start3A_76 : memref<80xi32, #tpu.memory_space<hbm>>) target(%arg5 : memref<80xi32, #tpu.memory_space<vmem>>) target_semaphore(%arg11 : memref<!tpu.dma_semaphore, #tpu.memory_space<semaphore_mem>>)
      %dma_start3A_77 = arith.constant 0 : i32
      %dma_start3A_78 = tpu.memref_slice %arg2[%add3A_74, %dma_start3A_77] : memref<161280x128xf32, #tpu.memory_space<hbm>> -> memref<80x128xf32, #tpu.memory_space<hbm>>
      %dma_start3A_79 = arith.constant 0 : i32
      %dma_start3A_80 = tpu.memref_slice %arg2[%add3A_74, %dma_start3A_79] : memref<161280x128xf32, #tpu.memory_space<hbm>> -> memref<80x128xf32, #tpu.memory_space<hbm>>
      tpu.enqueue_dma source(%dma_start3A_80 : memref<80x128xf32, #tpu.memory_space<hbm>>) target(%arg7 : memref<80x128xf32, #tpu.memory_space<vmem>>) target_semaphore(%arg13 : memref<!tpu.dma_semaphore, #tpu.memory_space<semaphore_mem>>)
      %dma_wait3A_81 = tpu.memref_slice %arg3[%mul3A_2] : memref<161280xi32, #tpu.memory_space<hbm>> -> memref<80xi32, #tpu.memory_space<hbm>>
      %dma_wait3A_82 = tpu.memref_slice %arg3[%mul3A_2] : memref<161280xi32, #tpu.memory_space<hbm>> -> memref<80xi32, #tpu.memory_space<hbm>>
      tpu.wait_dma2 semaphore(%arg12 : memref<!tpu.dma_semaphore, #tpu.memory_space<semaphore_mem>>) src(%dma_wait3A_82 : memref<80xi32, #tpu.memory_space<hbm>>) dst(%arg6 : memref<80xi32, #tpu.memory_space<vmem>>)
      %dma_wait3A_83 = arith.constant 0 : i32
      %dma_wait3A_84 = tpu.memref_slice %arg2[%mul3A_2, %dma_wait3A_83] : memref<161280x128xf32, #tpu.memory_space<hbm>> -> memref<80x128xf32, #tpu.memory_space<hbm>>
      %dma_wait3A_85 = arith.constant 0 : i32
      %dma_wait3A_86 = tpu.memref_slice %arg2[%mul3A_2, %dma_wait3A_85] : memref<161280x128xf32, #tpu.memory_space<hbm>> -> memref<80x128xf32, #tpu.memory_space<hbm>>
      tpu.wait_dma2 semaphore(%arg14 : memref<!tpu.dma_semaphore, #tpu.memory_space<semaphore_mem>>) src(%dma_wait3A_86 : memref<80x128xf32, #tpu.memory_space<hbm>>) dst(%arg8 : memref<80x128xf32, #tpu.memory_space<vmem>>)
      "tpu.region"() ({
        %run_scoped3A = tpu.sem_alloc : memref<!tpu.dma_semaphore, #tpu.memory_space<semaphore_mem>>
        %dma_start3A_87 = arith.constant 0 : i32
        %dma_start3A_88 = arith.constant 0 : i32
        %dma_start3A_89 = tpu.memref_slice %arg10[%dma_start3A_87, %dma_start3A_88] : memref<10000x128xf32, #tpu.memory_space<vmem_shared>> -> memref<10000x128xf32, #tpu.memory_space<vmem_shared>>
        tpu.enqueue_indirect_dma source(%arg8 : memref<80x128xf32, #tpu.memory_space<vmem>>) target(%dma_start3A_89 : memref<10000x128xf32, #tpu.memory_space<vmem_shared>>) offsets(%arg6 : memref<80xi32, #tpu.memory_space<vmem>>) semaphore(%run_scoped3A : memref<!tpu.dma_semaphore, #tpu.memory_space<semaphore_mem>>) {add = true}
        %dma_wait3A_90 = arith.constant 0 : i32
        %dma_wait3A_91 = arith.constant 0 : i32
        %dma_wait3A_92 = tpu.memref_slice %arg10[%dma_wait3A_90, %dma_wait3A_91] : memref<10000x128xf32, #tpu.memory_space<vmem_shared>> -> memref<10000x128xf32, #tpu.memory_space<vmem_shared>>
        tpu.wait_indirect_dma semaphore(%run_scoped3A : memref<!tpu.dma_semaphore, #tpu.memory_space<semaphore_mem>>) src(%arg8 : memref<80x128xf32, #tpu.memory_space<vmem>>) dst(%dma_wait3A_92 : memref<10000x128xf32, #tpu.memory_space<vmem_shared>>)
        tpu.yield
      }) : () -> ()
    }
    %scan3A_41 = arith.constant 31 : i32
    %dma_wait3A = tpu.memref_slice %arg3[%mul3A_2] : memref<161280xi32, #tpu.memory_space<hbm>> -> memref<80xi32, #tpu.memory_space<hbm>>
    %dma_wait3A_42 = tpu.memref_slice %arg3[%mul3A_2] : memref<161280xi32, #tpu.memory_space<hbm>> -> memref<80xi32, #tpu.memory_space<hbm>>
    tpu.wait_dma2 semaphore(%arg11 : memref<!tpu.dma_semaphore, #tpu.memory_space<semaphore_mem>>) src(%dma_wait3A_42 : memref<80xi32, #tpu.memory_space<hbm>>) dst(%arg5 : memref<80xi32, #tpu.memory_space<vmem>>)
    %dma_wait3A_43 = arith.constant 0 : i32
    %dma_wait3A_44 = tpu.memref_slice %arg2[%mul3A_2, %dma_wait3A_43] : memref<161280x128xf32, #tpu.memory_space<hbm>> -> memref<80x128xf32, #tpu.memory_space<hbm>>
    %dma_wait3A_45 = arith.constant 0 : i32
    %dma_wait3A_46 = tpu.memref_slice %arg2[%mul3A_2, %dma_wait3A_45] : memref<161280x128xf32, #tpu.memory_space<hbm>> -> memref<80x128xf32, #tpu.memory_space<hbm>>
    tpu.wait_dma2 semaphore(%arg13 : memref<!tpu.dma_semaphore, #tpu.memory_space<semaphore_mem>>) src(%dma_wait3A_46 : memref<80x128xf32, #tpu.memory_space<hbm>>) dst(%arg7 : memref<80x128xf32, #tpu.memory_space<vmem>>)
    "tpu.region"() ({
      %run_scoped3A = tpu.sem_alloc : memref<!tpu.dma_semaphore, #tpu.memory_space<semaphore_mem>>
      %dma_start3A_50 = arith.constant 0 : i32
      %dma_start3A_51 = arith.constant 0 : i32
      %dma_start3A_52 = tpu.memref_slice %arg10[%dma_start3A_50, %dma_start3A_51] : memref<10000x128xf32, #tpu.memory_space<vmem_shared>> -> memref<10000x128xf32, #tpu.memory_space<vmem_shared>>
      tpu.enqueue_indirect_dma source(%arg7 : memref<80x128xf32, #tpu.memory_space<vmem>>) target(%dma_start3A_52 : memref<10000x128xf32, #tpu.memory_space<vmem_shared>>) offsets(%arg5 : memref<80xi32, #tpu.memory_space<vmem>>) semaphore(%run_scoped3A : memref<!tpu.dma_semaphore, #tpu.memory_space<semaphore_mem>>) {add = true}
      %dma_wait3A_53 = arith.constant 0 : i32
      %dma_wait3A_54 = arith.constant 0 : i32
      %dma_wait3A_55 = tpu.memref_slice %arg10[%dma_wait3A_53, %dma_wait3A_54] : memref<10000x128xf32, #tpu.memory_space<vmem_shared>> -> memref<10000x128xf32, #tpu.memory_space<vmem_shared>>
      tpu.wait_indirect_dma semaphore(%run_scoped3A : memref<!tpu.dma_semaphore, #tpu.memory_space<semaphore_mem>>) src(%arg7 : memref<80x128xf32, #tpu.memory_space<vmem>>) dst(%dma_wait3A_55 : memref<10000x128xf32, #tpu.memory_space<vmem_shared>>)
      tpu.yield
    }) : () -> ()
    %barrier3A_47 = arith.constant 0 : index
    tpu.barrier barrier_id(%barrier3A_47)
    %mul3A_48 = arith.constant 625 : i32
    %mul3A_49 = arith.muli %arg1, %mul3A_48 : i32
    "tpu.region"() ({
      %run_scoped3A = tpu.sem_alloc : memref<!tpu.dma_semaphore, #tpu.memory_space<semaphore_mem>>
      %dma_start3A_50 = arith.constant 0 : i32
      %dma_start3A_51 = arith.constant 0 : i32
      %dma_start3A_52 = tpu.memref_slice %arg4[%arg0, %arg1, %dma_start3A_50, %dma_start3A_51] : memref<2x16x625x128xf32, #tpu.memory_space<hbm>> -> memref<1x1x625x128xf32, #tpu.memory_space<hbm>>
      %dma_start3A_53 = tpu.memref_squeeze %dma_start3A_52 : memref<1x1x625x128xf32, #tpu.memory_space<hbm>> -> memref<625x128xf32, #tpu.memory_space<hbm>>
      %dma_start3A_54 = arith.constant 0 : i32
      %dma_start3A_55 = tpu.memref_slice %arg10[%mul3A_49, %dma_start3A_54] : memref<10000x128xf32, #tpu.memory_space<vmem_shared>> -> memref<625x128xf32, #tpu.memory_space<vmem_shared>>
      tpu.enqueue_dma source(%dma_start3A_55 : memref<625x128xf32, #tpu.memory_space<vmem_shared>>) target(%dma_start3A_53 : memref<625x128xf32, #tpu.memory_space<hbm>>) target_semaphore(%run_scoped3A : memref<!tpu.dma_semaphore, #tpu.memory_space<semaphore_mem>>)
      %dma_wait3A_56 = arith.constant 0 : i32
      %dma_wait3A_57 = arith.constant 0 : i32
      %dma_wait3A_58 = tpu.memref_slice %arg4[%arg0, %arg1, %dma_wait3A_56, %dma_wait3A_57] : memref<2x16x625x128xf32, #tpu.memory_space<hbm>> -> memref<1x1x625x128xf32, #tpu.memory_space<hbm>>
      %dma_wait3A_59 = tpu.memref_squeeze %dma_wait3A_58 : memref<1x1x625x128xf32, #tpu.memory_space<hbm>> -> memref<625x128xf32, #tpu.memory_space<hbm>>
      %dma_wait3A_60 = arith.constant 0 : i32
      %dma_wait3A_61 = tpu.memref_slice %arg10[%mul3A_49, %dma_wait3A_60] : memref<10000x128xf32, #tpu.memory_space<vmem_shared>> -> memref<625x128xf32, #tpu.memory_space<vmem_shared>>
      tpu.wait_dma2 semaphore(%run_scoped3A : memref<!tpu.dma_semaphore, #tpu.memory_space<semaphore_mem>>) src(%dma_wait3A_61 : memref<625x128xf32, #tpu.memory_space<vmem_shared>>) dst(%dma_wait3A_59 : memref<625x128xf32, #tpu.memory_space<hbm>>)
      tpu.yield
    }) : () -> ()
    return
  }
}

#map = affine_map<(d0, d1) -> (0, 0)>
#map1 = affine_map<(d0, d1) -> (0, 0, 0)>
#map2 = affine_map<(d0, d1) -> (0)>
module attributes {stable_mosaic.version = 14 : i64} {
  func.func @_edge_pre_body(%arg0: i32, %arg1: i32, %arg2: memref<10000x128xf32, #tpu.memory_space<hbm>>, %arg3: memref<10000x128xf32, #tpu.memory_space<hbm>>, %arg4: memref<32x62x80xi32, #tpu.memory_space<hbm>>, %arg5: memref<32x62x80xi32, #tpu.memory_space<hbm>>, %arg6: memref<10000xf32, #tpu.memory_space<hbm>>, %arg7: memref<10000xf32, #tpu.memory_space<hbm>>, %arg8: memref<10000xf32, #tpu.memory_space<hbm>>, %arg9: memref<128xf32, #tpu.memory_space<hbm>>, %arg10: memref<158720x128xf32, #tpu.memory_space<hbm>>, %arg11: memref<62x80xi32, #tpu.memory_space<vmem>>, %arg12: memref<62x80xi32, #tpu.memory_space<vmem>>, %arg13: memref<80x128xf32, #tpu.memory_space<vmem>>, %arg14: memref<80x128xf32, #tpu.memory_space<vmem>>, %arg15: memref<80x128xf32, #tpu.memory_space<vmem>>, %arg16: memref<80x128xf32, #tpu.memory_space<vmem>>, %arg17: memref<80x128xf32, #tpu.memory_space<vmem>>, %arg18: memref<96xf32, #tpu.memory_space<vmem>>, %arg19: memref<10000xf32, #tpu.memory_space<vmem>>, %arg20: memref<10000xf32, #tpu.memory_space<vmem>>, %arg21: memref<10000xf32, #tpu.memory_space<vmem>>, %arg22: memref<128xf32, #tpu.memory_space<vmem>>, %arg23: memref<!tpu.dma_semaphore, #tpu.memory_space<semaphore_mem>>, %arg24: memref<!tpu.dma_semaphore, #tpu.memory_space<semaphore_mem>>, %arg25: memref<!tpu.dma_semaphore, #tpu.memory_space<semaphore_mem>>, %arg26: memref<!tpu.dma_semaphore, #tpu.memory_space<semaphore_mem>>, %arg27: memref<!tpu.dma_semaphore, #tpu.memory_space<semaphore_mem>>) attributes {dimension_semantics = [#tpu.dimension_semantics<core_parallel>, #tpu.dimension_semantics<subcore_parallel>], iteration_bounds = array<i64: 2, 16>, scalar_prefetch = 0 : i64, scratch_operands = 17 : i64, tpu.core_type = #tpu.core_type<sc_vector_subcore>, window_params = [{transform_indices = #map}, {transform_indices = #map}, {transform_indices = #map1}, {transform_indices = #map1}, {transform_indices = #map2}, {transform_indices = #map2}, {transform_indices = #map2}, {transform_indices = #map2}, {transform_indices = #map}]} {
    %mul3A = arith.constant 2 : i32
    %mul3A_0 = arith.muli %arg1, %mul3A : i32
    %add3A = arith.addi %mul3A_0, %arg0 : i32
    %mul3A_1 = arith.constant 4960 : i32
    %mul3A_2 = arith.muli %add3A, %mul3A_1 : i32
    "tpu.region"() ({
      %run_scoped3A = tpu.sem_alloc : memref<!tpu.dma_semaphore, #tpu.memory_space<semaphore_mem>>
      %dma_start3A_351 = arith.constant 0 : i32
      %dma_start3A_352 = arith.constant 0 : i32
      %dma_start3A_353 = tpu.memref_slice %arg4[%add3A, %dma_start3A_351, %dma_start3A_352] : memref<32x62x80xi32, #tpu.memory_space<hbm>> -> memref<1x62x80xi32, #tpu.memory_space<hbm>>
      %dma_start3A_354 = tpu.memref_squeeze %dma_start3A_353 : memref<1x62x80xi32, #tpu.memory_space<hbm>> -> memref<62x80xi32, #tpu.memory_space<hbm>>
      %dma_start3A_355 = arith.constant 0 : i32
      %dma_start3A_356 = arith.constant 0 : i32
      %dma_start3A_357 = tpu.memref_slice %arg4[%add3A, %dma_start3A_355, %dma_start3A_356] : memref<32x62x80xi32, #tpu.memory_space<hbm>> -> memref<1x62x80xi32, #tpu.memory_space<hbm>>
      %dma_start3A_358 = tpu.memref_squeeze %dma_start3A_357 : memref<1x62x80xi32, #tpu.memory_space<hbm>> -> memref<62x80xi32, #tpu.memory_space<hbm>>
      tpu.enqueue_dma source(%dma_start3A_358 : memref<62x80xi32, #tpu.memory_space<hbm>>) target(%arg11 : memref<62x80xi32, #tpu.memory_space<vmem>>) target_semaphore(%run_scoped3A : memref<!tpu.dma_semaphore, #tpu.memory_space<semaphore_mem>>)
      %dma_wait3A_359 = arith.constant 0 : i32
      %dma_wait3A_360 = arith.constant 0 : i32
      %dma_wait3A_361 = tpu.memref_slice %arg4[%add3A, %dma_wait3A_359, %dma_wait3A_360] : memref<32x62x80xi32, #tpu.memory_space<hbm>> -> memref<1x62x80xi32, #tpu.memory_space<hbm>>
      %dma_wait3A_362 = tpu.memref_squeeze %dma_wait3A_361 : memref<1x62x80xi32, #tpu.memory_space<hbm>> -> memref<62x80xi32, #tpu.memory_space<hbm>>
      %dma_wait3A_363 = arith.constant 0 : i32
      %dma_wait3A_364 = arith.constant 0 : i32
      %dma_wait3A_365 = tpu.memref_slice %arg4[%add3A, %dma_wait3A_363, %dma_wait3A_364] : memref<32x62x80xi32, #tpu.memory_space<hbm>> -> memref<1x62x80xi32, #tpu.memory_space<hbm>>
      %dma_wait3A_366 = tpu.memref_squeeze %dma_wait3A_365 : memref<1x62x80xi32, #tpu.memory_space<hbm>> -> memref<62x80xi32, #tpu.memory_space<hbm>>
      tpu.wait_dma2 semaphore(%run_scoped3A : memref<!tpu.dma_semaphore, #tpu.memory_space<semaphore_mem>>) src(%dma_wait3A_366 : memref<62x80xi32, #tpu.memory_space<hbm>>) dst(%arg11 : memref<62x80xi32, #tpu.memory_space<vmem>>)
      tpu.yield
    }) : () -> ()
    "tpu.region"() ({
      %run_scoped3A = tpu.sem_alloc : memref<!tpu.dma_semaphore, #tpu.memory_space<semaphore_mem>>
      %dma_start3A_351 = arith.constant 0 : i32
      %dma_start3A_352 = arith.constant 0 : i32
      %dma_start3A_353 = tpu.memref_slice %arg5[%add3A, %dma_start3A_351, %dma_start3A_352] : memref<32x62x80xi32, #tpu.memory_space<hbm>> -> memref<1x62x80xi32, #tpu.memory_space<hbm>>
      %dma_start3A_354 = tpu.memref_squeeze %dma_start3A_353 : memref<1x62x80xi32, #tpu.memory_space<hbm>> -> memref<62x80xi32, #tpu.memory_space<hbm>>
      %dma_start3A_355 = arith.constant 0 : i32
      %dma_start3A_356 = arith.constant 0 : i32
      %dma_start3A_357 = tpu.memref_slice %arg5[%add3A, %dma_start3A_355, %dma_start3A_356] : memref<32x62x80xi32, #tpu.memory_space<hbm>> -> memref<1x62x80xi32, #tpu.memory_space<hbm>>
      %dma_start3A_358 = tpu.memref_squeeze %dma_start3A_357 : memref<1x62x80xi32, #tpu.memory_space<hbm>> -> memref<62x80xi32, #tpu.memory_space<hbm>>
      tpu.enqueue_dma source(%dma_start3A_358 : memref<62x80xi32, #tpu.memory_space<hbm>>) target(%arg12 : memref<62x80xi32, #tpu.memory_space<vmem>>) target_semaphore(%run_scoped3A : memref<!tpu.dma_semaphore, #tpu.memory_space<semaphore_mem>>)
      %dma_wait3A_359 = arith.constant 0 : i32
      %dma_wait3A_360 = arith.constant 0 : i32
      %dma_wait3A_361 = tpu.memref_slice %arg5[%add3A, %dma_wait3A_359, %dma_wait3A_360] : memref<32x62x80xi32, #tpu.memory_space<hbm>> -> memref<1x62x80xi32, #tpu.memory_space<hbm>>
      %dma_wait3A_362 = tpu.memref_squeeze %dma_wait3A_361 : memref<1x62x80xi32, #tpu.memory_space<hbm>> -> memref<62x80xi32, #tpu.memory_space<hbm>>
      %dma_wait3A_363 = arith.constant 0 : i32
      %dma_wait3A_364 = arith.constant 0 : i32
      %dma_wait3A_365 = tpu.memref_slice %arg5[%add3A, %dma_wait3A_363, %dma_wait3A_364] : memref<32x62x80xi32, #tpu.memory_space<hbm>> -> memref<1x62x80xi32, #tpu.memory_space<hbm>>
      %dma_wait3A_366 = tpu.memref_squeeze %dma_wait3A_365 : memref<1x62x80xi32, #tpu.memory_space<hbm>> -> memref<62x80xi32, #tpu.memory_space<hbm>>
      tpu.wait_dma2 semaphore(%run_scoped3A : memref<!tpu.dma_semaphore, #tpu.memory_space<semaphore_mem>>) src(%dma_wait3A_366 : memref<62x80xi32, #tpu.memory_space<hbm>>) dst(%arg12 : memref<62x80xi32, #tpu.memory_space<vmem>>)
      tpu.yield
    }) : () -> ()
    "tpu.region"() ({
      %run_scoped3A = tpu.sem_alloc : memref<!tpu.dma_semaphore, #tpu.memory_space<semaphore_mem>>
      tpu.enqueue_dma source(%arg6 : memref<10000xf32, #tpu.memory_space<hbm>>) target(%arg19 : memref<10000xf32, #tpu.memory_space<vmem>>) target_semaphore(%run_scoped3A : memref<!tpu.dma_semaphore, #tpu.memory_space<semaphore_mem>>)
      tpu.wait_dma2 semaphore(%run_scoped3A : memref<!tpu.dma_semaphore, #tpu.memory_space<semaphore_mem>>) src(%arg6 : memref<10000xf32, #tpu.memory_space<hbm>>) dst(%arg19 : memref<10000xf32, #tpu.memory_space<vmem>>)
      tpu.yield
    }) : () -> ()
    "tpu.region"() ({
      %run_scoped3A = tpu.sem_alloc : memref<!tpu.dma_semaphore, #tpu.memory_space<semaphore_mem>>
      tpu.enqueue_dma source(%arg7 : memref<10000xf32, #tpu.memory_space<hbm>>) target(%arg20 : memref<10000xf32, #tpu.memory_space<vmem>>) target_semaphore(%run_scoped3A : memref<!tpu.dma_semaphore, #tpu.memory_space<semaphore_mem>>)
      tpu.wait_dma2 semaphore(%run_scoped3A : memref<!tpu.dma_semaphore, #tpu.memory_space<semaphore_mem>>) src(%arg7 : memref<10000xf32, #tpu.memory_space<hbm>>) dst(%arg20 : memref<10000xf32, #tpu.memory_space<vmem>>)
      tpu.yield
    }) : () -> ()
    "tpu.region"() ({
      %run_scoped3A = tpu.sem_alloc : memref<!tpu.dma_semaphore, #tpu.memory_space<semaphore_mem>>
      tpu.enqueue_dma source(%arg8 : memref<10000xf32, #tpu.memory_space<hbm>>) target(%arg21 : memref<10000xf32, #tpu.memory_space<vmem>>) target_semaphore(%run_scoped3A : memref<!tpu.dma_semaphore, #tpu.memory_space<semaphore_mem>>)
      tpu.wait_dma2 semaphore(%run_scoped3A : memref<!tpu.dma_semaphore, #tpu.memory_space<semaphore_mem>>) src(%arg8 : memref<10000xf32, #tpu.memory_space<hbm>>) dst(%arg21 : memref<10000xf32, #tpu.memory_space<vmem>>)
      tpu.yield
    }) : () -> ()
    "tpu.region"() ({
      %run_scoped3A = tpu.sem_alloc : memref<!tpu.dma_semaphore, #tpu.memory_space<semaphore_mem>>
      tpu.enqueue_dma source(%arg9 : memref<128xf32, #tpu.memory_space<hbm>>) target(%arg22 : memref<128xf32, #tpu.memory_space<vmem>>) target_semaphore(%run_scoped3A : memref<!tpu.dma_semaphore, #tpu.memory_space<semaphore_mem>>)
      tpu.wait_dma2 semaphore(%run_scoped3A : memref<!tpu.dma_semaphore, #tpu.memory_space<semaphore_mem>>) src(%arg9 : memref<128xf32, #tpu.memory_space<hbm>>) dst(%arg22 : memref<128xf32, #tpu.memory_space<vmem>>)
      tpu.yield
    }) : () -> ()
    %get3A = arith.constant 0 : index
    %get3A_3 = tpu.vector_load %arg22[%get3A] {strides = array<i32>} : memref<128xf32, #tpu.memory_space<vmem>>, vector<16xf32>,
    %get3A_4 = arith.constant 16 : index
    %get3A_5 = tpu.vector_load %arg22[%get3A_4] {strides = array<i32>} : memref<128xf32, #tpu.memory_space<vmem>>, vector<16xf32>,
    %get3A_6 = arith.constant 32 : index
    %get3A_7 = tpu.vector_load %arg22[%get3A_6] {strides = array<i32>} : memref<128xf32, #tpu.memory_space<vmem>>, vector<16xf32>,
    %get3A_8 = arith.constant 48 : index
    %get3A_9 = tpu.vector_load %arg22[%get3A_8] {strides = array<i32>} : memref<128xf32, #tpu.memory_space<vmem>>, vector<16xf32>,
    %get3A_10 = arith.constant 64 : index
    %get3A_11 = tpu.vector_load %arg22[%get3A_10] {strides = array<i32>} : memref<128xf32, #tpu.memory_space<vmem>>, vector<16xf32>,
    %get3A_12 = arith.constant 80 : index
    %get3A_13 = tpu.vector_load %arg22[%get3A_12] {strides = array<i32>} : memref<128xf32, #tpu.memory_space<vmem>>, vector<16xf32>,
    %get3A_14 = arith.constant 96 : index
    %get3A_15 = tpu.vector_load %arg22[%get3A_14] {strides = array<i32>} : memref<128xf32, #tpu.memory_space<vmem>>, vector<16xf32>,
    %get3A_16 = arith.constant 112 : index
    %get3A_17 = tpu.vector_load %arg22[%get3A_16] {strides = array<i32>} : memref<128xf32, #tpu.memory_space<vmem>>, vector<16xf32>,
    %dma_start3A = arith.constant 0 : i32
    %dma_start3A_18 = arith.constant 0 : i32
    %dma_start3A_19 = tpu.memref_slice %arg11[%dma_start3A, %dma_start3A_18] : memref<62x80xi32, #tpu.memory_space<vmem>> -> memref<1x80xi32, #tpu.memory_space<vmem>>
    %dma_start3A_20 = tpu.memref_squeeze %dma_start3A_19 : memref<1x80xi32, #tpu.memory_space<vmem>> -> memref<80xi32, #tpu.memory_space<vmem>>
    %dma_start3A_21 = arith.constant 0 : i32
    %dma_start3A_22 = arith.constant 0 : i32
    %dma_start3A_23 = tpu.memref_slice %arg2[%dma_start3A_21, %dma_start3A_22] : memref<10000x128xf32, #tpu.memory_space<hbm>> -> memref<10000x128xf32, #tpu.memory_space<hbm>>
    tpu.enqueue_indirect_dma source(%dma_start3A_23 : memref<10000x128xf32, #tpu.memory_space<hbm>>) target(%arg13 : memref<80x128xf32, #tpu.memory_space<vmem>>) offsets(%dma_start3A_20 : memref<80xi32, #tpu.memory_space<vmem>>) semaphore(%arg23 : memref<!tpu.dma_semaphore, #tpu.memory_space<semaphore_mem>>)
    %dma_start3A_24 = arith.constant 0 : i32
    %dma_start3A_25 = arith.constant 0 : i32
    %dma_start3A_26 = tpu.memref_slice %arg12[%dma_start3A_24, %dma_start3A_25] : memref<62x80xi32, #tpu.memory_space<vmem>> -> memref<1x80xi32, #tpu.memory_space<vmem>>
    %dma_start3A_27 = tpu.memref_squeeze %dma_start3A_26 : memref<1x80xi32, #tpu.memory_space<vmem>> -> memref<80xi32, #tpu.memory_space<vmem>>
    %dma_start3A_28 = arith.constant 0 : i32
    %dma_start3A_29 = arith.constant 0 : i32
    %dma_start3A_30 = tpu.memref_slice %arg3[%dma_start3A_28, %dma_start3A_29] : memref<10000x128xf32, #tpu.memory_space<hbm>> -> memref<10000x128xf32, #tpu.memory_space<hbm>>
    tpu.enqueue_indirect_dma source(%dma_start3A_30 : memref<10000x128xf32, #tpu.memory_space<hbm>>) target(%arg14 : memref<80x128xf32, #tpu.memory_space<vmem>>) offsets(%dma_start3A_27 : memref<80xi32, #tpu.memory_space<vmem>>) semaphore(%arg24 : memref<!tpu.dma_semaphore, #tpu.memory_space<semaphore_mem>>)
    %scan3A = arith.constant 0 : i32
    %scan3A_31 = arith.constant 0 : i32
    %scan3A_32 = arith.constant 30 : i32
    %scan3A_33 = arith.addi %scan3A_31, %scan3A_32 : i32
    %scan3A_34 = arith.constant 1 : i32
    scf.for %scan3A_351 = %scan3A_31 to %scan3A_33 step %scan3A_34  : i32 {
      %mul3A_352 = arith.constant 2 : i32
      %mul3A_353 = arith.muli %mul3A_352, %scan3A_351 : i32
      %add3A_354 = arith.constant 1 : i32
      %add3A_355 = arith.addi %mul3A_353, %add3A_354 : i32
      %dma_start3A_356 = arith.constant 0 : i32
      %dma_start3A_357 = tpu.memref_slice %arg11[%add3A_355, %dma_start3A_356] : memref<62x80xi32, #tpu.memory_space<vmem>> -> memref<1x80xi32, #tpu.memory_space<vmem>>
      %dma_start3A_358 = tpu.memref_squeeze %dma_start3A_357 : memref<1x80xi32, #tpu.memory_space<vmem>> -> memref<80xi32, #tpu.memory_space<vmem>>
      %dma_start3A_359 = arith.constant 0 : i32
      %dma_start3A_360 = arith.constant 0 : i32
      %dma_start3A_361 = tpu.memref_slice %arg2[%dma_start3A_359, %dma_start3A_360] : memref<10000x128xf32, #tpu.memory_space<hbm>> -> memref<10000x128xf32, #tpu.memory_space<hbm>>
      tpu.enqueue_indirect_dma source(%dma_start3A_361 : memref<10000x128xf32, #tpu.memory_space<hbm>>) target(%arg15 : memref<80x128xf32, #tpu.memory_space<vmem>>) offsets(%dma_start3A_358 : memref<80xi32, #tpu.memory_space<vmem>>) semaphore(%arg25 : memref<!tpu.dma_semaphore, #tpu.memory_space<semaphore_mem>>)
      %dma_start3A_362 = arith.constant 0 : i32
      %dma_start3A_363 = tpu.memref_slice %arg12[%add3A_355, %dma_start3A_362] : memref<62x80xi32, #tpu.memory_space<vmem>> -> memref<1x80xi32, #tpu.memory_space<vmem>>
      %dma_start3A_364 = tpu.memref_squeeze %dma_start3A_363 : memref<1x80xi32, #tpu.memory_space<vmem>> -> memref<80xi32, #tpu.memory_space<vmem>>
      %dma_start3A_365 = arith.constant 0 : i32
      %dma_start3A_366 = arith.constant 0 : i32
      %dma_start3A_367 = tpu.memref_slice %arg3[%dma_start3A_365, %dma_start3A_366] : memref<10000x128xf32, #tpu.memory_space<hbm>> -> memref<10000x128xf32, #tpu.memory_space<hbm>>
      tpu.enqueue_indirect_dma source(%dma_start3A_367 : memref<10000x128xf32, #tpu.memory_space<hbm>>) target(%arg16 : memref<80x128xf32, #tpu.memory_space<vmem>>) offsets(%dma_start3A_364 : memref<80xi32, #tpu.memory_space<vmem>>) semaphore(%arg26 : memref<!tpu.dma_semaphore, #tpu.memory_space<semaphore_mem>>)
      %dma_wait3A_368 = arith.constant 0 : i32
      %dma_wait3A_369 = arith.constant 0 : i32
      %dma_wait3A_370 = tpu.memref_slice %arg11[%dma_wait3A_368, %dma_wait3A_369] : memref<62x80xi32, #tpu.memory_space<vmem>> -> memref<1x80xi32, #tpu.memory_space<vmem>>
      %dma_wait3A_371 = tpu.memref_squeeze %dma_wait3A_370 : memref<1x80xi32, #tpu.memory_space<vmem>> -> memref<80xi32, #tpu.memory_space<vmem>>
      %dma_wait3A_372 = arith.constant 0 : i32
      %dma_wait3A_373 = arith.constant 0 : i32
      %dma_wait3A_374 = tpu.memref_slice %arg2[%dma_wait3A_372, %dma_wait3A_373] : memref<10000x128xf32, #tpu.memory_space<hbm>> -> memref<10000x128xf32, #tpu.memory_space<hbm>>
      tpu.wait_indirect_dma semaphore(%arg23 : memref<!tpu.dma_semaphore, #tpu.memory_space<semaphore_mem>>) src(%dma_wait3A_374 : memref<10000x128xf32, #tpu.memory_space<hbm>>) dst(%arg13 : memref<80x128xf32, #tpu.memory_space<vmem>>)
      %dma_wait3A_375 = arith.constant 0 : i32
      %dma_wait3A_376 = arith.constant 0 : i32
      %dma_wait3A_377 = tpu.memref_slice %arg12[%dma_wait3A_375, %dma_wait3A_376] : memref<62x80xi32, #tpu.memory_space<vmem>> -> memref<1x80xi32, #tpu.memory_space<vmem>>
      %dma_wait3A_378 = tpu.memref_squeeze %dma_wait3A_377 : memref<1x80xi32, #tpu.memory_space<vmem>> -> memref<80xi32, #tpu.memory_space<vmem>>
      %dma_wait3A_379 = arith.constant 0 : i32
      %dma_wait3A_380 = arith.constant 0 : i32
      %dma_wait3A_381 = tpu.memref_slice %arg3[%dma_wait3A_379, %dma_wait3A_380] : memref<10000x128xf32, #tpu.memory_space<hbm>> -> memref<10000x128xf32, #tpu.memory_space<hbm>>
      tpu.wait_indirect_dma semaphore(%arg24 : memref<!tpu.dma_semaphore, #tpu.memory_space<semaphore_mem>>) src(%dma_wait3A_381 : memref<10000x128xf32, #tpu.memory_space<hbm>>) dst(%arg14 : memref<80x128xf32, #tpu.memory_space<vmem>>)
      %get3A_382 = arith.index_cast %mul3A_353 : i32 to index
      %get3A_383 = arith.constant 0 : index
      %get3A_384 = tpu.vector_load %arg11[%get3A_382, %get3A_383] {strides = array<i32>} : memref<62x80xi32, #tpu.memory_space<vmem>>, vector<16xi32>,
      %get3A_385 = arith.index_cast %mul3A_353 : i32 to index
      %get3A_386 = arith.constant 0 : index
      %get3A_387 = tpu.vector_load %arg12[%get3A_385, %get3A_386] {strides = array<i32>} : memref<62x80xi32, #tpu.memory_space<vmem>>, vector<16xi32>,
      %gather3A_388 = tpu.vector_load_idx %arg19[%get3A_384] : memref<10000xf32, #tpu.memory_space<vmem>>[vector<16xi32>], vector<16xf32>,
      %gather3A_389 = tpu.vector_load_idx %arg19[%get3A_387] : memref<10000xf32, #tpu.memory_space<vmem>>[vector<16xi32>], vector<16xf32>,
      %gather3A_390 = tpu.vector_load_idx %arg20[%get3A_384] : memref<10000xf32, #tpu.memory_space<vmem>>[vector<16xi32>], vector<16xf32>,
      %gather3A_391 = tpu.vector_load_idx %arg20[%get3A_387] : memref<10000xf32, #tpu.memory_space<vmem>>[vector<16xi32>], vector<16xf32>,
      %gather3A_392 = tpu.vector_load_idx %arg21[%get3A_384] : memref<10000xf32, #tpu.memory_space<vmem>>[vector<16xi32>], vector<16xf32>,
      %gather3A_393 = tpu.vector_load_idx %arg21[%get3A_387] : memref<10000xf32, #tpu.memory_space<vmem>>[vector<16xi32>], vector<16xf32>,
      %mul3A_394 = arith.mulf %gather3A_388, %gather3A_389 : vector<16xf32>
      %mul3A_395 = arith.mulf %gather3A_390, %gather3A_391 : vector<16xf32>
      %add3A_396 = arith.addf %mul3A_394, %mul3A_395 : vector<16xf32>
      %mul3A_397 = arith.mulf %gather3A_392, %gather3A_393 : vector<16xf32>
      %add3A_398 = arith.addf %add3A_396, %mul3A_397 : vector<16xf32>
      %mul3A_399 = arith.constant -2.000000e+00 : f32
      %mul3A_400 = vector.broadcast %mul3A_399 : f32 to vector<16xf32>
      %mul3A_401 = arith.mulf %mul3A_400, %add3A_398 : vector<16xf32>
      %swap3A_402 = arith.constant 0 : index
      %swap3A_403 = tpu.vector_load %arg18[%swap3A_402] {strides = array<i32>} : memref<96xf32, #tpu.memory_space<vmem>>, vector<16xf32>,
      tpu.vector_store %arg18[%swap3A_402], %mul3A_401 {strides = array<i32>} : memref<96xf32, #tpu.memory_space<vmem>>, vector<16xf32>,
      %get3A_404 = arith.index_cast %mul3A_353 : i32 to index
      %get3A_405 = arith.constant 16 : index
      %get3A_406 = tpu.vector_load %arg11[%get3A_404, %get3A_405] {strides = array<i32>} : memref<62x80xi32, #tpu.memory_space<vmem>>, vector<16xi32>,
      %get3A_407 = arith.index_cast %mul3A_353 : i32 to index
      %get3A_408 = arith.constant 16 : index
      %get3A_409 = tpu.vector_load %arg12[%get3A_407, %get3A_408] {strides = array<i32>} : memref<62x80xi32, #tpu.memory_space<vmem>>, vector<16xi32>,
      %gather3A_410 = tpu.vector_load_idx %arg19[%get3A_406] : memref<10000xf32, #tpu.memory_space<vmem>>[vector<16xi32>], vector<16xf32>,
      %gather3A_411 = tpu.vector_load_idx %arg19[%get3A_409] : memref<10000xf32, #tpu.memory_space<vmem>>[vector<16xi32>], vector<16xf32>,
      %gather3A_412 = tpu.vector_load_idx %arg20[%get3A_406] : memref<10000xf32, #tpu.memory_space<vmem>>[vector<16xi32>], vector<16xf32>,
      %gather3A_413 = tpu.vector_load_idx %arg20[%get3A_409] : memref<10000xf32, #tpu.memory_space<vmem>>[vector<16xi32>], vector<16xf32>,
      %gather3A_414 = tpu.vector_load_idx %arg21[%get3A_406] : memref<10000xf32, #tpu.memory_space<vmem>>[vector<16xi32>], vector<16xf32>,
      %gather3A_415 = tpu.vector_load_idx %arg21[%get3A_409] : memref<10000xf32, #tpu.memory_space<vmem>>[vector<16xi32>], vector<16xf32>,
      %mul3A_416 = arith.mulf %gather3A_410, %gather3A_411 : vector<16xf32>
      %mul3A_417 = arith.mulf %gather3A_412, %gather3A_413 : vector<16xf32>
      %add3A_418 = arith.addf %mul3A_416, %mul3A_417 : vector<16xf32>
      %mul3A_419 = arith.mulf %gather3A_414, %gather3A_415 : vector<16xf32>
      %add3A_420 = arith.addf %add3A_418, %mul3A_419 : vector<16xf32>
      %mul3A_421 = arith.constant -2.000000e+00 : f32
      %mul3A_422 = vector.broadcast %mul3A_421 : f32 to vector<16xf32>
      %mul3A_423 = arith.mulf %mul3A_422, %add3A_420 : vector<16xf32>
      %swap3A_424 = arith.constant 16 : index
      %swap3A_425 = tpu.vector_load %arg18[%swap3A_424] {strides = array<i32>} : memref<96xf32, #tpu.memory_space<vmem>>, vector<16xf32>,
      tpu.vector_store %arg18[%swap3A_424], %mul3A_423 {strides = array<i32>} : memref<96xf32, #tpu.memory_space<vmem>>, vector<16xf32>,
      %get3A_426 = arith.index_cast %mul3A_353 : i32 to index
      %get3A_427 = arith.constant 32 : index
      %get3A_428 = tpu.vector_load %arg11[%get3A_426, %get3A_427] {strides = array<i32>} : memref<62x80xi32, #tpu.memory_space<vmem>>, vector<16xi32>,
      %get3A_429 = arith.index_cast %mul3A_353 : i32 to index
      %get3A_430 = arith.constant 32 : index
      %get3A_431 = tpu.vector_load %arg12[%get3A_429, %get3A_430] {strides = array<i32>} : memref<62x80xi32, #tpu.memory_space<vmem>>, vector<16xi32>,
      %gather3A_432 = tpu.vector_load_idx %arg19[%get3A_428] : memref<10000xf32, #tpu.memory_space<vmem>>[vector<16xi32>], vector<16xf32>,
      %gather3A_433 = tpu.vector_load_idx %arg19[%get3A_431] : memref<10000xf32, #tpu.memory_space<vmem>>[vector<16xi32>], vector<16xf32>,
      %gather3A_434 = tpu.vector_load_idx %arg20[%get3A_428] : memref<10000xf32, #tpu.memory_space<vmem>>[vector<16xi32>], vector<16xf32>,
      %gather3A_435 = tpu.vector_load_idx %arg20[%get3A_431] : memref<10000xf32, #tpu.memory_space<vmem>>[vector<16xi32>], vector<16xf32>,
      %gather3A_436 = tpu.vector_load_idx %arg21[%get3A_428] : memref<10000xf32, #tpu.memory_space<vmem>>[vector<16xi32>], vector<16xf32>,
      %gather3A_437 = tpu.vector_load_idx %arg21[%get3A_431] : memref<10000xf32, #tpu.memory_space<vmem>>[vector<16xi32>], vector<16xf32>,
      %mul3A_438 = arith.mulf %gather3A_432, %gather3A_433 : vector<16xf32>
      %mul3A_439 = arith.mulf %gather3A_434, %gather3A_435 : vector<16xf32>
      %add3A_440 = arith.addf %mul3A_438, %mul3A_439 : vector<16xf32>
      %mul3A_441 = arith.mulf %gather3A_436, %gather3A_437 : vector<16xf32>
      %add3A_442 = arith.addf %add3A_440, %mul3A_441 : vector<16xf32>
      %mul3A_443 = arith.constant -2.000000e+00 : f32
      %mul3A_444 = vector.broadcast %mul3A_443 : f32 to vector<16xf32>
      %mul3A_445 = arith.mulf %mul3A_444, %add3A_442 : vector<16xf32>
      %swap3A_446 = arith.constant 32 : index
      %swap3A_447 = tpu.vector_load %arg18[%swap3A_446] {strides = array<i32>} : memref<96xf32, #tpu.memory_space<vmem>>, vector<16xf32>,
      tpu.vector_store %arg18[%swap3A_446], %mul3A_445 {strides = array<i32>} : memref<96xf32, #tpu.memory_space<vmem>>, vector<16xf32>,
      %get3A_448 = arith.index_cast %mul3A_353 : i32 to index
      %get3A_449 = arith.constant 48 : index
      %get3A_450 = tpu.vector_load %arg11[%get3A_448, %get3A_449] {strides = array<i32>} : memref<62x80xi32, #tpu.memory_space<vmem>>, vector<16xi32>,
      %get3A_451 = arith.index_cast %mul3A_353 : i32 to index
      %get3A_452 = arith.constant 48 : index
      %get3A_453 = tpu.vector_load %arg12[%get3A_451, %get3A_452] {strides = array<i32>} : memref<62x80xi32, #tpu.memory_space<vmem>>, vector<16xi32>,
      %gather3A_454 = tpu.vector_load_idx %arg19[%get3A_450] : memref<10000xf32, #tpu.memory_space<vmem>>[vector<16xi32>], vector<16xf32>,
      %gather3A_455 = tpu.vector_load_idx %arg19[%get3A_453] : memref<10000xf32, #tpu.memory_space<vmem>>[vector<16xi32>], vector<16xf32>,
      %gather3A_456 = tpu.vector_load_idx %arg20[%get3A_450] : memref<10000xf32, #tpu.memory_space<vmem>>[vector<16xi32>], vector<16xf32>,
      %gather3A_457 = tpu.vector_load_idx %arg20[%get3A_453] : memref<10000xf32, #tpu.memory_space<vmem>>[vector<16xi32>], vector<16xf32>,
      %gather3A_458 = tpu.vector_load_idx %arg21[%get3A_450] : memref<10000xf32, #tpu.memory_space<vmem>>[vector<16xi32>], vector<16xf32>,
      %gather3A_459 = tpu.vector_load_idx %arg21[%get3A_453] : memref<10000xf32, #tpu.memory_space<vmem>>[vector<16xi32>], vector<16xf32>,
      %mul3A_460 = arith.mulf %gather3A_454, %gather3A_455 : vector<16xf32>
      %mul3A_461 = arith.mulf %gather3A_456, %gather3A_457 : vector<16xf32>
      %add3A_462 = arith.addf %mul3A_460, %mul3A_461 : vector<16xf32>
      %mul3A_463 = arith.mulf %gather3A_458, %gather3A_459 : vector<16xf32>
      %add3A_464 = arith.addf %add3A_462, %mul3A_463 : vector<16xf32>
      %mul3A_465 = arith.constant -2.000000e+00 : f32
      %mul3A_466 = vector.broadcast %mul3A_465 : f32 to vector<16xf32>
      %mul3A_467 = arith.mulf %mul3A_466, %add3A_464 : vector<16xf32>
      %swap3A_468 = arith.constant 48 : index
      %swap3A_469 = tpu.vector_load %arg18[%swap3A_468] {strides = array<i32>} : memref<96xf32, #tpu.memory_space<vmem>>, vector<16xf32>,
      tpu.vector_store %arg18[%swap3A_468], %mul3A_467 {strides = array<i32>} : memref<96xf32, #tpu.memory_space<vmem>>, vector<16xf32>,
      %get3A_470 = arith.index_cast %mul3A_353 : i32 to index
      %get3A_471 = arith.constant 64 : index
      %get3A_472 = tpu.vector_load %arg11[%get3A_470, %get3A_471] {strides = array<i32>} : memref<62x80xi32, #tpu.memory_space<vmem>>, vector<16xi32>,
      %get3A_473 = arith.index_cast %mul3A_353 : i32 to index
      %get3A_474 = arith.constant 64 : index
      %get3A_475 = tpu.vector_load %arg12[%get3A_473, %get3A_474] {strides = array<i32>} : memref<62x80xi32, #tpu.memory_space<vmem>>, vector<16xi32>,
      %gather3A_476 = tpu.vector_load_idx %arg19[%get3A_472] : memref<10000xf32, #tpu.memory_space<vmem>>[vector<16xi32>], vector<16xf32>,
      %gather3A_477 = tpu.vector_load_idx %arg19[%get3A_475] : memref<10000xf32, #tpu.memory_space<vmem>>[vector<16xi32>], vector<16xf32>,
      %gather3A_478 = tpu.vector_load_idx %arg20[%get3A_472] : memref<10000xf32, #tpu.memory_space<vmem>>[vector<16xi32>], vector<16xf32>,
      %gather3A_479 = tpu.vector_load_idx %arg20[%get3A_475] : memref<10000xf32, #tpu.memory_space<vmem>>[vector<16xi32>], vector<16xf32>,
      %gather3A_480 = tpu.vector_load_idx %arg21[%get3A_472] : memref<10000xf32, #tpu.memory_space<vmem>>[vector<16xi32>], vector<16xf32>,
      %gather3A_481 = tpu.vector_load_idx %arg21[%get3A_475] : memref<10000xf32, #tpu.memory_space<vmem>>[vector<16xi32>], vector<16xf32>,
      %mul3A_482 = arith.mulf %gather3A_476, %gather3A_477 : vector<16xf32>
      %mul3A_483 = arith.mulf %gather3A_478, %gather3A_479 : vector<16xf32>
      %add3A_484 = arith.addf %mul3A_482, %mul3A_483 : vector<16xf32>
      %mul3A_485 = arith.mulf %gather3A_480, %gather3A_481 : vector<16xf32>
      %add3A_486 = arith.addf %add3A_484, %mul3A_485 : vector<16xf32>
      %mul3A_487 = arith.constant -2.000000e+00 : f32
      %mul3A_488 = vector.broadcast %mul3A_487 : f32 to vector<16xf32>
      %mul3A_489 = arith.mulf %mul3A_488, %add3A_486 : vector<16xf32>
      %swap3A_490 = arith.constant 64 : index
      %swap3A_491 = tpu.vector_load %arg18[%swap3A_490] {strides = array<i32>} : memref<96xf32, #tpu.memory_space<vmem>>, vector<16xf32>,
      tpu.vector_store %arg18[%swap3A_490], %mul3A_489 {strides = array<i32>} : memref<96xf32, #tpu.memory_space<vmem>>, vector<16xf32>,
      %gt3A = arith.constant 0 : i32
      %gt3A_492 = arith.cmpi sgt, %mul3A_353, %gt3A : i32
      %convert_element_type3A = arith.extui %gt3A_492 : i1 to i32
      %cond3A = arith.constant 0 : i32
      %cond3A_493 = arith.cmpi ne, %convert_element_type3A, %cond3A : i32
      scf.if %cond3A_493 {
        %dma_wait3A_665 = arith.constant 0 : i32
        %dma_wait3A_666 = tpu.memref_slice %arg10[%mul3A_2, %dma_wait3A_665] : memref<158720x128xf32, #tpu.memory_space<hbm>> -> memref<80x128xf32, #tpu.memory_space<hbm>>
        %dma_wait3A_667 = arith.constant 0 : i32
        %dma_wait3A_668 = tpu.memref_slice %arg10[%mul3A_2, %dma_wait3A_667] : memref<158720x128xf32, #tpu.memory_space<hbm>> -> memref<80x128xf32, #tpu.memory_space<hbm>>
        tpu.wait_dma2 semaphore(%arg27 : memref<!tpu.dma_semaphore, #tpu.memory_space<semaphore_mem>>) src(%arg17 : memref<80x128xf32, #tpu.memory_space<vmem>>) dst(%dma_wait3A_668 : memref<80x128xf32, #tpu.memory_space<hbm>>)
      } else {
      }
      %scan3A_494 = arith.constant 0 : i32
      %scan3A_495 = arith.constant 0 : i32
      %scan3A_496 = arith.constant 80 : i32
      %scan3A_497 = arith.addi %scan3A_495, %scan3A_496 : i32
      %scan3A_498 = arith.constant 1 : i32
      scf.for %scan3A_665 = %scan3A_495 to %scan3A_497 step %scan3A_498  : i32 {
        %get3A_666 = arith.index_cast %scan3A_665 : i32 to index
        %get3A_667 = tpu.vector_load %arg18[%get3A_666] {strides = array<i32>} : memref<96xf32, #tpu.memory_space<vmem>>, vector<16xf32>,
        %slice3A = vector.extract_strided_slice %get3A_667 {offsets = [0], sizes = [1], strides = [1]} : vector<16xf32> to vector<1xf32>
        %squeeze3A = vector.extract %slice3A[0] : f32 from vector<1xf32>
        %get3A_668 = arith.index_cast %scan3A_665 : i32 to index
        %get3A_669 = arith.constant 0 : index
        %get3A_670 = tpu.vector_load %arg13[%get3A_668, %get3A_669] {strides = array<i32>} : memref<80x128xf32, #tpu.memory_space<vmem>>, vector<16xf32>,
        %get3A_671 = arith.index_cast %scan3A_665 : i32 to index
        %get3A_672 = arith.constant 0 : index
        %get3A_673 = tpu.vector_load %arg14[%get3A_671, %get3A_672] {strides = array<i32>} : memref<80x128xf32, #tpu.memory_space<vmem>>, vector<16xf32>,
        %add3A_674 = arith.addf %get3A_670, %get3A_673 : vector<16xf32>
        %mul3A_675 = vector.broadcast %squeeze3A : f32 to vector<16xf32>
        %mul3A_676 = arith.mulf %mul3A_675, %get3A_3 : vector<16xf32>
        %add3A_677 = arith.addf %add3A_674, %mul3A_676 : vector<16xf32>
        %max3A = arith.constant 0.000000e+00 : f32
        %max3A_678 = vector.broadcast %max3A : f32 to vector<16xf32>
        %max3A_679 = arith.maximumf %add3A_677, %max3A_678 : vector<16xf32>
        %swap3A_680 = arith.index_cast %scan3A_665 : i32 to index
        %swap3A_681 = arith.constant 0 : index
        %swap3A_682 = tpu.vector_load %arg17[%swap3A_680, %swap3A_681] {strides = array<i32>} : memref<80x128xf32, #tpu.memory_space<vmem>>, vector<16xf32>,
        tpu.vector_store %arg17[%swap3A_680, %swap3A_681], %max3A_679 {strides = array<i32>} : memref<80x128xf32, #tpu.memory_space<vmem>>, vector<16xf32>,
        %get3A_683 = arith.index_cast %scan3A_665 : i32 to index
        %get3A_684 = arith.constant 16 : index
        %get3A_685 = tpu.vector_load %arg13[%get3A_683, %get3A_684] {strides = array<i32>} : memref<80x128xf32, #tpu.memory_space<vmem>>, vector<16xf32>,
        %get3A_686 = arith.index_cast %scan3A_665 : i32 to index
        %get3A_687 = arith.constant 16 : index
        %get3A_688 = tpu.vector_load %arg14[%get3A_686, %get3A_687] {strides = array<i32>} : memref<80x128xf32, #tpu.memory_space<vmem>>, vector<16xf32>,
        %add3A_689 = arith.addf %get3A_685, %get3A_688 : vector<16xf32>
        %mul3A_690 = vector.broadcast %squeeze3A : f32 to vector<16xf32>
        %mul3A_691 = arith.mulf %mul3A_690, %get3A_5 : vector<16xf32>
        %add3A_692 = arith.addf %add3A_689, %mul3A_691 : vector<16xf32>
        %max3A_693 = arith.constant 0.000000e+00 : f32
        %max3A_694 = vector.broadcast %max3A_693 : f32 to vector<16xf32>
        %max3A_695 = arith.maximumf %add3A_692, %max3A_694 : vector<16xf32>
        %swap3A_696 = arith.index_cast %scan3A_665 : i32 to index
        %swap3A_697 = arith.constant 16 : index
        %swap3A_698 = tpu.vector_load %arg17[%swap3A_696, %swap3A_697] {strides = array<i32>} : memref<80x128xf32, #tpu.memory_space<vmem>>, vector<16xf32>,
        tpu.vector_store %arg17[%swap3A_696, %swap3A_697], %max3A_695 {strides = array<i32>} : memref<80x128xf32, #tpu.memory_space<vmem>>, vector<16xf32>,
        %get3A_699 = arith.index_cast %scan3A_665 : i32 to index
        %get3A_700 = arith.constant 32 : index
        %get3A_701 = tpu.vector_load %arg13[%get3A_699, %get3A_700] {strides = array<i32>} : memref<80x128xf32, #tpu.memory_space<vmem>>, vector<16xf32>,
        %get3A_702 = arith.index_cast %scan3A_665 : i32 to index
        %get3A_703 = arith.constant 32 : index
        %get3A_704 = tpu.vector_load %arg14[%get3A_702, %get3A_703] {strides = array<i32>} : memref<80x128xf32, #tpu.memory_space<vmem>>, vector<16xf32>,
        %add3A_705 = arith.addf %get3A_701, %get3A_704 : vector<16xf32>
        %mul3A_706 = vector.broadcast %squeeze3A : f32 to vector<16xf32>
        %mul3A_707 = arith.mulf %mul3A_706, %get3A_7 : vector<16xf32>
        %add3A_708 = arith.addf %add3A_705, %mul3A_707 : vector<16xf32>
        %max3A_709 = arith.constant 0.000000e+00 : f32
        %max3A_710 = vector.broadcast %max3A_709 : f32 to vector<16xf32>
        %max3A_711 = arith.maximumf %add3A_708, %max3A_710 : vector<16xf32>
        %swap3A_712 = arith.index_cast %scan3A_665 : i32 to index
        %swap3A_713 = arith.constant 32 : index
        %swap3A_714 = tpu.vector_load %arg17[%swap3A_712, %swap3A_713] {strides = array<i32>} : memref<80x128xf32, #tpu.memory_space<vmem>>, vector<16xf32>,
        tpu.vector_store %arg17[%swap3A_712, %swap3A_713], %max3A_711 {strides = array<i32>} : memref<80x128xf32, #tpu.memory_space<vmem>>, vector<16xf32>,
        %get3A_715 = arith.index_cast %scan3A_665 : i32 to index
        %get3A_716 = arith.constant 48 : index
        %get3A_717 = tpu.vector_load %arg13[%get3A_715, %get3A_716] {strides = array<i32>} : memref<80x128xf32, #tpu.memory_space<vmem>>, vector<16xf32>,
        %get3A_718 = arith.index_cast %scan3A_665 : i32 to index
        %get3A_719 = arith.constant 48 : index
        %get3A_720 = tpu.vector_load %arg14[%get3A_718, %get3A_719] {strides = array<i32>} : memref<80x128xf32, #tpu.memory_space<vmem>>, vector<16xf32>,
        %add3A_721 = arith.addf %get3A_717, %get3A_720 : vector<16xf32>
        %mul3A_722 = vector.broadcast %squeeze3A : f32 to vector<16xf32>
        %mul3A_723 = arith.mulf %mul3A_722, %get3A_9 : vector<16xf32>
        %add3A_724 = arith.addf %add3A_721, %mul3A_723 : vector<16xf32>
        %max3A_725 = arith.constant 0.000000e+00 : f32
        %max3A_726 = vector.broadcast %max3A_725 : f32 to vector<16xf32>
        %max3A_727 = arith.maximumf %add3A_724, %max3A_726 : vector<16xf32>
        %swap3A_728 = arith.index_cast %scan3A_665 : i32 to index
        %swap3A_729 = arith.constant 48 : index
        %swap3A_730 = tpu.vector_load %arg17[%swap3A_728, %swap3A_729] {strides = array<i32>} : memref<80x128xf32, #tpu.memory_space<vmem>>, vector<16xf32>,
        tpu.vector_store %arg17[%swap3A_728, %swap3A_729], %max3A_727 {strides = array<i32>} : memref<80x128xf32, #tpu.memory_space<vmem>>, vector<16xf32>,
        %get3A_731 = arith.index_cast %scan3A_665 : i32 to index
        %get3A_732 = arith.constant 64 : index
        %get3A_733 = tpu.vector_load %arg13[%get3A_731, %get3A_732] {strides = array<i32>} : memref<80x128xf32, #tpu.memory_space<vmem>>, vector<16xf32>,
        %get3A_734 = arith.index_cast %scan3A_665 : i32 to index
        %get3A_735 = arith.constant 64 : index
        %get3A_736 = tpu.vector_load %arg14[%get3A_734, %get3A_735] {strides = array<i32>} : memref<80x128xf32, #tpu.memory_space<vmem>>, vector<16xf32>,
        %add3A_737 = arith.addf %get3A_733, %get3A_736 : vector<16xf32>
        %mul3A_738 = vector.broadcast %squeeze3A : f32 to vector<16xf32>
        %mul3A_739 = arith.mulf %mul3A_738, %get3A_11 : vector<16xf32>
        %add3A_740 = arith.addf %add3A_737, %mul3A_739 : vector<16xf32>
        %max3A_741 = arith.constant 0.000000e+00 : f32
        %max3A_742 = vector.broadcast %max3A_741 : f32 to vector<16xf32>
        %max3A_743 = arith.maximumf %add3A_740, %max3A_742 : vector<16xf32>
        %swap3A_744 = arith.index_cast %scan3A_665 : i32 to index
        %swap3A_745 = arith.constant 64 : index
        %swap3A_746 = tpu.vector_load %arg17[%swap3A_744, %swap3A_745] {strides = array<i32>} : memref<80x128xf32, #tpu.memory_space<vmem>>, vector<16xf32>,
        tpu.vector_store %arg17[%swap3A_744, %swap3A_745], %max3A_743 {strides = array<i32>} : memref<80x128xf32, #tpu.memory_space<vmem>>, vector<16xf32>,
        %get3A_747 = arith.index_cast %scan3A_665 : i32 to index
        %get3A_748 = arith.constant 80 : index
        %get3A_749 = tpu.vector_load %arg13[%get3A_747, %get3A_748] {strides = array<i32>} : memref<80x128xf32, #tpu.memory_space<vmem>>, vector<16xf32>,
        %get3A_750 = arith.index_cast %scan3A_665 : i32 to index
        %get3A_751 = arith.constant 80 : index
        %get3A_752 = tpu.vector_load %arg14[%get3A_750, %get3A_751] {strides = array<i32>} : memref<80x128xf32, #tpu.memory_space<vmem>>, vector<16xf32>,
        %add3A_753 = arith.addf %get3A_749, %get3A_752 : vector<16xf32>
        %mul3A_754 = vector.broadcast %squeeze3A : f32 to vector<16xf32>
        %mul3A_755 = arith.mulf %mul3A_754, %get3A_13 : vector<16xf32>
        %add3A_756 = arith.addf %add3A_753, %mul3A_755 : vector<16xf32>
        %max3A_757 = arith.constant 0.000000e+00 : f32
        %max3A_758 = vector.broadcast %max3A_757 : f32 to vector<16xf32>
        %max3A_759 = arith.maximumf %add3A_756, %max3A_758 : vector<16xf32>
        %swap3A_760 = arith.index_cast %scan3A_665 : i32 to index
        %swap3A_761 = arith.constant 80 : index
        %swap3A_762 = tpu.vector_load %arg17[%swap3A_760, %swap3A_761] {strides = array<i32>} : memref<80x128xf32, #tpu.memory_space<vmem>>, vector<16xf32>,
        tpu.vector_store %arg17[%swap3A_760, %swap3A_761], %max3A_759 {strides = array<i32>} : memref<80x128xf32, #tpu.memory_space<vmem>>, vector<16xf32>,
        %get3A_763 = arith.index_cast %scan3A_665 : i32 to index
        %get3A_764 = arith.constant 96 : index
        %get3A_765 = tpu.vector_load %arg13[%get3A_763, %get3A_764] {strides = array<i32>} : memref<80x128xf32, #tpu.memory_space<vmem>>, vector<16xf32>,
        %get3A_766 = arith.index_cast %scan3A_665 : i32 to index
        %get3A_767 = arith.constant 96 : index
        %get3A_768 = tpu.vector_load %arg14[%get3A_766, %get3A_767] {strides = array<i32>} : memref<80x128xf32, #tpu.memory_space<vmem>>, vector<16xf32>,
        %add3A_769 = arith.addf %get3A_765, %get3A_768 : vector<16xf32>
        %mul3A_770 = vector.broadcast %squeeze3A : f32 to vector<16xf32>
        %mul3A_771 = arith.mulf %mul3A_770, %get3A_15 : vector<16xf32>
        %add3A_772 = arith.addf %add3A_769, %mul3A_771 : vector<16xf32>
        %max3A_773 = arith.constant 0.000000e+00 : f32
        %max3A_774 = vector.broadcast %max3A_773 : f32 to vector<16xf32>
        %max3A_775 = arith.maximumf %add3A_772, %max3A_774 : vector<16xf32>
        %swap3A_776 = arith.index_cast %scan3A_665 : i32 to index
        %swap3A_777 = arith.constant 96 : index
        %swap3A_778 = tpu.vector_load %arg17[%swap3A_776, %swap3A_777] {strides = array<i32>} : memref<80x128xf32, #tpu.memory_space<vmem>>, vector<16xf32>,
        tpu.vector_store %arg17[%swap3A_776, %swap3A_777], %max3A_775 {strides = array<i32>} : memref<80x128xf32, #tpu.memory_space<vmem>>, vector<16xf32>,
        %get3A_779 = arith.index_cast %scan3A_665 : i32 to index
        %get3A_780 = arith.constant 112 : index
        %get3A_781 = tpu.vector_load %arg13[%get3A_779, %get3A_780] {strides = array<i32>} : memref<80x128xf32, #tpu.memory_space<vmem>>, vector<16xf32>,
        %get3A_782 = arith.index_cast %scan3A_665 : i32 to index
        %get3A_783 = arith.constant 112 : index
        %get3A_784 = tpu.vector_load %arg14[%get3A_782, %get3A_783] {strides = array<i32>} : memref<80x128xf32, #tpu.memory_space<vmem>>, vector<16xf32>,
        %add3A_785 = arith.addf %get3A_781, %get3A_784 : vector<16xf32>
        %mul3A_786 = vector.broadcast %squeeze3A : f32 to vector<16xf32>
        %mul3A_787 = arith.mulf %mul3A_786, %get3A_17 : vector<16xf32>
        %add3A_788 = arith.addf %add3A_785, %mul3A_787 : vector<16xf32>
        %max3A_789 = arith.constant 0.000000e+00 : f32
        %max3A_790 = vector.broadcast %max3A_789 : f32 to vector<16xf32>
        %max3A_791 = arith.maximumf %add3A_788, %max3A_790 : vector<16xf32>
        %swap3A_792 = arith.index_cast %scan3A_665 : i32 to index
        %swap3A_793 = arith.constant 112 : index
        %swap3A_794 = tpu.vector_load %arg17[%swap3A_792, %swap3A_793] {strides = array<i32>} : memref<80x128xf32, #tpu.memory_space<vmem>>, vector<16xf32>,
        tpu.vector_store %arg17[%swap3A_792, %swap3A_793], %max3A_791 {strides = array<i32>} : memref<80x128xf32, #tpu.memory_space<vmem>>, vector<16xf32>,
      }
      %scan3A_499 = arith.constant 80 : i32
      %mul3A_500 = arith.constant 80 : i32
      %mul3A_501 = arith.muli %mul3A_353, %mul3A_500 : i32
      %add3A_502 = arith.addi %mul3A_2, %mul3A_501 : i32
      %dma_start3A_503 = arith.constant 0 : i32
      %dma_start3A_504 = tpu.memref_slice %arg10[%add3A_502, %dma_start3A_503] : memref<158720x128xf32, #tpu.memory_space<hbm>> -> memref<80x128xf32, #tpu.memory_space<hbm>>
      %dma_start3A_505 = arith.constant 0 : i32
      %dma_start3A_506 = tpu.memref_slice %arg10[%add3A_502, %dma_start3A_505] : memref<158720x128xf32, #tpu.memory_space<hbm>> -> memref<80x128xf32, #tpu.memory_space<hbm>>
      tpu.enqueue_dma source(%arg17 : memref<80x128xf32, #tpu.memory_space<vmem>>) target(%dma_start3A_506 : memref<80x128xf32, #tpu.memory_space<hbm>>) target_semaphore(%arg27 : memref<!tpu.dma_semaphore, #tpu.memory_space<semaphore_mem>>)
      %add3A_507 = arith.constant 2 : i32
      %add3A_508 = arith.addi %mul3A_353, %add3A_507 : i32
      %dma_start3A_509 = arith.constant 0 : i32
      %dma_start3A_510 = tpu.memref_slice %arg11[%add3A_508, %dma_start3A_509] : memref<62x80xi32, #tpu.memory_space<vmem>> -> memref<1x80xi32, #tpu.memory_space<vmem>>
      %dma_start3A_511 = tpu.memref_squeeze %dma_start3A_510 : memref<1x80xi32, #tpu.memory_space<vmem>> -> memref<80xi32, #tpu.memory_space<vmem>>
      %dma_start3A_512 = arith.constant 0 : i32
      %dma_start3A_513 = arith.constant 0 : i32
      %dma_start3A_514 = tpu.memref_slice %arg2[%dma_start3A_512, %dma_start3A_513] : memref<10000x128xf32, #tpu.memory_space<hbm>> -> memref<10000x128xf32, #tpu.memory_space<hbm>>
      tpu.enqueue_indirect_dma source(%dma_start3A_514 : memref<10000x128xf32, #tpu.memory_space<hbm>>) target(%arg13 : memref<80x128xf32, #tpu.memory_space<vmem>>) offsets(%dma_start3A_511 : memref<80xi32, #tpu.memory_space<vmem>>) semaphore(%arg23 : memref<!tpu.dma_semaphore, #tpu.memory_space<semaphore_mem>>)
      %dma_start3A_515 = arith.constant 0 : i32
      %dma_start3A_516 = tpu.memref_slice %arg12[%add3A_508, %dma_start3A_515] : memref<62x80xi32, #tpu.memory_space<vmem>> -> memref<1x80xi32, #tpu.memory_space<vmem>>
      %dma_start3A_517 = tpu.memref_squeeze %dma_start3A_516 : memref<1x80xi32, #tpu.memory_space<vmem>> -> memref<80xi32, #tpu.memory_space<vmem>>
      %dma_start3A_518 = arith.constant 0 : i32
      %dma_start3A_519 = arith.constant 0 : i32
      %dma_start3A_520 = tpu.memref_slice %arg3[%dma_start3A_518, %dma_start3A_519] : memref<10000x128xf32, #tpu.memory_space<hbm>> -> memref<10000x128xf32, #tpu.memory_space<hbm>>
      tpu.enqueue_indirect_dma source(%dma_start3A_520 : memref<10000x128xf32, #tpu.memory_space<hbm>>) target(%arg14 : memref<80x128xf32, #tpu.memory_space<vmem>>) offsets(%dma_start3A_517 : memref<80xi32, #tpu.memory_space<vmem>>) semaphore(%arg24 : memref<!tpu.dma_semaphore, #tpu.memory_space<semaphore_mem>>)
      %dma_wait3A_521 = arith.constant 0 : i32
      %dma_wait3A_522 = arith.constant 0 : i32
      %dma_wait3A_523 = tpu.memref_slice %arg11[%dma_wait3A_521, %dma_wait3A_522] : memref<62x80xi32, #tpu.memory_space<vmem>> -> memref<1x80xi32, #tpu.memory_space<vmem>>
      %dma_wait3A_524 = tpu.memref_squeeze %dma_wait3A_523 : memref<1x80xi32, #tpu.memory_space<vmem>> -> memref<80xi32, #tpu.memory_space<vmem>>
      %dma_wait3A_525 = arith.constant 0 : i32
      %dma_wait3A_526 = arith.constant 0 : i32
      %dma_wait3A_527 = tpu.memref_slice %arg2[%dma_wait3A_525, %dma_wait3A_526] : memref<10000x128xf32, #tpu.memory_space<hbm>> -> memref<10000x128xf32, #tpu.memory_space<hbm>>
      tpu.wait_indirect_dma semaphore(%arg25 : memref<!tpu.dma_semaphore, #tpu.memory_space<semaphore_mem>>) src(%dma_wait3A_527 : memref<10000x128xf32, #tpu.memory_space<hbm>>) dst(%arg15 : memref<80x128xf32, #tpu.memory_space<vmem>>)
      %dma_wait3A_528 = arith.constant 0 : i32
      %dma_wait3A_529 = arith.constant 0 : i32
      %dma_wait3A_530 = tpu.memref_slice %arg12[%dma_wait3A_528, %dma_wait3A_529] : memref<62x80xi32, #tpu.memory_space<vmem>> -> memref<1x80xi32, #tpu.memory_space<vmem>>
      %dma_wait3A_531 = tpu.memref_squeeze %dma_wait3A_530 : memref<1x80xi32, #tpu.memory_space<vmem>> -> memref<80xi32, #tpu.memory_space<vmem>>
      %dma_wait3A_532 = arith.constant 0 : i32
      %dma_wait3A_533 = arith.constant 0 : i32
      %dma_wait3A_534 = tpu.memref_slice %arg3[%dma_wait3A_532, %dma_wait3A_533] : memref<10000x128xf32, #tpu.memory_space<hbm>> -> memref<10000x128xf32, #tpu.memory_space<hbm>>
      tpu.wait_indirect_dma semaphore(%arg26 : memref<!tpu.dma_semaphore, #tpu.memory_space<semaphore_mem>>) src(%dma_wait3A_534 : memref<10000x128xf32, #tpu.memory_space<hbm>>) dst(%arg16 : memref<80x128xf32, #tpu.memory_space<vmem>>)
      %add3A_535 = arith.constant 1 : i32
      %add3A_536 = arith.addi %mul3A_353, %add3A_535 : i32
      %get3A_537 = arith.index_cast %add3A_536 : i32 to index
      %get3A_538 = arith.constant 0 : index
      %get3A_539 = tpu.vector_load %arg11[%get3A_537, %get3A_538] {strides = array<i32>} : memref<62x80xi32, #tpu.memory_space<vmem>>, vector<16xi32>,
      %get3A_540 = arith.index_cast %add3A_536 : i32 to index
      %get3A_541 = arith.constant 0 : index
      %get3A_542 = tpu.vector_load %arg12[%get3A_540, %get3A_541] {strides = array<i32>} : memref<62x80xi32, #tpu.memory_space<vmem>>, vector<16xi32>,
      %gather3A_543 = tpu.vector_load_idx %arg19[%get3A_539] : memref<10000xf32, #tpu.memory_space<vmem>>[vector<16xi32>], vector<16xf32>,
      %gather3A_544 = tpu.vector_load_idx %arg19[%get3A_542] : memref<10000xf32, #tpu.memory_space<vmem>>[vector<16xi32>], vector<16xf32>,
      %gather3A_545 = tpu.vector_load_idx %arg20[%get3A_539] : memref<10000xf32, #tpu.memory_space<vmem>>[vector<16xi32>], vector<16xf32>,
      %gather3A_546 = tpu.vector_load_idx %arg20[%get3A_542] : memref<10000xf32, #tpu.memory_space<vmem>>[vector<16xi32>], vector<16xf32>,
      %gather3A_547 = tpu.vector_load_idx %arg21[%get3A_539] : memref<10000xf32, #tpu.memory_space<vmem>>[vector<16xi32>], vector<16xf32>,
      %gather3A_548 = tpu.vector_load_idx %arg21[%get3A_542] : memref<10000xf32, #tpu.memory_space<vmem>>[vector<16xi32>], vector<16xf32>,
      %mul3A_549 = arith.mulf %gather3A_543, %gather3A_544 : vector<16xf32>
      %mul3A_550 = arith.mulf %gather3A_545, %gather3A_546 : vector<16xf32>
      %add3A_551 = arith.addf %mul3A_549, %mul3A_550 : vector<16xf32>
      %mul3A_552 = arith.mulf %gather3A_547, %gather3A_548 : vector<16xf32>
      %add3A_553 = arith.addf %add3A_551, %mul3A_552 : vector<16xf32>
      %mul3A_554 = arith.constant -2.000000e+00 : f32
      %mul3A_555 = vector.broadcast %mul3A_554 : f32 to vector<16xf32>
      %mul3A_556 = arith.mulf %mul3A_555, %add3A_553 : vector<16xf32>
      %swap3A_557 = arith.constant 0 : index
      %swap3A_558 = tpu.vector_load %arg18[%swap3A_557] {strides = array<i32>} : memref<96xf32, #tpu.memory_space<vmem>>, vector<16xf32>,
      tpu.vector_store %arg18[%swap3A_557], %mul3A_556 {strides = array<i32>} : memref<96xf32, #tpu.memory_space<vmem>>, vector<16xf32>,
      %get3A_559 = arith.index_cast %add3A_536 : i32 to index
      %get3A_560 = arith.constant 16 : index
      %get3A_561 = tpu.vector_load %arg11[%get3A_559, %get3A_560] {strides = array<i32>} : memref<62x80xi32, #tpu.memory_space<vmem>>, vector<16xi32>,
      %get3A_562 = arith.index_cast %add3A_536 : i32 to index
      %get3A_563 = arith.constant 16 : index
      %get3A_564 = tpu.vector_load %arg12[%get3A_562, %get3A_563] {strides = array<i32>} : memref<62x80xi32, #tpu.memory_space<vmem>>, vector<16xi32>,
      %gather3A_565 = tpu.vector_load_idx %arg19[%get3A_561] : memref<10000xf32, #tpu.memory_space<vmem>>[vector<16xi32>], vector<16xf32>,
      %gather3A_566 = tpu.vector_load_idx %arg19[%get3A_564] : memref<10000xf32, #tpu.memory_space<vmem>>[vector<16xi32>], vector<16xf32>,
      %gather3A_567 = tpu.vector_load_idx %arg20[%get3A_561] : memref<10000xf32, #tpu.memory_space<vmem>>[vector<16xi32>], vector<16xf32>,
      %gather3A_568 = tpu.vector_load_idx %arg20[%get3A_564] : memref<10000xf32, #tpu.memory_space<vmem>>[vector<16xi32>], vector<16xf32>,
      %gather3A_569 = tpu.vector_load_idx %arg21[%get3A_561] : memref<10000xf32, #tpu.memory_space<vmem>>[vector<16xi32>], vector<16xf32>,
      %gather3A_570 = tpu.vector_load_idx %arg21[%get3A_564] : memref<10000xf32, #tpu.memory_space<vmem>>[vector<16xi32>], vector<16xf32>,
      %mul3A_571 = arith.mulf %gather3A_565, %gather3A_566 : vector<16xf32>
      %mul3A_572 = arith.mulf %gather3A_567, %gather3A_568 : vector<16xf32>
      %add3A_573 = arith.addf %mul3A_571, %mul3A_572 : vector<16xf32>
      %mul3A_574 = arith.mulf %gather3A_569, %gather3A_570 : vector<16xf32>
      %add3A_575 = arith.addf %add3A_573, %mul3A_574 : vector<16xf32>
      %mul3A_576 = arith.constant -2.000000e+00 : f32
      %mul3A_577 = vector.broadcast %mul3A_576 : f32 to vector<16xf32>
      %mul3A_578 = arith.mulf %mul3A_577, %add3A_575 : vector<16xf32>
      %swap3A_579 = arith.constant 16 : index
      %swap3A_580 = tpu.vector_load %arg18[%swap3A_579] {strides = array<i32>} : memref<96xf32, #tpu.memory_space<vmem>>, vector<16xf32>,
      tpu.vector_store %arg18[%swap3A_579], %mul3A_578 {strides = array<i32>} : memref<96xf32, #tpu.memory_space<vmem>>, vector<16xf32>,
      %get3A_581 = arith.index_cast %add3A_536 : i32 to index
      %get3A_582 = arith.constant 32 : index
      %get3A_583 = tpu.vector_load %arg11[%get3A_581, %get3A_582] {strides = array<i32>} : memref<62x80xi32, #tpu.memory_space<vmem>>, vector<16xi32>,
      %get3A_584 = arith.index_cast %add3A_536 : i32 to index
      %get3A_585 = arith.constant 32 : index
      %get3A_586 = tpu.vector_load %arg12[%get3A_584, %get3A_585] {strides = array<i32>} : memref<62x80xi32, #tpu.memory_space<vmem>>, vector<16xi32>,
      %gather3A_587 = tpu.vector_load_idx %arg19[%get3A_583] : memref<10000xf32, #tpu.memory_space<vmem>>[vector<16xi32>], vector<16xf32>,
      %gather3A_588 = tpu.vector_load_idx %arg19[%get3A_586] : memref<10000xf32, #tpu.memory_space<vmem>>[vector<16xi32>], vector<16xf32>,
      %gather3A_589 = tpu.vector_load_idx %arg20[%get3A_583] : memref<10000xf32, #tpu.memory_space<vmem>>[vector<16xi32>], vector<16xf32>,
      %gather3A_590 = tpu.vector_load_idx %arg20[%get3A_586] : memref<10000xf32, #tpu.memory_space<vmem>>[vector<16xi32>], vector<16xf32>,
      %gather3A_591 = tpu.vector_load_idx %arg21[%get3A_583] : memref<10000xf32, #tpu.memory_space<vmem>>[vector<16xi32>], vector<16xf32>,
      %gather3A_592 = tpu.vector_load_idx %arg21[%get3A_586] : memref<10000xf32, #tpu.memory_space<vmem>>[vector<16xi32>], vector<16xf32>,
      %mul3A_593 = arith.mulf %gather3A_587, %gather3A_588 : vector<16xf32>
      %mul3A_594 = arith.mulf %gather3A_589, %gather3A_590 : vector<16xf32>
      %add3A_595 = arith.addf %mul3A_593, %mul3A_594 : vector<16xf32>
      %mul3A_596 = arith.mulf %gather3A_591, %gather3A_592 : vector<16xf32>
      %add3A_597 = arith.addf %add3A_595, %mul3A_596 : vector<16xf32>
      %mul3A_598 = arith.constant -2.000000e+00 : f32
      %mul3A_599 = vector.broadcast %mul3A_598 : f32 to vector<16xf32>
      %mul3A_600 = arith.mulf %mul3A_599, %add3A_597 : vector<16xf32>
      %swap3A_601 = arith.constant 32 : index
      %swap3A_602 = tpu.vector_load %arg18[%swap3A_601] {strides = array<i32>} : memref<96xf32, #tpu.memory_space<vmem>>, vector<16xf32>,
      tpu.vector_store %arg18[%swap3A_601], %mul3A_600 {strides = array<i32>} : memref<96xf32, #tpu.memory_space<vmem>>, vector<16xf32>,
      %get3A_603 = arith.index_cast %add3A_536 : i32 to index
      %get3A_604 = arith.constant 48 : index
      %get3A_605 = tpu.vector_load %arg11[%get3A_603, %get3A_604] {strides = array<i32>} : memref<62x80xi32, #tpu.memory_space<vmem>>, vector<16xi32>,
      %get3A_606 = arith.index_cast %add3A_536 : i32 to index
      %get3A_607 = arith.constant 48 : index
      %get3A_608 = tpu.vector_load %arg12[%get3A_606, %get3A_607] {strides = array<i32>} : memref<62x80xi32, #tpu.memory_space<vmem>>, vector<16xi32>,
      %gather3A_609 = tpu.vector_load_idx %arg19[%get3A_605] : memref<10000xf32, #tpu.memory_space<vmem>>[vector<16xi32>], vector<16xf32>,
      %gather3A_610 = tpu.vector_load_idx %arg19[%get3A_608] : memref<10000xf32, #tpu.memory_space<vmem>>[vector<16xi32>], vector<16xf32>,
      %gather3A_611 = tpu.vector_load_idx %arg20[%get3A_605] : memref<10000xf32, #tpu.memory_space<vmem>>[vector<16xi32>], vector<16xf32>,
      %gather3A_612 = tpu.vector_load_idx %arg20[%get3A_608] : memref<10000xf32, #tpu.memory_space<vmem>>[vector<16xi32>], vector<16xf32>,
      %gather3A_613 = tpu.vector_load_idx %arg21[%get3A_605] : memref<10000xf32, #tpu.memory_space<vmem>>[vector<16xi32>], vector<16xf32>,
      %gather3A_614 = tpu.vector_load_idx %arg21[%get3A_608] : memref<10000xf32, #tpu.memory_space<vmem>>[vector<16xi32>], vector<16xf32>,
      %mul3A_615 = arith.mulf %gather3A_609, %gather3A_610 : vector<16xf32>
      %mul3A_616 = arith.mulf %gather3A_611, %gather3A_612 : vector<16xf32>
      %add3A_617 = arith.addf %mul3A_615, %mul3A_616 : vector<16xf32>
      %mul3A_618 = arith.mulf %gather3A_613, %gather3A_614 : vector<16xf32>
      %add3A_619 = arith.addf %add3A_617, %mul3A_618 : vector<16xf32>
      %mul3A_620 = arith.constant -2.000000e+00 : f32
      %mul3A_621 = vector.broadcast %mul3A_620 : f32 to vector<16xf32>
      %mul3A_622 = arith.mulf %mul3A_621, %add3A_619 : vector<16xf32>
      %swap3A_623 = arith.constant 48 : index
      %swap3A_624 = tpu.vector_load %arg18[%swap3A_623] {strides = array<i32>} : memref<96xf32, #tpu.memory_space<vmem>>, vector<16xf32>,
      tpu.vector_store %arg18[%swap3A_623], %mul3A_622 {strides = array<i32>} : memref<96xf32, #tpu.memory_space<vmem>>, vector<16xf32>,
      %get3A_625 = arith.index_cast %add3A_536 : i32 to index
      %get3A_626 = arith.constant 64 : index
      %get3A_627 = tpu.vector_load %arg11[%get3A_625, %get3A_626] {strides = array<i32>} : memref<62x80xi32, #tpu.memory_space<vmem>>, vector<16xi32>,
      %get3A_628 = arith.index_cast %add3A_536 : i32 to index
      %get3A_629 = arith.constant 64 : index
      %get3A_630 = tpu.vector_load %arg12[%get3A_628, %get3A_629] {strides = array<i32>} : memref<62x80xi32, #tpu.memory_space<vmem>>, vector<16xi32>,
      %gather3A_631 = tpu.vector_load_idx %arg19[%get3A_627] : memref<10000xf32, #tpu.memory_space<vmem>>[vector<16xi32>], vector<16xf32>,
      %gather3A_632 = tpu.vector_load_idx %arg19[%get3A_630] : memref<10000xf32, #tpu.memory_space<vmem>>[vector<16xi32>], vector<16xf32>,
      %gather3A_633 = tpu.vector_load_idx %arg20[%get3A_627] : memref<10000xf32, #tpu.memory_space<vmem>>[vector<16xi32>], vector<16xf32>,
      %gather3A_634 = tpu.vector_load_idx %arg20[%get3A_630] : memref<10000xf32, #tpu.memory_space<vmem>>[vector<16xi32>], vector<16xf32>,
      %gather3A_635 = tpu.vector_load_idx %arg21[%get3A_627] : memref<10000xf32, #tpu.memory_space<vmem>>[vector<16xi32>], vector<16xf32>,
      %gather3A_636 = tpu.vector_load_idx %arg21[%get3A_630] : memref<10000xf32, #tpu.memory_space<vmem>>[vector<16xi32>], vector<16xf32>,
      %mul3A_637 = arith.mulf %gather3A_631, %gather3A_632 : vector<16xf32>
      %mul3A_638 = arith.mulf %gather3A_633, %gather3A_634 : vector<16xf32>
      %add3A_639 = arith.addf %mul3A_637, %mul3A_638 : vector<16xf32>
      %mul3A_640 = arith.mulf %gather3A_635, %gather3A_636 : vector<16xf32>
      %add3A_641 = arith.addf %add3A_639, %mul3A_640 : vector<16xf32>
      %mul3A_642 = arith.constant -2.000000e+00 : f32
      %mul3A_643 = vector.broadcast %mul3A_642 : f32 to vector<16xf32>
      %mul3A_644 = arith.mulf %mul3A_643, %add3A_641 : vector<16xf32>
      %swap3A_645 = arith.constant 64 : index
      %swap3A_646 = tpu.vector_load %arg18[%swap3A_645] {strides = array<i32>} : memref<96xf32, #tpu.memory_space<vmem>>, vector<16xf32>,
      tpu.vector_store %arg18[%swap3A_645], %mul3A_644 {strides = array<i32>} : memref<96xf32, #tpu.memory_space<vmem>>, vector<16xf32>,
      %gt3A_647 = arith.constant 0 : i32
      %gt3A_648 = arith.cmpi sgt, %add3A_536, %gt3A_647 : i32
      %convert_element_type3A_649 = arith.extui %gt3A_648 : i1 to i32
      %cond3A_650 = arith.constant 0 : i32
      %cond3A_651 = arith.cmpi ne, %convert_element_type3A_649, %cond3A_650 : i32
      scf.if %cond3A_651 {
        %dma_wait3A_665 = arith.constant 0 : i32
        %dma_wait3A_666 = tpu.memref_slice %arg10[%mul3A_2, %dma_wait3A_665] : memref<158720x128xf32, #tpu.memory_space<hbm>> -> memref<80x128xf32, #tpu.memory_space<hbm>>
        %dma_wait3A_667 = arith.constant 0 : i32
        %dma_wait3A_668 = tpu.memref_slice %arg10[%mul3A_2, %dma_wait3A_667] : memref<158720x128xf32, #tpu.memory_space<hbm>> -> memref<80x128xf32, #tpu.memory_space<hbm>>
        tpu.wait_dma2 semaphore(%arg27 : memref<!tpu.dma_semaphore, #tpu.memory_space<semaphore_mem>>) src(%arg17 : memref<80x128xf32, #tpu.memory_space<vmem>>) dst(%dma_wait3A_668 : memref<80x128xf32, #tpu.memory_space<hbm>>)
      } else {
      }
      %scan3A_652 = arith.constant 0 : i32
      %scan3A_653 = arith.constant 0 : i32
      %scan3A_654 = arith.constant 80 : i32
      %scan3A_655 = arith.addi %scan3A_653, %scan3A_654 : i32
      %scan3A_656 = arith.constant 1 : i32
      scf.for %scan3A_665 = %scan3A_653 to %scan3A_655 step %scan3A_656  : i32 {
        %get3A_666 = arith.index_cast %scan3A_665 : i32 to index
        %get3A_667 = tpu.vector_load %arg18[%get3A_666] {strides = array<i32>} : memref<96xf32, #tpu.memory_space<vmem>>, vector<16xf32>,
        %slice3A = vector.extract_strided_slice %get3A_667 {offsets = [0], sizes = [1], strides = [1]} : vector<16xf32> to vector<1xf32>
        %squeeze3A = vector.extract %slice3A[0] : f32 from vector<1xf32>
        %get3A_668 = arith.index_cast %scan3A_665 : i32 to index
        %get3A_669 = arith.constant 0 : index
        %get3A_670 = tpu.vector_load %arg15[%get3A_668, %get3A_669] {strides = array<i32>} : memref<80x128xf32, #tpu.memory_space<vmem>>, vector<16xf32>,
        %get3A_671 = arith.index_cast %scan3A_665 : i32 to index
        %get3A_672 = arith.constant 0 : index
        %get3A_673 = tpu.vector_load %arg16[%get3A_671, %get3A_672] {strides = array<i32>} : memref<80x128xf32, #tpu.memory_space<vmem>>, vector<16xf32>,
        %add3A_674 = arith.addf %get3A_670, %get3A_673 : vector<16xf32>
        %mul3A_675 = vector.broadcast %squeeze3A : f32 to vector<16xf32>
        %mul3A_676 = arith.mulf %mul3A_675, %get3A_3 : vector<16xf32>
        %add3A_677 = arith.addf %add3A_674, %mul3A_676 : vector<16xf32>
        %max3A = arith.constant 0.000000e+00 : f32
        %max3A_678 = vector.broadcast %max3A : f32 to vector<16xf32>
        %max3A_679 = arith.maximumf %add3A_677, %max3A_678 : vector<16xf32>
        %swap3A_680 = arith.index_cast %scan3A_665 : i32 to index
        %swap3A_681 = arith.constant 0 : index
        %swap3A_682 = tpu.vector_load %arg17[%swap3A_680, %swap3A_681] {strides = array<i32>} : memref<80x128xf32, #tpu.memory_space<vmem>>, vector<16xf32>,
        tpu.vector_store %arg17[%swap3A_680, %swap3A_681], %max3A_679 {strides = array<i32>} : memref<80x128xf32, #tpu.memory_space<vmem>>, vector<16xf32>,
        %get3A_683 = arith.index_cast %scan3A_665 : i32 to index
        %get3A_684 = arith.constant 16 : index
        %get3A_685 = tpu.vector_load %arg15[%get3A_683, %get3A_684] {strides = array<i32>} : memref<80x128xf32, #tpu.memory_space<vmem>>, vector<16xf32>,
        %get3A_686 = arith.index_cast %scan3A_665 : i32 to index
        %get3A_687 = arith.constant 16 : index
        %get3A_688 = tpu.vector_load %arg16[%get3A_686, %get3A_687] {strides = array<i32>} : memref<80x128xf32, #tpu.memory_space<vmem>>, vector<16xf32>,
        %add3A_689 = arith.addf %get3A_685, %get3A_688 : vector<16xf32>
        %mul3A_690 = vector.broadcast %squeeze3A : f32 to vector<16xf32>
        %mul3A_691 = arith.mulf %mul3A_690, %get3A_5 : vector<16xf32>
        %add3A_692 = arith.addf %add3A_689, %mul3A_691 : vector<16xf32>
        %max3A_693 = arith.constant 0.000000e+00 : f32
        %max3A_694 = vector.broadcast %max3A_693 : f32 to vector<16xf32>
        %max3A_695 = arith.maximumf %add3A_692, %max3A_694 : vector<16xf32>
        %swap3A_696 = arith.index_cast %scan3A_665 : i32 to index
        %swap3A_697 = arith.constant 16 : index
        %swap3A_698 = tpu.vector_load %arg17[%swap3A_696, %swap3A_697] {strides = array<i32>} : memref<80x128xf32, #tpu.memory_space<vmem>>, vector<16xf32>,
        tpu.vector_store %arg17[%swap3A_696, %swap3A_697], %max3A_695 {strides = array<i32>} : memref<80x128xf32, #tpu.memory_space<vmem>>, vector<16xf32>,
        %get3A_699 = arith.index_cast %scan3A_665 : i32 to index
        %get3A_700 = arith.constant 32 : index
        %get3A_701 = tpu.vector_load %arg15[%get3A_699, %get3A_700] {strides = array<i32>} : memref<80x128xf32, #tpu.memory_space<vmem>>, vector<16xf32>,
        %get3A_702 = arith.index_cast %scan3A_665 : i32 to index
        %get3A_703 = arith.constant 32 : index
        %get3A_704 = tpu.vector_load %arg16[%get3A_702, %get3A_703] {strides = array<i32>} : memref<80x128xf32, #tpu.memory_space<vmem>>, vector<16xf32>,
        %add3A_705 = arith.addf %get3A_701, %get3A_704 : vector<16xf32>
        %mul3A_706 = vector.broadcast %squeeze3A : f32 to vector<16xf32>
        %mul3A_707 = arith.mulf %mul3A_706, %get3A_7 : vector<16xf32>
        %add3A_708 = arith.addf %add3A_705, %mul3A_707 : vector<16xf32>
        %max3A_709 = arith.constant 0.000000e+00 : f32
        %max3A_710 = vector.broadcast %max3A_709 : f32 to vector<16xf32>
        %max3A_711 = arith.maximumf %add3A_708, %max3A_710 : vector<16xf32>
        %swap3A_712 = arith.index_cast %scan3A_665 : i32 to index
        %swap3A_713 = arith.constant 32 : index
        %swap3A_714 = tpu.vector_load %arg17[%swap3A_712, %swap3A_713] {strides = array<i32>} : memref<80x128xf32, #tpu.memory_space<vmem>>, vector<16xf32>,
        tpu.vector_store %arg17[%swap3A_712, %swap3A_713], %max3A_711 {strides = array<i32>} : memref<80x128xf32, #tpu.memory_space<vmem>>, vector<16xf32>,
        %get3A_715 = arith.index_cast %scan3A_665 : i32 to index
        %get3A_716 = arith.constant 48 : index
        %get3A_717 = tpu.vector_load %arg15[%get3A_715, %get3A_716] {strides = array<i32>} : memref<80x128xf32, #tpu.memory_space<vmem>>, vector<16xf32>,
        %get3A_718 = arith.index_cast %scan3A_665 : i32 to index
        %get3A_719 = arith.constant 48 : index
        %get3A_720 = tpu.vector_load %arg16[%get3A_718, %get3A_719] {strides = array<i32>} : memref<80x128xf32, #tpu.memory_space<vmem>>, vector<16xf32>,
        %add3A_721 = arith.addf %get3A_717, %get3A_720 : vector<16xf32>
        %mul3A_722 = vector.broadcast %squeeze3A : f32 to vector<16xf32>
        %mul3A_723 = arith.mulf %mul3A_722, %get3A_9 : vector<16xf32>
        %add3A_724 = arith.addf %add3A_721, %mul3A_723 : vector<16xf32>
        %max3A_725 = arith.constant 0.000000e+00 : f32
        %max3A_726 = vector.broadcast %max3A_725 : f32 to vector<16xf32>
        %max3A_727 = arith.maximumf %add3A_724, %max3A_726 : vector<16xf32>
        %swap3A_728 = arith.index_cast %scan3A_665 : i32 to index
        %swap3A_729 = arith.constant 48 : index
        %swap3A_730 = tpu.vector_load %arg17[%swap3A_728, %swap3A_729] {strides = array<i32>} : memref<80x128xf32, #tpu.memory_space<vmem>>, vector<16xf32>,
        tpu.vector_store %arg17[%swap3A_728, %swap3A_729], %max3A_727 {strides = array<i32>} : memref<80x128xf32, #tpu.memory_space<vmem>>, vector<16xf32>,
        %get3A_731 = arith.index_cast %scan3A_665 : i32 to index
        %get3A_732 = arith.constant 64 : index
        %get3A_733 = tpu.vector_load %arg15[%get3A_731, %get3A_732] {strides = array<i32>} : memref<80x128xf32, #tpu.memory_space<vmem>>, vector<16xf32>,
        %get3A_734 = arith.index_cast %scan3A_665 : i32 to index
        %get3A_735 = arith.constant 64 : index
        %get3A_736 = tpu.vector_load %arg16[%get3A_734, %get3A_735] {strides = array<i32>} : memref<80x128xf32, #tpu.memory_space<vmem>>, vector<16xf32>,
        %add3A_737 = arith.addf %get3A_733, %get3A_736 : vector<16xf32>
        %mul3A_738 = vector.broadcast %squeeze3A : f32 to vector<16xf32>
        %mul3A_739 = arith.mulf %mul3A_738, %get3A_11 : vector<16xf32>
        %add3A_740 = arith.addf %add3A_737, %mul3A_739 : vector<16xf32>
        %max3A_741 = arith.constant 0.000000e+00 : f32
        %max3A_742 = vector.broadcast %max3A_741 : f32 to vector<16xf32>
        %max3A_743 = arith.maximumf %add3A_740, %max3A_742 : vector<16xf32>
        %swap3A_744 = arith.index_cast %scan3A_665 : i32 to index
        %swap3A_745 = arith.constant 64 : index
        %swap3A_746 = tpu.vector_load %arg17[%swap3A_744, %swap3A_745] {strides = array<i32>} : memref<80x128xf32, #tpu.memory_space<vmem>>, vector<16xf32>,
        tpu.vector_store %arg17[%swap3A_744, %swap3A_745], %max3A_743 {strides = array<i32>} : memref<80x128xf32, #tpu.memory_space<vmem>>, vector<16xf32>,
        %get3A_747 = arith.index_cast %scan3A_665 : i32 to index
        %get3A_748 = arith.constant 80 : index
        %get3A_749 = tpu.vector_load %arg15[%get3A_747, %get3A_748] {strides = array<i32>} : memref<80x128xf32, #tpu.memory_space<vmem>>, vector<16xf32>,
        %get3A_750 = arith.index_cast %scan3A_665 : i32 to index
        %get3A_751 = arith.constant 80 : index
        %get3A_752 = tpu.vector_load %arg16[%get3A_750, %get3A_751] {strides = array<i32>} : memref<80x128xf32, #tpu.memory_space<vmem>>, vector<16xf32>,
        %add3A_753 = arith.addf %get3A_749, %get3A_752 : vector<16xf32>
        %mul3A_754 = vector.broadcast %squeeze3A : f32 to vector<16xf32>
        %mul3A_755 = arith.mulf %mul3A_754, %get3A_13 : vector<16xf32>
        %add3A_756 = arith.addf %add3A_753, %mul3A_755 : vector<16xf32>
        %max3A_757 = arith.constant 0.000000e+00 : f32
        %max3A_758 = vector.broadcast %max3A_757 : f32 to vector<16xf32>
        %max3A_759 = arith.maximumf %add3A_756, %max3A_758 : vector<16xf32>
        %swap3A_760 = arith.index_cast %scan3A_665 : i32 to index
        %swap3A_761 = arith.constant 80 : index
        %swap3A_762 = tpu.vector_load %arg17[%swap3A_760, %swap3A_761] {strides = array<i32>} : memref<80x128xf32, #tpu.memory_space<vmem>>, vector<16xf32>,
        tpu.vector_store %arg17[%swap3A_760, %swap3A_761], %max3A_759 {strides = array<i32>} : memref<80x128xf32, #tpu.memory_space<vmem>>, vector<16xf32>,
        %get3A_763 = arith.index_cast %scan3A_665 : i32 to index
        %get3A_764 = arith.constant 96 : index
        %get3A_765 = tpu.vector_load %arg15[%get3A_763, %get3A_764] {strides = array<i32>} : memref<80x128xf32, #tpu.memory_space<vmem>>, vector<16xf32>,
        %get3A_766 = arith.index_cast %scan3A_665 : i32 to index
        %get3A_767 = arith.constant 96 : index
        %get3A_768 = tpu.vector_load %arg16[%get3A_766, %get3A_767] {strides = array<i32>} : memref<80x128xf32, #tpu.memory_space<vmem>>, vector<16xf32>,
        %add3A_769 = arith.addf %get3A_765, %get3A_768 : vector<16xf32>
        %mul3A_770 = vector.broadcast %squeeze3A : f32 to vector<16xf32>
        %mul3A_771 = arith.mulf %mul3A_770, %get3A_15 : vector<16xf32>
        %add3A_772 = arith.addf %add3A_769, %mul3A_771 : vector<16xf32>
        %max3A_773 = arith.constant 0.000000e+00 : f32
        %max3A_774 = vector.broadcast %max3A_773 : f32 to vector<16xf32>
        %max3A_775 = arith.maximumf %add3A_772, %max3A_774 : vector<16xf32>
        %swap3A_776 = arith.index_cast %scan3A_665 : i32 to index
        %swap3A_777 = arith.constant 96 : index
        %swap3A_778 = tpu.vector_load %arg17[%swap3A_776, %swap3A_777] {strides = array<i32>} : memref<80x128xf32, #tpu.memory_space<vmem>>, vector<16xf32>,
        tpu.vector_store %arg17[%swap3A_776, %swap3A_777], %max3A_775 {strides = array<i32>} : memref<80x128xf32, #tpu.memory_space<vmem>>, vector<16xf32>,
        %get3A_779 = arith.index_cast %scan3A_665 : i32 to index
        %get3A_780 = arith.constant 112 : index
        %get3A_781 = tpu.vector_load %arg15[%get3A_779, %get3A_780] {strides = array<i32>} : memref<80x128xf32, #tpu.memory_space<vmem>>, vector<16xf32>,
        %get3A_782 = arith.index_cast %scan3A_665 : i32 to index
        %get3A_783 = arith.constant 112 : index
        %get3A_784 = tpu.vector_load %arg16[%get3A_782, %get3A_783] {strides = array<i32>} : memref<80x128xf32, #tpu.memory_space<vmem>>, vector<16xf32>,
        %add3A_785 = arith.addf %get3A_781, %get3A_784 : vector<16xf32>
        %mul3A_786 = vector.broadcast %squeeze3A : f32 to vector<16xf32>
        %mul3A_787 = arith.mulf %mul3A_786, %get3A_17 : vector<16xf32>
        %add3A_788 = arith.addf %add3A_785, %mul3A_787 : vector<16xf32>
        %max3A_789 = arith.constant 0.000000e+00 : f32
        %max3A_790 = vector.broadcast %max3A_789 : f32 to vector<16xf32>
        %max3A_791 = arith.maximumf %add3A_788, %max3A_790 : vector<16xf32>
        %swap3A_792 = arith.index_cast %scan3A_665 : i32 to index
        %swap3A_793 = arith.constant 112 : index
        %swap3A_794 = tpu.vector_load %arg17[%swap3A_792, %swap3A_793] {strides = array<i32>} : memref<80x128xf32, #tpu.memory_space<vmem>>, vector<16xf32>,
        tpu.vector_store %arg17[%swap3A_792, %swap3A_793], %max3A_791 {strides = array<i32>} : memref<80x128xf32, #tpu.memory_space<vmem>>, vector<16xf32>,
      }
      %scan3A_657 = arith.constant 80 : i32
      %mul3A_658 = arith.constant 80 : i32
      %mul3A_659 = arith.muli %add3A_536, %mul3A_658 : i32
      %add3A_660 = arith.addi %mul3A_2, %mul3A_659 : i32
      %dma_start3A_661 = arith.constant 0 : i32
      %dma_start3A_662 = tpu.memref_slice %arg10[%add3A_660, %dma_start3A_661] : memref<158720x128xf32, #tpu.memory_space<hbm>> -> memref<80x128xf32, #tpu.memory_space<hbm>>
      %dma_start3A_663 = arith.constant 0 : i32
      %dma_start3A_664 = tpu.memref_slice %arg10[%add3A_660, %dma_start3A_663] : memref<158720x128xf32, #tpu.memory_space<hbm>> -> memref<80x128xf32, #tpu.memory_space<hbm>>
      tpu.enqueue_dma source(%arg17 : memref<80x128xf32, #tpu.memory_space<vmem>>) target(%dma_start3A_664 : memref<80x128xf32, #tpu.memory_space<hbm>>) target_semaphore(%arg27 : memref<!tpu.dma_semaphore, #tpu.memory_space<semaphore_mem>>)
    }
    %scan3A_35 = arith.constant 30 : i32
    %dma_start3A_36 = arith.constant 61 : i32
    %dma_start3A_37 = arith.constant 0 : i32
    %dma_start3A_38 = tpu.memref_slice %arg11[%dma_start3A_36, %dma_start3A_37] : memref<62x80xi32, #tpu.memory_space<vmem>> -> memref<1x80xi32, #tpu.memory_space<vmem>>
    %dma_start3A_39 = tpu.memref_squeeze %dma_start3A_38 : memref<1x80xi32, #tpu.memory_space<vmem>> -> memref<80xi32, #tpu.memory_space<vmem>>
    %dma_start3A_40 = arith.constant 0 : i32
    %dma_start3A_41 = arith.constant 0 : i32
    %dma_start3A_42 = tpu.memref_slice %arg2[%dma_start3A_40, %dma_start3A_41] : memref<10000x128xf32, #tpu.memory_space<hbm>> -> memref<10000x128xf32, #tpu.memory_space<hbm>>
    tpu.enqueue_indirect_dma source(%dma_start3A_42 : memref<10000x128xf32, #tpu.memory_space<hbm>>) target(%arg15 : memref<80x128xf32, #tpu.memory_space<vmem>>) offsets(%dma_start3A_39 : memref<80xi32, #tpu.memory_space<vmem>>) semaphore(%arg25 : memref<!tpu.dma_semaphore, #tpu.memory_space<semaphore_mem>>)
    %dma_start3A_43 = arith.constant 61 : i32
    %dma_start3A_44 = arith.constant 0 : i32
    %dma_start3A_45 = tpu.memref_slice %arg12[%dma_start3A_43, %dma_start3A_44] : memref<62x80xi32, #tpu.memory_space<vmem>> -> memref<1x80xi32, #tpu.memory_space<vmem>>
    %dma_start3A_46 = tpu.memref_squeeze %dma_start3A_45 : memref<1x80xi32, #tpu.memory_space<vmem>> -> memref<80xi32, #tpu.memory_space<vmem>>
    %dma_start3A_47 = arith.constant 0 : i32
    %dma_start3A_48 = arith.constant 0 : i32
    %dma_start3A_49 = tpu.memref_slice %arg3[%dma_start3A_47, %dma_start3A_48] : memref<10000x128xf32, #tpu.memory_space<hbm>> -> memref<10000x128xf32, #tpu.memory_space<hbm>>
    tpu.enqueue_indirect_dma source(%dma_start3A_49 : memref<10000x128xf32, #tpu.memory_space<hbm>>) target(%arg16 : memref<80x128xf32, #tpu.memory_space<vmem>>) offsets(%dma_start3A_46 : memref<80xi32, #tpu.memory_space<vmem>>) semaphore(%arg26 : memref<!tpu.dma_semaphore, #tpu.memory_space<semaphore_mem>>)
    %dma_wait3A = arith.constant 0 : i32
    %dma_wait3A_50 = arith.constant 0 : i32
    %dma_wait3A_51 = tpu.memref_slice %arg11[%dma_wait3A, %dma_wait3A_50] : memref<62x80xi32, #tpu.memory_space<vmem>> -> memref<1x80xi32, #tpu.memory_space<vmem>>
    %dma_wait3A_52 = tpu.memref_squeeze %dma_wait3A_51 : memref<1x80xi32, #tpu.memory_space<vmem>> -> memref<80xi32, #tpu.memory_space<vmem>>
    %dma_wait3A_53 = arith.constant 0 : i32
    %dma_wait3A_54 = arith.constant 0 : i32
    %dma_wait3A_55 = tpu.memref_slice %arg2[%dma_wait3A_53, %dma_wait3A_54] : memref<10000x128xf32, #tpu.memory_space<hbm>> -> memref<10000x128xf32, #tpu.memory_space<hbm>>
    tpu.wait_indirect_dma semaphore(%arg23 : memref<!tpu.dma_semaphore, #tpu.memory_space<semaphore_mem>>) src(%dma_wait3A_55 : memref<10000x128xf32, #tpu.memory_space<hbm>>) dst(%arg13 : memref<80x128xf32, #tpu.memory_space<vmem>>)
    %dma_wait3A_56 = arith.constant 0 : i32
    %dma_wait3A_57 = arith.constant 0 : i32
    %dma_wait3A_58 = tpu.memref_slice %arg12[%dma_wait3A_56, %dma_wait3A_57] : memref<62x80xi32, #tpu.memory_space<vmem>> -> memref<1x80xi32, #tpu.memory_space<vmem>>
    %dma_wait3A_59 = tpu.memref_squeeze %dma_wait3A_58 : memref<1x80xi32, #tpu.memory_space<vmem>> -> memref<80xi32, #tpu.memory_space<vmem>>
    %dma_wait3A_60 = arith.constant 0 : i32
    %dma_wait3A_61 = arith.constant 0 : i32
    %dma_wait3A_62 = tpu.memref_slice %arg3[%dma_wait3A_60, %dma_wait3A_61] : memref<10000x128xf32, #tpu.memory_space<hbm>> -> memref<10000x128xf32, #tpu.memory_space<hbm>>
    tpu.wait_indirect_dma semaphore(%arg24 : memref<!tpu.dma_semaphore, #tpu.memory_space<semaphore_mem>>) src(%dma_wait3A_62 : memref<10000x128xf32, #tpu.memory_space<hbm>>) dst(%arg14 : memref<80x128xf32, #tpu.memory_space<vmem>>)
    %get3A_63 = arith.constant 60 : i32
    %get3A_64 = arith.index_cast %get3A_63 : i32 to index
    %get3A_65 = arith.constant 0 : index
    %get3A_66 = tpu.vector_load %arg11[%get3A_64, %get3A_65] {strides = array<i32>} : memref<62x80xi32, #tpu.memory_space<vmem>>, vector<16xi32>,
    %get3A_67 = arith.constant 60 : i32
    %get3A_68 = arith.index_cast %get3A_67 : i32 to index
    %get3A_69 = arith.constant 0 : index
    %get3A_70 = tpu.vector_load %arg12[%get3A_68, %get3A_69] {strides = array<i32>} : memref<62x80xi32, #tpu.memory_space<vmem>>, vector<16xi32>,
    %gather3A = tpu.vector_load_idx %arg19[%get3A_66] : memref<10000xf32, #tpu.memory_space<vmem>>[vector<16xi32>], vector<16xf32>,
    %gather3A_71 = tpu.vector_load_idx %arg19[%get3A_70] : memref<10000xf32, #tpu.memory_space<vmem>>[vector<16xi32>], vector<16xf32>,
    %gather3A_72 = tpu.vector_load_idx %arg20[%get3A_66] : memref<10000xf32, #tpu.memory_space<vmem>>[vector<16xi32>], vector<16xf32>,
    %gather3A_73 = tpu.vector_load_idx %arg20[%get3A_70] : memref<10000xf32, #tpu.memory_space<vmem>>[vector<16xi32>], vector<16xf32>,
    %gather3A_74 = tpu.vector_load_idx %arg21[%get3A_66] : memref<10000xf32, #tpu.memory_space<vmem>>[vector<16xi32>], vector<16xf32>,
    %gather3A_75 = tpu.vector_load_idx %arg21[%get3A_70] : memref<10000xf32, #tpu.memory_space<vmem>>[vector<16xi32>], vector<16xf32>,
    %mul3A_76 = arith.mulf %gather3A, %gather3A_71 : vector<16xf32>
    %mul3A_77 = arith.mulf %gather3A_72, %gather3A_73 : vector<16xf32>
    %add3A_78 = arith.addf %mul3A_76, %mul3A_77 : vector<16xf32>
    %mul3A_79 = arith.mulf %gather3A_74, %gather3A_75 : vector<16xf32>
    %add3A_80 = arith.addf %add3A_78, %mul3A_79 : vector<16xf32>
    %mul3A_81 = arith.constant -2.000000e+00 : f32
    %mul3A_82 = vector.broadcast %mul3A_81 : f32 to vector<16xf32>
    %mul3A_83 = arith.mulf %mul3A_82, %add3A_80 : vector<16xf32>
    %swap3A = arith.constant 0 : index
    %swap3A_84 = tpu.vector_load %arg18[%swap3A] {strides = array<i32>} : memref<96xf32, #tpu.memory_space<vmem>>, vector<16xf32>,
    tpu.vector_store %arg18[%swap3A], %mul3A_83 {strides = array<i32>} : memref<96xf32, #tpu.memory_space<vmem>>, vector<16xf32>,
    %get3A_85 = arith.constant 60 : i32
    %get3A_86 = arith.index_cast %get3A_85 : i32 to index
    %get3A_87 = arith.constant 16 : index
    %get3A_88 = tpu.vector_load %arg11[%get3A_86, %get3A_87] {strides = array<i32>} : memref<62x80xi32, #tpu.memory_space<vmem>>, vector<16xi32>,
    %get3A_89 = arith.constant 60 : i32
    %get3A_90 = arith.index_cast %get3A_89 : i32 to index
    %get3A_91 = arith.constant 16 : index
    %get3A_92 = tpu.vector_load %arg12[%get3A_90, %get3A_91] {strides = array<i32>} : memref<62x80xi32, #tpu.memory_space<vmem>>, vector<16xi32>,
    %gather3A_93 = tpu.vector_load_idx %arg19[%get3A_88] : memref<10000xf32, #tpu.memory_space<vmem>>[vector<16xi32>], vector<16xf32>,
    %gather3A_94 = tpu.vector_load_idx %arg19[%get3A_92] : memref<10000xf32, #tpu.memory_space<vmem>>[vector<16xi32>], vector<16xf32>,
    %gather3A_95 = tpu.vector_load_idx %arg20[%get3A_88] : memref<10000xf32, #tpu.memory_space<vmem>>[vector<16xi32>], vector<16xf32>,
    %gather3A_96 = tpu.vector_load_idx %arg20[%get3A_92] : memref<10000xf32, #tpu.memory_space<vmem>>[vector<16xi32>], vector<16xf32>,
    %gather3A_97 = tpu.vector_load_idx %arg21[%get3A_88] : memref<10000xf32, #tpu.memory_space<vmem>>[vector<16xi32>], vector<16xf32>,
    %gather3A_98 = tpu.vector_load_idx %arg21[%get3A_92] : memref<10000xf32, #tpu.memory_space<vmem>>[vector<16xi32>], vector<16xf32>,
    %mul3A_99 = arith.mulf %gather3A_93, %gather3A_94 : vector<16xf32>
    %mul3A_100 = arith.mulf %gather3A_95, %gather3A_96 : vector<16xf32>
    %add3A_101 = arith.addf %mul3A_99, %mul3A_100 : vector<16xf32>
    %mul3A_102 = arith.mulf %gather3A_97, %gather3A_98 : vector<16xf32>
    %add3A_103 = arith.addf %add3A_101, %mul3A_102 : vector<16xf32>
    %mul3A_104 = arith.constant -2.000000e+00 : f32
    %mul3A_105 = vector.broadcast %mul3A_104 : f32 to vector<16xf32>
    %mul3A_106 = arith.mulf %mul3A_105, %add3A_103 : vector<16xf32>
    %swap3A_107 = arith.constant 16 : index
    %swap3A_108 = tpu.vector_load %arg18[%swap3A_107] {strides = array<i32>} : memref<96xf32, #tpu.memory_space<vmem>>, vector<16xf32>,
    tpu.vector_store %arg18[%swap3A_107], %mul3A_106 {strides = array<i32>} : memref<96xf32, #tpu.memory_space<vmem>>, vector<16xf32>,
    %get3A_109 = arith.constant 60 : i32
    %get3A_110 = arith.index_cast %get3A_109 : i32 to index
    %get3A_111 = arith.constant 32 : index
    %get3A_112 = tpu.vector_load %arg11[%get3A_110, %get3A_111] {strides = array<i32>} : memref<62x80xi32, #tpu.memory_space<vmem>>, vector<16xi32>,
    %get3A_113 = arith.constant 60 : i32
    %get3A_114 = arith.index_cast %get3A_113 : i32 to index
    %get3A_115 = arith.constant 32 : index
    %get3A_116 = tpu.vector_load %arg12[%get3A_114, %get3A_115] {strides = array<i32>} : memref<62x80xi32, #tpu.memory_space<vmem>>, vector<16xi32>,
    %gather3A_117 = tpu.vector_load_idx %arg19[%get3A_112] : memref<10000xf32, #tpu.memory_space<vmem>>[vector<16xi32>], vector<16xf32>,
    %gather3A_118 = tpu.vector_load_idx %arg19[%get3A_116] : memref<10000xf32, #tpu.memory_space<vmem>>[vector<16xi32>], vector<16xf32>,
    %gather3A_119 = tpu.vector_load_idx %arg20[%get3A_112] : memref<10000xf32, #tpu.memory_space<vmem>>[vector<16xi32>], vector<16xf32>,
    %gather3A_120 = tpu.vector_load_idx %arg20[%get3A_116] : memref<10000xf32, #tpu.memory_space<vmem>>[vector<16xi32>], vector<16xf32>,
    %gather3A_121 = tpu.vector_load_idx %arg21[%get3A_112] : memref<10000xf32, #tpu.memory_space<vmem>>[vector<16xi32>], vector<16xf32>,
    %gather3A_122 = tpu.vector_load_idx %arg21[%get3A_116] : memref<10000xf32, #tpu.memory_space<vmem>>[vector<16xi32>], vector<16xf32>,
    %mul3A_123 = arith.mulf %gather3A_117, %gather3A_118 : vector<16xf32>
    %mul3A_124 = arith.mulf %gather3A_119, %gather3A_120 : vector<16xf32>
    %add3A_125 = arith.addf %mul3A_123, %mul3A_124 : vector<16xf32>
    %mul3A_126 = arith.mulf %gather3A_121, %gather3A_122 : vector<16xf32>
    %add3A_127 = arith.addf %add3A_125, %mul3A_126 : vector<16xf32>
    %mul3A_128 = arith.constant -2.000000e+00 : f32
    %mul3A_129 = vector.broadcast %mul3A_128 : f32 to vector<16xf32>
    %mul3A_130 = arith.mulf %mul3A_129, %add3A_127 : vector<16xf32>
    %swap3A_131 = arith.constant 32 : index
    %swap3A_132 = tpu.vector_load %arg18[%swap3A_131] {strides = array<i32>} : memref<96xf32, #tpu.memory_space<vmem>>, vector<16xf32>,
    tpu.vector_store %arg18[%swap3A_131], %mul3A_130 {strides = array<i32>} : memref<96xf32, #tpu.memory_space<vmem>>, vector<16xf32>,
    %get3A_133 = arith.constant 60 : i32
    %get3A_134 = arith.index_cast %get3A_133 : i32 to index
    %get3A_135 = arith.constant 48 : index
    %get3A_136 = tpu.vector_load %arg11[%get3A_134, %get3A_135] {strides = array<i32>} : memref<62x80xi32, #tpu.memory_space<vmem>>, vector<16xi32>,
    %get3A_137 = arith.constant 60 : i32
    %get3A_138 = arith.index_cast %get3A_137 : i32 to index
    %get3A_139 = arith.constant 48 : index
    %get3A_140 = tpu.vector_load %arg12[%get3A_138, %get3A_139] {strides = array<i32>} : memref<62x80xi32, #tpu.memory_space<vmem>>, vector<16xi32>,
    %gather3A_141 = tpu.vector_load_idx %arg19[%get3A_136] : memref<10000xf32, #tpu.memory_space<vmem>>[vector<16xi32>], vector<16xf32>,
    %gather3A_142 = tpu.vector_load_idx %arg19[%get3A_140] : memref<10000xf32, #tpu.memory_space<vmem>>[vector<16xi32>], vector<16xf32>,
    %gather3A_143 = tpu.vector_load_idx %arg20[%get3A_136] : memref<10000xf32, #tpu.memory_space<vmem>>[vector<16xi32>], vector<16xf32>,
    %gather3A_144 = tpu.vector_load_idx %arg20[%get3A_140] : memref<10000xf32, #tpu.memory_space<vmem>>[vector<16xi32>], vector<16xf32>,
    %gather3A_145 = tpu.vector_load_idx %arg21[%get3A_136] : memref<10000xf32, #tpu.memory_space<vmem>>[vector<16xi32>], vector<16xf32>,
    %gather3A_146 = tpu.vector_load_idx %arg21[%get3A_140] : memref<10000xf32, #tpu.memory_space<vmem>>[vector<16xi32>], vector<16xf32>,
    %mul3A_147 = arith.mulf %gather3A_141, %gather3A_142 : vector<16xf32>
    %mul3A_148 = arith.mulf %gather3A_143, %gather3A_144 : vector<16xf32>
    %add3A_149 = arith.addf %mul3A_147, %mul3A_148 : vector<16xf32>
    %mul3A_150 = arith.mulf %gather3A_145, %gather3A_146 : vector<16xf32>
    %add3A_151 = arith.addf %add3A_149, %mul3A_150 : vector<16xf32>
    %mul3A_152 = arith.constant -2.000000e+00 : f32
    %mul3A_153 = vector.broadcast %mul3A_152 : f32 to vector<16xf32>
    %mul3A_154 = arith.mulf %mul3A_153, %add3A_151 : vector<16xf32>
    %swap3A_155 = arith.constant 48 : index
    %swap3A_156 = tpu.vector_load %arg18[%swap3A_155] {strides = array<i32>} : memref<96xf32, #tpu.memory_space<vmem>>, vector<16xf32>,
    tpu.vector_store %arg18[%swap3A_155], %mul3A_154 {strides = array<i32>} : memref<96xf32, #tpu.memory_space<vmem>>, vector<16xf32>,
    %get3A_157 = arith.constant 60 : i32
    %get3A_158 = arith.index_cast %get3A_157 : i32 to index
    %get3A_159 = arith.constant 64 : index
    %get3A_160 = tpu.vector_load %arg11[%get3A_158, %get3A_159] {strides = array<i32>} : memref<62x80xi32, #tpu.memory_space<vmem>>, vector<16xi32>,
    %get3A_161 = arith.constant 60 : i32
    %get3A_162 = arith.index_cast %get3A_161 : i32 to index
    %get3A_163 = arith.constant 64 : index
    %get3A_164 = tpu.vector_load %arg12[%get3A_162, %get3A_163] {strides = array<i32>} : memref<62x80xi32, #tpu.memory_space<vmem>>, vector<16xi32>,
    %gather3A_165 = tpu.vector_load_idx %arg19[%get3A_160] : memref<10000xf32, #tpu.memory_space<vmem>>[vector<16xi32>], vector<16xf32>,
    %gather3A_166 = tpu.vector_load_idx %arg19[%get3A_164] : memref<10000xf32, #tpu.memory_space<vmem>>[vector<16xi32>], vector<16xf32>,
    %gather3A_167 = tpu.vector_load_idx %arg20[%get3A_160] : memref<10000xf32, #tpu.memory_space<vmem>>[vector<16xi32>], vector<16xf32>,
    %gather3A_168 = tpu.vector_load_idx %arg20[%get3A_164] : memref<10000xf32, #tpu.memory_space<vmem>>[vector<16xi32>], vector<16xf32>,
    %gather3A_169 = tpu.vector_load_idx %arg21[%get3A_160] : memref<10000xf32, #tpu.memory_space<vmem>>[vector<16xi32>], vector<16xf32>,
    %gather3A_170 = tpu.vector_load_idx %arg21[%get3A_164] : memref<10000xf32, #tpu.memory_space<vmem>>[vector<16xi32>], vector<16xf32>,
    %mul3A_171 = arith.mulf %gather3A_165, %gather3A_166 : vector<16xf32>
    %mul3A_172 = arith.mulf %gather3A_167, %gather3A_168 : vector<16xf32>
    %add3A_173 = arith.addf %mul3A_171, %mul3A_172 : vector<16xf32>
    %mul3A_174 = arith.mulf %gather3A_169, %gather3A_170 : vector<16xf32>
    %add3A_175 = arith.addf %add3A_173, %mul3A_174 : vector<16xf32>
    %mul3A_176 = arith.constant -2.000000e+00 : f32
    %mul3A_177 = vector.broadcast %mul3A_176 : f32 to vector<16xf32>
    %mul3A_178 = arith.mulf %mul3A_177, %add3A_175 : vector<16xf32>
    %swap3A_179 = arith.constant 64 : index
    %swap3A_180 = tpu.vector_load %arg18[%swap3A_179] {strides = array<i32>} : memref<96xf32, #tpu.memory_space<vmem>>, vector<16xf32>,
    tpu.vector_store %arg18[%swap3A_179], %mul3A_178 {strides = array<i32>} : memref<96xf32, #tpu.memory_space<vmem>>, vector<16xf32>,
    %dma_wait3A_181 = arith.constant 0 : i32
    %dma_wait3A_182 = tpu.memref_slice %arg10[%mul3A_2, %dma_wait3A_181] : memref<158720x128xf32, #tpu.memory_space<hbm>> -> memref<80x128xf32, #tpu.memory_space<hbm>>
    %dma_wait3A_183 = arith.constant 0 : i32
    %dma_wait3A_184 = tpu.memref_slice %arg10[%mul3A_2, %dma_wait3A_183] : memref<158720x128xf32, #tpu.memory_space<hbm>> -> memref<80x128xf32, #tpu.memory_space<hbm>>
    tpu.wait_dma2 semaphore(%arg27 : memref<!tpu.dma_semaphore, #tpu.memory_space<semaphore_mem>>) src(%arg17 : memref<80x128xf32, #tpu.memory_space<vmem>>) dst(%dma_wait3A_184 : memref<80x128xf32, #tpu.memory_space<hbm>>)
    %scan3A_185 = arith.constant 0 : i32
    %scan3A_186 = arith.constant 0 : i32
    %scan3A_187 = arith.constant 80 : i32
    %scan3A_188 = arith.addi %scan3A_186, %scan3A_187 : i32
    %scan3A_189 = arith.constant 1 : i32
    scf.for %scan3A_351 = %scan3A_186 to %scan3A_188 step %scan3A_189  : i32 {
      %get3A_352 = arith.index_cast %scan3A_351 : i32 to index
      %get3A_353 = tpu.vector_load %arg18[%get3A_352] {strides = array<i32>} : memref<96xf32, #tpu.memory_space<vmem>>, vector<16xf32>,
      %slice3A = vector.extract_strided_slice %get3A_353 {offsets = [0], sizes = [1], strides = [1]} : vector<16xf32> to vector<1xf32>
      %squeeze3A = vector.extract %slice3A[0] : f32 from vector<1xf32>
      %get3A_354 = arith.index_cast %scan3A_351 : i32 to index
      %get3A_355 = arith.constant 0 : index
      %get3A_356 = tpu.vector_load %arg13[%get3A_354, %get3A_355] {strides = array<i32>} : memref<80x128xf32, #tpu.memory_space<vmem>>, vector<16xf32>,
      %get3A_357 = arith.index_cast %scan3A_351 : i32 to index
      %get3A_358 = arith.constant 0 : index
      %get3A_359 = tpu.vector_load %arg14[%get3A_357, %get3A_358] {strides = array<i32>} : memref<80x128xf32, #tpu.memory_space<vmem>>, vector<16xf32>,
      %add3A_360 = arith.addf %get3A_356, %get3A_359 : vector<16xf32>
      %mul3A_361 = vector.broadcast %squeeze3A : f32 to vector<16xf32>
      %mul3A_362 = arith.mulf %mul3A_361, %get3A_3 : vector<16xf32>
      %add3A_363 = arith.addf %add3A_360, %mul3A_362 : vector<16xf32>
      %max3A = arith.constant 0.000000e+00 : f32
      %max3A_364 = vector.broadcast %max3A : f32 to vector<16xf32>
      %max3A_365 = arith.maximumf %add3A_363, %max3A_364 : vector<16xf32>
      %swap3A_366 = arith.index_cast %scan3A_351 : i32 to index
      %swap3A_367 = arith.constant 0 : index
      %swap3A_368 = tpu.vector_load %arg17[%swap3A_366, %swap3A_367] {strides = array<i32>} : memref<80x128xf32, #tpu.memory_space<vmem>>, vector<16xf32>,
      tpu.vector_store %arg17[%swap3A_366, %swap3A_367], %max3A_365 {strides = array<i32>} : memref<80x128xf32, #tpu.memory_space<vmem>>, vector<16xf32>,
      %get3A_369 = arith.index_cast %scan3A_351 : i32 to index
      %get3A_370 = arith.constant 16 : index
      %get3A_371 = tpu.vector_load %arg13[%get3A_369, %get3A_370] {strides = array<i32>} : memref<80x128xf32, #tpu.memory_space<vmem>>, vector<16xf32>,
      %get3A_372 = arith.index_cast %scan3A_351 : i32 to index
      %get3A_373 = arith.constant 16 : index
      %get3A_374 = tpu.vector_load %arg14[%get3A_372, %get3A_373] {strides = array<i32>} : memref<80x128xf32, #tpu.memory_space<vmem>>, vector<16xf32>,
      %add3A_375 = arith.addf %get3A_371, %get3A_374 : vector<16xf32>
      %mul3A_376 = vector.broadcast %squeeze3A : f32 to vector<16xf32>
      %mul3A_377 = arith.mulf %mul3A_376, %get3A_5 : vector<16xf32>
      %add3A_378 = arith.addf %add3A_375, %mul3A_377 : vector<16xf32>
      %max3A_379 = arith.constant 0.000000e+00 : f32
      %max3A_380 = vector.broadcast %max3A_379 : f32 to vector<16xf32>
      %max3A_381 = arith.maximumf %add3A_378, %max3A_380 : vector<16xf32>
      %swap3A_382 = arith.index_cast %scan3A_351 : i32 to index
      %swap3A_383 = arith.constant 16 : index
      %swap3A_384 = tpu.vector_load %arg17[%swap3A_382, %swap3A_383] {strides = array<i32>} : memref<80x128xf32, #tpu.memory_space<vmem>>, vector<16xf32>,
      tpu.vector_store %arg17[%swap3A_382, %swap3A_383], %max3A_381 {strides = array<i32>} : memref<80x128xf32, #tpu.memory_space<vmem>>, vector<16xf32>,
      %get3A_385 = arith.index_cast %scan3A_351 : i32 to index
      %get3A_386 = arith.constant 32 : index
      %get3A_387 = tpu.vector_load %arg13[%get3A_385, %get3A_386] {strides = array<i32>} : memref<80x128xf32, #tpu.memory_space<vmem>>, vector<16xf32>,
      %get3A_388 = arith.index_cast %scan3A_351 : i32 to index
      %get3A_389 = arith.constant 32 : index
      %get3A_390 = tpu.vector_load %arg14[%get3A_388, %get3A_389] {strides = array<i32>} : memref<80x128xf32, #tpu.memory_space<vmem>>, vector<16xf32>,
      %add3A_391 = arith.addf %get3A_387, %get3A_390 : vector<16xf32>
      %mul3A_392 = vector.broadcast %squeeze3A : f32 to vector<16xf32>
      %mul3A_393 = arith.mulf %mul3A_392, %get3A_7 : vector<16xf32>
      %add3A_394 = arith.addf %add3A_391, %mul3A_393 : vector<16xf32>
      %max3A_395 = arith.constant 0.000000e+00 : f32
      %max3A_396 = vector.broadcast %max3A_395 : f32 to vector<16xf32>
      %max3A_397 = arith.maximumf %add3A_394, %max3A_396 : vector<16xf32>
      %swap3A_398 = arith.index_cast %scan3A_351 : i32 to index
      %swap3A_399 = arith.constant 32 : index
      %swap3A_400 = tpu.vector_load %arg17[%swap3A_398, %swap3A_399] {strides = array<i32>} : memref<80x128xf32, #tpu.memory_space<vmem>>, vector<16xf32>,
      tpu.vector_store %arg17[%swap3A_398, %swap3A_399], %max3A_397 {strides = array<i32>} : memref<80x128xf32, #tpu.memory_space<vmem>>, vector<16xf32>,
      %get3A_401 = arith.index_cast %scan3A_351 : i32 to index
      %get3A_402 = arith.constant 48 : index
      %get3A_403 = tpu.vector_load %arg13[%get3A_401, %get3A_402] {strides = array<i32>} : memref<80x128xf32, #tpu.memory_space<vmem>>, vector<16xf32>,
      %get3A_404 = arith.index_cast %scan3A_351 : i32 to index
      %get3A_405 = arith.constant 48 : index
      %get3A_406 = tpu.vector_load %arg14[%get3A_404, %get3A_405] {strides = array<i32>} : memref<80x128xf32, #tpu.memory_space<vmem>>, vector<16xf32>,
      %add3A_407 = arith.addf %get3A_403, %get3A_406 : vector<16xf32>
      %mul3A_408 = vector.broadcast %squeeze3A : f32 to vector<16xf32>
      %mul3A_409 = arith.mulf %mul3A_408, %get3A_9 : vector<16xf32>
      %add3A_410 = arith.addf %add3A_407, %mul3A_409 : vector<16xf32>
      %max3A_411 = arith.constant 0.000000e+00 : f32
      %max3A_412 = vector.broadcast %max3A_411 : f32 to vector<16xf32>
      %max3A_413 = arith.maximumf %add3A_410, %max3A_412 : vector<16xf32>
      %swap3A_414 = arith.index_cast %scan3A_351 : i32 to index
      %swap3A_415 = arith.constant 48 : index
      %swap3A_416 = tpu.vector_load %arg17[%swap3A_414, %swap3A_415] {strides = array<i32>} : memref<80x128xf32, #tpu.memory_space<vmem>>, vector<16xf32>,
      tpu.vector_store %arg17[%swap3A_414, %swap3A_415], %max3A_413 {strides = array<i32>} : memref<80x128xf32, #tpu.memory_space<vmem>>, vector<16xf32>,
      %get3A_417 = arith.index_cast %scan3A_351 : i32 to index
      %get3A_418 = arith.constant 64 : index
      %get3A_419 = tpu.vector_load %arg13[%get3A_417, %get3A_418] {strides = array<i32>} : memref<80x128xf32, #tpu.memory_space<vmem>>, vector<16xf32>,
      %get3A_420 = arith.index_cast %scan3A_351 : i32 to index
      %get3A_421 = arith.constant 64 : index
      %get3A_422 = tpu.vector_load %arg14[%get3A_420, %get3A_421] {strides = array<i32>} : memref<80x128xf32, #tpu.memory_space<vmem>>, vector<16xf32>,
      %add3A_423 = arith.addf %get3A_419, %get3A_422 : vector<16xf32>
      %mul3A_424 = vector.broadcast %squeeze3A : f32 to vector<16xf32>
      %mul3A_425 = arith.mulf %mul3A_424, %get3A_11 : vector<16xf32>
      %add3A_426 = arith.addf %add3A_423, %mul3A_425 : vector<16xf32>
      %max3A_427 = arith.constant 0.000000e+00 : f32
      %max3A_428 = vector.broadcast %max3A_427 : f32 to vector<16xf32>
      %max3A_429 = arith.maximumf %add3A_426, %max3A_428 : vector<16xf32>
      %swap3A_430 = arith.index_cast %scan3A_351 : i32 to index
      %swap3A_431 = arith.constant 64 : index
      %swap3A_432 = tpu.vector_load %arg17[%swap3A_430, %swap3A_431] {strides = array<i32>} : memref<80x128xf32, #tpu.memory_space<vmem>>, vector<16xf32>,
      tpu.vector_store %arg17[%swap3A_430, %swap3A_431], %max3A_429 {strides = array<i32>} : memref<80x128xf32, #tpu.memory_space<vmem>>, vector<16xf32>,
      %get3A_433 = arith.index_cast %scan3A_351 : i32 to index
      %get3A_434 = arith.constant 80 : index
      %get3A_435 = tpu.vector_load %arg13[%get3A_433, %get3A_434] {strides = array<i32>} : memref<80x128xf32, #tpu.memory_space<vmem>>, vector<16xf32>,
      %get3A_436 = arith.index_cast %scan3A_351 : i32 to index
      %get3A_437 = arith.constant 80 : index
      %get3A_438 = tpu.vector_load %arg14[%get3A_436, %get3A_437] {strides = array<i32>} : memref<80x128xf32, #tpu.memory_space<vmem>>, vector<16xf32>,
      %add3A_439 = arith.addf %get3A_435, %get3A_438 : vector<16xf32>
      %mul3A_440 = vector.broadcast %squeeze3A : f32 to vector<16xf32>
      %mul3A_441 = arith.mulf %mul3A_440, %get3A_13 : vector<16xf32>
      %add3A_442 = arith.addf %add3A_439, %mul3A_441 : vector<16xf32>
      %max3A_443 = arith.constant 0.000000e+00 : f32
      %max3A_444 = vector.broadcast %max3A_443 : f32 to vector<16xf32>
      %max3A_445 = arith.maximumf %add3A_442, %max3A_444 : vector<16xf32>
      %swap3A_446 = arith.index_cast %scan3A_351 : i32 to index
      %swap3A_447 = arith.constant 80 : index
      %swap3A_448 = tpu.vector_load %arg17[%swap3A_446, %swap3A_447] {strides = array<i32>} : memref<80x128xf32, #tpu.memory_space<vmem>>, vector<16xf32>,
      tpu.vector_store %arg17[%swap3A_446, %swap3A_447], %max3A_445 {strides = array<i32>} : memref<80x128xf32, #tpu.memory_space<vmem>>, vector<16xf32>,
      %get3A_449 = arith.index_cast %scan3A_351 : i32 to index
      %get3A_450 = arith.constant 96 : index
      %get3A_451 = tpu.vector_load %arg13[%get3A_449, %get3A_450] {strides = array<i32>} : memref<80x128xf32, #tpu.memory_space<vmem>>, vector<16xf32>,
      %get3A_452 = arith.index_cast %scan3A_351 : i32 to index
      %get3A_453 = arith.constant 96 : index
      %get3A_454 = tpu.vector_load %arg14[%get3A_452, %get3A_453] {strides = array<i32>} : memref<80x128xf32, #tpu.memory_space<vmem>>, vector<16xf32>,
      %add3A_455 = arith.addf %get3A_451, %get3A_454 : vector<16xf32>
      %mul3A_456 = vector.broadcast %squeeze3A : f32 to vector<16xf32>
      %mul3A_457 = arith.mulf %mul3A_456, %get3A_15 : vector<16xf32>
      %add3A_458 = arith.addf %add3A_455, %mul3A_457 : vector<16xf32>
      %max3A_459 = arith.constant 0.000000e+00 : f32
      %max3A_460 = vector.broadcast %max3A_459 : f32 to vector<16xf32>
      %max3A_461 = arith.maximumf %add3A_458, %max3A_460 : vector<16xf32>
      %swap3A_462 = arith.index_cast %scan3A_351 : i32 to index
      %swap3A_463 = arith.constant 96 : index
      %swap3A_464 = tpu.vector_load %arg17[%swap3A_462, %swap3A_463] {strides = array<i32>} : memref<80x128xf32, #tpu.memory_space<vmem>>, vector<16xf32>,
      tpu.vector_store %arg17[%swap3A_462, %swap3A_463], %max3A_461 {strides = array<i32>} : memref<80x128xf32, #tpu.memory_space<vmem>>, vector<16xf32>,
      %get3A_465 = arith.index_cast %scan3A_351 : i32 to index
      %get3A_466 = arith.constant 112 : index
      %get3A_467 = tpu.vector_load %arg13[%get3A_465, %get3A_466] {strides = array<i32>} : memref<80x128xf32, #tpu.memory_space<vmem>>, vector<16xf32>,
      %get3A_468 = arith.index_cast %scan3A_351 : i32 to index
      %get3A_469 = arith.constant 112 : index
      %get3A_470 = tpu.vector_load %arg14[%get3A_468, %get3A_469] {strides = array<i32>} : memref<80x128xf32, #tpu.memory_space<vmem>>, vector<16xf32>,
      %add3A_471 = arith.addf %get3A_467, %get3A_470 : vector<16xf32>
      %mul3A_472 = vector.broadcast %squeeze3A : f32 to vector<16xf32>
      %mul3A_473 = arith.mulf %mul3A_472, %get3A_17 : vector<16xf32>
      %add3A_474 = arith.addf %add3A_471, %mul3A_473 : vector<16xf32>
      %max3A_475 = arith.constant 0.000000e+00 : f32
      %max3A_476 = vector.broadcast %max3A_475 : f32 to vector<16xf32>
      %max3A_477 = arith.maximumf %add3A_474, %max3A_476 : vector<16xf32>
      %swap3A_478 = arith.index_cast %scan3A_351 : i32 to index
      %swap3A_479 = arith.constant 112 : index
      %swap3A_480 = tpu.vector_load %arg17[%swap3A_478, %swap3A_479] {strides = array<i32>} : memref<80x128xf32, #tpu.memory_space<vmem>>, vector<16xf32>,
      tpu.vector_store %arg17[%swap3A_478, %swap3A_479], %max3A_477 {strides = array<i32>} : memref<80x128xf32, #tpu.memory_space<vmem>>, vector<16xf32>,
    }
    %scan3A_190 = arith.constant 80 : i32
    %add3A_191 = arith.constant 4800 : i32
    %add3A_192 = arith.addi %mul3A_2, %add3A_191 : i32
    %dma_start3A_193 = arith.constant 0 : i32
    %dma_start3A_194 = tpu.memref_slice %arg10[%add3A_192, %dma_start3A_193] : memref<158720x128xf32, #tpu.memory_space<hbm>> -> memref<80x128xf32, #tpu.memory_space<hbm>>
    %dma_start3A_195 = arith.constant 0 : i32
    %dma_start3A_196 = tpu.memref_slice %arg10[%add3A_192, %dma_start3A_195] : memref<158720x128xf32, #tpu.memory_space<hbm>> -> memref<80x128xf32, #tpu.memory_space<hbm>>
    tpu.enqueue_dma source(%arg17 : memref<80x128xf32, #tpu.memory_space<vmem>>) target(%dma_start3A_196 : memref<80x128xf32, #tpu.memory_space<hbm>>) target_semaphore(%arg27 : memref<!tpu.dma_semaphore, #tpu.memory_space<semaphore_mem>>)
    %dma_wait3A_197 = arith.constant 0 : i32
    %dma_wait3A_198 = arith.constant 0 : i32
    %dma_wait3A_199 = tpu.memref_slice %arg11[%dma_wait3A_197, %dma_wait3A_198] : memref<62x80xi32, #tpu.memory_space<vmem>> -> memref<1x80xi32, #tpu.memory_space<vmem>>
    %dma_wait3A_200 = tpu.memref_squeeze %dma_wait3A_199 : memref<1x80xi32, #tpu.memory_space<vmem>> -> memref<80xi32, #tpu.memory_space<vmem>>
    %dma_wait3A_201 = arith.constant 0 : i32
    %dma_wait3A_202 = arith.constant 0 : i32
    %dma_wait3A_203 = tpu.memref_slice %arg2[%dma_wait3A_201, %dma_wait3A_202] : memref<10000x128xf32, #tpu.memory_space<hbm>> -> memref<10000x128xf32, #tpu.memory_space<hbm>>
    tpu.wait_indirect_dma semaphore(%arg25 : memref<!tpu.dma_semaphore, #tpu.memory_space<semaphore_mem>>) src(%dma_wait3A_203 : memref<10000x128xf32, #tpu.memory_space<hbm>>) dst(%arg15 : memref<80x128xf32, #tpu.memory_space<vmem>>)
    %dma_wait3A_204 = arith.constant 0 : i32
    %dma_wait3A_205 = arith.constant 0 : i32
    %dma_wait3A_206 = tpu.memref_slice %arg12[%dma_wait3A_204, %dma_wait3A_205] : memref<62x80xi32, #tpu.memory_space<vmem>> -> memref<1x80xi32, #tpu.memory_space<vmem>>
    %dma_wait3A_207 = tpu.memref_squeeze %dma_wait3A_206 : memref<1x80xi32, #tpu.memory_space<vmem>> -> memref<80xi32, #tpu.memory_space<vmem>>
    %dma_wait3A_208 = arith.constant 0 : i32
    %dma_wait3A_209 = arith.constant 0 : i32
    %dma_wait3A_210 = tpu.memref_slice %arg3[%dma_wait3A_208, %dma_wait3A_209] : memref<10000x128xf32, #tpu.memory_space<hbm>> -> memref<10000x128xf32, #tpu.memory_space<hbm>>
    tpu.wait_indirect_dma semaphore(%arg26 : memref<!tpu.dma_semaphore, #tpu.memory_space<semaphore_mem>>) src(%dma_wait3A_210 : memref<10000x128xf32, #tpu.memory_space<hbm>>) dst(%arg16 : memref<80x128xf32, #tpu.memory_space<vmem>>)
    %get3A_211 = arith.constant 61 : i32
    %get3A_212 = arith.index_cast %get3A_211 : i32 to index
    %get3A_213 = arith.constant 0 : index
    %get3A_214 = tpu.vector_load %arg11[%get3A_212, %get3A_213] {strides = array<i32>} : memref<62x80xi32, #tpu.memory_space<vmem>>, vector<16xi32>,
    %get3A_215 = arith.constant 61 : i32
    %get3A_216 = arith.index_cast %get3A_215 : i32 to index
    %get3A_217 = arith.constant 0 : index
    %get3A_218 = tpu.vector_load %arg12[%get3A_216, %get3A_217] {strides = array<i32>} : memref<62x80xi32, #tpu.memory_space<vmem>>, vector<16xi32>,
    %gather3A_219 = tpu.vector_load_idx %arg19[%get3A_214] : memref<10000xf32, #tpu.memory_space<vmem>>[vector<16xi32>], vector<16xf32>,
    %gather3A_220 = tpu.vector_load_idx %arg19[%get3A_218] : memref<10000xf32, #tpu.memory_space<vmem>>[vector<16xi32>], vector<16xf32>,
    %gather3A_221 = tpu.vector_load_idx %arg20[%get3A_214] : memref<10000xf32, #tpu.memory_space<vmem>>[vector<16xi32>], vector<16xf32>,
    %gather3A_222 = tpu.vector_load_idx %arg20[%get3A_218] : memref<10000xf32, #tpu.memory_space<vmem>>[vector<16xi32>], vector<16xf32>,
    %gather3A_223 = tpu.vector_load_idx %arg21[%get3A_214] : memref<10000xf32, #tpu.memory_space<vmem>>[vector<16xi32>], vector<16xf32>,
    %gather3A_224 = tpu.vector_load_idx %arg21[%get3A_218] : memref<10000xf32, #tpu.memory_space<vmem>>[vector<16xi32>], vector<16xf32>,
    %mul3A_225 = arith.mulf %gather3A_219, %gather3A_220 : vector<16xf32>
    %mul3A_226 = arith.mulf %gather3A_221, %gather3A_222 : vector<16xf32>
    %add3A_227 = arith.addf %mul3A_225, %mul3A_226 : vector<16xf32>
    %mul3A_228 = arith.mulf %gather3A_223, %gather3A_224 : vector<16xf32>
    %add3A_229 = arith.addf %add3A_227, %mul3A_228 : vector<16xf32>
    %mul3A_230 = arith.constant -2.000000e+00 : f32
    %mul3A_231 = vector.broadcast %mul3A_230 : f32 to vector<16xf32>
    %mul3A_232 = arith.mulf %mul3A_231, %add3A_229 : vector<16xf32>
    %swap3A_233 = arith.constant 0 : index
    %swap3A_234 = tpu.vector_load %arg18[%swap3A_233] {strides = array<i32>} : memref<96xf32, #tpu.memory_space<vmem>>, vector<16xf32>,
    tpu.vector_store %arg18[%swap3A_233], %mul3A_232 {strides = array<i32>} : memref<96xf32, #tpu.memory_space<vmem>>, vector<16xf32>,
    %get3A_235 = arith.constant 61 : i32
    %get3A_236 = arith.index_cast %get3A_235 : i32 to index
    %get3A_237 = arith.constant 16 : index
    %get3A_238 = tpu.vector_load %arg11[%get3A_236, %get3A_237] {strides = array<i32>} : memref<62x80xi32, #tpu.memory_space<vmem>>, vector<16xi32>,
    %get3A_239 = arith.constant 61 : i32
    %get3A_240 = arith.index_cast %get3A_239 : i32 to index
    %get3A_241 = arith.constant 16 : index
    %get3A_242 = tpu.vector_load %arg12[%get3A_240, %get3A_241] {strides = array<i32>} : memref<62x80xi32, #tpu.memory_space<vmem>>, vector<16xi32>,
    %gather3A_243 = tpu.vector_load_idx %arg19[%get3A_238] : memref<10000xf32, #tpu.memory_space<vmem>>[vector<16xi32>], vector<16xf32>,
    %gather3A_244 = tpu.vector_load_idx %arg19[%get3A_242] : memref<10000xf32, #tpu.memory_space<vmem>>[vector<16xi32>], vector<16xf32>,
    %gather3A_245 = tpu.vector_load_idx %arg20[%get3A_238] : memref<10000xf32, #tpu.memory_space<vmem>>[vector<16xi32>], vector<16xf32>,
    %gather3A_246 = tpu.vector_load_idx %arg20[%get3A_242] : memref<10000xf32, #tpu.memory_space<vmem>>[vector<16xi32>], vector<16xf32>,
    %gather3A_247 = tpu.vector_load_idx %arg21[%get3A_238] : memref<10000xf32, #tpu.memory_space<vmem>>[vector<16xi32>], vector<16xf32>,
    %gather3A_248 = tpu.vector_load_idx %arg21[%get3A_242] : memref<10000xf32, #tpu.memory_space<vmem>>[vector<16xi32>], vector<16xf32>,
    %mul3A_249 = arith.mulf %gather3A_243, %gather3A_244 : vector<16xf32>
    %mul3A_250 = arith.mulf %gather3A_245, %gather3A_246 : vector<16xf32>
    %add3A_251 = arith.addf %mul3A_249, %mul3A_250 : vector<16xf32>
    %mul3A_252 = arith.mulf %gather3A_247, %gather3A_248 : vector<16xf32>
    %add3A_253 = arith.addf %add3A_251, %mul3A_252 : vector<16xf32>
    %mul3A_254 = arith.constant -2.000000e+00 : f32
    %mul3A_255 = vector.broadcast %mul3A_254 : f32 to vector<16xf32>
    %mul3A_256 = arith.mulf %mul3A_255, %add3A_253 : vector<16xf32>
    %swap3A_257 = arith.constant 16 : index
    %swap3A_258 = tpu.vector_load %arg18[%swap3A_257] {strides = array<i32>} : memref<96xf32, #tpu.memory_space<vmem>>, vector<16xf32>,
    tpu.vector_store %arg18[%swap3A_257], %mul3A_256 {strides = array<i32>} : memref<96xf32, #tpu.memory_space<vmem>>, vector<16xf32>,
    %get3A_259 = arith.constant 61 : i32
    %get3A_260 = arith.index_cast %get3A_259 : i32 to index
    %get3A_261 = arith.constant 32 : index
    %get3A_262 = tpu.vector_load %arg11[%get3A_260, %get3A_261] {strides = array<i32>} : memref<62x80xi32, #tpu.memory_space<vmem>>, vector<16xi32>,
    %get3A_263 = arith.constant 61 : i32
    %get3A_264 = arith.index_cast %get3A_263 : i32 to index
    %get3A_265 = arith.constant 32 : index
    %get3A_266 = tpu.vector_load %arg12[%get3A_264, %get3A_265] {strides = array<i32>} : memref<62x80xi32, #tpu.memory_space<vmem>>, vector<16xi32>,
    %gather3A_267 = tpu.vector_load_idx %arg19[%get3A_262] : memref<10000xf32, #tpu.memory_space<vmem>>[vector<16xi32>], vector<16xf32>,
    %gather3A_268 = tpu.vector_load_idx %arg19[%get3A_266] : memref<10000xf32, #tpu.memory_space<vmem>>[vector<16xi32>], vector<16xf32>,
    %gather3A_269 = tpu.vector_load_idx %arg20[%get3A_262] : memref<10000xf32, #tpu.memory_space<vmem>>[vector<16xi32>], vector<16xf32>,
    %gather3A_270 = tpu.vector_load_idx %arg20[%get3A_266] : memref<10000xf32, #tpu.memory_space<vmem>>[vector<16xi32>], vector<16xf32>,
    %gather3A_271 = tpu.vector_load_idx %arg21[%get3A_262] : memref<10000xf32, #tpu.memory_space<vmem>>[vector<16xi32>], vector<16xf32>,
    %gather3A_272 = tpu.vector_load_idx %arg21[%get3A_266] : memref<10000xf32, #tpu.memory_space<vmem>>[vector<16xi32>], vector<16xf32>,
    %mul3A_273 = arith.mulf %gather3A_267, %gather3A_268 : vector<16xf32>
    %mul3A_274 = arith.mulf %gather3A_269, %gather3A_270 : vector<16xf32>
    %add3A_275 = arith.addf %mul3A_273, %mul3A_274 : vector<16xf32>
    %mul3A_276 = arith.mulf %gather3A_271, %gather3A_272 : vector<16xf32>
    %add3A_277 = arith.addf %add3A_275, %mul3A_276 : vector<16xf32>
    %mul3A_278 = arith.constant -2.000000e+00 : f32
    %mul3A_279 = vector.broadcast %mul3A_278 : f32 to vector<16xf32>
    %mul3A_280 = arith.mulf %mul3A_279, %add3A_277 : vector<16xf32>
    %swap3A_281 = arith.constant 32 : index
    %swap3A_282 = tpu.vector_load %arg18[%swap3A_281] {strides = array<i32>} : memref<96xf32, #tpu.memory_space<vmem>>, vector<16xf32>,
    tpu.vector_store %arg18[%swap3A_281], %mul3A_280 {strides = array<i32>} : memref<96xf32, #tpu.memory_space<vmem>>, vector<16xf32>,
    %get3A_283 = arith.constant 61 : i32
    %get3A_284 = arith.index_cast %get3A_283 : i32 to index
    %get3A_285 = arith.constant 48 : index
    %get3A_286 = tpu.vector_load %arg11[%get3A_284, %get3A_285] {strides = array<i32>} : memref<62x80xi32, #tpu.memory_space<vmem>>, vector<16xi32>,
    %get3A_287 = arith.constant 61 : i32
    %get3A_288 = arith.index_cast %get3A_287 : i32 to index
    %get3A_289 = arith.constant 48 : index
    %get3A_290 = tpu.vector_load %arg12[%get3A_288, %get3A_289] {strides = array<i32>} : memref<62x80xi32, #tpu.memory_space<vmem>>, vector<16xi32>,
    %gather3A_291 = tpu.vector_load_idx %arg19[%get3A_286] : memref<10000xf32, #tpu.memory_space<vmem>>[vector<16xi32>], vector<16xf32>,
    %gather3A_292 = tpu.vector_load_idx %arg19[%get3A_290] : memref<10000xf32, #tpu.memory_space<vmem>>[vector<16xi32>], vector<16xf32>,
    %gather3A_293 = tpu.vector_load_idx %arg20[%get3A_286] : memref<10000xf32, #tpu.memory_space<vmem>>[vector<16xi32>], vector<16xf32>,
    %gather3A_294 = tpu.vector_load_idx %arg20[%get3A_290] : memref<10000xf32, #tpu.memory_space<vmem>>[vector<16xi32>], vector<16xf32>,
    %gather3A_295 = tpu.vector_load_idx %arg21[%get3A_286] : memref<10000xf32, #tpu.memory_space<vmem>>[vector<16xi32>], vector<16xf32>,
    %gather3A_296 = tpu.vector_load_idx %arg21[%get3A_290] : memref<10000xf32, #tpu.memory_space<vmem>>[vector<16xi32>], vector<16xf32>,
    %mul3A_297 = arith.mulf %gather3A_291, %gather3A_292 : vector<16xf32>
    %mul3A_298 = arith.mulf %gather3A_293, %gather3A_294 : vector<16xf32>
    %add3A_299 = arith.addf %mul3A_297, %mul3A_298 : vector<16xf32>
    %mul3A_300 = arith.mulf %gather3A_295, %gather3A_296 : vector<16xf32>
    %add3A_301 = arith.addf %add3A_299, %mul3A_300 : vector<16xf32>
    %mul3A_302 = arith.constant -2.000000e+00 : f32
    %mul3A_303 = vector.broadcast %mul3A_302 : f32 to vector<16xf32>
    %mul3A_304 = arith.mulf %mul3A_303, %add3A_301 : vector<16xf32>
    %swap3A_305 = arith.constant 48 : index
    %swap3A_306 = tpu.vector_load %arg18[%swap3A_305] {strides = array<i32>} : memref<96xf32, #tpu.memory_space<vmem>>, vector<16xf32>,
    tpu.vector_store %arg18[%swap3A_305], %mul3A_304 {strides = array<i32>} : memref<96xf32, #tpu.memory_space<vmem>>, vector<16xf32>,
    %get3A_307 = arith.constant 61 : i32
    %get3A_308 = arith.index_cast %get3A_307 : i32 to index
    %get3A_309 = arith.constant 64 : index
    %get3A_310 = tpu.vector_load %arg11[%get3A_308, %get3A_309] {strides = array<i32>} : memref<62x80xi32, #tpu.memory_space<vmem>>, vector<16xi32>,
    %get3A_311 = arith.constant 61 : i32
    %get3A_312 = arith.index_cast %get3A_311 : i32 to index
    %get3A_313 = arith.constant 64 : index
    %get3A_314 = tpu.vector_load %arg12[%get3A_312, %get3A_313] {strides = array<i32>} : memref<62x80xi32, #tpu.memory_space<vmem>>, vector<16xi32>,
    %gather3A_315 = tpu.vector_load_idx %arg19[%get3A_310] : memref<10000xf32, #tpu.memory_space<vmem>>[vector<16xi32>], vector<16xf32>,
    %gather3A_316 = tpu.vector_load_idx %arg19[%get3A_314] : memref<10000xf32, #tpu.memory_space<vmem>>[vector<16xi32>], vector<16xf32>,
    %gather3A_317 = tpu.vector_load_idx %arg20[%get3A_310] : memref<10000xf32, #tpu.memory_space<vmem>>[vector<16xi32>], vector<16xf32>,
    %gather3A_318 = tpu.vector_load_idx %arg20[%get3A_314] : memref<10000xf32, #tpu.memory_space<vmem>>[vector<16xi32>], vector<16xf32>,
    %gather3A_319 = tpu.vector_load_idx %arg21[%get3A_310] : memref<10000xf32, #tpu.memory_space<vmem>>[vector<16xi32>], vector<16xf32>,
    %gather3A_320 = tpu.vector_load_idx %arg21[%get3A_314] : memref<10000xf32, #tpu.memory_space<vmem>>[vector<16xi32>], vector<16xf32>,
    %mul3A_321 = arith.mulf %gather3A_315, %gather3A_316 : vector<16xf32>
    %mul3A_322 = arith.mulf %gather3A_317, %gather3A_318 : vector<16xf32>
    %add3A_323 = arith.addf %mul3A_321, %mul3A_322 : vector<16xf32>
    %mul3A_324 = arith.mulf %gather3A_319, %gather3A_320 : vector<16xf32>
    %add3A_325 = arith.addf %add3A_323, %mul3A_324 : vector<16xf32>
    %mul3A_326 = arith.constant -2.000000e+00 : f32
    %mul3A_327 = vector.broadcast %mul3A_326 : f32 to vector<16xf32>
    %mul3A_328 = arith.mulf %mul3A_327, %add3A_325 : vector<16xf32>
    %swap3A_329 = arith.constant 64 : index
    %swap3A_330 = tpu.vector_load %arg18[%swap3A_329] {strides = array<i32>} : memref<96xf32, #tpu.memory_space<vmem>>, vector<16xf32>,
    tpu.vector_store %arg18[%swap3A_329], %mul3A_328 {strides = array<i32>} : memref<96xf32, #tpu.memory_space<vmem>>, vector<16xf32>,
    %dma_wait3A_331 = arith.constant 0 : i32
    %dma_wait3A_332 = tpu.memref_slice %arg10[%mul3A_2, %dma_wait3A_331] : memref<158720x128xf32, #tpu.memory_space<hbm>> -> memref<80x128xf32, #tpu.memory_space<hbm>>
    %dma_wait3A_333 = arith.constant 0 : i32
    %dma_wait3A_334 = tpu.memref_slice %arg10[%mul3A_2, %dma_wait3A_333] : memref<158720x128xf32, #tpu.memory_space<hbm>> -> memref<80x128xf32, #tpu.memory_space<hbm>>
    tpu.wait_dma2 semaphore(%arg27 : memref<!tpu.dma_semaphore, #tpu.memory_space<semaphore_mem>>) src(%arg17 : memref<80x128xf32, #tpu.memory_space<vmem>>) dst(%dma_wait3A_334 : memref<80x128xf32, #tpu.memory_space<hbm>>)
    %scan3A_335 = arith.constant 0 : i32
    %scan3A_336 = arith.constant 0 : i32
    %scan3A_337 = arith.constant 80 : i32
    %scan3A_338 = arith.addi %scan3A_336, %scan3A_337 : i32
    %scan3A_339 = arith.constant 1 : i32
    scf.for %scan3A_351 = %scan3A_336 to %scan3A_338 step %scan3A_339  : i32 {
      %get3A_352 = arith.index_cast %scan3A_351 : i32 to index
      %get3A_353 = tpu.vector_load %arg18[%get3A_352] {strides = array<i32>} : memref<96xf32, #tpu.memory_space<vmem>>, vector<16xf32>,
      %slice3A = vector.extract_strided_slice %get3A_353 {offsets = [0], sizes = [1], strides = [1]} : vector<16xf32> to vector<1xf32>
      %squeeze3A = vector.extract %slice3A[0] : f32 from vector<1xf32>
      %get3A_354 = arith.index_cast %scan3A_351 : i32 to index
      %get3A_355 = arith.constant 0 : index
      %get3A_356 = tpu.vector_load %arg15[%get3A_354, %get3A_355] {strides = array<i32>} : memref<80x128xf32, #tpu.memory_space<vmem>>, vector<16xf32>,
      %get3A_357 = arith.index_cast %scan3A_351 : i32 to index
      %get3A_358 = arith.constant 0 : index
      %get3A_359 = tpu.vector_load %arg16[%get3A_357, %get3A_358] {strides = array<i32>} : memref<80x128xf32, #tpu.memory_space<vmem>>, vector<16xf32>,
      %add3A_360 = arith.addf %get3A_356, %get3A_359 : vector<16xf32>
      %mul3A_361 = vector.broadcast %squeeze3A : f32 to vector<16xf32>
      %mul3A_362 = arith.mulf %mul3A_361, %get3A_3 : vector<16xf32>
      %add3A_363 = arith.addf %add3A_360, %mul3A_362 : vector<16xf32>
      %max3A = arith.constant 0.000000e+00 : f32
      %max3A_364 = vector.broadcast %max3A : f32 to vector<16xf32>
      %max3A_365 = arith.maximumf %add3A_363, %max3A_364 : vector<16xf32>
      %swap3A_366 = arith.index_cast %scan3A_351 : i32 to index
      %swap3A_367 = arith.constant 0 : index
      %swap3A_368 = tpu.vector_load %arg17[%swap3A_366, %swap3A_367] {strides = array<i32>} : memref<80x128xf32, #tpu.memory_space<vmem>>, vector<16xf32>,
      tpu.vector_store %arg17[%swap3A_366, %swap3A_367], %max3A_365 {strides = array<i32>} : memref<80x128xf32, #tpu.memory_space<vmem>>, vector<16xf32>,
      %get3A_369 = arith.index_cast %scan3A_351 : i32 to index
      %get3A_370 = arith.constant 16 : index
      %get3A_371 = tpu.vector_load %arg15[%get3A_369, %get3A_370] {strides = array<i32>} : memref<80x128xf32, #tpu.memory_space<vmem>>, vector<16xf32>,
      %get3A_372 = arith.index_cast %scan3A_351 : i32 to index
      %get3A_373 = arith.constant 16 : index
      %get3A_374 = tpu.vector_load %arg16[%get3A_372, %get3A_373] {strides = array<i32>} : memref<80x128xf32, #tpu.memory_space<vmem>>, vector<16xf32>,
      %add3A_375 = arith.addf %get3A_371, %get3A_374 : vector<16xf32>
      %mul3A_376 = vector.broadcast %squeeze3A : f32 to vector<16xf32>
      %mul3A_377 = arith.mulf %mul3A_376, %get3A_5 : vector<16xf32>
      %add3A_378 = arith.addf %add3A_375, %mul3A_377 : vector<16xf32>
      %max3A_379 = arith.constant 0.000000e+00 : f32
      %max3A_380 = vector.broadcast %max3A_379 : f32 to vector<16xf32>
      %max3A_381 = arith.maximumf %add3A_378, %max3A_380 : vector<16xf32>
      %swap3A_382 = arith.index_cast %scan3A_351 : i32 to index
      %swap3A_383 = arith.constant 16 : index
      %swap3A_384 = tpu.vector_load %arg17[%swap3A_382, %swap3A_383] {strides = array<i32>} : memref<80x128xf32, #tpu.memory_space<vmem>>, vector<16xf32>,
      tpu.vector_store %arg17[%swap3A_382, %swap3A_383], %max3A_381 {strides = array<i32>} : memref<80x128xf32, #tpu.memory_space<vmem>>, vector<16xf32>,
      %get3A_385 = arith.index_cast %scan3A_351 : i32 to index
      %get3A_386 = arith.constant 32 : index
      %get3A_387 = tpu.vector_load %arg15[%get3A_385, %get3A_386] {strides = array<i32>} : memref<80x128xf32, #tpu.memory_space<vmem>>, vector<16xf32>,
      %get3A_388 = arith.index_cast %scan3A_351 : i32 to index
      %get3A_389 = arith.constant 32 : index
      %get3A_390 = tpu.vector_load %arg16[%get3A_388, %get3A_389] {strides = array<i32>} : memref<80x128xf32, #tpu.memory_space<vmem>>, vector<16xf32>,
      %add3A_391 = arith.addf %get3A_387, %get3A_390 : vector<16xf32>
      %mul3A_392 = vector.broadcast %squeeze3A : f32 to vector<16xf32>
      %mul3A_393 = arith.mulf %mul3A_392, %get3A_7 : vector<16xf32>
      %add3A_394 = arith.addf %add3A_391, %mul3A_393 : vector<16xf32>
      %max3A_395 = arith.constant 0.000000e+00 : f32
      %max3A_396 = vector.broadcast %max3A_395 : f32 to vector<16xf32>
      %max3A_397 = arith.maximumf %add3A_394, %max3A_396 : vector<16xf32>
      %swap3A_398 = arith.index_cast %scan3A_351 : i32 to index
      %swap3A_399 = arith.constant 32 : index
      %swap3A_400 = tpu.vector_load %arg17[%swap3A_398, %swap3A_399] {strides = array<i32>} : memref<80x128xf32, #tpu.memory_space<vmem>>, vector<16xf32>,
      tpu.vector_store %arg17[%swap3A_398, %swap3A_399], %max3A_397 {strides = array<i32>} : memref<80x128xf32, #tpu.memory_space<vmem>>, vector<16xf32>,
      %get3A_401 = arith.index_cast %scan3A_351 : i32 to index
      %get3A_402 = arith.constant 48 : index
      %get3A_403 = tpu.vector_load %arg15[%get3A_401, %get3A_402] {strides = array<i32>} : memref<80x128xf32, #tpu.memory_space<vmem>>, vector<16xf32>,
      %get3A_404 = arith.index_cast %scan3A_351 : i32 to index
      %get3A_405 = arith.constant 48 : index
      %get3A_406 = tpu.vector_load %arg16[%get3A_404, %get3A_405] {strides = array<i32>} : memref<80x128xf32, #tpu.memory_space<vmem>>, vector<16xf32>,
      %add3A_407 = arith.addf %get3A_403, %get3A_406 : vector<16xf32>
      %mul3A_408 = vector.broadcast %squeeze3A : f32 to vector<16xf32>
      %mul3A_409 = arith.mulf %mul3A_408, %get3A_9 : vector<16xf32>
      %add3A_410 = arith.addf %add3A_407, %mul3A_409 : vector<16xf32>
      %max3A_411 = arith.constant 0.000000e+00 : f32
      %max3A_412 = vector.broadcast %max3A_411 : f32 to vector<16xf32>
      %max3A_413 = arith.maximumf %add3A_410, %max3A_412 : vector<16xf32>
      %swap3A_414 = arith.index_cast %scan3A_351 : i32 to index
      %swap3A_415 = arith.constant 48 : index
      %swap3A_416 = tpu.vector_load %arg17[%swap3A_414, %swap3A_415] {strides = array<i32>} : memref<80x128xf32, #tpu.memory_space<vmem>>, vector<16xf32>,
      tpu.vector_store %arg17[%swap3A_414, %swap3A_415], %max3A_413 {strides = array<i32>} : memref<80x128xf32, #tpu.memory_space<vmem>>, vector<16xf32>,
      %get3A_417 = arith.index_cast %scan3A_351 : i32 to index
      %get3A_418 = arith.constant 64 : index
      %get3A_419 = tpu.vector_load %arg15[%get3A_417, %get3A_418] {strides = array<i32>} : memref<80x128xf32, #tpu.memory_space<vmem>>, vector<16xf32>,
      %get3A_420 = arith.index_cast %scan3A_351 : i32 to index
      %get3A_421 = arith.constant 64 : index
      %get3A_422 = tpu.vector_load %arg16[%get3A_420, %get3A_421] {strides = array<i32>} : memref<80x128xf32, #tpu.memory_space<vmem>>, vector<16xf32>,
      %add3A_423 = arith.addf %get3A_419, %get3A_422 : vector<16xf32>
      %mul3A_424 = vector.broadcast %squeeze3A : f32 to vector<16xf32>
      %mul3A_425 = arith.mulf %mul3A_424, %get3A_11 : vector<16xf32>
      %add3A_426 = arith.addf %add3A_423, %mul3A_425 : vector<16xf32>
      %max3A_427 = arith.constant 0.000000e+00 : f32
      %max3A_428 = vector.broadcast %max3A_427 : f32 to vector<16xf32>
      %max3A_429 = arith.maximumf %add3A_426, %max3A_428 : vector<16xf32>
      %swap3A_430 = arith.index_cast %scan3A_351 : i32 to index
      %swap3A_431 = arith.constant 64 : index
      %swap3A_432 = tpu.vector_load %arg17[%swap3A_430, %swap3A_431] {strides = array<i32>} : memref<80x128xf32, #tpu.memory_space<vmem>>, vector<16xf32>,
      tpu.vector_store %arg17[%swap3A_430, %swap3A_431], %max3A_429 {strides = array<i32>} : memref<80x128xf32, #tpu.memory_space<vmem>>, vector<16xf32>,
      %get3A_433 = arith.index_cast %scan3A_351 : i32 to index
      %get3A_434 = arith.constant 80 : index
      %get3A_435 = tpu.vector_load %arg15[%get3A_433, %get3A_434] {strides = array<i32>} : memref<80x128xf32, #tpu.memory_space<vmem>>, vector<16xf32>,
      %get3A_436 = arith.index_cast %scan3A_351 : i32 to index
      %get3A_437 = arith.constant 80 : index
      %get3A_438 = tpu.vector_load %arg16[%get3A_436, %get3A_437] {strides = array<i32>} : memref<80x128xf32, #tpu.memory_space<vmem>>, vector<16xf32>,
      %add3A_439 = arith.addf %get3A_435, %get3A_438 : vector<16xf32>
      %mul3A_440 = vector.broadcast %squeeze3A : f32 to vector<16xf32>
      %mul3A_441 = arith.mulf %mul3A_440, %get3A_13 : vector<16xf32>
      %add3A_442 = arith.addf %add3A_439, %mul3A_441 : vector<16xf32>
      %max3A_443 = arith.constant 0.000000e+00 : f32
      %max3A_444 = vector.broadcast %max3A_443 : f32 to vector<16xf32>
      %max3A_445 = arith.maximumf %add3A_442, %max3A_444 : vector<16xf32>
      %swap3A_446 = arith.index_cast %scan3A_351 : i32 to index
      %swap3A_447 = arith.constant 80 : index
      %swap3A_448 = tpu.vector_load %arg17[%swap3A_446, %swap3A_447] {strides = array<i32>} : memref<80x128xf32, #tpu.memory_space<vmem>>, vector<16xf32>,
      tpu.vector_store %arg17[%swap3A_446, %swap3A_447], %max3A_445 {strides = array<i32>} : memref<80x128xf32, #tpu.memory_space<vmem>>, vector<16xf32>,
      %get3A_449 = arith.index_cast %scan3A_351 : i32 to index
      %get3A_450 = arith.constant 96 : index
      %get3A_451 = tpu.vector_load %arg15[%get3A_449, %get3A_450] {strides = array<i32>} : memref<80x128xf32, #tpu.memory_space<vmem>>, vector<16xf32>,
      %get3A_452 = arith.index_cast %scan3A_351 : i32 to index
      %get3A_453 = arith.constant 96 : index
      %get3A_454 = tpu.vector_load %arg16[%get3A_452, %get3A_453] {strides = array<i32>} : memref<80x128xf32, #tpu.memory_space<vmem>>, vector<16xf32>,
      %add3A_455 = arith.addf %get3A_451, %get3A_454 : vector<16xf32>
      %mul3A_456 = vector.broadcast %squeeze3A : f32 to vector<16xf32>
      %mul3A_457 = arith.mulf %mul3A_456, %get3A_15 : vector<16xf32>
      %add3A_458 = arith.addf %add3A_455, %mul3A_457 : vector<16xf32>
      %max3A_459 = arith.constant 0.000000e+00 : f32
      %max3A_460 = vector.broadcast %max3A_459 : f32 to vector<16xf32>
      %max3A_461 = arith.maximumf %add3A_458, %max3A_460 : vector<16xf32>
      %swap3A_462 = arith.index_cast %scan3A_351 : i32 to index
      %swap3A_463 = arith.constant 96 : index
      %swap3A_464 = tpu.vector_load %arg17[%swap3A_462, %swap3A_463] {strides = array<i32>} : memref<80x128xf32, #tpu.memory_space<vmem>>, vector<16xf32>,
      tpu.vector_store %arg17[%swap3A_462, %swap3A_463], %max3A_461 {strides = array<i32>} : memref<80x128xf32, #tpu.memory_space<vmem>>, vector<16xf32>,
      %get3A_465 = arith.index_cast %scan3A_351 : i32 to index
      %get3A_466 = arith.constant 112 : index
      %get3A_467 = tpu.vector_load %arg15[%get3A_465, %get3A_466] {strides = array<i32>} : memref<80x128xf32, #tpu.memory_space<vmem>>, vector<16xf32>,
      %get3A_468 = arith.index_cast %scan3A_351 : i32 to index
      %get3A_469 = arith.constant 112 : index
      %get3A_470 = tpu.vector_load %arg16[%get3A_468, %get3A_469] {strides = array<i32>} : memref<80x128xf32, #tpu.memory_space<vmem>>, vector<16xf32>,
      %add3A_471 = arith.addf %get3A_467, %get3A_470 : vector<16xf32>
      %mul3A_472 = vector.broadcast %squeeze3A : f32 to vector<16xf32>
      %mul3A_473 = arith.mulf %mul3A_472, %get3A_17 : vector<16xf32>
      %add3A_474 = arith.addf %add3A_471, %mul3A_473 : vector<16xf32>
      %max3A_475 = arith.constant 0.000000e+00 : f32
      %max3A_476 = vector.broadcast %max3A_475 : f32 to vector<16xf32>
      %max3A_477 = arith.maximumf %add3A_474, %max3A_476 : vector<16xf32>
      %swap3A_478 = arith.index_cast %scan3A_351 : i32 to index
      %swap3A_479 = arith.constant 112 : index
      %swap3A_480 = tpu.vector_load %arg17[%swap3A_478, %swap3A_479] {strides = array<i32>} : memref<80x128xf32, #tpu.memory_space<vmem>>, vector<16xf32>,
      tpu.vector_store %arg17[%swap3A_478, %swap3A_479], %max3A_477 {strides = array<i32>} : memref<80x128xf32, #tpu.memory_space<vmem>>, vector<16xf32>,
    }
    %scan3A_340 = arith.constant 80 : i32
    %add3A_341 = arith.constant 4880 : i32
    %add3A_342 = arith.addi %mul3A_2, %add3A_341 : i32
    %dma_start3A_343 = arith.constant 0 : i32
    %dma_start3A_344 = tpu.memref_slice %arg10[%add3A_342, %dma_start3A_343] : memref<158720x128xf32, #tpu.memory_space<hbm>> -> memref<80x128xf32, #tpu.memory_space<hbm>>
    %dma_start3A_345 = arith.constant 0 : i32
    %dma_start3A_346 = tpu.memref_slice %arg10[%add3A_342, %dma_start3A_345] : memref<158720x128xf32, #tpu.memory_space<hbm>> -> memref<80x128xf32, #tpu.memory_space<hbm>>
    tpu.enqueue_dma source(%arg17 : memref<80x128xf32, #tpu.memory_space<vmem>>) target(%dma_start3A_346 : memref<80x128xf32, #tpu.memory_space<hbm>>) target_semaphore(%arg27 : memref<!tpu.dma_semaphore, #tpu.memory_space<semaphore_mem>>)
    %dma_wait3A_347 = arith.constant 0 : i32
    %dma_wait3A_348 = tpu.memref_slice %arg10[%mul3A_2, %dma_wait3A_347] : memref<158720x128xf32, #tpu.memory_space<hbm>> -> memref<80x128xf32, #tpu.memory_space<hbm>>
    %dma_wait3A_349 = arith.constant 0 : i32
    %dma_wait3A_350 = tpu.memref_slice %arg10[%mul3A_2, %dma_wait3A_349] : memref<158720x128xf32, #tpu.memory_space<hbm>> -> memref<80x128xf32, #tpu.memory_space<hbm>>
    tpu.wait_dma2 semaphore(%arg27 : memref<!tpu.dma_semaphore, #tpu.memory_space<semaphore_mem>>) src(%arg17 : memref<80x128xf32, #tpu.memory_space<vmem>>) dst(%dma_wait3A_350 : memref<80x128xf32, #tpu.memory_space<hbm>>)
    return
  }
}

#map = affine_map<(d0, d1) -> (0, 0)>
#map1 = affine_map<(d0, d1) -> (0, 0, 0)>
#map2 = affine_map<(d0, d1) -> (0)>
module attributes {stable_mosaic.version = 14 : i64} {
  func.func @_edge_pre_body(%arg0: i32, %arg1: i32, %arg2: memref<10000x128xf32, #tpu.memory_space<hbm>>, %arg3: memref<10000x128xf32, #tpu.memory_space<hbm>>, %arg4: memref<32x63x80xi32, #tpu.memory_space<hbm>>, %arg5: memref<32x63x80xi32, #tpu.memory_space<hbm>>, %arg6: memref<10000xf32, #tpu.memory_space<hbm>>, %arg7: memref<10000xf32, #tpu.memory_space<hbm>>, %arg8: memref<10000xf32, #tpu.memory_space<hbm>>, %arg9: memref<128xf32, #tpu.memory_space<hbm>>, %arg10: memref<161280x128xf32, #tpu.memory_space<hbm>>, %arg11: memref<63x80xi32, #tpu.memory_space<vmem>>, %arg12: memref<63x80xi32, #tpu.memory_space<vmem>>, %arg13: memref<80x128xf32, #tpu.memory_space<vmem>>, %arg14: memref<80x128xf32, #tpu.memory_space<vmem>>, %arg15: memref<80x128xf32, #tpu.memory_space<vmem>>, %arg16: memref<80x128xf32, #tpu.memory_space<vmem>>, %arg17: memref<80x128xf32, #tpu.memory_space<vmem>>, %arg18: memref<96xf32, #tpu.memory_space<vmem>>, %arg19: memref<10000xf32, #tpu.memory_space<vmem>>, %arg20: memref<10000xf32, #tpu.memory_space<vmem>>, %arg21: memref<10000xf32, #tpu.memory_space<vmem>>, %arg22: memref<128xf32, #tpu.memory_space<vmem>>, %arg23: memref<!tpu.dma_semaphore, #tpu.memory_space<semaphore_mem>>, %arg24: memref<!tpu.dma_semaphore, #tpu.memory_space<semaphore_mem>>, %arg25: memref<!tpu.dma_semaphore, #tpu.memory_space<semaphore_mem>>, %arg26: memref<!tpu.dma_semaphore, #tpu.memory_space<semaphore_mem>>, %arg27: memref<!tpu.dma_semaphore, #tpu.memory_space<semaphore_mem>>) attributes {dimension_semantics = [#tpu.dimension_semantics<core_parallel>, #tpu.dimension_semantics<subcore_parallel>], iteration_bounds = array<i64: 2, 16>, scalar_prefetch = 0 : i64, scratch_operands = 17 : i64, tpu.core_type = #tpu.core_type<sc_vector_subcore>, window_params = [{transform_indices = #map}, {transform_indices = #map}, {transform_indices = #map1}, {transform_indices = #map1}, {transform_indices = #map2}, {transform_indices = #map2}, {transform_indices = #map2}, {transform_indices = #map2}, {transform_indices = #map}]} {
    %mul3A = arith.constant 2 : i32
    %mul3A_0 = arith.muli %arg1, %mul3A : i32
    %add3A = arith.addi %mul3A_0, %arg0 : i32
    %mul3A_1 = arith.constant 5040 : i32
    %mul3A_2 = arith.muli %add3A, %mul3A_1 : i32
    "tpu.region"() ({
      %run_scoped3A = tpu.sem_alloc : memref<!tpu.dma_semaphore, #tpu.memory_space<semaphore_mem>>
      %dma_start3A_187 = arith.constant 0 : i32
      %dma_start3A_188 = arith.constant 0 : i32
      %dma_start3A_189 = tpu.memref_slice %arg4[%add3A, %dma_start3A_187, %dma_start3A_188] : memref<32x63x80xi32, #tpu.memory_space<hbm>> -> memref<1x63x80xi32, #tpu.memory_space<hbm>>
      %dma_start3A_190 = tpu.memref_squeeze %dma_start3A_189 : memref<1x63x80xi32, #tpu.memory_space<hbm>> -> memref<63x80xi32, #tpu.memory_space<hbm>>
      %dma_start3A_191 = arith.constant 0 : i32
      %dma_start3A_192 = arith.constant 0 : i32
      %dma_start3A_193 = tpu.memref_slice %arg4[%add3A, %dma_start3A_191, %dma_start3A_192] : memref<32x63x80xi32, #tpu.memory_space<hbm>> -> memref<1x63x80xi32, #tpu.memory_space<hbm>>
      %dma_start3A_194 = tpu.memref_squeeze %dma_start3A_193 : memref<1x63x80xi32, #tpu.memory_space<hbm>> -> memref<63x80xi32, #tpu.memory_space<hbm>>
      tpu.enqueue_dma source(%dma_start3A_194 : memref<63x80xi32, #tpu.memory_space<hbm>>) target(%arg11 : memref<63x80xi32, #tpu.memory_space<vmem>>) target_semaphore(%run_scoped3A : memref<!tpu.dma_semaphore, #tpu.memory_space<semaphore_mem>>)
      %dma_wait3A_195 = arith.constant 0 : i32
      %dma_wait3A_196 = arith.constant 0 : i32
      %dma_wait3A_197 = tpu.memref_slice %arg4[%add3A, %dma_wait3A_195, %dma_wait3A_196] : memref<32x63x80xi32, #tpu.memory_space<hbm>> -> memref<1x63x80xi32, #tpu.memory_space<hbm>>
      %dma_wait3A_198 = tpu.memref_squeeze %dma_wait3A_197 : memref<1x63x80xi32, #tpu.memory_space<hbm>> -> memref<63x80xi32, #tpu.memory_space<hbm>>
      %dma_wait3A_199 = arith.constant 0 : i32
      %dma_wait3A_200 = arith.constant 0 : i32
      %dma_wait3A_201 = tpu.memref_slice %arg4[%add3A, %dma_wait3A_199, %dma_wait3A_200] : memref<32x63x80xi32, #tpu.memory_space<hbm>> -> memref<1x63x80xi32, #tpu.memory_space<hbm>>
      %dma_wait3A_202 = tpu.memref_squeeze %dma_wait3A_201 : memref<1x63x80xi32, #tpu.memory_space<hbm>> -> memref<63x80xi32, #tpu.memory_space<hbm>>
      tpu.wait_dma2 semaphore(%run_scoped3A : memref<!tpu.dma_semaphore, #tpu.memory_space<semaphore_mem>>) src(%dma_wait3A_202 : memref<63x80xi32, #tpu.memory_space<hbm>>) dst(%arg11 : memref<63x80xi32, #tpu.memory_space<vmem>>)
      tpu.yield
    }) : () -> ()
    "tpu.region"() ({
      %run_scoped3A = tpu.sem_alloc : memref<!tpu.dma_semaphore, #tpu.memory_space<semaphore_mem>>
      %dma_start3A_187 = arith.constant 0 : i32
      %dma_start3A_188 = arith.constant 0 : i32
      %dma_start3A_189 = tpu.memref_slice %arg5[%add3A, %dma_start3A_187, %dma_start3A_188] : memref<32x63x80xi32, #tpu.memory_space<hbm>> -> memref<1x63x80xi32, #tpu.memory_space<hbm>>
      %dma_start3A_190 = tpu.memref_squeeze %dma_start3A_189 : memref<1x63x80xi32, #tpu.memory_space<hbm>> -> memref<63x80xi32, #tpu.memory_space<hbm>>
      %dma_start3A_191 = arith.constant 0 : i32
      %dma_start3A_192 = arith.constant 0 : i32
      %dma_start3A_193 = tpu.memref_slice %arg5[%add3A, %dma_start3A_191, %dma_start3A_192] : memref<32x63x80xi32, #tpu.memory_space<hbm>> -> memref<1x63x80xi32, #tpu.memory_space<hbm>>
      %dma_start3A_194 = tpu.memref_squeeze %dma_start3A_193 : memref<1x63x80xi32, #tpu.memory_space<hbm>> -> memref<63x80xi32, #tpu.memory_space<hbm>>
      tpu.enqueue_dma source(%dma_start3A_194 : memref<63x80xi32, #tpu.memory_space<hbm>>) target(%arg12 : memref<63x80xi32, #tpu.memory_space<vmem>>) target_semaphore(%run_scoped3A : memref<!tpu.dma_semaphore, #tpu.memory_space<semaphore_mem>>)
      %dma_wait3A_195 = arith.constant 0 : i32
      %dma_wait3A_196 = arith.constant 0 : i32
      %dma_wait3A_197 = tpu.memref_slice %arg5[%add3A, %dma_wait3A_195, %dma_wait3A_196] : memref<32x63x80xi32, #tpu.memory_space<hbm>> -> memref<1x63x80xi32, #tpu.memory_space<hbm>>
      %dma_wait3A_198 = tpu.memref_squeeze %dma_wait3A_197 : memref<1x63x80xi32, #tpu.memory_space<hbm>> -> memref<63x80xi32, #tpu.memory_space<hbm>>
      %dma_wait3A_199 = arith.constant 0 : i32
      %dma_wait3A_200 = arith.constant 0 : i32
      %dma_wait3A_201 = tpu.memref_slice %arg5[%add3A, %dma_wait3A_199, %dma_wait3A_200] : memref<32x63x80xi32, #tpu.memory_space<hbm>> -> memref<1x63x80xi32, #tpu.memory_space<hbm>>
      %dma_wait3A_202 = tpu.memref_squeeze %dma_wait3A_201 : memref<1x63x80xi32, #tpu.memory_space<hbm>> -> memref<63x80xi32, #tpu.memory_space<hbm>>
      tpu.wait_dma2 semaphore(%run_scoped3A : memref<!tpu.dma_semaphore, #tpu.memory_space<semaphore_mem>>) src(%dma_wait3A_202 : memref<63x80xi32, #tpu.memory_space<hbm>>) dst(%arg12 : memref<63x80xi32, #tpu.memory_space<vmem>>)
      tpu.yield
    }) : () -> ()
    "tpu.region"() ({
      %run_scoped3A = tpu.sem_alloc : memref<!tpu.dma_semaphore, #tpu.memory_space<semaphore_mem>>
      tpu.enqueue_dma source(%arg6 : memref<10000xf32, #tpu.memory_space<hbm>>) target(%arg19 : memref<10000xf32, #tpu.memory_space<vmem>>) target_semaphore(%run_scoped3A : memref<!tpu.dma_semaphore, #tpu.memory_space<semaphore_mem>>)
      tpu.wait_dma2 semaphore(%run_scoped3A : memref<!tpu.dma_semaphore, #tpu.memory_space<semaphore_mem>>) src(%arg6 : memref<10000xf32, #tpu.memory_space<hbm>>) dst(%arg19 : memref<10000xf32, #tpu.memory_space<vmem>>)
      tpu.yield
    }) : () -> ()
    "tpu.region"() ({
      %run_scoped3A = tpu.sem_alloc : memref<!tpu.dma_semaphore, #tpu.memory_space<semaphore_mem>>
      tpu.enqueue_dma source(%arg7 : memref<10000xf32, #tpu.memory_space<hbm>>) target(%arg20 : memref<10000xf32, #tpu.memory_space<vmem>>) target_semaphore(%run_scoped3A : memref<!tpu.dma_semaphore, #tpu.memory_space<semaphore_mem>>)
      tpu.wait_dma2 semaphore(%run_scoped3A : memref<!tpu.dma_semaphore, #tpu.memory_space<semaphore_mem>>) src(%arg7 : memref<10000xf32, #tpu.memory_space<hbm>>) dst(%arg20 : memref<10000xf32, #tpu.memory_space<vmem>>)
      tpu.yield
    }) : () -> ()
    "tpu.region"() ({
      %run_scoped3A = tpu.sem_alloc : memref<!tpu.dma_semaphore, #tpu.memory_space<semaphore_mem>>
      tpu.enqueue_dma source(%arg8 : memref<10000xf32, #tpu.memory_space<hbm>>) target(%arg21 : memref<10000xf32, #tpu.memory_space<vmem>>) target_semaphore(%run_scoped3A : memref<!tpu.dma_semaphore, #tpu.memory_space<semaphore_mem>>)
      tpu.wait_dma2 semaphore(%run_scoped3A : memref<!tpu.dma_semaphore, #tpu.memory_space<semaphore_mem>>) src(%arg8 : memref<10000xf32, #tpu.memory_space<hbm>>) dst(%arg21 : memref<10000xf32, #tpu.memory_space<vmem>>)
      tpu.yield
    }) : () -> ()
    "tpu.region"() ({
      %run_scoped3A = tpu.sem_alloc : memref<!tpu.dma_semaphore, #tpu.memory_space<semaphore_mem>>
      tpu.enqueue_dma source(%arg9 : memref<128xf32, #tpu.memory_space<hbm>>) target(%arg22 : memref<128xf32, #tpu.memory_space<vmem>>) target_semaphore(%run_scoped3A : memref<!tpu.dma_semaphore, #tpu.memory_space<semaphore_mem>>)
      tpu.wait_dma2 semaphore(%run_scoped3A : memref<!tpu.dma_semaphore, #tpu.memory_space<semaphore_mem>>) src(%arg9 : memref<128xf32, #tpu.memory_space<hbm>>) dst(%arg22 : memref<128xf32, #tpu.memory_space<vmem>>)
      tpu.yield
    }) : () -> ()
    %get3A = arith.constant 0 : index
    %get3A_3 = tpu.vector_load %arg22[%get3A] {strides = array<i32>} : memref<128xf32, #tpu.memory_space<vmem>>, vector<16xf32>,
    %get3A_4 = arith.constant 16 : index
    %get3A_5 = tpu.vector_load %arg22[%get3A_4] {strides = array<i32>} : memref<128xf32, #tpu.memory_space<vmem>>, vector<16xf32>,
    %get3A_6 = arith.constant 32 : index
    %get3A_7 = tpu.vector_load %arg22[%get3A_6] {strides = array<i32>} : memref<128xf32, #tpu.memory_space<vmem>>, vector<16xf32>,
    %get3A_8 = arith.constant 48 : index
    %get3A_9 = tpu.vector_load %arg22[%get3A_8] {strides = array<i32>} : memref<128xf32, #tpu.memory_space<vmem>>, vector<16xf32>,
    %get3A_10 = arith.constant 64 : index
    %get3A_11 = tpu.vector_load %arg22[%get3A_10] {strides = array<i32>} : memref<128xf32, #tpu.memory_space<vmem>>, vector<16xf32>,
    %get3A_12 = arith.constant 80 : index
    %get3A_13 = tpu.vector_load %arg22[%get3A_12] {strides = array<i32>} : memref<128xf32, #tpu.memory_space<vmem>>, vector<16xf32>,
    %get3A_14 = arith.constant 96 : index
    %get3A_15 = tpu.vector_load %arg22[%get3A_14] {strides = array<i32>} : memref<128xf32, #tpu.memory_space<vmem>>, vector<16xf32>,
    %get3A_16 = arith.constant 112 : index
    %get3A_17 = tpu.vector_load %arg22[%get3A_16] {strides = array<i32>} : memref<128xf32, #tpu.memory_space<vmem>>, vector<16xf32>,
    %dma_start3A = arith.constant 0 : i32
    %dma_start3A_18 = arith.constant 0 : i32
    %dma_start3A_19 = tpu.memref_slice %arg11[%dma_start3A, %dma_start3A_18] : memref<63x80xi32, #tpu.memory_space<vmem>> -> memref<1x80xi32, #tpu.memory_space<vmem>>
    %dma_start3A_20 = tpu.memref_squeeze %dma_start3A_19 : memref<1x80xi32, #tpu.memory_space<vmem>> -> memref<80xi32, #tpu.memory_space<vmem>>
    %dma_start3A_21 = arith.constant 0 : i32
    %dma_start3A_22 = arith.constant 0 : i32
    %dma_start3A_23 = tpu.memref_slice %arg2[%dma_start3A_21, %dma_start3A_22] : memref<10000x128xf32, #tpu.memory_space<hbm>> -> memref<10000x128xf32, #tpu.memory_space<hbm>>
    tpu.enqueue_indirect_dma source(%dma_start3A_23 : memref<10000x128xf32, #tpu.memory_space<hbm>>) target(%arg13 : memref<80x128xf32, #tpu.memory_space<vmem>>) offsets(%dma_start3A_20 : memref<80xi32, #tpu.memory_space<vmem>>) semaphore(%arg23 : memref<!tpu.dma_semaphore, #tpu.memory_space<semaphore_mem>>)
    %dma_start3A_24 = arith.constant 0 : i32
    %dma_start3A_25 = arith.constant 0 : i32
    %dma_start3A_26 = tpu.memref_slice %arg12[%dma_start3A_24, %dma_start3A_25] : memref<63x80xi32, #tpu.memory_space<vmem>> -> memref<1x80xi32, #tpu.memory_space<vmem>>
    %dma_start3A_27 = tpu.memref_squeeze %dma_start3A_26 : memref<1x80xi32, #tpu.memory_space<vmem>> -> memref<80xi32, #tpu.memory_space<vmem>>
    %dma_start3A_28 = arith.constant 0 : i32
    %dma_start3A_29 = arith.constant 0 : i32
    %dma_start3A_30 = tpu.memref_slice %arg3[%dma_start3A_28, %dma_start3A_29] : memref<10000x128xf32, #tpu.memory_space<hbm>> -> memref<10000x128xf32, #tpu.memory_space<hbm>>
    tpu.enqueue_indirect_dma source(%dma_start3A_30 : memref<10000x128xf32, #tpu.memory_space<hbm>>) target(%arg14 : memref<80x128xf32, #tpu.memory_space<vmem>>) offsets(%dma_start3A_27 : memref<80xi32, #tpu.memory_space<vmem>>) semaphore(%arg24 : memref<!tpu.dma_semaphore, #tpu.memory_space<semaphore_mem>>)
    %scan3A = arith.constant 0 : i32
    %scan3A_31 = arith.constant 0 : i32
    %scan3A_32 = arith.constant 31 : i32
    %scan3A_33 = arith.addi %scan3A_31, %scan3A_32 : i32
    %scan3A_34 = arith.constant 1 : i32
    scf.for %scan3A_187 = %scan3A_31 to %scan3A_33 step %scan3A_34  : i32 {
      %mul3A_188 = arith.constant 2 : i32
      %mul3A_189 = arith.muli %mul3A_188, %scan3A_187 : i32
      %add3A_190 = arith.constant 1 : i32
      %add3A_191 = arith.addi %mul3A_189, %add3A_190 : i32
      %dma_start3A_192 = arith.constant 0 : i32
      %dma_start3A_193 = tpu.memref_slice %arg11[%add3A_191, %dma_start3A_192] : memref<63x80xi32, #tpu.memory_space<vmem>> -> memref<1x80xi32, #tpu.memory_space<vmem>>
      %dma_start3A_194 = tpu.memref_squeeze %dma_start3A_193 : memref<1x80xi32, #tpu.memory_space<vmem>> -> memref<80xi32, #tpu.memory_space<vmem>>
      %dma_start3A_195 = arith.constant 0 : i32
      %dma_start3A_196 = arith.constant 0 : i32
      %dma_start3A_197 = tpu.memref_slice %arg2[%dma_start3A_195, %dma_start3A_196] : memref<10000x128xf32, #tpu.memory_space<hbm>> -> memref<10000x128xf32, #tpu.memory_space<hbm>>
      tpu.enqueue_indirect_dma source(%dma_start3A_197 : memref<10000x128xf32, #tpu.memory_space<hbm>>) target(%arg15 : memref<80x128xf32, #tpu.memory_space<vmem>>) offsets(%dma_start3A_194 : memref<80xi32, #tpu.memory_space<vmem>>) semaphore(%arg25 : memref<!tpu.dma_semaphore, #tpu.memory_space<semaphore_mem>>)
      %dma_start3A_198 = arith.constant 0 : i32
      %dma_start3A_199 = tpu.memref_slice %arg12[%add3A_191, %dma_start3A_198] : memref<63x80xi32, #tpu.memory_space<vmem>> -> memref<1x80xi32, #tpu.memory_space<vmem>>
      %dma_start3A_200 = tpu.memref_squeeze %dma_start3A_199 : memref<1x80xi32, #tpu.memory_space<vmem>> -> memref<80xi32, #tpu.memory_space<vmem>>
      %dma_start3A_201 = arith.constant 0 : i32
      %dma_start3A_202 = arith.constant 0 : i32
      %dma_start3A_203 = tpu.memref_slice %arg3[%dma_start3A_201, %dma_start3A_202] : memref<10000x128xf32, #tpu.memory_space<hbm>> -> memref<10000x128xf32, #tpu.memory_space<hbm>>
      tpu.enqueue_indirect_dma source(%dma_start3A_203 : memref<10000x128xf32, #tpu.memory_space<hbm>>) target(%arg16 : memref<80x128xf32, #tpu.memory_space<vmem>>) offsets(%dma_start3A_200 : memref<80xi32, #tpu.memory_space<vmem>>) semaphore(%arg26 : memref<!tpu.dma_semaphore, #tpu.memory_space<semaphore_mem>>)
      %dma_wait3A_204 = arith.constant 0 : i32
      %dma_wait3A_205 = arith.constant 0 : i32
      %dma_wait3A_206 = tpu.memref_slice %arg11[%dma_wait3A_204, %dma_wait3A_205] : memref<63x80xi32, #tpu.memory_space<vmem>> -> memref<1x80xi32, #tpu.memory_space<vmem>>
      %dma_wait3A_207 = tpu.memref_squeeze %dma_wait3A_206 : memref<1x80xi32, #tpu.memory_space<vmem>> -> memref<80xi32, #tpu.memory_space<vmem>>
      %dma_wait3A_208 = arith.constant 0 : i32
      %dma_wait3A_209 = arith.constant 0 : i32
      %dma_wait3A_210 = tpu.memref_slice %arg2[%dma_wait3A_208, %dma_wait3A_209] : memref<10000x128xf32, #tpu.memory_space<hbm>> -> memref<10000x128xf32, #tpu.memory_space<hbm>>
      tpu.wait_indirect_dma semaphore(%arg23 : memref<!tpu.dma_semaphore, #tpu.memory_space<semaphore_mem>>) src(%dma_wait3A_210 : memref<10000x128xf32, #tpu.memory_space<hbm>>) dst(%arg13 : memref<80x128xf32, #tpu.memory_space<vmem>>)
      %dma_wait3A_211 = arith.constant 0 : i32
      %dma_wait3A_212 = arith.constant 0 : i32
      %dma_wait3A_213 = tpu.memref_slice %arg12[%dma_wait3A_211, %dma_wait3A_212] : memref<63x80xi32, #tpu.memory_space<vmem>> -> memref<1x80xi32, #tpu.memory_space<vmem>>
      %dma_wait3A_214 = tpu.memref_squeeze %dma_wait3A_213 : memref<1x80xi32, #tpu.memory_space<vmem>> -> memref<80xi32, #tpu.memory_space<vmem>>
      %dma_wait3A_215 = arith.constant 0 : i32
      %dma_wait3A_216 = arith.constant 0 : i32
      %dma_wait3A_217 = tpu.memref_slice %arg3[%dma_wait3A_215, %dma_wait3A_216] : memref<10000x128xf32, #tpu.memory_space<hbm>> -> memref<10000x128xf32, #tpu.memory_space<hbm>>
      tpu.wait_indirect_dma semaphore(%arg24 : memref<!tpu.dma_semaphore, #tpu.memory_space<semaphore_mem>>) src(%dma_wait3A_217 : memref<10000x128xf32, #tpu.memory_space<hbm>>) dst(%arg14 : memref<80x128xf32, #tpu.memory_space<vmem>>)
      %get3A_218 = arith.index_cast %mul3A_189 : i32 to index
      %get3A_219 = arith.constant 0 : index
      %get3A_220 = tpu.vector_load %arg11[%get3A_218, %get3A_219] {strides = array<i32>} : memref<63x80xi32, #tpu.memory_space<vmem>>, vector<16xi32>,
      %get3A_221 = arith.index_cast %mul3A_189 : i32 to index
      %get3A_222 = arith.constant 0 : index
      %get3A_223 = tpu.vector_load %arg12[%get3A_221, %get3A_222] {strides = array<i32>} : memref<63x80xi32, #tpu.memory_space<vmem>>, vector<16xi32>,
      %gather3A_224 = tpu.vector_load_idx %arg19[%get3A_220] : memref<10000xf32, #tpu.memory_space<vmem>>[vector<16xi32>], vector<16xf32>,
      %gather3A_225 = tpu.vector_load_idx %arg19[%get3A_223] : memref<10000xf32, #tpu.memory_space<vmem>>[vector<16xi32>], vector<16xf32>,
      %gather3A_226 = tpu.vector_load_idx %arg20[%get3A_220] : memref<10000xf32, #tpu.memory_space<vmem>>[vector<16xi32>], vector<16xf32>,
      %gather3A_227 = tpu.vector_load_idx %arg20[%get3A_223] : memref<10000xf32, #tpu.memory_space<vmem>>[vector<16xi32>], vector<16xf32>,
      %gather3A_228 = tpu.vector_load_idx %arg21[%get3A_220] : memref<10000xf32, #tpu.memory_space<vmem>>[vector<16xi32>], vector<16xf32>,
      %gather3A_229 = tpu.vector_load_idx %arg21[%get3A_223] : memref<10000xf32, #tpu.memory_space<vmem>>[vector<16xi32>], vector<16xf32>,
      %mul3A_230 = arith.mulf %gather3A_224, %gather3A_225 : vector<16xf32>
      %mul3A_231 = arith.mulf %gather3A_226, %gather3A_227 : vector<16xf32>
      %add3A_232 = arith.addf %mul3A_230, %mul3A_231 : vector<16xf32>
      %mul3A_233 = arith.mulf %gather3A_228, %gather3A_229 : vector<16xf32>
      %add3A_234 = arith.addf %add3A_232, %mul3A_233 : vector<16xf32>
      %mul3A_235 = arith.constant -2.000000e+00 : f32
      %mul3A_236 = vector.broadcast %mul3A_235 : f32 to vector<16xf32>
      %mul3A_237 = arith.mulf %mul3A_236, %add3A_234 : vector<16xf32>
      %swap3A_238 = arith.constant 0 : index
      %swap3A_239 = tpu.vector_load %arg18[%swap3A_238] {strides = array<i32>} : memref<96xf32, #tpu.memory_space<vmem>>, vector<16xf32>,
      tpu.vector_store %arg18[%swap3A_238], %mul3A_237 {strides = array<i32>} : memref<96xf32, #tpu.memory_space<vmem>>, vector<16xf32>,
      %get3A_240 = arith.index_cast %mul3A_189 : i32 to index
      %get3A_241 = arith.constant 16 : index
      %get3A_242 = tpu.vector_load %arg11[%get3A_240, %get3A_241] {strides = array<i32>} : memref<63x80xi32, #tpu.memory_space<vmem>>, vector<16xi32>,
      %get3A_243 = arith.index_cast %mul3A_189 : i32 to index
      %get3A_244 = arith.constant 16 : index
      %get3A_245 = tpu.vector_load %arg12[%get3A_243, %get3A_244] {strides = array<i32>} : memref<63x80xi32, #tpu.memory_space<vmem>>, vector<16xi32>,
      %gather3A_246 = tpu.vector_load_idx %arg19[%get3A_242] : memref<10000xf32, #tpu.memory_space<vmem>>[vector<16xi32>], vector<16xf32>,
      %gather3A_247 = tpu.vector_load_idx %arg19[%get3A_245] : memref<10000xf32, #tpu.memory_space<vmem>>[vector<16xi32>], vector<16xf32>,
      %gather3A_248 = tpu.vector_load_idx %arg20[%get3A_242] : memref<10000xf32, #tpu.memory_space<vmem>>[vector<16xi32>], vector<16xf32>,
      %gather3A_249 = tpu.vector_load_idx %arg20[%get3A_245] : memref<10000xf32, #tpu.memory_space<vmem>>[vector<16xi32>], vector<16xf32>,
      %gather3A_250 = tpu.vector_load_idx %arg21[%get3A_242] : memref<10000xf32, #tpu.memory_space<vmem>>[vector<16xi32>], vector<16xf32>,
      %gather3A_251 = tpu.vector_load_idx %arg21[%get3A_245] : memref<10000xf32, #tpu.memory_space<vmem>>[vector<16xi32>], vector<16xf32>,
      %mul3A_252 = arith.mulf %gather3A_246, %gather3A_247 : vector<16xf32>
      %mul3A_253 = arith.mulf %gather3A_248, %gather3A_249 : vector<16xf32>
      %add3A_254 = arith.addf %mul3A_252, %mul3A_253 : vector<16xf32>
      %mul3A_255 = arith.mulf %gather3A_250, %gather3A_251 : vector<16xf32>
      %add3A_256 = arith.addf %add3A_254, %mul3A_255 : vector<16xf32>
      %mul3A_257 = arith.constant -2.000000e+00 : f32
      %mul3A_258 = vector.broadcast %mul3A_257 : f32 to vector<16xf32>
      %mul3A_259 = arith.mulf %mul3A_258, %add3A_256 : vector<16xf32>
      %swap3A_260 = arith.constant 16 : index
      %swap3A_261 = tpu.vector_load %arg18[%swap3A_260] {strides = array<i32>} : memref<96xf32, #tpu.memory_space<vmem>>, vector<16xf32>,
      tpu.vector_store %arg18[%swap3A_260], %mul3A_259 {strides = array<i32>} : memref<96xf32, #tpu.memory_space<vmem>>, vector<16xf32>,
      %get3A_262 = arith.index_cast %mul3A_189 : i32 to index
      %get3A_263 = arith.constant 32 : index
      %get3A_264 = tpu.vector_load %arg11[%get3A_262, %get3A_263] {strides = array<i32>} : memref<63x80xi32, #tpu.memory_space<vmem>>, vector<16xi32>,
      %get3A_265 = arith.index_cast %mul3A_189 : i32 to index
      %get3A_266 = arith.constant 32 : index
      %get3A_267 = tpu.vector_load %arg12[%get3A_265, %get3A_266] {strides = array<i32>} : memref<63x80xi32, #tpu.memory_space<vmem>>, vector<16xi32>,
      %gather3A_268 = tpu.vector_load_idx %arg19[%get3A_264] : memref<10000xf32, #tpu.memory_space<vmem>>[vector<16xi32>], vector<16xf32>,
      %gather3A_269 = tpu.vector_load_idx %arg19[%get3A_267] : memref<10000xf32, #tpu.memory_space<vmem>>[vector<16xi32>], vector<16xf32>,
      %gather3A_270 = tpu.vector_load_idx %arg20[%get3A_264] : memref<10000xf32, #tpu.memory_space<vmem>>[vector<16xi32>], vector<16xf32>,
      %gather3A_271 = tpu.vector_load_idx %arg20[%get3A_267] : memref<10000xf32, #tpu.memory_space<vmem>>[vector<16xi32>], vector<16xf32>,
      %gather3A_272 = tpu.vector_load_idx %arg21[%get3A_264] : memref<10000xf32, #tpu.memory_space<vmem>>[vector<16xi32>], vector<16xf32>,
      %gather3A_273 = tpu.vector_load_idx %arg21[%get3A_267] : memref<10000xf32, #tpu.memory_space<vmem>>[vector<16xi32>], vector<16xf32>,
      %mul3A_274 = arith.mulf %gather3A_268, %gather3A_269 : vector<16xf32>
      %mul3A_275 = arith.mulf %gather3A_270, %gather3A_271 : vector<16xf32>
      %add3A_276 = arith.addf %mul3A_274, %mul3A_275 : vector<16xf32>
      %mul3A_277 = arith.mulf %gather3A_272, %gather3A_273 : vector<16xf32>
      %add3A_278 = arith.addf %add3A_276, %mul3A_277 : vector<16xf32>
      %mul3A_279 = arith.constant -2.000000e+00 : f32
      %mul3A_280 = vector.broadcast %mul3A_279 : f32 to vector<16xf32>
      %mul3A_281 = arith.mulf %mul3A_280, %add3A_278 : vector<16xf32>
      %swap3A_282 = arith.constant 32 : index
      %swap3A_283 = tpu.vector_load %arg18[%swap3A_282] {strides = array<i32>} : memref<96xf32, #tpu.memory_space<vmem>>, vector<16xf32>,
      tpu.vector_store %arg18[%swap3A_282], %mul3A_281 {strides = array<i32>} : memref<96xf32, #tpu.memory_space<vmem>>, vector<16xf32>,
      %get3A_284 = arith.index_cast %mul3A_189 : i32 to index
      %get3A_285 = arith.constant 48 : index
      %get3A_286 = tpu.vector_load %arg11[%get3A_284, %get3A_285] {strides = array<i32>} : memref<63x80xi32, #tpu.memory_space<vmem>>, vector<16xi32>,
      %get3A_287 = arith.index_cast %mul3A_189 : i32 to index
      %get3A_288 = arith.constant 48 : index
      %get3A_289 = tpu.vector_load %arg12[%get3A_287, %get3A_288] {strides = array<i32>} : memref<63x80xi32, #tpu.memory_space<vmem>>, vector<16xi32>,
      %gather3A_290 = tpu.vector_load_idx %arg19[%get3A_286] : memref<10000xf32, #tpu.memory_space<vmem>>[vector<16xi32>], vector<16xf32>,
      %gather3A_291 = tpu.vector_load_idx %arg19[%get3A_289] : memref<10000xf32, #tpu.memory_space<vmem>>[vector<16xi32>], vector<16xf32>,
      %gather3A_292 = tpu.vector_load_idx %arg20[%get3A_286] : memref<10000xf32, #tpu.memory_space<vmem>>[vector<16xi32>], vector<16xf32>,
      %gather3A_293 = tpu.vector_load_idx %arg20[%get3A_289] : memref<10000xf32, #tpu.memory_space<vmem>>[vector<16xi32>], vector<16xf32>,
      %gather3A_294 = tpu.vector_load_idx %arg21[%get3A_286] : memref<10000xf32, #tpu.memory_space<vmem>>[vector<16xi32>], vector<16xf32>,
      %gather3A_295 = tpu.vector_load_idx %arg21[%get3A_289] : memref<10000xf32, #tpu.memory_space<vmem>>[vector<16xi32>], vector<16xf32>,
      %mul3A_296 = arith.mulf %gather3A_290, %gather3A_291 : vector<16xf32>
      %mul3A_297 = arith.mulf %gather3A_292, %gather3A_293 : vector<16xf32>
      %add3A_298 = arith.addf %mul3A_296, %mul3A_297 : vector<16xf32>
      %mul3A_299 = arith.mulf %gather3A_294, %gather3A_295 : vector<16xf32>
      %add3A_300 = arith.addf %add3A_298, %mul3A_299 : vector<16xf32>
      %mul3A_301 = arith.constant -2.000000e+00 : f32
      %mul3A_302 = vector.broadcast %mul3A_301 : f32 to vector<16xf32>
      %mul3A_303 = arith.mulf %mul3A_302, %add3A_300 : vector<16xf32>
      %swap3A_304 = arith.constant 48 : index
      %swap3A_305 = tpu.vector_load %arg18[%swap3A_304] {strides = array<i32>} : memref<96xf32, #tpu.memory_space<vmem>>, vector<16xf32>,
      tpu.vector_store %arg18[%swap3A_304], %mul3A_303 {strides = array<i32>} : memref<96xf32, #tpu.memory_space<vmem>>, vector<16xf32>,
      %get3A_306 = arith.index_cast %mul3A_189 : i32 to index
      %get3A_307 = arith.constant 64 : index
      %get3A_308 = tpu.vector_load %arg11[%get3A_306, %get3A_307] {strides = array<i32>} : memref<63x80xi32, #tpu.memory_space<vmem>>, vector<16xi32>,
      %get3A_309 = arith.index_cast %mul3A_189 : i32 to index
      %get3A_310 = arith.constant 64 : index
      %get3A_311 = tpu.vector_load %arg12[%get3A_309, %get3A_310] {strides = array<i32>} : memref<63x80xi32, #tpu.memory_space<vmem>>, vector<16xi32>,
      %gather3A_312 = tpu.vector_load_idx %arg19[%get3A_308] : memref<10000xf32, #tpu.memory_space<vmem>>[vector<16xi32>], vector<16xf32>,
      %gather3A_313 = tpu.vector_load_idx %arg19[%get3A_311] : memref<10000xf32, #tpu.memory_space<vmem>>[vector<16xi32>], vector<16xf32>,
      %gather3A_314 = tpu.vector_load_idx %arg20[%get3A_308] : memref<10000xf32, #tpu.memory_space<vmem>>[vector<16xi32>], vector<16xf32>,
      %gather3A_315 = tpu.vector_load_idx %arg20[%get3A_311] : memref<10000xf32, #tpu.memory_space<vmem>>[vector<16xi32>], vector<16xf32>,
      %gather3A_316 = tpu.vector_load_idx %arg21[%get3A_308] : memref<10000xf32, #tpu.memory_space<vmem>>[vector<16xi32>], vector<16xf32>,
      %gather3A_317 = tpu.vector_load_idx %arg21[%get3A_311] : memref<10000xf32, #tpu.memory_space<vmem>>[vector<16xi32>], vector<16xf32>,
      %mul3A_318 = arith.mulf %gather3A_312, %gather3A_313 : vector<16xf32>
      %mul3A_319 = arith.mulf %gather3A_314, %gather3A_315 : vector<16xf32>
      %add3A_320 = arith.addf %mul3A_318, %mul3A_319 : vector<16xf32>
      %mul3A_321 = arith.mulf %gather3A_316, %gather3A_317 : vector<16xf32>
      %add3A_322 = arith.addf %add3A_320, %mul3A_321 : vector<16xf32>
      %mul3A_323 = arith.constant -2.000000e+00 : f32
      %mul3A_324 = vector.broadcast %mul3A_323 : f32 to vector<16xf32>
      %mul3A_325 = arith.mulf %mul3A_324, %add3A_322 : vector<16xf32>
      %swap3A_326 = arith.constant 64 : index
      %swap3A_327 = tpu.vector_load %arg18[%swap3A_326] {strides = array<i32>} : memref<96xf32, #tpu.memory_space<vmem>>, vector<16xf32>,
      tpu.vector_store %arg18[%swap3A_326], %mul3A_325 {strides = array<i32>} : memref<96xf32, #tpu.memory_space<vmem>>, vector<16xf32>,
      %gt3A = arith.constant 0 : i32
      %gt3A_328 = arith.cmpi sgt, %mul3A_189, %gt3A : i32
      %convert_element_type3A = arith.extui %gt3A_328 : i1 to i32
      %cond3A = arith.constant 0 : i32
      %cond3A_329 = arith.cmpi ne, %convert_element_type3A, %cond3A : i32
      scf.if %cond3A_329 {
        %dma_wait3A_501 = arith.constant 0 : i32
        %dma_wait3A_502 = tpu.memref_slice %arg10[%mul3A_2, %dma_wait3A_501] : memref<161280x128xf32, #tpu.memory_space<hbm>> -> memref<80x128xf32, #tpu.memory_space<hbm>>
        %dma_wait3A_503 = arith.constant 0 : i32
        %dma_wait3A_504 = tpu.memref_slice %arg10[%mul3A_2, %dma_wait3A_503] : memref<161280x128xf32, #tpu.memory_space<hbm>> -> memref<80x128xf32, #tpu.memory_space<hbm>>
        tpu.wait_dma2 semaphore(%arg27 : memref<!tpu.dma_semaphore, #tpu.memory_space<semaphore_mem>>) src(%arg17 : memref<80x128xf32, #tpu.memory_space<vmem>>) dst(%dma_wait3A_504 : memref<80x128xf32, #tpu.memory_space<hbm>>)
      } else {
      }
      %scan3A_330 = arith.constant 0 : i32
      %scan3A_331 = arith.constant 0 : i32
      %scan3A_332 = arith.constant 80 : i32
      %scan3A_333 = arith.addi %scan3A_331, %scan3A_332 : i32
      %scan3A_334 = arith.constant 1 : i32
      scf.for %scan3A_501 = %scan3A_331 to %scan3A_333 step %scan3A_334  : i32 {
        %get3A_502 = arith.index_cast %scan3A_501 : i32 to index
        %get3A_503 = tpu.vector_load %arg18[%get3A_502] {strides = array<i32>} : memref<96xf32, #tpu.memory_space<vmem>>, vector<16xf32>,
        %slice3A = vector.extract_strided_slice %get3A_503 {offsets = [0], sizes = [1], strides = [1]} : vector<16xf32> to vector<1xf32>
        %squeeze3A = vector.extract %slice3A[0] : f32 from vector<1xf32>
        %get3A_504 = arith.index_cast %scan3A_501 : i32 to index
        %get3A_505 = arith.constant 0 : index
        %get3A_506 = tpu.vector_load %arg13[%get3A_504, %get3A_505] {strides = array<i32>} : memref<80x128xf32, #tpu.memory_space<vmem>>, vector<16xf32>,
        %get3A_507 = arith.index_cast %scan3A_501 : i32 to index
        %get3A_508 = arith.constant 0 : index
        %get3A_509 = tpu.vector_load %arg14[%get3A_507, %get3A_508] {strides = array<i32>} : memref<80x128xf32, #tpu.memory_space<vmem>>, vector<16xf32>,
        %add3A_510 = arith.addf %get3A_506, %get3A_509 : vector<16xf32>
        %mul3A_511 = vector.broadcast %squeeze3A : f32 to vector<16xf32>
        %mul3A_512 = arith.mulf %mul3A_511, %get3A_3 : vector<16xf32>
        %add3A_513 = arith.addf %add3A_510, %mul3A_512 : vector<16xf32>
        %max3A = arith.constant 0.000000e+00 : f32
        %max3A_514 = vector.broadcast %max3A : f32 to vector<16xf32>
        %max3A_515 = arith.maximumf %add3A_513, %max3A_514 : vector<16xf32>
        %swap3A_516 = arith.index_cast %scan3A_501 : i32 to index
        %swap3A_517 = arith.constant 0 : index
        %swap3A_518 = tpu.vector_load %arg17[%swap3A_516, %swap3A_517] {strides = array<i32>} : memref<80x128xf32, #tpu.memory_space<vmem>>, vector<16xf32>,
        tpu.vector_store %arg17[%swap3A_516, %swap3A_517], %max3A_515 {strides = array<i32>} : memref<80x128xf32, #tpu.memory_space<vmem>>, vector<16xf32>,
        %get3A_519 = arith.index_cast %scan3A_501 : i32 to index
        %get3A_520 = arith.constant 16 : index
        %get3A_521 = tpu.vector_load %arg13[%get3A_519, %get3A_520] {strides = array<i32>} : memref<80x128xf32, #tpu.memory_space<vmem>>, vector<16xf32>,
        %get3A_522 = arith.index_cast %scan3A_501 : i32 to index
        %get3A_523 = arith.constant 16 : index
        %get3A_524 = tpu.vector_load %arg14[%get3A_522, %get3A_523] {strides = array<i32>} : memref<80x128xf32, #tpu.memory_space<vmem>>, vector<16xf32>,
        %add3A_525 = arith.addf %get3A_521, %get3A_524 : vector<16xf32>
        %mul3A_526 = vector.broadcast %squeeze3A : f32 to vector<16xf32>
        %mul3A_527 = arith.mulf %mul3A_526, %get3A_5 : vector<16xf32>
        %add3A_528 = arith.addf %add3A_525, %mul3A_527 : vector<16xf32>
        %max3A_529 = arith.constant 0.000000e+00 : f32
        %max3A_530 = vector.broadcast %max3A_529 : f32 to vector<16xf32>
        %max3A_531 = arith.maximumf %add3A_528, %max3A_530 : vector<16xf32>
        %swap3A_532 = arith.index_cast %scan3A_501 : i32 to index
        %swap3A_533 = arith.constant 16 : index
        %swap3A_534 = tpu.vector_load %arg17[%swap3A_532, %swap3A_533] {strides = array<i32>} : memref<80x128xf32, #tpu.memory_space<vmem>>, vector<16xf32>,
        tpu.vector_store %arg17[%swap3A_532, %swap3A_533], %max3A_531 {strides = array<i32>} : memref<80x128xf32, #tpu.memory_space<vmem>>, vector<16xf32>,
        %get3A_535 = arith.index_cast %scan3A_501 : i32 to index
        %get3A_536 = arith.constant 32 : index
        %get3A_537 = tpu.vector_load %arg13[%get3A_535, %get3A_536] {strides = array<i32>} : memref<80x128xf32, #tpu.memory_space<vmem>>, vector<16xf32>,
        %get3A_538 = arith.index_cast %scan3A_501 : i32 to index
        %get3A_539 = arith.constant 32 : index
        %get3A_540 = tpu.vector_load %arg14[%get3A_538, %get3A_539] {strides = array<i32>} : memref<80x128xf32, #tpu.memory_space<vmem>>, vector<16xf32>,
        %add3A_541 = arith.addf %get3A_537, %get3A_540 : vector<16xf32>
        %mul3A_542 = vector.broadcast %squeeze3A : f32 to vector<16xf32>
        %mul3A_543 = arith.mulf %mul3A_542, %get3A_7 : vector<16xf32>
        %add3A_544 = arith.addf %add3A_541, %mul3A_543 : vector<16xf32>
        %max3A_545 = arith.constant 0.000000e+00 : f32
        %max3A_546 = vector.broadcast %max3A_545 : f32 to vector<16xf32>
        %max3A_547 = arith.maximumf %add3A_544, %max3A_546 : vector<16xf32>
        %swap3A_548 = arith.index_cast %scan3A_501 : i32 to index
        %swap3A_549 = arith.constant 32 : index
        %swap3A_550 = tpu.vector_load %arg17[%swap3A_548, %swap3A_549] {strides = array<i32>} : memref<80x128xf32, #tpu.memory_space<vmem>>, vector<16xf32>,
        tpu.vector_store %arg17[%swap3A_548, %swap3A_549], %max3A_547 {strides = array<i32>} : memref<80x128xf32, #tpu.memory_space<vmem>>, vector<16xf32>,
        %get3A_551 = arith.index_cast %scan3A_501 : i32 to index
        %get3A_552 = arith.constant 48 : index
        %get3A_553 = tpu.vector_load %arg13[%get3A_551, %get3A_552] {strides = array<i32>} : memref<80x128xf32, #tpu.memory_space<vmem>>, vector<16xf32>,
        %get3A_554 = arith.index_cast %scan3A_501 : i32 to index
        %get3A_555 = arith.constant 48 : index
        %get3A_556 = tpu.vector_load %arg14[%get3A_554, %get3A_555] {strides = array<i32>} : memref<80x128xf32, #tpu.memory_space<vmem>>, vector<16xf32>,
        %add3A_557 = arith.addf %get3A_553, %get3A_556 : vector<16xf32>
        %mul3A_558 = vector.broadcast %squeeze3A : f32 to vector<16xf32>
        %mul3A_559 = arith.mulf %mul3A_558, %get3A_9 : vector<16xf32>
        %add3A_560 = arith.addf %add3A_557, %mul3A_559 : vector<16xf32>
        %max3A_561 = arith.constant 0.000000e+00 : f32
        %max3A_562 = vector.broadcast %max3A_561 : f32 to vector<16xf32>
        %max3A_563 = arith.maximumf %add3A_560, %max3A_562 : vector<16xf32>
        %swap3A_564 = arith.index_cast %scan3A_501 : i32 to index
        %swap3A_565 = arith.constant 48 : index
        %swap3A_566 = tpu.vector_load %arg17[%swap3A_564, %swap3A_565] {strides = array<i32>} : memref<80x128xf32, #tpu.memory_space<vmem>>, vector<16xf32>,
        tpu.vector_store %arg17[%swap3A_564, %swap3A_565], %max3A_563 {strides = array<i32>} : memref<80x128xf32, #tpu.memory_space<vmem>>, vector<16xf32>,
        %get3A_567 = arith.index_cast %scan3A_501 : i32 to index
        %get3A_568 = arith.constant 64 : index
        %get3A_569 = tpu.vector_load %arg13[%get3A_567, %get3A_568] {strides = array<i32>} : memref<80x128xf32, #tpu.memory_space<vmem>>, vector<16xf32>,
        %get3A_570 = arith.index_cast %scan3A_501 : i32 to index
        %get3A_571 = arith.constant 64 : index
        %get3A_572 = tpu.vector_load %arg14[%get3A_570, %get3A_571] {strides = array<i32>} : memref<80x128xf32, #tpu.memory_space<vmem>>, vector<16xf32>,
        %add3A_573 = arith.addf %get3A_569, %get3A_572 : vector<16xf32>
        %mul3A_574 = vector.broadcast %squeeze3A : f32 to vector<16xf32>
        %mul3A_575 = arith.mulf %mul3A_574, %get3A_11 : vector<16xf32>
        %add3A_576 = arith.addf %add3A_573, %mul3A_575 : vector<16xf32>
        %max3A_577 = arith.constant 0.000000e+00 : f32
        %max3A_578 = vector.broadcast %max3A_577 : f32 to vector<16xf32>
        %max3A_579 = arith.maximumf %add3A_576, %max3A_578 : vector<16xf32>
        %swap3A_580 = arith.index_cast %scan3A_501 : i32 to index
        %swap3A_581 = arith.constant 64 : index
        %swap3A_582 = tpu.vector_load %arg17[%swap3A_580, %swap3A_581] {strides = array<i32>} : memref<80x128xf32, #tpu.memory_space<vmem>>, vector<16xf32>,
        tpu.vector_store %arg17[%swap3A_580, %swap3A_581], %max3A_579 {strides = array<i32>} : memref<80x128xf32, #tpu.memory_space<vmem>>, vector<16xf32>,
        %get3A_583 = arith.index_cast %scan3A_501 : i32 to index
        %get3A_584 = arith.constant 80 : index
        %get3A_585 = tpu.vector_load %arg13[%get3A_583, %get3A_584] {strides = array<i32>} : memref<80x128xf32, #tpu.memory_space<vmem>>, vector<16xf32>,
        %get3A_586 = arith.index_cast %scan3A_501 : i32 to index
        %get3A_587 = arith.constant 80 : index
        %get3A_588 = tpu.vector_load %arg14[%get3A_586, %get3A_587] {strides = array<i32>} : memref<80x128xf32, #tpu.memory_space<vmem>>, vector<16xf32>,
        %add3A_589 = arith.addf %get3A_585, %get3A_588 : vector<16xf32>
        %mul3A_590 = vector.broadcast %squeeze3A : f32 to vector<16xf32>
        %mul3A_591 = arith.mulf %mul3A_590, %get3A_13 : vector<16xf32>
        %add3A_592 = arith.addf %add3A_589, %mul3A_591 : vector<16xf32>
        %max3A_593 = arith.constant 0.000000e+00 : f32
        %max3A_594 = vector.broadcast %max3A_593 : f32 to vector<16xf32>
        %max3A_595 = arith.maximumf %add3A_592, %max3A_594 : vector<16xf32>
        %swap3A_596 = arith.index_cast %scan3A_501 : i32 to index
        %swap3A_597 = arith.constant 80 : index
        %swap3A_598 = tpu.vector_load %arg17[%swap3A_596, %swap3A_597] {strides = array<i32>} : memref<80x128xf32, #tpu.memory_space<vmem>>, vector<16xf32>,
        tpu.vector_store %arg17[%swap3A_596, %swap3A_597], %max3A_595 {strides = array<i32>} : memref<80x128xf32, #tpu.memory_space<vmem>>, vector<16xf32>,
        %get3A_599 = arith.index_cast %scan3A_501 : i32 to index
        %get3A_600 = arith.constant 96 : index
        %get3A_601 = tpu.vector_load %arg13[%get3A_599, %get3A_600] {strides = array<i32>} : memref<80x128xf32, #tpu.memory_space<vmem>>, vector<16xf32>,
        %get3A_602 = arith.index_cast %scan3A_501 : i32 to index
        %get3A_603 = arith.constant 96 : index
        %get3A_604 = tpu.vector_load %arg14[%get3A_602, %get3A_603] {strides = array<i32>} : memref<80x128xf32, #tpu.memory_space<vmem>>, vector<16xf32>,
        %add3A_605 = arith.addf %get3A_601, %get3A_604 : vector<16xf32>
        %mul3A_606 = vector.broadcast %squeeze3A : f32 to vector<16xf32>
        %mul3A_607 = arith.mulf %mul3A_606, %get3A_15 : vector<16xf32>
        %add3A_608 = arith.addf %add3A_605, %mul3A_607 : vector<16xf32>
        %max3A_609 = arith.constant 0.000000e+00 : f32
        %max3A_610 = vector.broadcast %max3A_609 : f32 to vector<16xf32>
        %max3A_611 = arith.maximumf %add3A_608, %max3A_610 : vector<16xf32>
        %swap3A_612 = arith.index_cast %scan3A_501 : i32 to index
        %swap3A_613 = arith.constant 96 : index
        %swap3A_614 = tpu.vector_load %arg17[%swap3A_612, %swap3A_613] {strides = array<i32>} : memref<80x128xf32, #tpu.memory_space<vmem>>, vector<16xf32>,
        tpu.vector_store %arg17[%swap3A_612, %swap3A_613], %max3A_611 {strides = array<i32>} : memref<80x128xf32, #tpu.memory_space<vmem>>, vector<16xf32>,
        %get3A_615 = arith.index_cast %scan3A_501 : i32 to index
        %get3A_616 = arith.constant 112 : index
        %get3A_617 = tpu.vector_load %arg13[%get3A_615, %get3A_616] {strides = array<i32>} : memref<80x128xf32, #tpu.memory_space<vmem>>, vector<16xf32>,
        %get3A_618 = arith.index_cast %scan3A_501 : i32 to index
        %get3A_619 = arith.constant 112 : index
        %get3A_620 = tpu.vector_load %arg14[%get3A_618, %get3A_619] {strides = array<i32>} : memref<80x128xf32, #tpu.memory_space<vmem>>, vector<16xf32>,
        %add3A_621 = arith.addf %get3A_617, %get3A_620 : vector<16xf32>
        %mul3A_622 = vector.broadcast %squeeze3A : f32 to vector<16xf32>
        %mul3A_623 = arith.mulf %mul3A_622, %get3A_17 : vector<16xf32>
        %add3A_624 = arith.addf %add3A_621, %mul3A_623 : vector<16xf32>
        %max3A_625 = arith.constant 0.000000e+00 : f32
        %max3A_626 = vector.broadcast %max3A_625 : f32 to vector<16xf32>
        %max3A_627 = arith.maximumf %add3A_624, %max3A_626 : vector<16xf32>
        %swap3A_628 = arith.index_cast %scan3A_501 : i32 to index
        %swap3A_629 = arith.constant 112 : index
        %swap3A_630 = tpu.vector_load %arg17[%swap3A_628, %swap3A_629] {strides = array<i32>} : memref<80x128xf32, #tpu.memory_space<vmem>>, vector<16xf32>,
        tpu.vector_store %arg17[%swap3A_628, %swap3A_629], %max3A_627 {strides = array<i32>} : memref<80x128xf32, #tpu.memory_space<vmem>>, vector<16xf32>,
      }
      %scan3A_335 = arith.constant 80 : i32
      %mul3A_336 = arith.constant 80 : i32
      %mul3A_337 = arith.muli %mul3A_189, %mul3A_336 : i32
      %add3A_338 = arith.addi %mul3A_2, %mul3A_337 : i32
      %dma_start3A_339 = arith.constant 0 : i32
      %dma_start3A_340 = tpu.memref_slice %arg10[%add3A_338, %dma_start3A_339] : memref<161280x128xf32, #tpu.memory_space<hbm>> -> memref<80x128xf32, #tpu.memory_space<hbm>>
      %dma_start3A_341 = arith.constant 0 : i32
      %dma_start3A_342 = tpu.memref_slice %arg10[%add3A_338, %dma_start3A_341] : memref<161280x128xf32, #tpu.memory_space<hbm>> -> memref<80x128xf32, #tpu.memory_space<hbm>>
      tpu.enqueue_dma source(%arg17 : memref<80x128xf32, #tpu.memory_space<vmem>>) target(%dma_start3A_342 : memref<80x128xf32, #tpu.memory_space<hbm>>) target_semaphore(%arg27 : memref<!tpu.dma_semaphore, #tpu.memory_space<semaphore_mem>>)
      %add3A_343 = arith.constant 2 : i32
      %add3A_344 = arith.addi %mul3A_189, %add3A_343 : i32
      %dma_start3A_345 = arith.constant 0 : i32
      %dma_start3A_346 = tpu.memref_slice %arg11[%add3A_344, %dma_start3A_345] : memref<63x80xi32, #tpu.memory_space<vmem>> -> memref<1x80xi32, #tpu.memory_space<vmem>>
      %dma_start3A_347 = tpu.memref_squeeze %dma_start3A_346 : memref<1x80xi32, #tpu.memory_space<vmem>> -> memref<80xi32, #tpu.memory_space<vmem>>
      %dma_start3A_348 = arith.constant 0 : i32
      %dma_start3A_349 = arith.constant 0 : i32
      %dma_start3A_350 = tpu.memref_slice %arg2[%dma_start3A_348, %dma_start3A_349] : memref<10000x128xf32, #tpu.memory_space<hbm>> -> memref<10000x128xf32, #tpu.memory_space<hbm>>
      tpu.enqueue_indirect_dma source(%dma_start3A_350 : memref<10000x128xf32, #tpu.memory_space<hbm>>) target(%arg13 : memref<80x128xf32, #tpu.memory_space<vmem>>) offsets(%dma_start3A_347 : memref<80xi32, #tpu.memory_space<vmem>>) semaphore(%arg23 : memref<!tpu.dma_semaphore, #tpu.memory_space<semaphore_mem>>)
      %dma_start3A_351 = arith.constant 0 : i32
      %dma_start3A_352 = tpu.memref_slice %arg12[%add3A_344, %dma_start3A_351] : memref<63x80xi32, #tpu.memory_space<vmem>> -> memref<1x80xi32, #tpu.memory_space<vmem>>
      %dma_start3A_353 = tpu.memref_squeeze %dma_start3A_352 : memref<1x80xi32, #tpu.memory_space<vmem>> -> memref<80xi32, #tpu.memory_space<vmem>>
      %dma_start3A_354 = arith.constant 0 : i32
      %dma_start3A_355 = arith.constant 0 : i32
      %dma_start3A_356 = tpu.memref_slice %arg3[%dma_start3A_354, %dma_start3A_355] : memref<10000x128xf32, #tpu.memory_space<hbm>> -> memref<10000x128xf32, #tpu.memory_space<hbm>>
      tpu.enqueue_indirect_dma source(%dma_start3A_356 : memref<10000x128xf32, #tpu.memory_space<hbm>>) target(%arg14 : memref<80x128xf32, #tpu.memory_space<vmem>>) offsets(%dma_start3A_353 : memref<80xi32, #tpu.memory_space<vmem>>) semaphore(%arg24 : memref<!tpu.dma_semaphore, #tpu.memory_space<semaphore_mem>>)
      %dma_wait3A_357 = arith.constant 0 : i32
      %dma_wait3A_358 = arith.constant 0 : i32
      %dma_wait3A_359 = tpu.memref_slice %arg11[%dma_wait3A_357, %dma_wait3A_358] : memref<63x80xi32, #tpu.memory_space<vmem>> -> memref<1x80xi32, #tpu.memory_space<vmem>>
      %dma_wait3A_360 = tpu.memref_squeeze %dma_wait3A_359 : memref<1x80xi32, #tpu.memory_space<vmem>> -> memref<80xi32, #tpu.memory_space<vmem>>
      %dma_wait3A_361 = arith.constant 0 : i32
      %dma_wait3A_362 = arith.constant 0 : i32
      %dma_wait3A_363 = tpu.memref_slice %arg2[%dma_wait3A_361, %dma_wait3A_362] : memref<10000x128xf32, #tpu.memory_space<hbm>> -> memref<10000x128xf32, #tpu.memory_space<hbm>>
      tpu.wait_indirect_dma semaphore(%arg25 : memref<!tpu.dma_semaphore, #tpu.memory_space<semaphore_mem>>) src(%dma_wait3A_363 : memref<10000x128xf32, #tpu.memory_space<hbm>>) dst(%arg15 : memref<80x128xf32, #tpu.memory_space<vmem>>)
      %dma_wait3A_364 = arith.constant 0 : i32
      %dma_wait3A_365 = arith.constant 0 : i32
      %dma_wait3A_366 = tpu.memref_slice %arg12[%dma_wait3A_364, %dma_wait3A_365] : memref<63x80xi32, #tpu.memory_space<vmem>> -> memref<1x80xi32, #tpu.memory_space<vmem>>
      %dma_wait3A_367 = tpu.memref_squeeze %dma_wait3A_366 : memref<1x80xi32, #tpu.memory_space<vmem>> -> memref<80xi32, #tpu.memory_space<vmem>>
      %dma_wait3A_368 = arith.constant 0 : i32
      %dma_wait3A_369 = arith.constant 0 : i32
      %dma_wait3A_370 = tpu.memref_slice %arg3[%dma_wait3A_368, %dma_wait3A_369] : memref<10000x128xf32, #tpu.memory_space<hbm>> -> memref<10000x128xf32, #tpu.memory_space<hbm>>
      tpu.wait_indirect_dma semaphore(%arg26 : memref<!tpu.dma_semaphore, #tpu.memory_space<semaphore_mem>>) src(%dma_wait3A_370 : memref<10000x128xf32, #tpu.memory_space<hbm>>) dst(%arg16 : memref<80x128xf32, #tpu.memory_space<vmem>>)
      %add3A_371 = arith.constant 1 : i32
      %add3A_372 = arith.addi %mul3A_189, %add3A_371 : i32
      %get3A_373 = arith.index_cast %add3A_372 : i32 to index
      %get3A_374 = arith.constant 0 : index
      %get3A_375 = tpu.vector_load %arg11[%get3A_373, %get3A_374] {strides = array<i32>} : memref<63x80xi32, #tpu.memory_space<vmem>>, vector<16xi32>,
      %get3A_376 = arith.index_cast %add3A_372 : i32 to index
      %get3A_377 = arith.constant 0 : index
      %get3A_378 = tpu.vector_load %arg12[%get3A_376, %get3A_377] {strides = array<i32>} : memref<63x80xi32, #tpu.memory_space<vmem>>, vector<16xi32>,
      %gather3A_379 = tpu.vector_load_idx %arg19[%get3A_375] : memref<10000xf32, #tpu.memory_space<vmem>>[vector<16xi32>], vector<16xf32>,
      %gather3A_380 = tpu.vector_load_idx %arg19[%get3A_378] : memref<10000xf32, #tpu.memory_space<vmem>>[vector<16xi32>], vector<16xf32>,
      %gather3A_381 = tpu.vector_load_idx %arg20[%get3A_375] : memref<10000xf32, #tpu.memory_space<vmem>>[vector<16xi32>], vector<16xf32>,
      %gather3A_382 = tpu.vector_load_idx %arg20[%get3A_378] : memref<10000xf32, #tpu.memory_space<vmem>>[vector<16xi32>], vector<16xf32>,
      %gather3A_383 = tpu.vector_load_idx %arg21[%get3A_375] : memref<10000xf32, #tpu.memory_space<vmem>>[vector<16xi32>], vector<16xf32>,
      %gather3A_384 = tpu.vector_load_idx %arg21[%get3A_378] : memref<10000xf32, #tpu.memory_space<vmem>>[vector<16xi32>], vector<16xf32>,
      %mul3A_385 = arith.mulf %gather3A_379, %gather3A_380 : vector<16xf32>
      %mul3A_386 = arith.mulf %gather3A_381, %gather3A_382 : vector<16xf32>
      %add3A_387 = arith.addf %mul3A_385, %mul3A_386 : vector<16xf32>
      %mul3A_388 = arith.mulf %gather3A_383, %gather3A_384 : vector<16xf32>
      %add3A_389 = arith.addf %add3A_387, %mul3A_388 : vector<16xf32>
      %mul3A_390 = arith.constant -2.000000e+00 : f32
      %mul3A_391 = vector.broadcast %mul3A_390 : f32 to vector<16xf32>
      %mul3A_392 = arith.mulf %mul3A_391, %add3A_389 : vector<16xf32>
      %swap3A_393 = arith.constant 0 : index
      %swap3A_394 = tpu.vector_load %arg18[%swap3A_393] {strides = array<i32>} : memref<96xf32, #tpu.memory_space<vmem>>, vector<16xf32>,
      tpu.vector_store %arg18[%swap3A_393], %mul3A_392 {strides = array<i32>} : memref<96xf32, #tpu.memory_space<vmem>>, vector<16xf32>,
      %get3A_395 = arith.index_cast %add3A_372 : i32 to index
      %get3A_396 = arith.constant 16 : index
      %get3A_397 = tpu.vector_load %arg11[%get3A_395, %get3A_396] {strides = array<i32>} : memref<63x80xi32, #tpu.memory_space<vmem>>, vector<16xi32>,
      %get3A_398 = arith.index_cast %add3A_372 : i32 to index
      %get3A_399 = arith.constant 16 : index
      %get3A_400 = tpu.vector_load %arg12[%get3A_398, %get3A_399] {strides = array<i32>} : memref<63x80xi32, #tpu.memory_space<vmem>>, vector<16xi32>,
      %gather3A_401 = tpu.vector_load_idx %arg19[%get3A_397] : memref<10000xf32, #tpu.memory_space<vmem>>[vector<16xi32>], vector<16xf32>,
      %gather3A_402 = tpu.vector_load_idx %arg19[%get3A_400] : memref<10000xf32, #tpu.memory_space<vmem>>[vector<16xi32>], vector<16xf32>,
      %gather3A_403 = tpu.vector_load_idx %arg20[%get3A_397] : memref<10000xf32, #tpu.memory_space<vmem>>[vector<16xi32>], vector<16xf32>,
      %gather3A_404 = tpu.vector_load_idx %arg20[%get3A_400] : memref<10000xf32, #tpu.memory_space<vmem>>[vector<16xi32>], vector<16xf32>,
      %gather3A_405 = tpu.vector_load_idx %arg21[%get3A_397] : memref<10000xf32, #tpu.memory_space<vmem>>[vector<16xi32>], vector<16xf32>,
      %gather3A_406 = tpu.vector_load_idx %arg21[%get3A_400] : memref<10000xf32, #tpu.memory_space<vmem>>[vector<16xi32>], vector<16xf32>,
      %mul3A_407 = arith.mulf %gather3A_401, %gather3A_402 : vector<16xf32>
      %mul3A_408 = arith.mulf %gather3A_403, %gather3A_404 : vector<16xf32>
      %add3A_409 = arith.addf %mul3A_407, %mul3A_408 : vector<16xf32>
      %mul3A_410 = arith.mulf %gather3A_405, %gather3A_406 : vector<16xf32>
      %add3A_411 = arith.addf %add3A_409, %mul3A_410 : vector<16xf32>
      %mul3A_412 = arith.constant -2.000000e+00 : f32
      %mul3A_413 = vector.broadcast %mul3A_412 : f32 to vector<16xf32>
      %mul3A_414 = arith.mulf %mul3A_413, %add3A_411 : vector<16xf32>
      %swap3A_415 = arith.constant 16 : index
      %swap3A_416 = tpu.vector_load %arg18[%swap3A_415] {strides = array<i32>} : memref<96xf32, #tpu.memory_space<vmem>>, vector<16xf32>,
      tpu.vector_store %arg18[%swap3A_415], %mul3A_414 {strides = array<i32>} : memref<96xf32, #tpu.memory_space<vmem>>, vector<16xf32>,
      %get3A_417 = arith.index_cast %add3A_372 : i32 to index
      %get3A_418 = arith.constant 32 : index
      %get3A_419 = tpu.vector_load %arg11[%get3A_417, %get3A_418] {strides = array<i32>} : memref<63x80xi32, #tpu.memory_space<vmem>>, vector<16xi32>,
      %get3A_420 = arith.index_cast %add3A_372 : i32 to index
      %get3A_421 = arith.constant 32 : index
      %get3A_422 = tpu.vector_load %arg12[%get3A_420, %get3A_421] {strides = array<i32>} : memref<63x80xi32, #tpu.memory_space<vmem>>, vector<16xi32>,
      %gather3A_423 = tpu.vector_load_idx %arg19[%get3A_419] : memref<10000xf32, #tpu.memory_space<vmem>>[vector<16xi32>], vector<16xf32>,
      %gather3A_424 = tpu.vector_load_idx %arg19[%get3A_422] : memref<10000xf32, #tpu.memory_space<vmem>>[vector<16xi32>], vector<16xf32>,
      %gather3A_425 = tpu.vector_load_idx %arg20[%get3A_419] : memref<10000xf32, #tpu.memory_space<vmem>>[vector<16xi32>], vector<16xf32>,
      %gather3A_426 = tpu.vector_load_idx %arg20[%get3A_422] : memref<10000xf32, #tpu.memory_space<vmem>>[vector<16xi32>], vector<16xf32>,
      %gather3A_427 = tpu.vector_load_idx %arg21[%get3A_419] : memref<10000xf32, #tpu.memory_space<vmem>>[vector<16xi32>], vector<16xf32>,
      %gather3A_428 = tpu.vector_load_idx %arg21[%get3A_422] : memref<10000xf32, #tpu.memory_space<vmem>>[vector<16xi32>], vector<16xf32>,
      %mul3A_429 = arith.mulf %gather3A_423, %gather3A_424 : vector<16xf32>
      %mul3A_430 = arith.mulf %gather3A_425, %gather3A_426 : vector<16xf32>
      %add3A_431 = arith.addf %mul3A_429, %mul3A_430 : vector<16xf32>
      %mul3A_432 = arith.mulf %gather3A_427, %gather3A_428 : vector<16xf32>
      %add3A_433 = arith.addf %add3A_431, %mul3A_432 : vector<16xf32>
      %mul3A_434 = arith.constant -2.000000e+00 : f32
      %mul3A_435 = vector.broadcast %mul3A_434 : f32 to vector<16xf32>
      %mul3A_436 = arith.mulf %mul3A_435, %add3A_433 : vector<16xf32>
      %swap3A_437 = arith.constant 32 : index
      %swap3A_438 = tpu.vector_load %arg18[%swap3A_437] {strides = array<i32>} : memref<96xf32, #tpu.memory_space<vmem>>, vector<16xf32>,
      tpu.vector_store %arg18[%swap3A_437], %mul3A_436 {strides = array<i32>} : memref<96xf32, #tpu.memory_space<vmem>>, vector<16xf32>,
      %get3A_439 = arith.index_cast %add3A_372 : i32 to index
      %get3A_440 = arith.constant 48 : index
      %get3A_441 = tpu.vector_load %arg11[%get3A_439, %get3A_440] {strides = array<i32>} : memref<63x80xi32, #tpu.memory_space<vmem>>, vector<16xi32>,
      %get3A_442 = arith.index_cast %add3A_372 : i32 to index
      %get3A_443 = arith.constant 48 : index
      %get3A_444 = tpu.vector_load %arg12[%get3A_442, %get3A_443] {strides = array<i32>} : memref<63x80xi32, #tpu.memory_space<vmem>>, vector<16xi32>,
      %gather3A_445 = tpu.vector_load_idx %arg19[%get3A_441] : memref<10000xf32, #tpu.memory_space<vmem>>[vector<16xi32>], vector<16xf32>,
      %gather3A_446 = tpu.vector_load_idx %arg19[%get3A_444] : memref<10000xf32, #tpu.memory_space<vmem>>[vector<16xi32>], vector<16xf32>,
      %gather3A_447 = tpu.vector_load_idx %arg20[%get3A_441] : memref<10000xf32, #tpu.memory_space<vmem>>[vector<16xi32>], vector<16xf32>,
      %gather3A_448 = tpu.vector_load_idx %arg20[%get3A_444] : memref<10000xf32, #tpu.memory_space<vmem>>[vector<16xi32>], vector<16xf32>,
      %gather3A_449 = tpu.vector_load_idx %arg21[%get3A_441] : memref<10000xf32, #tpu.memory_space<vmem>>[vector<16xi32>], vector<16xf32>,
      %gather3A_450 = tpu.vector_load_idx %arg21[%get3A_444] : memref<10000xf32, #tpu.memory_space<vmem>>[vector<16xi32>], vector<16xf32>,
      %mul3A_451 = arith.mulf %gather3A_445, %gather3A_446 : vector<16xf32>
      %mul3A_452 = arith.mulf %gather3A_447, %gather3A_448 : vector<16xf32>
      %add3A_453 = arith.addf %mul3A_451, %mul3A_452 : vector<16xf32>
      %mul3A_454 = arith.mulf %gather3A_449, %gather3A_450 : vector<16xf32>
      %add3A_455 = arith.addf %add3A_453, %mul3A_454 : vector<16xf32>
      %mul3A_456 = arith.constant -2.000000e+00 : f32
      %mul3A_457 = vector.broadcast %mul3A_456 : f32 to vector<16xf32>
      %mul3A_458 = arith.mulf %mul3A_457, %add3A_455 : vector<16xf32>
      %swap3A_459 = arith.constant 48 : index
      %swap3A_460 = tpu.vector_load %arg18[%swap3A_459] {strides = array<i32>} : memref<96xf32, #tpu.memory_space<vmem>>, vector<16xf32>,
      tpu.vector_store %arg18[%swap3A_459], %mul3A_458 {strides = array<i32>} : memref<96xf32, #tpu.memory_space<vmem>>, vector<16xf32>,
      %get3A_461 = arith.index_cast %add3A_372 : i32 to index
      %get3A_462 = arith.constant 64 : index
      %get3A_463 = tpu.vector_load %arg11[%get3A_461, %get3A_462] {strides = array<i32>} : memref<63x80xi32, #tpu.memory_space<vmem>>, vector<16xi32>,
      %get3A_464 = arith.index_cast %add3A_372 : i32 to index
      %get3A_465 = arith.constant 64 : index
      %get3A_466 = tpu.vector_load %arg12[%get3A_464, %get3A_465] {strides = array<i32>} : memref<63x80xi32, #tpu.memory_space<vmem>>, vector<16xi32>,
      %gather3A_467 = tpu.vector_load_idx %arg19[%get3A_463] : memref<10000xf32, #tpu.memory_space<vmem>>[vector<16xi32>], vector<16xf32>,
      %gather3A_468 = tpu.vector_load_idx %arg19[%get3A_466] : memref<10000xf32, #tpu.memory_space<vmem>>[vector<16xi32>], vector<16xf32>,
      %gather3A_469 = tpu.vector_load_idx %arg20[%get3A_463] : memref<10000xf32, #tpu.memory_space<vmem>>[vector<16xi32>], vector<16xf32>,
      %gather3A_470 = tpu.vector_load_idx %arg20[%get3A_466] : memref<10000xf32, #tpu.memory_space<vmem>>[vector<16xi32>], vector<16xf32>,
      %gather3A_471 = tpu.vector_load_idx %arg21[%get3A_463] : memref<10000xf32, #tpu.memory_space<vmem>>[vector<16xi32>], vector<16xf32>,
      %gather3A_472 = tpu.vector_load_idx %arg21[%get3A_466] : memref<10000xf32, #tpu.memory_space<vmem>>[vector<16xi32>], vector<16xf32>,
      %mul3A_473 = arith.mulf %gather3A_467, %gather3A_468 : vector<16xf32>
      %mul3A_474 = arith.mulf %gather3A_469, %gather3A_470 : vector<16xf32>
      %add3A_475 = arith.addf %mul3A_473, %mul3A_474 : vector<16xf32>
      %mul3A_476 = arith.mulf %gather3A_471, %gather3A_472 : vector<16xf32>
      %add3A_477 = arith.addf %add3A_475, %mul3A_476 : vector<16xf32>
      %mul3A_478 = arith.constant -2.000000e+00 : f32
      %mul3A_479 = vector.broadcast %mul3A_478 : f32 to vector<16xf32>
      %mul3A_480 = arith.mulf %mul3A_479, %add3A_477 : vector<16xf32>
      %swap3A_481 = arith.constant 64 : index
      %swap3A_482 = tpu.vector_load %arg18[%swap3A_481] {strides = array<i32>} : memref<96xf32, #tpu.memory_space<vmem>>, vector<16xf32>,
      tpu.vector_store %arg18[%swap3A_481], %mul3A_480 {strides = array<i32>} : memref<96xf32, #tpu.memory_space<vmem>>, vector<16xf32>,
      %gt3A_483 = arith.constant 0 : i32
      %gt3A_484 = arith.cmpi sgt, %add3A_372, %gt3A_483 : i32
      %convert_element_type3A_485 = arith.extui %gt3A_484 : i1 to i32
      %cond3A_486 = arith.constant 0 : i32
      %cond3A_487 = arith.cmpi ne, %convert_element_type3A_485, %cond3A_486 : i32
      scf.if %cond3A_487 {
        %dma_wait3A_501 = arith.constant 0 : i32
        %dma_wait3A_502 = tpu.memref_slice %arg10[%mul3A_2, %dma_wait3A_501] : memref<161280x128xf32, #tpu.memory_space<hbm>> -> memref<80x128xf32, #tpu.memory_space<hbm>>
        %dma_wait3A_503 = arith.constant 0 : i32
        %dma_wait3A_504 = tpu.memref_slice %arg10[%mul3A_2, %dma_wait3A_503] : memref<161280x128xf32, #tpu.memory_space<hbm>> -> memref<80x128xf32, #tpu.memory_space<hbm>>
        tpu.wait_dma2 semaphore(%arg27 : memref<!tpu.dma_semaphore, #tpu.memory_space<semaphore_mem>>) src(%arg17 : memref<80x128xf32, #tpu.memory_space<vmem>>) dst(%dma_wait3A_504 : memref<80x128xf32, #tpu.memory_space<hbm>>)
      } else {
      }
      %scan3A_488 = arith.constant 0 : i32
      %scan3A_489 = arith.constant 0 : i32
      %scan3A_490 = arith.constant 80 : i32
      %scan3A_491 = arith.addi %scan3A_489, %scan3A_490 : i32
      %scan3A_492 = arith.constant 1 : i32
      scf.for %scan3A_501 = %scan3A_489 to %scan3A_491 step %scan3A_492  : i32 {
        %get3A_502 = arith.index_cast %scan3A_501 : i32 to index
        %get3A_503 = tpu.vector_load %arg18[%get3A_502] {strides = array<i32>} : memref<96xf32, #tpu.memory_space<vmem>>, vector<16xf32>,
        %slice3A = vector.extract_strided_slice %get3A_503 {offsets = [0], sizes = [1], strides = [1]} : vector<16xf32> to vector<1xf32>
        %squeeze3A = vector.extract %slice3A[0] : f32 from vector<1xf32>
        %get3A_504 = arith.index_cast %scan3A_501 : i32 to index
        %get3A_505 = arith.constant 0 : index
        %get3A_506 = tpu.vector_load %arg15[%get3A_504, %get3A_505] {strides = array<i32>} : memref<80x128xf32, #tpu.memory_space<vmem>>, vector<16xf32>,
        %get3A_507 = arith.index_cast %scan3A_501 : i32 to index
        %get3A_508 = arith.constant 0 : index
        %get3A_509 = tpu.vector_load %arg16[%get3A_507, %get3A_508] {strides = array<i32>} : memref<80x128xf32, #tpu.memory_space<vmem>>, vector<16xf32>,
        %add3A_510 = arith.addf %get3A_506, %get3A_509 : vector<16xf32>
        %mul3A_511 = vector.broadcast %squeeze3A : f32 to vector<16xf32>
        %mul3A_512 = arith.mulf %mul3A_511, %get3A_3 : vector<16xf32>
        %add3A_513 = arith.addf %add3A_510, %mul3A_512 : vector<16xf32>
        %max3A = arith.constant 0.000000e+00 : f32
        %max3A_514 = vector.broadcast %max3A : f32 to vector<16xf32>
        %max3A_515 = arith.maximumf %add3A_513, %max3A_514 : vector<16xf32>
        %swap3A_516 = arith.index_cast %scan3A_501 : i32 to index
        %swap3A_517 = arith.constant 0 : index
        %swap3A_518 = tpu.vector_load %arg17[%swap3A_516, %swap3A_517] {strides = array<i32>} : memref<80x128xf32, #tpu.memory_space<vmem>>, vector<16xf32>,
        tpu.vector_store %arg17[%swap3A_516, %swap3A_517], %max3A_515 {strides = array<i32>} : memref<80x128xf32, #tpu.memory_space<vmem>>, vector<16xf32>,
        %get3A_519 = arith.index_cast %scan3A_501 : i32 to index
        %get3A_520 = arith.constant 16 : index
        %get3A_521 = tpu.vector_load %arg15[%get3A_519, %get3A_520] {strides = array<i32>} : memref<80x128xf32, #tpu.memory_space<vmem>>, vector<16xf32>,
        %get3A_522 = arith.index_cast %scan3A_501 : i32 to index
        %get3A_523 = arith.constant 16 : index
        %get3A_524 = tpu.vector_load %arg16[%get3A_522, %get3A_523] {strides = array<i32>} : memref<80x128xf32, #tpu.memory_space<vmem>>, vector<16xf32>,
        %add3A_525 = arith.addf %get3A_521, %get3A_524 : vector<16xf32>
        %mul3A_526 = vector.broadcast %squeeze3A : f32 to vector<16xf32>
        %mul3A_527 = arith.mulf %mul3A_526, %get3A_5 : vector<16xf32>
        %add3A_528 = arith.addf %add3A_525, %mul3A_527 : vector<16xf32>
        %max3A_529 = arith.constant 0.000000e+00 : f32
        %max3A_530 = vector.broadcast %max3A_529 : f32 to vector<16xf32>
        %max3A_531 = arith.maximumf %add3A_528, %max3A_530 : vector<16xf32>
        %swap3A_532 = arith.index_cast %scan3A_501 : i32 to index
        %swap3A_533 = arith.constant 16 : index
        %swap3A_534 = tpu.vector_load %arg17[%swap3A_532, %swap3A_533] {strides = array<i32>} : memref<80x128xf32, #tpu.memory_space<vmem>>, vector<16xf32>,
        tpu.vector_store %arg17[%swap3A_532, %swap3A_533], %max3A_531 {strides = array<i32>} : memref<80x128xf32, #tpu.memory_space<vmem>>, vector<16xf32>,
        %get3A_535 = arith.index_cast %scan3A_501 : i32 to index
        %get3A_536 = arith.constant 32 : index
        %get3A_537 = tpu.vector_load %arg15[%get3A_535, %get3A_536] {strides = array<i32>} : memref<80x128xf32, #tpu.memory_space<vmem>>, vector<16xf32>,
        %get3A_538 = arith.index_cast %scan3A_501 : i32 to index
        %get3A_539 = arith.constant 32 : index
        %get3A_540 = tpu.vector_load %arg16[%get3A_538, %get3A_539] {strides = array<i32>} : memref<80x128xf32, #tpu.memory_space<vmem>>, vector<16xf32>,
        %add3A_541 = arith.addf %get3A_537, %get3A_540 : vector<16xf32>
        %mul3A_542 = vector.broadcast %squeeze3A : f32 to vector<16xf32>
        %mul3A_543 = arith.mulf %mul3A_542, %get3A_7 : vector<16xf32>
        %add3A_544 = arith.addf %add3A_541, %mul3A_543 : vector<16xf32>
        %max3A_545 = arith.constant 0.000000e+00 : f32
        %max3A_546 = vector.broadcast %max3A_545 : f32 to vector<16xf32>
        %max3A_547 = arith.maximumf %add3A_544, %max3A_546 : vector<16xf32>
        %swap3A_548 = arith.index_cast %scan3A_501 : i32 to index
        %swap3A_549 = arith.constant 32 : index
        %swap3A_550 = tpu.vector_load %arg17[%swap3A_548, %swap3A_549] {strides = array<i32>} : memref<80x128xf32, #tpu.memory_space<vmem>>, vector<16xf32>,
        tpu.vector_store %arg17[%swap3A_548, %swap3A_549], %max3A_547 {strides = array<i32>} : memref<80x128xf32, #tpu.memory_space<vmem>>, vector<16xf32>,
        %get3A_551 = arith.index_cast %scan3A_501 : i32 to index
        %get3A_552 = arith.constant 48 : index
        %get3A_553 = tpu.vector_load %arg15[%get3A_551, %get3A_552] {strides = array<i32>} : memref<80x128xf32, #tpu.memory_space<vmem>>, vector<16xf32>,
        %get3A_554 = arith.index_cast %scan3A_501 : i32 to index
        %get3A_555 = arith.constant 48 : index
        %get3A_556 = tpu.vector_load %arg16[%get3A_554, %get3A_555] {strides = array<i32>} : memref<80x128xf32, #tpu.memory_space<vmem>>, vector<16xf32>,
        %add3A_557 = arith.addf %get3A_553, %get3A_556 : vector<16xf32>
        %mul3A_558 = vector.broadcast %squeeze3A : f32 to vector<16xf32>
        %mul3A_559 = arith.mulf %mul3A_558, %get3A_9 : vector<16xf32>
        %add3A_560 = arith.addf %add3A_557, %mul3A_559 : vector<16xf32>
        %max3A_561 = arith.constant 0.000000e+00 : f32
        %max3A_562 = vector.broadcast %max3A_561 : f32 to vector<16xf32>
        %max3A_563 = arith.maximumf %add3A_560, %max3A_562 : vector<16xf32>
        %swap3A_564 = arith.index_cast %scan3A_501 : i32 to index
        %swap3A_565 = arith.constant 48 : index
        %swap3A_566 = tpu.vector_load %arg17[%swap3A_564, %swap3A_565] {strides = array<i32>} : memref<80x128xf32, #tpu.memory_space<vmem>>, vector<16xf32>,
        tpu.vector_store %arg17[%swap3A_564, %swap3A_565], %max3A_563 {strides = array<i32>} : memref<80x128xf32, #tpu.memory_space<vmem>>, vector<16xf32>,
        %get3A_567 = arith.index_cast %scan3A_501 : i32 to index
        %get3A_568 = arith.constant 64 : index
        %get3A_569 = tpu.vector_load %arg15[%get3A_567, %get3A_568] {strides = array<i32>} : memref<80x128xf32, #tpu.memory_space<vmem>>, vector<16xf32>,
        %get3A_570 = arith.index_cast %scan3A_501 : i32 to index
        %get3A_571 = arith.constant 64 : index
        %get3A_572 = tpu.vector_load %arg16[%get3A_570, %get3A_571] {strides = array<i32>} : memref<80x128xf32, #tpu.memory_space<vmem>>, vector<16xf32>,
        %add3A_573 = arith.addf %get3A_569, %get3A_572 : vector<16xf32>
        %mul3A_574 = vector.broadcast %squeeze3A : f32 to vector<16xf32>
        %mul3A_575 = arith.mulf %mul3A_574, %get3A_11 : vector<16xf32>
        %add3A_576 = arith.addf %add3A_573, %mul3A_575 : vector<16xf32>
        %max3A_577 = arith.constant 0.000000e+00 : f32
        %max3A_578 = vector.broadcast %max3A_577 : f32 to vector<16xf32>
        %max3A_579 = arith.maximumf %add3A_576, %max3A_578 : vector<16xf32>
        %swap3A_580 = arith.index_cast %scan3A_501 : i32 to index
        %swap3A_581 = arith.constant 64 : index
        %swap3A_582 = tpu.vector_load %arg17[%swap3A_580, %swap3A_581] {strides = array<i32>} : memref<80x128xf32, #tpu.memory_space<vmem>>, vector<16xf32>,
        tpu.vector_store %arg17[%swap3A_580, %swap3A_581], %max3A_579 {strides = array<i32>} : memref<80x128xf32, #tpu.memory_space<vmem>>, vector<16xf32>,
        %get3A_583 = arith.index_cast %scan3A_501 : i32 to index
        %get3A_584 = arith.constant 80 : index
        %get3A_585 = tpu.vector_load %arg15[%get3A_583, %get3A_584] {strides = array<i32>} : memref<80x128xf32, #tpu.memory_space<vmem>>, vector<16xf32>,
        %get3A_586 = arith.index_cast %scan3A_501 : i32 to index
        %get3A_587 = arith.constant 80 : index
        %get3A_588 = tpu.vector_load %arg16[%get3A_586, %get3A_587] {strides = array<i32>} : memref<80x128xf32, #tpu.memory_space<vmem>>, vector<16xf32>,
        %add3A_589 = arith.addf %get3A_585, %get3A_588 : vector<16xf32>
        %mul3A_590 = vector.broadcast %squeeze3A : f32 to vector<16xf32>
        %mul3A_591 = arith.mulf %mul3A_590, %get3A_13 : vector<16xf32>
        %add3A_592 = arith.addf %add3A_589, %mul3A_591 : vector<16xf32>
        %max3A_593 = arith.constant 0.000000e+00 : f32
        %max3A_594 = vector.broadcast %max3A_593 : f32 to vector<16xf32>
        %max3A_595 = arith.maximumf %add3A_592, %max3A_594 : vector<16xf32>
        %swap3A_596 = arith.index_cast %scan3A_501 : i32 to index
        %swap3A_597 = arith.constant 80 : index
        %swap3A_598 = tpu.vector_load %arg17[%swap3A_596, %swap3A_597] {strides = array<i32>} : memref<80x128xf32, #tpu.memory_space<vmem>>, vector<16xf32>,
        tpu.vector_store %arg17[%swap3A_596, %swap3A_597], %max3A_595 {strides = array<i32>} : memref<80x128xf32, #tpu.memory_space<vmem>>, vector<16xf32>,
        %get3A_599 = arith.index_cast %scan3A_501 : i32 to index
        %get3A_600 = arith.constant 96 : index
        %get3A_601 = tpu.vector_load %arg15[%get3A_599, %get3A_600] {strides = array<i32>} : memref<80x128xf32, #tpu.memory_space<vmem>>, vector<16xf32>,
        %get3A_602 = arith.index_cast %scan3A_501 : i32 to index
        %get3A_603 = arith.constant 96 : index
        %get3A_604 = tpu.vector_load %arg16[%get3A_602, %get3A_603] {strides = array<i32>} : memref<80x128xf32, #tpu.memory_space<vmem>>, vector<16xf32>,
        %add3A_605 = arith.addf %get3A_601, %get3A_604 : vector<16xf32>
        %mul3A_606 = vector.broadcast %squeeze3A : f32 to vector<16xf32>
        %mul3A_607 = arith.mulf %mul3A_606, %get3A_15 : vector<16xf32>
        %add3A_608 = arith.addf %add3A_605, %mul3A_607 : vector<16xf32>
        %max3A_609 = arith.constant 0.000000e+00 : f32
        %max3A_610 = vector.broadcast %max3A_609 : f32 to vector<16xf32>
        %max3A_611 = arith.maximumf %add3A_608, %max3A_610 : vector<16xf32>
        %swap3A_612 = arith.index_cast %scan3A_501 : i32 to index
        %swap3A_613 = arith.constant 96 : index
        %swap3A_614 = tpu.vector_load %arg17[%swap3A_612, %swap3A_613] {strides = array<i32>} : memref<80x128xf32, #tpu.memory_space<vmem>>, vector<16xf32>,
        tpu.vector_store %arg17[%swap3A_612, %swap3A_613], %max3A_611 {strides = array<i32>} : memref<80x128xf32, #tpu.memory_space<vmem>>, vector<16xf32>,
        %get3A_615 = arith.index_cast %scan3A_501 : i32 to index
        %get3A_616 = arith.constant 112 : index
        %get3A_617 = tpu.vector_load %arg15[%get3A_615, %get3A_616] {strides = array<i32>} : memref<80x128xf32, #tpu.memory_space<vmem>>, vector<16xf32>,
        %get3A_618 = arith.index_cast %scan3A_501 : i32 to index
        %get3A_619 = arith.constant 112 : index
        %get3A_620 = tpu.vector_load %arg16[%get3A_618, %get3A_619] {strides = array<i32>} : memref<80x128xf32, #tpu.memory_space<vmem>>, vector<16xf32>,
        %add3A_621 = arith.addf %get3A_617, %get3A_620 : vector<16xf32>
        %mul3A_622 = vector.broadcast %squeeze3A : f32 to vector<16xf32>
        %mul3A_623 = arith.mulf %mul3A_622, %get3A_17 : vector<16xf32>
        %add3A_624 = arith.addf %add3A_621, %mul3A_623 : vector<16xf32>
        %max3A_625 = arith.constant 0.000000e+00 : f32
        %max3A_626 = vector.broadcast %max3A_625 : f32 to vector<16xf32>
        %max3A_627 = arith.maximumf %add3A_624, %max3A_626 : vector<16xf32>
        %swap3A_628 = arith.index_cast %scan3A_501 : i32 to index
        %swap3A_629 = arith.constant 112 : index
        %swap3A_630 = tpu.vector_load %arg17[%swap3A_628, %swap3A_629] {strides = array<i32>} : memref<80x128xf32, #tpu.memory_space<vmem>>, vector<16xf32>,
        tpu.vector_store %arg17[%swap3A_628, %swap3A_629], %max3A_627 {strides = array<i32>} : memref<80x128xf32, #tpu.memory_space<vmem>>, vector<16xf32>,
      }
      %scan3A_493 = arith.constant 80 : i32
      %mul3A_494 = arith.constant 80 : i32
      %mul3A_495 = arith.muli %add3A_372, %mul3A_494 : i32
      %add3A_496 = arith.addi %mul3A_2, %mul3A_495 : i32
      %dma_start3A_497 = arith.constant 0 : i32
      %dma_start3A_498 = tpu.memref_slice %arg10[%add3A_496, %dma_start3A_497] : memref<161280x128xf32, #tpu.memory_space<hbm>> -> memref<80x128xf32, #tpu.memory_space<hbm>>
      %dma_start3A_499 = arith.constant 0 : i32
      %dma_start3A_500 = tpu.memref_slice %arg10[%add3A_496, %dma_start3A_499] : memref<161280x128xf32, #tpu.memory_space<hbm>> -> memref<80x128xf32, #tpu.memory_space<hbm>>
      tpu.enqueue_dma source(%arg17 : memref<80x128xf32, #tpu.memory_space<vmem>>) target(%dma_start3A_500 : memref<80x128xf32, #tpu.memory_space<hbm>>) target_semaphore(%arg27 : memref<!tpu.dma_semaphore, #tpu.memory_space<semaphore_mem>>)
    }
    %scan3A_35 = arith.constant 31 : i32
    %dma_wait3A = arith.constant 0 : i32
    %dma_wait3A_36 = arith.constant 0 : i32
    %dma_wait3A_37 = tpu.memref_slice %arg11[%dma_wait3A, %dma_wait3A_36] : memref<63x80xi32, #tpu.memory_space<vmem>> -> memref<1x80xi32, #tpu.memory_space<vmem>>
    %dma_wait3A_38 = tpu.memref_squeeze %dma_wait3A_37 : memref<1x80xi32, #tpu.memory_space<vmem>> -> memref<80xi32, #tpu.memory_space<vmem>>
    %dma_wait3A_39 = arith.constant 0 : i32
    %dma_wait3A_40 = arith.constant 0 : i32
    %dma_wait3A_41 = tpu.memref_slice %arg2[%dma_wait3A_39, %dma_wait3A_40] : memref<10000x128xf32, #tpu.memory_space<hbm>> -> memref<10000x128xf32, #tpu.memory_space<hbm>>
    tpu.wait_indirect_dma semaphore(%arg23 : memref<!tpu.dma_semaphore, #tpu.memory_space<semaphore_mem>>) src(%dma_wait3A_41 : memref<10000x128xf32, #tpu.memory_space<hbm>>) dst(%arg13 : memref<80x128xf32, #tpu.memory_space<vmem>>)
    %dma_wait3A_42 = arith.constant 0 : i32
    %dma_wait3A_43 = arith.constant 0 : i32
    %dma_wait3A_44 = tpu.memref_slice %arg12[%dma_wait3A_42, %dma_wait3A_43] : memref<63x80xi32, #tpu.memory_space<vmem>> -> memref<1x80xi32, #tpu.memory_space<vmem>>
    %dma_wait3A_45 = tpu.memref_squeeze %dma_wait3A_44 : memref<1x80xi32, #tpu.memory_space<vmem>> -> memref<80xi32, #tpu.memory_space<vmem>>
    %dma_wait3A_46 = arith.constant 0 : i32
    %dma_wait3A_47 = arith.constant 0 : i32
    %dma_wait3A_48 = tpu.memref_slice %arg3[%dma_wait3A_46, %dma_wait3A_47] : memref<10000x128xf32, #tpu.memory_space<hbm>> -> memref<10000x128xf32, #tpu.memory_space<hbm>>
    tpu.wait_indirect_dma semaphore(%arg24 : memref<!tpu.dma_semaphore, #tpu.memory_space<semaphore_mem>>) src(%dma_wait3A_48 : memref<10000x128xf32, #tpu.memory_space<hbm>>) dst(%arg14 : memref<80x128xf32, #tpu.memory_space<vmem>>)
    %get3A_49 = arith.constant 62 : i32
    %get3A_50 = arith.index_cast %get3A_49 : i32 to index
    %get3A_51 = arith.constant 0 : index
    %get3A_52 = tpu.vector_load %arg11[%get3A_50, %get3A_51] {strides = array<i32>} : memref<63x80xi32, #tpu.memory_space<vmem>>, vector<16xi32>,
    %get3A_53 = arith.constant 62 : i32
    %get3A_54 = arith.index_cast %get3A_53 : i32 to index
    %get3A_55 = arith.constant 0 : index
    %get3A_56 = tpu.vector_load %arg12[%get3A_54, %get3A_55] {strides = array<i32>} : memref<63x80xi32, #tpu.memory_space<vmem>>, vector<16xi32>,
    %gather3A = tpu.vector_load_idx %arg19[%get3A_52] : memref<10000xf32, #tpu.memory_space<vmem>>[vector<16xi32>], vector<16xf32>,
    %gather3A_57 = tpu.vector_load_idx %arg19[%get3A_56] : memref<10000xf32, #tpu.memory_space<vmem>>[vector<16xi32>], vector<16xf32>,
    %gather3A_58 = tpu.vector_load_idx %arg20[%get3A_52] : memref<10000xf32, #tpu.memory_space<vmem>>[vector<16xi32>], vector<16xf32>,
    %gather3A_59 = tpu.vector_load_idx %arg20[%get3A_56] : memref<10000xf32, #tpu.memory_space<vmem>>[vector<16xi32>], vector<16xf32>,
    %gather3A_60 = tpu.vector_load_idx %arg21[%get3A_52] : memref<10000xf32, #tpu.memory_space<vmem>>[vector<16xi32>], vector<16xf32>,
    %gather3A_61 = tpu.vector_load_idx %arg21[%get3A_56] : memref<10000xf32, #tpu.memory_space<vmem>>[vector<16xi32>], vector<16xf32>,
    %mul3A_62 = arith.mulf %gather3A, %gather3A_57 : vector<16xf32>
    %mul3A_63 = arith.mulf %gather3A_58, %gather3A_59 : vector<16xf32>
    %add3A_64 = arith.addf %mul3A_62, %mul3A_63 : vector<16xf32>
    %mul3A_65 = arith.mulf %gather3A_60, %gather3A_61 : vector<16xf32>
    %add3A_66 = arith.addf %add3A_64, %mul3A_65 : vector<16xf32>
    %mul3A_67 = arith.constant -2.000000e+00 : f32
    %mul3A_68 = vector.broadcast %mul3A_67 : f32 to vector<16xf32>
    %mul3A_69 = arith.mulf %mul3A_68, %add3A_66 : vector<16xf32>
    %swap3A = arith.constant 0 : index
    %swap3A_70 = tpu.vector_load %arg18[%swap3A] {strides = array<i32>} : memref<96xf32, #tpu.memory_space<vmem>>, vector<16xf32>,
    tpu.vector_store %arg18[%swap3A], %mul3A_69 {strides = array<i32>} : memref<96xf32, #tpu.memory_space<vmem>>, vector<16xf32>,
    %get3A_71 = arith.constant 62 : i32
    %get3A_72 = arith.index_cast %get3A_71 : i32 to index
    %get3A_73 = arith.constant 16 : index
    %get3A_74 = tpu.vector_load %arg11[%get3A_72, %get3A_73] {strides = array<i32>} : memref<63x80xi32, #tpu.memory_space<vmem>>, vector<16xi32>,
    %get3A_75 = arith.constant 62 : i32
    %get3A_76 = arith.index_cast %get3A_75 : i32 to index
    %get3A_77 = arith.constant 16 : index
    %get3A_78 = tpu.vector_load %arg12[%get3A_76, %get3A_77] {strides = array<i32>} : memref<63x80xi32, #tpu.memory_space<vmem>>, vector<16xi32>,
    %gather3A_79 = tpu.vector_load_idx %arg19[%get3A_74] : memref<10000xf32, #tpu.memory_space<vmem>>[vector<16xi32>], vector<16xf32>,
    %gather3A_80 = tpu.vector_load_idx %arg19[%get3A_78] : memref<10000xf32, #tpu.memory_space<vmem>>[vector<16xi32>], vector<16xf32>,
    %gather3A_81 = tpu.vector_load_idx %arg20[%get3A_74] : memref<10000xf32, #tpu.memory_space<vmem>>[vector<16xi32>], vector<16xf32>,
    %gather3A_82 = tpu.vector_load_idx %arg20[%get3A_78] : memref<10000xf32, #tpu.memory_space<vmem>>[vector<16xi32>], vector<16xf32>,
    %gather3A_83 = tpu.vector_load_idx %arg21[%get3A_74] : memref<10000xf32, #tpu.memory_space<vmem>>[vector<16xi32>], vector<16xf32>,
    %gather3A_84 = tpu.vector_load_idx %arg21[%get3A_78] : memref<10000xf32, #tpu.memory_space<vmem>>[vector<16xi32>], vector<16xf32>,
    %mul3A_85 = arith.mulf %gather3A_79, %gather3A_80 : vector<16xf32>
    %mul3A_86 = arith.mulf %gather3A_81, %gather3A_82 : vector<16xf32>
    %add3A_87 = arith.addf %mul3A_85, %mul3A_86 : vector<16xf32>
    %mul3A_88 = arith.mulf %gather3A_83, %gather3A_84 : vector<16xf32>
    %add3A_89 = arith.addf %add3A_87, %mul3A_88 : vector<16xf32>
    %mul3A_90 = arith.constant -2.000000e+00 : f32
    %mul3A_91 = vector.broadcast %mul3A_90 : f32 to vector<16xf32>
    %mul3A_92 = arith.mulf %mul3A_91, %add3A_89 : vector<16xf32>
    %swap3A_93 = arith.constant 16 : index
    %swap3A_94 = tpu.vector_load %arg18[%swap3A_93] {strides = array<i32>} : memref<96xf32, #tpu.memory_space<vmem>>, vector<16xf32>,
    tpu.vector_store %arg18[%swap3A_93], %mul3A_92 {strides = array<i32>} : memref<96xf32, #tpu.memory_space<vmem>>, vector<16xf32>,
    %get3A_95 = arith.constant 62 : i32
    %get3A_96 = arith.index_cast %get3A_95 : i32 to index
    %get3A_97 = arith.constant 32 : index
    %get3A_98 = tpu.vector_load %arg11[%get3A_96, %get3A_97] {strides = array<i32>} : memref<63x80xi32, #tpu.memory_space<vmem>>, vector<16xi32>,
    %get3A_99 = arith.constant 62 : i32
    %get3A_100 = arith.index_cast %get3A_99 : i32 to index
    %get3A_101 = arith.constant 32 : index
    %get3A_102 = tpu.vector_load %arg12[%get3A_100, %get3A_101] {strides = array<i32>} : memref<63x80xi32, #tpu.memory_space<vmem>>, vector<16xi32>,
    %gather3A_103 = tpu.vector_load_idx %arg19[%get3A_98] : memref<10000xf32, #tpu.memory_space<vmem>>[vector<16xi32>], vector<16xf32>,
    %gather3A_104 = tpu.vector_load_idx %arg19[%get3A_102] : memref<10000xf32, #tpu.memory_space<vmem>>[vector<16xi32>], vector<16xf32>,
    %gather3A_105 = tpu.vector_load_idx %arg20[%get3A_98] : memref<10000xf32, #tpu.memory_space<vmem>>[vector<16xi32>], vector<16xf32>,
    %gather3A_106 = tpu.vector_load_idx %arg20[%get3A_102] : memref<10000xf32, #tpu.memory_space<vmem>>[vector<16xi32>], vector<16xf32>,
    %gather3A_107 = tpu.vector_load_idx %arg21[%get3A_98] : memref<10000xf32, #tpu.memory_space<vmem>>[vector<16xi32>], vector<16xf32>,
    %gather3A_108 = tpu.vector_load_idx %arg21[%get3A_102] : memref<10000xf32, #tpu.memory_space<vmem>>[vector<16xi32>], vector<16xf32>,
    %mul3A_109 = arith.mulf %gather3A_103, %gather3A_104 : vector<16xf32>
    %mul3A_110 = arith.mulf %gather3A_105, %gather3A_106 : vector<16xf32>
    %add3A_111 = arith.addf %mul3A_109, %mul3A_110 : vector<16xf32>
    %mul3A_112 = arith.mulf %gather3A_107, %gather3A_108 : vector<16xf32>
    %add3A_113 = arith.addf %add3A_111, %mul3A_112 : vector<16xf32>
    %mul3A_114 = arith.constant -2.000000e+00 : f32
    %mul3A_115 = vector.broadcast %mul3A_114 : f32 to vector<16xf32>
    %mul3A_116 = arith.mulf %mul3A_115, %add3A_113 : vector<16xf32>
    %swap3A_117 = arith.constant 32 : index
    %swap3A_118 = tpu.vector_load %arg18[%swap3A_117] {strides = array<i32>} : memref<96xf32, #tpu.memory_space<vmem>>, vector<16xf32>,
    tpu.vector_store %arg18[%swap3A_117], %mul3A_116 {strides = array<i32>} : memref<96xf32, #tpu.memory_space<vmem>>, vector<16xf32>,
    %get3A_119 = arith.constant 62 : i32
    %get3A_120 = arith.index_cast %get3A_119 : i32 to index
    %get3A_121 = arith.constant 48 : index
    %get3A_122 = tpu.vector_load %arg11[%get3A_120, %get3A_121] {strides = array<i32>} : memref<63x80xi32, #tpu.memory_space<vmem>>, vector<16xi32>,
    %get3A_123 = arith.constant 62 : i32
    %get3A_124 = arith.index_cast %get3A_123 : i32 to index
    %get3A_125 = arith.constant 48 : index
    %get3A_126 = tpu.vector_load %arg12[%get3A_124, %get3A_125] {strides = array<i32>} : memref<63x80xi32, #tpu.memory_space<vmem>>, vector<16xi32>,
    %gather3A_127 = tpu.vector_load_idx %arg19[%get3A_122] : memref<10000xf32, #tpu.memory_space<vmem>>[vector<16xi32>], vector<16xf32>,
    %gather3A_128 = tpu.vector_load_idx %arg19[%get3A_126] : memref<10000xf32, #tpu.memory_space<vmem>>[vector<16xi32>], vector<16xf32>,
    %gather3A_129 = tpu.vector_load_idx %arg20[%get3A_122] : memref<10000xf32, #tpu.memory_space<vmem>>[vector<16xi32>], vector<16xf32>,
    %gather3A_130 = tpu.vector_load_idx %arg20[%get3A_126] : memref<10000xf32, #tpu.memory_space<vmem>>[vector<16xi32>], vector<16xf32>,
    %gather3A_131 = tpu.vector_load_idx %arg21[%get3A_122] : memref<10000xf32, #tpu.memory_space<vmem>>[vector<16xi32>], vector<16xf32>,
    %gather3A_132 = tpu.vector_load_idx %arg21[%get3A_126] : memref<10000xf32, #tpu.memory_space<vmem>>[vector<16xi32>], vector<16xf32>,
    %mul3A_133 = arith.mulf %gather3A_127, %gather3A_128 : vector<16xf32>
    %mul3A_134 = arith.mulf %gather3A_129, %gather3A_130 : vector<16xf32>
    %add3A_135 = arith.addf %mul3A_133, %mul3A_134 : vector<16xf32>
    %mul3A_136 = arith.mulf %gather3A_131, %gather3A_132 : vector<16xf32>
    %add3A_137 = arith.addf %add3A_135, %mul3A_136 : vector<16xf32>
    %mul3A_138 = arith.constant -2.000000e+00 : f32
    %mul3A_139 = vector.broadcast %mul3A_138 : f32 to vector<16xf32>
    %mul3A_140 = arith.mulf %mul3A_139, %add3A_137 : vector<16xf32>
    %swap3A_141 = arith.constant 48 : index
    %swap3A_142 = tpu.vector_load %arg18[%swap3A_141] {strides = array<i32>} : memref<96xf32, #tpu.memory_space<vmem>>, vector<16xf32>,
    tpu.vector_store %arg18[%swap3A_141], %mul3A_140 {strides = array<i32>} : memref<96xf32, #tpu.memory_space<vmem>>, vector<16xf32>,
    %get3A_143 = arith.constant 62 : i32
    %get3A_144 = arith.index_cast %get3A_143 : i32 to index
    %get3A_145 = arith.constant 64 : index
    %get3A_146 = tpu.vector_load %arg11[%get3A_144, %get3A_145] {strides = array<i32>} : memref<63x80xi32, #tpu.memory_space<vmem>>, vector<16xi32>,
    %get3A_147 = arith.constant 62 : i32
    %get3A_148 = arith.index_cast %get3A_147 : i32 to index
    %get3A_149 = arith.constant 64 : index
    %get3A_150 = tpu.vector_load %arg12[%get3A_148, %get3A_149] {strides = array<i32>} : memref<63x80xi32, #tpu.memory_space<vmem>>, vector<16xi32>,
    %gather3A_151 = tpu.vector_load_idx %arg19[%get3A_146] : memref<10000xf32, #tpu.memory_space<vmem>>[vector<16xi32>], vector<16xf32>,
    %gather3A_152 = tpu.vector_load_idx %arg19[%get3A_150] : memref<10000xf32, #tpu.memory_space<vmem>>[vector<16xi32>], vector<16xf32>,
    %gather3A_153 = tpu.vector_load_idx %arg20[%get3A_146] : memref<10000xf32, #tpu.memory_space<vmem>>[vector<16xi32>], vector<16xf32>,
    %gather3A_154 = tpu.vector_load_idx %arg20[%get3A_150] : memref<10000xf32, #tpu.memory_space<vmem>>[vector<16xi32>], vector<16xf32>,
    %gather3A_155 = tpu.vector_load_idx %arg21[%get3A_146] : memref<10000xf32, #tpu.memory_space<vmem>>[vector<16xi32>], vector<16xf32>,
    %gather3A_156 = tpu.vector_load_idx %arg21[%get3A_150] : memref<10000xf32, #tpu.memory_space<vmem>>[vector<16xi32>], vector<16xf32>,
    %mul3A_157 = arith.mulf %gather3A_151, %gather3A_152 : vector<16xf32>
    %mul3A_158 = arith.mulf %gather3A_153, %gather3A_154 : vector<16xf32>
    %add3A_159 = arith.addf %mul3A_157, %mul3A_158 : vector<16xf32>
    %mul3A_160 = arith.mulf %gather3A_155, %gather3A_156 : vector<16xf32>
    %add3A_161 = arith.addf %add3A_159, %mul3A_160 : vector<16xf32>
    %mul3A_162 = arith.constant -2.000000e+00 : f32
    %mul3A_163 = vector.broadcast %mul3A_162 : f32 to vector<16xf32>
    %mul3A_164 = arith.mulf %mul3A_163, %add3A_161 : vector<16xf32>
    %swap3A_165 = arith.constant 64 : index
    %swap3A_166 = tpu.vector_load %arg18[%swap3A_165] {strides = array<i32>} : memref<96xf32, #tpu.memory_space<vmem>>, vector<16xf32>,
    tpu.vector_store %arg18[%swap3A_165], %mul3A_164 {strides = array<i32>} : memref<96xf32, #tpu.memory_space<vmem>>, vector<16xf32>,
    %dma_wait3A_167 = arith.constant 0 : i32
    %dma_wait3A_168 = tpu.memref_slice %arg10[%mul3A_2, %dma_wait3A_167] : memref<161280x128xf32, #tpu.memory_space<hbm>> -> memref<80x128xf32, #tpu.memory_space<hbm>>
    %dma_wait3A_169 = arith.constant 0 : i32
    %dma_wait3A_170 = tpu.memref_slice %arg10[%mul3A_2, %dma_wait3A_169] : memref<161280x128xf32, #tpu.memory_space<hbm>> -> memref<80x128xf32, #tpu.memory_space<hbm>>
    tpu.wait_dma2 semaphore(%arg27 : memref<!tpu.dma_semaphore, #tpu.memory_space<semaphore_mem>>) src(%arg17 : memref<80x128xf32, #tpu.memory_space<vmem>>) dst(%dma_wait3A_170 : memref<80x128xf32, #tpu.memory_space<hbm>>)
    %scan3A_171 = arith.constant 0 : i32
    %scan3A_172 = arith.constant 0 : i32
    %scan3A_173 = arith.constant 80 : i32
    %scan3A_174 = arith.addi %scan3A_172, %scan3A_173 : i32
    %scan3A_175 = arith.constant 1 : i32
    scf.for %scan3A_187 = %scan3A_172 to %scan3A_174 step %scan3A_175  : i32 {
      %get3A_188 = arith.index_cast %scan3A_187 : i32 to index
      %get3A_189 = tpu.vector_load %arg18[%get3A_188] {strides = array<i32>} : memref<96xf32, #tpu.memory_space<vmem>>, vector<16xf32>,
      %slice3A = vector.extract_strided_slice %get3A_189 {offsets = [0], sizes = [1], strides = [1]} : vector<16xf32> to vector<1xf32>
      %squeeze3A = vector.extract %slice3A[0] : f32 from vector<1xf32>
      %get3A_190 = arith.index_cast %scan3A_187 : i32 to index
      %get3A_191 = arith.constant 0 : index
      %get3A_192 = tpu.vector_load %arg13[%get3A_190, %get3A_191] {strides = array<i32>} : memref<80x128xf32, #tpu.memory_space<vmem>>, vector<16xf32>,
      %get3A_193 = arith.index_cast %scan3A_187 : i32 to index
      %get3A_194 = arith.constant 0 : index
      %get3A_195 = tpu.vector_load %arg14[%get3A_193, %get3A_194] {strides = array<i32>} : memref<80x128xf32, #tpu.memory_space<vmem>>, vector<16xf32>,
      %add3A_196 = arith.addf %get3A_192, %get3A_195 : vector<16xf32>
      %mul3A_197 = vector.broadcast %squeeze3A : f32 to vector<16xf32>
      %mul3A_198 = arith.mulf %mul3A_197, %get3A_3 : vector<16xf32>
      %add3A_199 = arith.addf %add3A_196, %mul3A_198 : vector<16xf32>
      %max3A = arith.constant 0.000000e+00 : f32
      %max3A_200 = vector.broadcast %max3A : f32 to vector<16xf32>
      %max3A_201 = arith.maximumf %add3A_199, %max3A_200 : vector<16xf32>
      %swap3A_202 = arith.index_cast %scan3A_187 : i32 to index
      %swap3A_203 = arith.constant 0 : index
      %swap3A_204 = tpu.vector_load %arg17[%swap3A_202, %swap3A_203] {strides = array<i32>} : memref<80x128xf32, #tpu.memory_space<vmem>>, vector<16xf32>,
      tpu.vector_store %arg17[%swap3A_202, %swap3A_203], %max3A_201 {strides = array<i32>} : memref<80x128xf32, #tpu.memory_space<vmem>>, vector<16xf32>,
      %get3A_205 = arith.index_cast %scan3A_187 : i32 to index
      %get3A_206 = arith.constant 16 : index
      %get3A_207 = tpu.vector_load %arg13[%get3A_205, %get3A_206] {strides = array<i32>} : memref<80x128xf32, #tpu.memory_space<vmem>>, vector<16xf32>,
      %get3A_208 = arith.index_cast %scan3A_187 : i32 to index
      %get3A_209 = arith.constant 16 : index
      %get3A_210 = tpu.vector_load %arg14[%get3A_208, %get3A_209] {strides = array<i32>} : memref<80x128xf32, #tpu.memory_space<vmem>>, vector<16xf32>,
      %add3A_211 = arith.addf %get3A_207, %get3A_210 : vector<16xf32>
      %mul3A_212 = vector.broadcast %squeeze3A : f32 to vector<16xf32>
      %mul3A_213 = arith.mulf %mul3A_212, %get3A_5 : vector<16xf32>
      %add3A_214 = arith.addf %add3A_211, %mul3A_213 : vector<16xf32>
      %max3A_215 = arith.constant 0.000000e+00 : f32
      %max3A_216 = vector.broadcast %max3A_215 : f32 to vector<16xf32>
      %max3A_217 = arith.maximumf %add3A_214, %max3A_216 : vector<16xf32>
      %swap3A_218 = arith.index_cast %scan3A_187 : i32 to index
      %swap3A_219 = arith.constant 16 : index
      %swap3A_220 = tpu.vector_load %arg17[%swap3A_218, %swap3A_219] {strides = array<i32>} : memref<80x128xf32, #tpu.memory_space<vmem>>, vector<16xf32>,
      tpu.vector_store %arg17[%swap3A_218, %swap3A_219], %max3A_217 {strides = array<i32>} : memref<80x128xf32, #tpu.memory_space<vmem>>, vector<16xf32>,
      %get3A_221 = arith.index_cast %scan3A_187 : i32 to index
      %get3A_222 = arith.constant 32 : index
      %get3A_223 = tpu.vector_load %arg13[%get3A_221, %get3A_222] {strides = array<i32>} : memref<80x128xf32, #tpu.memory_space<vmem>>, vector<16xf32>,
      %get3A_224 = arith.index_cast %scan3A_187 : i32 to index
      %get3A_225 = arith.constant 32 : index
      %get3A_226 = tpu.vector_load %arg14[%get3A_224, %get3A_225] {strides = array<i32>} : memref<80x128xf32, #tpu.memory_space<vmem>>, vector<16xf32>,
      %add3A_227 = arith.addf %get3A_223, %get3A_226 : vector<16xf32>
      %mul3A_228 = vector.broadcast %squeeze3A : f32 to vector<16xf32>
      %mul3A_229 = arith.mulf %mul3A_228, %get3A_7 : vector<16xf32>
      %add3A_230 = arith.addf %add3A_227, %mul3A_229 : vector<16xf32>
      %max3A_231 = arith.constant 0.000000e+00 : f32
      %max3A_232 = vector.broadcast %max3A_231 : f32 to vector<16xf32>
      %max3A_233 = arith.maximumf %add3A_230, %max3A_232 : vector<16xf32>
      %swap3A_234 = arith.index_cast %scan3A_187 : i32 to index
      %swap3A_235 = arith.constant 32 : index
      %swap3A_236 = tpu.vector_load %arg17[%swap3A_234, %swap3A_235] {strides = array<i32>} : memref<80x128xf32, #tpu.memory_space<vmem>>, vector<16xf32>,
      tpu.vector_store %arg17[%swap3A_234, %swap3A_235], %max3A_233 {strides = array<i32>} : memref<80x128xf32, #tpu.memory_space<vmem>>, vector<16xf32>,
      %get3A_237 = arith.index_cast %scan3A_187 : i32 to index
      %get3A_238 = arith.constant 48 : index
      %get3A_239 = tpu.vector_load %arg13[%get3A_237, %get3A_238] {strides = array<i32>} : memref<80x128xf32, #tpu.memory_space<vmem>>, vector<16xf32>,
      %get3A_240 = arith.index_cast %scan3A_187 : i32 to index
      %get3A_241 = arith.constant 48 : index
      %get3A_242 = tpu.vector_load %arg14[%get3A_240, %get3A_241] {strides = array<i32>} : memref<80x128xf32, #tpu.memory_space<vmem>>, vector<16xf32>,
      %add3A_243 = arith.addf %get3A_239, %get3A_242 : vector<16xf32>
      %mul3A_244 = vector.broadcast %squeeze3A : f32 to vector<16xf32>
      %mul3A_245 = arith.mulf %mul3A_244, %get3A_9 : vector<16xf32>
      %add3A_246 = arith.addf %add3A_243, %mul3A_245 : vector<16xf32>
      %max3A_247 = arith.constant 0.000000e+00 : f32
      %max3A_248 = vector.broadcast %max3A_247 : f32 to vector<16xf32>
      %max3A_249 = arith.maximumf %add3A_246, %max3A_248 : vector<16xf32>
      %swap3A_250 = arith.index_cast %scan3A_187 : i32 to index
      %swap3A_251 = arith.constant 48 : index
      %swap3A_252 = tpu.vector_load %arg17[%swap3A_250, %swap3A_251] {strides = array<i32>} : memref<80x128xf32, #tpu.memory_space<vmem>>, vector<16xf32>,
      tpu.vector_store %arg17[%swap3A_250, %swap3A_251], %max3A_249 {strides = array<i32>} : memref<80x128xf32, #tpu.memory_space<vmem>>, vector<16xf32>,
      %get3A_253 = arith.index_cast %scan3A_187 : i32 to index
      %get3A_254 = arith.constant 64 : index
      %get3A_255 = tpu.vector_load %arg13[%get3A_253, %get3A_254] {strides = array<i32>} : memref<80x128xf32, #tpu.memory_space<vmem>>, vector<16xf32>,
      %get3A_256 = arith.index_cast %scan3A_187 : i32 to index
      %get3A_257 = arith.constant 64 : index
      %get3A_258 = tpu.vector_load %arg14[%get3A_256, %get3A_257] {strides = array<i32>} : memref<80x128xf32, #tpu.memory_space<vmem>>, vector<16xf32>,
      %add3A_259 = arith.addf %get3A_255, %get3A_258 : vector<16xf32>
      %mul3A_260 = vector.broadcast %squeeze3A : f32 to vector<16xf32>
      %mul3A_261 = arith.mulf %mul3A_260, %get3A_11 : vector<16xf32>
      %add3A_262 = arith.addf %add3A_259, %mul3A_261 : vector<16xf32>
      %max3A_263 = arith.constant 0.000000e+00 : f32
      %max3A_264 = vector.broadcast %max3A_263 : f32 to vector<16xf32>
      %max3A_265 = arith.maximumf %add3A_262, %max3A_264 : vector<16xf32>
      %swap3A_266 = arith.index_cast %scan3A_187 : i32 to index
      %swap3A_267 = arith.constant 64 : index
      %swap3A_268 = tpu.vector_load %arg17[%swap3A_266, %swap3A_267] {strides = array<i32>} : memref<80x128xf32, #tpu.memory_space<vmem>>, vector<16xf32>,
      tpu.vector_store %arg17[%swap3A_266, %swap3A_267], %max3A_265 {strides = array<i32>} : memref<80x128xf32, #tpu.memory_space<vmem>>, vector<16xf32>,
      %get3A_269 = arith.index_cast %scan3A_187 : i32 to index
      %get3A_270 = arith.constant 80 : index
      %get3A_271 = tpu.vector_load %arg13[%get3A_269, %get3A_270] {strides = array<i32>} : memref<80x128xf32, #tpu.memory_space<vmem>>, vector<16xf32>,
      %get3A_272 = arith.index_cast %scan3A_187 : i32 to index
      %get3A_273 = arith.constant 80 : index
      %get3A_274 = tpu.vector_load %arg14[%get3A_272, %get3A_273] {strides = array<i32>} : memref<80x128xf32, #tpu.memory_space<vmem>>, vector<16xf32>,
      %add3A_275 = arith.addf %get3A_271, %get3A_274 : vector<16xf32>
      %mul3A_276 = vector.broadcast %squeeze3A : f32 to vector<16xf32>
      %mul3A_277 = arith.mulf %mul3A_276, %get3A_13 : vector<16xf32>
      %add3A_278 = arith.addf %add3A_275, %mul3A_277 : vector<16xf32>
      %max3A_279 = arith.constant 0.000000e+00 : f32
      %max3A_280 = vector.broadcast %max3A_279 : f32 to vector<16xf32>
      %max3A_281 = arith.maximumf %add3A_278, %max3A_280 : vector<16xf32>
      %swap3A_282 = arith.index_cast %scan3A_187 : i32 to index
      %swap3A_283 = arith.constant 80 : index
      %swap3A_284 = tpu.vector_load %arg17[%swap3A_282, %swap3A_283] {strides = array<i32>} : memref<80x128xf32, #tpu.memory_space<vmem>>, vector<16xf32>,
      tpu.vector_store %arg17[%swap3A_282, %swap3A_283], %max3A_281 {strides = array<i32>} : memref<80x128xf32, #tpu.memory_space<vmem>>, vector<16xf32>,
      %get3A_285 = arith.index_cast %scan3A_187 : i32 to index
      %get3A_286 = arith.constant 96 : index
      %get3A_287 = tpu.vector_load %arg13[%get3A_285, %get3A_286] {strides = array<i32>} : memref<80x128xf32, #tpu.memory_space<vmem>>, vector<16xf32>,
      %get3A_288 = arith.index_cast %scan3A_187 : i32 to index
      %get3A_289 = arith.constant 96 : index
      %get3A_290 = tpu.vector_load %arg14[%get3A_288, %get3A_289] {strides = array<i32>} : memref<80x128xf32, #tpu.memory_space<vmem>>, vector<16xf32>,
      %add3A_291 = arith.addf %get3A_287, %get3A_290 : vector<16xf32>
      %mul3A_292 = vector.broadcast %squeeze3A : f32 to vector<16xf32>
      %mul3A_293 = arith.mulf %mul3A_292, %get3A_15 : vector<16xf32>
      %add3A_294 = arith.addf %add3A_291, %mul3A_293 : vector<16xf32>
      %max3A_295 = arith.constant 0.000000e+00 : f32
      %max3A_296 = vector.broadcast %max3A_295 : f32 to vector<16xf32>
      %max3A_297 = arith.maximumf %add3A_294, %max3A_296 : vector<16xf32>
      %swap3A_298 = arith.index_cast %scan3A_187 : i32 to index
      %swap3A_299 = arith.constant 96 : index
      %swap3A_300 = tpu.vector_load %arg17[%swap3A_298, %swap3A_299] {strides = array<i32>} : memref<80x128xf32, #tpu.memory_space<vmem>>, vector<16xf32>,
      tpu.vector_store %arg17[%swap3A_298, %swap3A_299], %max3A_297 {strides = array<i32>} : memref<80x128xf32, #tpu.memory_space<vmem>>, vector<16xf32>,
      %get3A_301 = arith.index_cast %scan3A_187 : i32 to index
      %get3A_302 = arith.constant 112 : index
      %get3A_303 = tpu.vector_load %arg13[%get3A_301, %get3A_302] {strides = array<i32>} : memref<80x128xf32, #tpu.memory_space<vmem>>, vector<16xf32>,
      %get3A_304 = arith.index_cast %scan3A_187 : i32 to index
      %get3A_305 = arith.constant 112 : index
      %get3A_306 = tpu.vector_load %arg14[%get3A_304, %get3A_305] {strides = array<i32>} : memref<80x128xf32, #tpu.memory_space<vmem>>, vector<16xf32>,
      %add3A_307 = arith.addf %get3A_303, %get3A_306 : vector<16xf32>
      %mul3A_308 = vector.broadcast %squeeze3A : f32 to vector<16xf32>
      %mul3A_309 = arith.mulf %mul3A_308, %get3A_17 : vector<16xf32>
      %add3A_310 = arith.addf %add3A_307, %mul3A_309 : vector<16xf32>
      %max3A_311 = arith.constant 0.000000e+00 : f32
      %max3A_312 = vector.broadcast %max3A_311 : f32 to vector<16xf32>
      %max3A_313 = arith.maximumf %add3A_310, %max3A_312 : vector<16xf32>
      %swap3A_314 = arith.index_cast %scan3A_187 : i32 to index
      %swap3A_315 = arith.constant 112 : index
      %swap3A_316 = tpu.vector_load %arg17[%swap3A_314, %swap3A_315] {strides = array<i32>} : memref<80x128xf32, #tpu.memory_space<vmem>>, vector<16xf32>,
      tpu.vector_store %arg17[%swap3A_314, %swap3A_315], %max3A_313 {strides = array<i32>} : memref<80x128xf32, #tpu.memory_space<vmem>>, vector<16xf32>,
    }
    %scan3A_176 = arith.constant 80 : i32
    %add3A_177 = arith.constant 4960 : i32
    %add3A_178 = arith.addi %mul3A_2, %add3A_177 : i32
    %dma_start3A_179 = arith.constant 0 : i32
    %dma_start3A_180 = tpu.memref_slice %arg10[%add3A_178, %dma_start3A_179] : memref<161280x128xf32, #tpu.memory_space<hbm>> -> memref<80x128xf32, #tpu.memory_space<hbm>>
    %dma_start3A_181 = arith.constant 0 : i32
    %dma_start3A_182 = tpu.memref_slice %arg10[%add3A_178, %dma_start3A_181] : memref<161280x128xf32, #tpu.memory_space<hbm>> -> memref<80x128xf32, #tpu.memory_space<hbm>>
    tpu.enqueue_dma source(%arg17 : memref<80x128xf32, #tpu.memory_space<vmem>>) target(%dma_start3A_182 : memref<80x128xf32, #tpu.memory_space<hbm>>) target_semaphore(%arg27 : memref<!tpu.dma_semaphore, #tpu.memory_space<semaphore_mem>>)
    %dma_wait3A_183 = arith.constant 0 : i32
    %dma_wait3A_184 = tpu.memref_slice %arg10[%mul3A_2, %dma_wait3A_183] : memref<161280x128xf32, #tpu.memory_space<hbm>> -> memref<80x128xf32, #tpu.memory_space<hbm>>
    %dma_wait3A_185 = arith.constant 0 : i32
    %dma_wait3A_186 = tpu.memref_slice %arg10[%mul3A_2, %dma_wait3A_185] : memref<161280x128xf32, #tpu.memory_space<hbm>> -> memref<80x128xf32, #tpu.memory_space<hbm>>
    tpu.wait_dma2 semaphore(%arg27 : memref<!tpu.dma_semaphore, #tpu.memory_space<semaphore_mem>>) src(%arg17 : memref<80x128xf32, #tpu.memory_space<vmem>>) dst(%dma_wait3A_186 : memref<80x128xf32, #tpu.memory_space<hbm>>)
    return
  }
}

#map = affine_map<(d0, d1) -> (0, 0)>
#map1 = affine_map<(d0, d1) -> (0)>
#map2 = affine_map<(d0, d1) -> (0, 0, 0, 0)>
module attributes {stable_mosaic.version = 14 : i64} {
  func.func @_scatter_body(%arg0: i32, %arg1: i32, %arg2: memref<158720x128xf32, #tpu.memory_space<hbm>>, %arg3: memref<158720xi32, #tpu.memory_space<hbm>>, %arg4: memref<2x16x625x128xf32, #tpu.memory_space<hbm>>, %arg5: memref<80xi32, #tpu.memory_space<vmem>>, %arg6: memref<80xi32, #tpu.memory_space<vmem>>, %arg7: memref<80x128xf32, #tpu.memory_space<vmem>>, %arg8: memref<80x128xf32, #tpu.memory_space<vmem>>, %arg9: memref<125x128xf32, #tpu.memory_space<vmem>>, %arg10: memref<10000x128xf32, #tpu.memory_space<vmem_shared>>, %arg11: memref<!tpu.dma_semaphore, #tpu.memory_space<semaphore_mem>>, %arg12: memref<!tpu.dma_semaphore, #tpu.memory_space<semaphore_mem>>, %arg13: memref<!tpu.dma_semaphore, #tpu.memory_space<semaphore_mem>>, %arg14: memref<!tpu.dma_semaphore, #tpu.memory_space<semaphore_mem>>) attributes {dimension_semantics = [#tpu.dimension_semantics<core_parallel>, #tpu.dimension_semantics<subcore_parallel>], iteration_bounds = array<i64: 2, 16>, scalar_prefetch = 0 : i64, scratch_operands = 10 : i64, tpu.core_type = #tpu.core_type<sc_vector_subcore>, window_params = [{transform_indices = #map}, {transform_indices = #map1}, {transform_indices = #map2}]} {
    %mul3A = arith.constant 2 : i32
    %mul3A_0 = arith.muli %arg1, %mul3A : i32
    %add3A = arith.addi %mul3A_0, %arg0 : i32
    %mul3A_1 = arith.constant 4960 : i32
    %mul3A_2 = arith.muli %add3A, %mul3A_1 : i32
    %add3A_3 = arith.constant 0 : i32
    %add3A_4 = arith.addi %mul3A_2, %add3A_3 : i32
    %dma_start3A = tpu.memref_slice %arg3[%add3A_4] : memref<158720xi32, #tpu.memory_space<hbm>> -> memref<80xi32, #tpu.memory_space<hbm>>
    %dma_start3A_5 = tpu.memref_slice %arg3[%add3A_4] : memref<158720xi32, #tpu.memory_space<hbm>> -> memref<80xi32, #tpu.memory_space<hbm>>
    tpu.enqueue_dma source(%dma_start3A_5 : memref<80xi32, #tpu.memory_space<hbm>>) target(%arg5 : memref<80xi32, #tpu.memory_space<vmem>>) target_semaphore(%arg11 : memref<!tpu.dma_semaphore, #tpu.memory_space<semaphore_mem>>)
    %dma_start3A_6 = arith.constant 0 : i32
    %dma_start3A_7 = tpu.memref_slice %arg2[%add3A_4, %dma_start3A_6] : memref<158720x128xf32, #tpu.memory_space<hbm>> -> memref<80x128xf32, #tpu.memory_space<hbm>>
    %dma_start3A_8 = arith.constant 0 : i32
    %dma_start3A_9 = tpu.memref_slice %arg2[%add3A_4, %dma_start3A_8] : memref<158720x128xf32, #tpu.memory_space<hbm>> -> memref<80x128xf32, #tpu.memory_space<hbm>>
    tpu.enqueue_dma source(%dma_start3A_9 : memref<80x128xf32, #tpu.memory_space<hbm>>) target(%arg7 : memref<80x128xf32, #tpu.memory_space<vmem>>) target_semaphore(%arg13 : memref<!tpu.dma_semaphore, #tpu.memory_space<semaphore_mem>>)
    %broadcast_in_dim3A = arith.constant 0.000000e+00 : f32
    %broadcast_in_dim3A_10 = vector.broadcast %broadcast_in_dim3A : f32 to vector<16xf32>
    %scan3A = arith.constant 0 : i32
    %scan3A_11 = arith.constant 0 : i32
    %scan3A_12 = arith.constant 125 : i32
    %scan3A_13 = arith.addi %scan3A_11, %scan3A_12 : i32
    %scan3A_14 = arith.constant 1 : i32
    scf.for %scan3A_64 = %scan3A_11 to %scan3A_13 step %scan3A_14  : i32 {
      %swap3A = arith.index_cast %scan3A_64 : i32 to index
      %swap3A_65 = arith.constant 0 : index
      %swap3A_66 = tpu.vector_load %arg9[%swap3A, %swap3A_65] {strides = array<i32>} : memref<125x128xf32, #tpu.memory_space<vmem>>, vector<1x16xf32>,
      %swap3A_67 = vector.shape_cast %swap3A_66 : vector<1x16xf32> to vector<16xf32>
      %swap3A_68 = vector.shape_cast %broadcast_in_dim3A_10 : vector<16xf32> to vector<1x16xf32>
      tpu.vector_store %arg9[%swap3A, %swap3A_65], %swap3A_68 {strides = array<i32>} : memref<125x128xf32, #tpu.memory_space<vmem>>, vector<1x16xf32>,
      %swap3A_69 = arith.index_cast %scan3A_64 : i32 to index
      %swap3A_70 = arith.constant 16 : index
      %swap3A_71 = tpu.vector_load %arg9[%swap3A_69, %swap3A_70] {strides = array<i32>} : memref<125x128xf32, #tpu.memory_space<vmem>>, vector<1x16xf32>,
      %swap3A_72 = vector.shape_cast %swap3A_71 : vector<1x16xf32> to vector<16xf32>
      %swap3A_73 = vector.shape_cast %broadcast_in_dim3A_10 : vector<16xf32> to vector<1x16xf32>
      tpu.vector_store %arg9[%swap3A_69, %swap3A_70], %swap3A_73 {strides = array<i32>} : memref<125x128xf32, #tpu.memory_space<vmem>>, vector<1x16xf32>,
      %swap3A_74 = arith.index_cast %scan3A_64 : i32 to index
      %swap3A_75 = arith.constant 32 : index
      %swap3A_76 = tpu.vector_load %arg9[%swap3A_74, %swap3A_75] {strides = array<i32>} : memref<125x128xf32, #tpu.memory_space<vmem>>, vector<1x16xf32>,
      %swap3A_77 = vector.shape_cast %swap3A_76 : vector<1x16xf32> to vector<16xf32>
      %swap3A_78 = vector.shape_cast %broadcast_in_dim3A_10 : vector<16xf32> to vector<1x16xf32>
      tpu.vector_store %arg9[%swap3A_74, %swap3A_75], %swap3A_78 {strides = array<i32>} : memref<125x128xf32, #tpu.memory_space<vmem>>, vector<1x16xf32>,
      %swap3A_79 = arith.index_cast %scan3A_64 : i32 to index
      %swap3A_80 = arith.constant 48 : index
      %swap3A_81 = tpu.vector_load %arg9[%swap3A_79, %swap3A_80] {strides = array<i32>} : memref<125x128xf32, #tpu.memory_space<vmem>>, vector<1x16xf32>,
      %swap3A_82 = vector.shape_cast %swap3A_81 : vector<1x16xf32> to vector<16xf32>
      %swap3A_83 = vector.shape_cast %broadcast_in_dim3A_10 : vector<16xf32> to vector<1x16xf32>
      tpu.vector_store %arg9[%swap3A_79, %swap3A_80], %swap3A_83 {strides = array<i32>} : memref<125x128xf32, #tpu.memory_space<vmem>>, vector<1x16xf32>,
      %swap3A_84 = arith.index_cast %scan3A_64 : i32 to index
      %swap3A_85 = arith.constant 64 : index
      %swap3A_86 = tpu.vector_load %arg9[%swap3A_84, %swap3A_85] {strides = array<i32>} : memref<125x128xf32, #tpu.memory_space<vmem>>, vector<1x16xf32>,
      %swap3A_87 = vector.shape_cast %swap3A_86 : vector<1x16xf32> to vector<16xf32>
      %swap3A_88 = vector.shape_cast %broadcast_in_dim3A_10 : vector<16xf32> to vector<1x16xf32>
      tpu.vector_store %arg9[%swap3A_84, %swap3A_85], %swap3A_88 {strides = array<i32>} : memref<125x128xf32, #tpu.memory_space<vmem>>, vector<1x16xf32>,
      %swap3A_89 = arith.index_cast %scan3A_64 : i32 to index
      %swap3A_90 = arith.constant 80 : index
      %swap3A_91 = tpu.vector_load %arg9[%swap3A_89, %swap3A_90] {strides = array<i32>} : memref<125x128xf32, #tpu.memory_space<vmem>>, vector<1x16xf32>,
      %swap3A_92 = vector.shape_cast %swap3A_91 : vector<1x16xf32> to vector<16xf32>
      %swap3A_93 = vector.shape_cast %broadcast_in_dim3A_10 : vector<16xf32> to vector<1x16xf32>
      tpu.vector_store %arg9[%swap3A_89, %swap3A_90], %swap3A_93 {strides = array<i32>} : memref<125x128xf32, #tpu.memory_space<vmem>>, vector<1x16xf32>,
      %swap3A_94 = arith.index_cast %scan3A_64 : i32 to index
      %swap3A_95 = arith.constant 96 : index
      %swap3A_96 = tpu.vector_load %arg9[%swap3A_94, %swap3A_95] {strides = array<i32>} : memref<125x128xf32, #tpu.memory_space<vmem>>, vector<1x16xf32>,
      %swap3A_97 = vector.shape_cast %swap3A_96 : vector<1x16xf32> to vector<16xf32>
      %swap3A_98 = vector.shape_cast %broadcast_in_dim3A_10 : vector<16xf32> to vector<1x16xf32>
      tpu.vector_store %arg9[%swap3A_94, %swap3A_95], %swap3A_98 {strides = array<i32>} : memref<125x128xf32, #tpu.memory_space<vmem>>, vector<1x16xf32>,
      %swap3A_99 = arith.index_cast %scan3A_64 : i32 to index
      %swap3A_100 = arith.constant 112 : index
      %swap3A_101 = tpu.vector_load %arg9[%swap3A_99, %swap3A_100] {strides = array<i32>} : memref<125x128xf32, #tpu.memory_space<vmem>>, vector<1x16xf32>,
      %swap3A_102 = vector.shape_cast %swap3A_101 : vector<1x16xf32> to vector<16xf32>
      %swap3A_103 = vector.shape_cast %broadcast_in_dim3A_10 : vector<16xf32> to vector<1x16xf32>
      tpu.vector_store %arg9[%swap3A_99, %swap3A_100], %swap3A_103 {strides = array<i32>} : memref<125x128xf32, #tpu.memory_space<vmem>>, vector<1x16xf32>,
    }
    %scan3A_15 = arith.constant 125 : i32
    %mul3A_16 = arith.constant 625 : i32
    %mul3A_17 = arith.muli %arg1, %mul3A_16 : i32
    %add3A_18 = arith.constant 0 : i32
    %add3A_19 = arith.addi %mul3A_17, %add3A_18 : i32
    "tpu.region"() ({
      %run_scoped3A = tpu.sem_alloc : memref<!tpu.dma_semaphore, #tpu.memory_space<semaphore_mem>>
      %dma_start3A_64 = arith.constant 0 : i32
      %dma_start3A_65 = tpu.memref_slice %arg10[%add3A_19, %dma_start3A_64] : memref<10000x128xf32, #tpu.memory_space<vmem_shared>> -> memref<125x128xf32, #tpu.memory_space<vmem_shared>>
      %dma_start3A_66 = arith.constant 0 : i32
      %dma_start3A_67 = tpu.memref_slice %arg10[%add3A_19, %dma_start3A_66] : memref<10000x128xf32, #tpu.memory_space<vmem_shared>> -> memref<125x128xf32, #tpu.memory_space<vmem_shared>>
      tpu.enqueue_dma source(%arg9 : memref<125x128xf32, #tpu.memory_space<vmem>>) target(%dma_start3A_67 : memref<125x128xf32, #tpu.memory_space<vmem_shared>>) target_semaphore(%run_scoped3A : memref<!tpu.dma_semaphore, #tpu.memory_space<semaphore_mem>>)
      %dma_wait3A_68 = arith.constant 0 : i32
      %dma_wait3A_69 = tpu.memref_slice %arg10[%add3A_19, %dma_wait3A_68] : memref<10000x128xf32, #tpu.memory_space<vmem_shared>> -> memref<125x128xf32, #tpu.memory_space<vmem_shared>>
      %dma_wait3A_70 = arith.constant 0 : i32
      %dma_wait3A_71 = tpu.memref_slice %arg10[%add3A_19, %dma_wait3A_70] : memref<10000x128xf32, #tpu.memory_space<vmem_shared>> -> memref<125x128xf32, #tpu.memory_space<vmem_shared>>
      tpu.wait_dma2 semaphore(%run_scoped3A : memref<!tpu.dma_semaphore, #tpu.memory_space<semaphore_mem>>) src(%arg9 : memref<125x128xf32, #tpu.memory_space<vmem>>) dst(%dma_wait3A_71 : memref<125x128xf32, #tpu.memory_space<vmem_shared>>)
      tpu.yield
    }) : () -> ()
    %mul3A_20 = arith.constant 625 : i32
    %mul3A_21 = arith.muli %arg1, %mul3A_20 : i32
    %add3A_22 = arith.constant 125 : i32
    %add3A_23 = arith.addi %mul3A_21, %add3A_22 : i32
    "tpu.region"() ({
      %run_scoped3A = tpu.sem_alloc : memref<!tpu.dma_semaphore, #tpu.memory_space<semaphore_mem>>
      %dma_start3A_64 = arith.constant 0 : i32
      %dma_start3A_65 = tpu.memref_slice %arg10[%add3A_23, %dma_start3A_64] : memref<10000x128xf32, #tpu.memory_space<vmem_shared>> -> memref<125x128xf32, #tpu.memory_space<vmem_shared>>
      %dma_start3A_66 = arith.constant 0 : i32
      %dma_start3A_67 = tpu.memref_slice %arg10[%add3A_23, %dma_start3A_66] : memref<10000x128xf32, #tpu.memory_space<vmem_shared>> -> memref<125x128xf32, #tpu.memory_space<vmem_shared>>
      tpu.enqueue_dma source(%arg9 : memref<125x128xf32, #tpu.memory_space<vmem>>) target(%dma_start3A_67 : memref<125x128xf32, #tpu.memory_space<vmem_shared>>) target_semaphore(%run_scoped3A : memref<!tpu.dma_semaphore, #tpu.memory_space<semaphore_mem>>)
      %dma_wait3A_68 = arith.constant 0 : i32
      %dma_wait3A_69 = tpu.memref_slice %arg10[%add3A_23, %dma_wait3A_68] : memref<10000x128xf32, #tpu.memory_space<vmem_shared>> -> memref<125x128xf32, #tpu.memory_space<vmem_shared>>
      %dma_wait3A_70 = arith.constant 0 : i32
      %dma_wait3A_71 = tpu.memref_slice %arg10[%add3A_23, %dma_wait3A_70] : memref<10000x128xf32, #tpu.memory_space<vmem_shared>> -> memref<125x128xf32, #tpu.memory_space<vmem_shared>>
      tpu.wait_dma2 semaphore(%run_scoped3A : memref<!tpu.dma_semaphore, #tpu.memory_space<semaphore_mem>>) src(%arg9 : memref<125x128xf32, #tpu.memory_space<vmem>>) dst(%dma_wait3A_71 : memref<125x128xf32, #tpu.memory_space<vmem_shared>>)
      tpu.yield
    }) : () -> ()
    %mul3A_24 = arith.constant 625 : i32
    %mul3A_25 = arith.muli %arg1, %mul3A_24 : i32
    %add3A_26 = arith.constant 250 : i32
    %add3A_27 = arith.addi %mul3A_25, %add3A_26 : i32
    "tpu.region"() ({
      %run_scoped3A = tpu.sem_alloc : memref<!tpu.dma_semaphore, #tpu.memory_space<semaphore_mem>>
      %dma_start3A_64 = arith.constant 0 : i32
      %dma_start3A_65 = tpu.memref_slice %arg10[%add3A_27, %dma_start3A_64] : memref<10000x128xf32, #tpu.memory_space<vmem_shared>> -> memref<125x128xf32, #tpu.memory_space<vmem_shared>>
      %dma_start3A_66 = arith.constant 0 : i32
      %dma_start3A_67 = tpu.memref_slice %arg10[%add3A_27, %dma_start3A_66] : memref<10000x128xf32, #tpu.memory_space<vmem_shared>> -> memref<125x128xf32, #tpu.memory_space<vmem_shared>>
      tpu.enqueue_dma source(%arg9 : memref<125x128xf32, #tpu.memory_space<vmem>>) target(%dma_start3A_67 : memref<125x128xf32, #tpu.memory_space<vmem_shared>>) target_semaphore(%run_scoped3A : memref<!tpu.dma_semaphore, #tpu.memory_space<semaphore_mem>>)
      %dma_wait3A_68 = arith.constant 0 : i32
      %dma_wait3A_69 = tpu.memref_slice %arg10[%add3A_27, %dma_wait3A_68] : memref<10000x128xf32, #tpu.memory_space<vmem_shared>> -> memref<125x128xf32, #tpu.memory_space<vmem_shared>>
      %dma_wait3A_70 = arith.constant 0 : i32
      %dma_wait3A_71 = tpu.memref_slice %arg10[%add3A_27, %dma_wait3A_70] : memref<10000x128xf32, #tpu.memory_space<vmem_shared>> -> memref<125x128xf32, #tpu.memory_space<vmem_shared>>
      tpu.wait_dma2 semaphore(%run_scoped3A : memref<!tpu.dma_semaphore, #tpu.memory_space<semaphore_mem>>) src(%arg9 : memref<125x128xf32, #tpu.memory_space<vmem>>) dst(%dma_wait3A_71 : memref<125x128xf32, #tpu.memory_space<vmem_shared>>)
      tpu.yield
    }) : () -> ()
    %mul3A_28 = arith.constant 625 : i32
    %mul3A_29 = arith.muli %arg1, %mul3A_28 : i32
    %add3A_30 = arith.constant 375 : i32
    %add3A_31 = arith.addi %mul3A_29, %add3A_30 : i32
    "tpu.region"() ({
      %run_scoped3A = tpu.sem_alloc : memref<!tpu.dma_semaphore, #tpu.memory_space<semaphore_mem>>
      %dma_start3A_64 = arith.constant 0 : i32
      %dma_start3A_65 = tpu.memref_slice %arg10[%add3A_31, %dma_start3A_64] : memref<10000x128xf32, #tpu.memory_space<vmem_shared>> -> memref<125x128xf32, #tpu.memory_space<vmem_shared>>
      %dma_start3A_66 = arith.constant 0 : i32
      %dma_start3A_67 = tpu.memref_slice %arg10[%add3A_31, %dma_start3A_66] : memref<10000x128xf32, #tpu.memory_space<vmem_shared>> -> memref<125x128xf32, #tpu.memory_space<vmem_shared>>
      tpu.enqueue_dma source(%arg9 : memref<125x128xf32, #tpu.memory_space<vmem>>) target(%dma_start3A_67 : memref<125x128xf32, #tpu.memory_space<vmem_shared>>) target_semaphore(%run_scoped3A : memref<!tpu.dma_semaphore, #tpu.memory_space<semaphore_mem>>)
      %dma_wait3A_68 = arith.constant 0 : i32
      %dma_wait3A_69 = tpu.memref_slice %arg10[%add3A_31, %dma_wait3A_68] : memref<10000x128xf32, #tpu.memory_space<vmem_shared>> -> memref<125x128xf32, #tpu.memory_space<vmem_shared>>
      %dma_wait3A_70 = arith.constant 0 : i32
      %dma_wait3A_71 = tpu.memref_slice %arg10[%add3A_31, %dma_wait3A_70] : memref<10000x128xf32, #tpu.memory_space<vmem_shared>> -> memref<125x128xf32, #tpu.memory_space<vmem_shared>>
      tpu.wait_dma2 semaphore(%run_scoped3A : memref<!tpu.dma_semaphore, #tpu.memory_space<semaphore_mem>>) src(%arg9 : memref<125x128xf32, #tpu.memory_space<vmem>>) dst(%dma_wait3A_71 : memref<125x128xf32, #tpu.memory_space<vmem_shared>>)
      tpu.yield
    }) : () -> ()
    %mul3A_32 = arith.constant 625 : i32
    %mul3A_33 = arith.muli %arg1, %mul3A_32 : i32
    %add3A_34 = arith.constant 500 : i32
    %add3A_35 = arith.addi %mul3A_33, %add3A_34 : i32
    "tpu.region"() ({
      %run_scoped3A = tpu.sem_alloc : memref<!tpu.dma_semaphore, #tpu.memory_space<semaphore_mem>>
      %dma_start3A_64 = arith.constant 0 : i32
      %dma_start3A_65 = tpu.memref_slice %arg10[%add3A_35, %dma_start3A_64] : memref<10000x128xf32, #tpu.memory_space<vmem_shared>> -> memref<125x128xf32, #tpu.memory_space<vmem_shared>>
      %dma_start3A_66 = arith.constant 0 : i32
      %dma_start3A_67 = tpu.memref_slice %arg10[%add3A_35, %dma_start3A_66] : memref<10000x128xf32, #tpu.memory_space<vmem_shared>> -> memref<125x128xf32, #tpu.memory_space<vmem_shared>>
      tpu.enqueue_dma source(%arg9 : memref<125x128xf32, #tpu.memory_space<vmem>>) target(%dma_start3A_67 : memref<125x128xf32, #tpu.memory_space<vmem_shared>>) target_semaphore(%run_scoped3A : memref<!tpu.dma_semaphore, #tpu.memory_space<semaphore_mem>>)
      %dma_wait3A_68 = arith.constant 0 : i32
      %dma_wait3A_69 = tpu.memref_slice %arg10[%add3A_35, %dma_wait3A_68] : memref<10000x128xf32, #tpu.memory_space<vmem_shared>> -> memref<125x128xf32, #tpu.memory_space<vmem_shared>>
      %dma_wait3A_70 = arith.constant 0 : i32
      %dma_wait3A_71 = tpu.memref_slice %arg10[%add3A_35, %dma_wait3A_70] : memref<10000x128xf32, #tpu.memory_space<vmem_shared>> -> memref<125x128xf32, #tpu.memory_space<vmem_shared>>
      tpu.wait_dma2 semaphore(%run_scoped3A : memref<!tpu.dma_semaphore, #tpu.memory_space<semaphore_mem>>) src(%arg9 : memref<125x128xf32, #tpu.memory_space<vmem>>) dst(%dma_wait3A_71 : memref<125x128xf32, #tpu.memory_space<vmem_shared>>)
      tpu.yield
    }) : () -> ()
    %barrier3A = arith.constant 0 : index
    tpu.barrier barrier_id(%barrier3A)
    %scan3A_36 = arith.constant 0 : i32
    %scan3A_37 = arith.constant 0 : i32
    %scan3A_38 = arith.constant 30 : i32
    %scan3A_39 = arith.addi %scan3A_37, %scan3A_38 : i32
    %scan3A_40 = arith.constant 1 : i32
    scf.for %scan3A_64 = %scan3A_37 to %scan3A_39 step %scan3A_40  : i32 {
      %mul3A_65 = arith.constant 2 : i32
      %mul3A_66 = arith.muli %mul3A_65, %scan3A_64 : i32
      %add3A_67 = arith.constant 1 : i32
      %add3A_68 = arith.addi %mul3A_66, %add3A_67 : i32
      %mul3A_69 = arith.constant 80 : i32
      %mul3A_70 = arith.muli %add3A_68, %mul3A_69 : i32
      %add3A_71 = arith.addi %mul3A_2, %mul3A_70 : i32
      %dma_start3A_72 = tpu.memref_slice %arg3[%add3A_71] : memref<158720xi32, #tpu.memory_space<hbm>> -> memref<80xi32, #tpu.memory_space<hbm>>
      %dma_start3A_73 = tpu.memref_slice %arg3[%add3A_71] : memref<158720xi32, #tpu.memory_space<hbm>> -> memref<80xi32, #tpu.memory_space<hbm>>
      tpu.enqueue_dma source(%dma_start3A_73 : memref<80xi32, #tpu.memory_space<hbm>>) target(%arg6 : memref<80xi32, #tpu.memory_space<vmem>>) target_semaphore(%arg12 : memref<!tpu.dma_semaphore, #tpu.memory_space<semaphore_mem>>)
      %dma_start3A_74 = arith.constant 0 : i32
      %dma_start3A_75 = tpu.memref_slice %arg2[%add3A_71, %dma_start3A_74] : memref<158720x128xf32, #tpu.memory_space<hbm>> -> memref<80x128xf32, #tpu.memory_space<hbm>>
      %dma_start3A_76 = arith.constant 0 : i32
      %dma_start3A_77 = tpu.memref_slice %arg2[%add3A_71, %dma_start3A_76] : memref<158720x128xf32, #tpu.memory_space<hbm>> -> memref<80x128xf32, #tpu.memory_space<hbm>>
      tpu.enqueue_dma source(%dma_start3A_77 : memref<80x128xf32, #tpu.memory_space<hbm>>) target(%arg8 : memref<80x128xf32, #tpu.memory_space<vmem>>) target_semaphore(%arg14 : memref<!tpu.dma_semaphore, #tpu.memory_space<semaphore_mem>>)
      %dma_wait3A_78 = tpu.memref_slice %arg3[%mul3A_2] : memref<158720xi32, #tpu.memory_space<hbm>> -> memref<80xi32, #tpu.memory_space<hbm>>
      %dma_wait3A_79 = tpu.memref_slice %arg3[%mul3A_2] : memref<158720xi32, #tpu.memory_space<hbm>> -> memref<80xi32, #tpu.memory_space<hbm>>
      tpu.wait_dma2 semaphore(%arg11 : memref<!tpu.dma_semaphore, #tpu.memory_space<semaphore_mem>>) src(%dma_wait3A_79 : memref<80xi32, #tpu.memory_space<hbm>>) dst(%arg5 : memref<80xi32, #tpu.memory_space<vmem>>)
      %dma_wait3A_80 = arith.constant 0 : i32
      %dma_wait3A_81 = tpu.memref_slice %arg2[%mul3A_2, %dma_wait3A_80] : memref<158720x128xf32, #tpu.memory_space<hbm>> -> memref<80x128xf32, #tpu.memory_space<hbm>>
      %dma_wait3A_82 = arith.constant 0 : i32
      %dma_wait3A_83 = tpu.memref_slice %arg2[%mul3A_2, %dma_wait3A_82] : memref<158720x128xf32, #tpu.memory_space<hbm>> -> memref<80x128xf32, #tpu.memory_space<hbm>>
      tpu.wait_dma2 semaphore(%arg13 : memref<!tpu.dma_semaphore, #tpu.memory_space<semaphore_mem>>) src(%dma_wait3A_83 : memref<80x128xf32, #tpu.memory_space<hbm>>) dst(%arg7 : memref<80x128xf32, #tpu.memory_space<vmem>>)
      "tpu.region"() ({
        %run_scoped3A = tpu.sem_alloc : memref<!tpu.dma_semaphore, #tpu.memory_space<semaphore_mem>>
        %dma_start3A_101 = arith.constant 0 : i32
        %dma_start3A_102 = arith.constant 0 : i32
        %dma_start3A_103 = tpu.memref_slice %arg10[%dma_start3A_101, %dma_start3A_102] : memref<10000x128xf32, #tpu.memory_space<vmem_shared>> -> memref<10000x128xf32, #tpu.memory_space<vmem_shared>>
        tpu.enqueue_indirect_dma source(%arg7 : memref<80x128xf32, #tpu.memory_space<vmem>>) target(%dma_start3A_103 : memref<10000x128xf32, #tpu.memory_space<vmem_shared>>) offsets(%arg5 : memref<80xi32, #tpu.memory_space<vmem>>) semaphore(%run_scoped3A : memref<!tpu.dma_semaphore, #tpu.memory_space<semaphore_mem>>) {add = true}
        %dma_wait3A_104 = arith.constant 0 : i32
        %dma_wait3A_105 = arith.constant 0 : i32
        %dma_wait3A_106 = tpu.memref_slice %arg10[%dma_wait3A_104, %dma_wait3A_105] : memref<10000x128xf32, #tpu.memory_space<vmem_shared>> -> memref<10000x128xf32, #tpu.memory_space<vmem_shared>>
        tpu.wait_indirect_dma semaphore(%run_scoped3A : memref<!tpu.dma_semaphore, #tpu.memory_space<semaphore_mem>>) src(%arg7 : memref<80x128xf32, #tpu.memory_space<vmem>>) dst(%dma_wait3A_106 : memref<10000x128xf32, #tpu.memory_space<vmem_shared>>)
        tpu.yield
      }) : () -> ()
      %add3A_84 = arith.constant 2 : i32
      %add3A_85 = arith.addi %mul3A_66, %add3A_84 : i32
      %mul3A_86 = arith.constant 80 : i32
      %mul3A_87 = arith.muli %add3A_85, %mul3A_86 : i32
      %add3A_88 = arith.addi %mul3A_2, %mul3A_87 : i32
      %dma_start3A_89 = tpu.memref_slice %arg3[%add3A_88] : memref<158720xi32, #tpu.memory_space<hbm>> -> memref<80xi32, #tpu.memory_space<hbm>>
      %dma_start3A_90 = tpu.memref_slice %arg3[%add3A_88] : memref<158720xi32, #tpu.memory_space<hbm>> -> memref<80xi32, #tpu.memory_space<hbm>>
      tpu.enqueue_dma source(%dma_start3A_90 : memref<80xi32, #tpu.memory_space<hbm>>) target(%arg5 : memref<80xi32, #tpu.memory_space<vmem>>) target_semaphore(%arg11 : memref<!tpu.dma_semaphore, #tpu.memory_space<semaphore_mem>>)
      %dma_start3A_91 = arith.constant 0 : i32
      %dma_start3A_92 = tpu.memref_slice %arg2[%add3A_88, %dma_start3A_91] : memref<158720x128xf32, #tpu.memory_space<hbm>> -> memref<80x128xf32, #tpu.memory_space<hbm>>
      %dma_start3A_93 = arith.constant 0 : i32
      %dma_start3A_94 = tpu.memref_slice %arg2[%add3A_88, %dma_start3A_93] : memref<158720x128xf32, #tpu.memory_space<hbm>> -> memref<80x128xf32, #tpu.memory_space<hbm>>
      tpu.enqueue_dma source(%dma_start3A_94 : memref<80x128xf32, #tpu.memory_space<hbm>>) target(%arg7 : memref<80x128xf32, #tpu.memory_space<vmem>>) target_semaphore(%arg13 : memref<!tpu.dma_semaphore, #tpu.memory_space<semaphore_mem>>)
      %dma_wait3A_95 = tpu.memref_slice %arg3[%mul3A_2] : memref<158720xi32, #tpu.memory_space<hbm>> -> memref<80xi32, #tpu.memory_space<hbm>>
      %dma_wait3A_96 = tpu.memref_slice %arg3[%mul3A_2] : memref<158720xi32, #tpu.memory_space<hbm>> -> memref<80xi32, #tpu.memory_space<hbm>>
      tpu.wait_dma2 semaphore(%arg12 : memref<!tpu.dma_semaphore, #tpu.memory_space<semaphore_mem>>) src(%dma_wait3A_96 : memref<80xi32, #tpu.memory_space<hbm>>) dst(%arg6 : memref<80xi32, #tpu.memory_space<vmem>>)
      %dma_wait3A_97 = arith.constant 0 : i32
      %dma_wait3A_98 = tpu.memref_slice %arg2[%mul3A_2, %dma_wait3A_97] : memref<158720x128xf32, #tpu.memory_space<hbm>> -> memref<80x128xf32, #tpu.memory_space<hbm>>
      %dma_wait3A_99 = arith.constant 0 : i32
      %dma_wait3A_100 = tpu.memref_slice %arg2[%mul3A_2, %dma_wait3A_99] : memref<158720x128xf32, #tpu.memory_space<hbm>> -> memref<80x128xf32, #tpu.memory_space<hbm>>
      tpu.wait_dma2 semaphore(%arg14 : memref<!tpu.dma_semaphore, #tpu.memory_space<semaphore_mem>>) src(%dma_wait3A_100 : memref<80x128xf32, #tpu.memory_space<hbm>>) dst(%arg8 : memref<80x128xf32, #tpu.memory_space<vmem>>)
      "tpu.region"() ({
        %run_scoped3A = tpu.sem_alloc : memref<!tpu.dma_semaphore, #tpu.memory_space<semaphore_mem>>
        %dma_start3A_101 = arith.constant 0 : i32
        %dma_start3A_102 = arith.constant 0 : i32
        %dma_start3A_103 = tpu.memref_slice %arg10[%dma_start3A_101, %dma_start3A_102] : memref<10000x128xf32, #tpu.memory_space<vmem_shared>> -> memref<10000x128xf32, #tpu.memory_space<vmem_shared>>
        tpu.enqueue_indirect_dma source(%arg8 : memref<80x128xf32, #tpu.memory_space<vmem>>) target(%dma_start3A_103 : memref<10000x128xf32, #tpu.memory_space<vmem_shared>>) offsets(%arg6 : memref<80xi32, #tpu.memory_space<vmem>>) semaphore(%run_scoped3A : memref<!tpu.dma_semaphore, #tpu.memory_space<semaphore_mem>>) {add = true}
        %dma_wait3A_104 = arith.constant 0 : i32
        %dma_wait3A_105 = arith.constant 0 : i32
        %dma_wait3A_106 = tpu.memref_slice %arg10[%dma_wait3A_104, %dma_wait3A_105] : memref<10000x128xf32, #tpu.memory_space<vmem_shared>> -> memref<10000x128xf32, #tpu.memory_space<vmem_shared>>
        tpu.wait_indirect_dma semaphore(%run_scoped3A : memref<!tpu.dma_semaphore, #tpu.memory_space<semaphore_mem>>) src(%arg8 : memref<80x128xf32, #tpu.memory_space<vmem>>) dst(%dma_wait3A_106 : memref<10000x128xf32, #tpu.memory_space<vmem_shared>>)
        tpu.yield
      }) : () -> ()
    }
    %scan3A_41 = arith.constant 30 : i32
    %add3A_42 = arith.constant 4880 : i32
    %add3A_43 = arith.addi %mul3A_2, %add3A_42 : i32
    %dma_start3A_44 = tpu.memref_slice %arg3[%add3A_43] : memref<158720xi32, #tpu.memory_space<hbm>> -> memref<80xi32, #tpu.memory_space<hbm>>
    %dma_start3A_45 = tpu.memref_slice %arg3[%add3A_43] : memref<158720xi32, #tpu.memory_space<hbm>> -> memref<80xi32, #tpu.memory_space<hbm>>
    tpu.enqueue_dma source(%dma_start3A_45 : memref<80xi32, #tpu.memory_space<hbm>>) target(%arg6 : memref<80xi32, #tpu.memory_space<vmem>>) target_semaphore(%arg12 : memref<!tpu.dma_semaphore, #tpu.memory_space<semaphore_mem>>)
    %dma_start3A_46 = arith.constant 0 : i32
    %dma_start3A_47 = tpu.memref_slice %arg2[%add3A_43, %dma_start3A_46] : memref<158720x128xf32, #tpu.memory_space<hbm>> -> memref<80x128xf32, #tpu.memory_space<hbm>>
    %dma_start3A_48 = arith.constant 0 : i32
    %dma_start3A_49 = tpu.memref_slice %arg2[%add3A_43, %dma_start3A_48] : memref<158720x128xf32, #tpu.memory_space<hbm>> -> memref<80x128xf32, #tpu.memory_space<hbm>>
    tpu.enqueue_dma source(%dma_start3A_49 : memref<80x128xf32, #tpu.memory_space<hbm>>) target(%arg8 : memref<80x128xf32, #tpu.memory_space<vmem>>) target_semaphore(%arg14 : memref<!tpu.dma_semaphore, #tpu.memory_space<semaphore_mem>>)
    %dma_wait3A = tpu.memref_slice %arg3[%mul3A_2] : memref<158720xi32, #tpu.memory_space<hbm>> -> memref<80xi32, #tpu.memory_space<hbm>>
    %dma_wait3A_50 = tpu.memref_slice %arg3[%mul3A_2] : memref<158720xi32, #tpu.memory_space<hbm>> -> memref<80xi32, #tpu.memory_space<hbm>>
    tpu.wait_dma2 semaphore(%arg11 : memref<!tpu.dma_semaphore, #tpu.memory_space<semaphore_mem>>) src(%dma_wait3A_50 : memref<80xi32, #tpu.memory_space<hbm>>) dst(%arg5 : memref<80xi32, #tpu.memory_space<vmem>>)
    %dma_wait3A_51 = arith.constant 0 : i32
    %dma_wait3A_52 = tpu.memref_slice %arg2[%mul3A_2, %dma_wait3A_51] : memref<158720x128xf32, #tpu.memory_space<hbm>> -> memref<80x128xf32, #tpu.memory_space<hbm>>
    %dma_wait3A_53 = arith.constant 0 : i32
    %dma_wait3A_54 = tpu.memref_slice %arg2[%mul3A_2, %dma_wait3A_53] : memref<158720x128xf32, #tpu.memory_space<hbm>> -> memref<80x128xf32, #tpu.memory_space<hbm>>
    tpu.wait_dma2 semaphore(%arg13 : memref<!tpu.dma_semaphore, #tpu.memory_space<semaphore_mem>>) src(%dma_wait3A_54 : memref<80x128xf32, #tpu.memory_space<hbm>>) dst(%arg7 : memref<80x128xf32, #tpu.memory_space<vmem>>)
    "tpu.region"() ({
      %run_scoped3A = tpu.sem_alloc : memref<!tpu.dma_semaphore, #tpu.memory_space<semaphore_mem>>
      %dma_start3A_64 = arith.constant 0 : i32
      %dma_start3A_65 = arith.constant 0 : i32
      %dma_start3A_66 = tpu.memref_slice %arg10[%dma_start3A_64, %dma_start3A_65] : memref<10000x128xf32, #tpu.memory_space<vmem_shared>> -> memref<10000x128xf32, #tpu.memory_space<vmem_shared>>
      tpu.enqueue_indirect_dma source(%arg7 : memref<80x128xf32, #tpu.memory_space<vmem>>) target(%dma_start3A_66 : memref<10000x128xf32, #tpu.memory_space<vmem_shared>>) offsets(%arg5 : memref<80xi32, #tpu.memory_space<vmem>>) semaphore(%run_scoped3A : memref<!tpu.dma_semaphore, #tpu.memory_space<semaphore_mem>>) {add = true}
      %dma_wait3A_67 = arith.constant 0 : i32
      %dma_wait3A_68 = arith.constant 0 : i32
      %dma_wait3A_69 = tpu.memref_slice %arg10[%dma_wait3A_67, %dma_wait3A_68] : memref<10000x128xf32, #tpu.memory_space<vmem_shared>> -> memref<10000x128xf32, #tpu.memory_space<vmem_shared>>
      tpu.wait_indirect_dma semaphore(%run_scoped3A : memref<!tpu.dma_semaphore, #tpu.memory_space<semaphore_mem>>) src(%arg7 : memref<80x128xf32, #tpu.memory_space<vmem>>) dst(%dma_wait3A_69 : memref<10000x128xf32, #tpu.memory_space<vmem_shared>>)
      tpu.yield
    }) : () -> ()
    %dma_wait3A_55 = tpu.memref_slice %arg3[%mul3A_2] : memref<158720xi32, #tpu.memory_space<hbm>> -> memref<80xi32, #tpu.memory_space<hbm>>
    %dma_wait3A_56 = tpu.memref_slice %arg3[%mul3A_2] : memref<158720xi32, #tpu.memory_space<hbm>> -> memref<80xi32, #tpu.memory_space<hbm>>
    tpu.wait_dma2 semaphore(%arg12 : memref<!tpu.dma_semaphore, #tpu.memory_space<semaphore_mem>>) src(%dma_wait3A_56 : memref<80xi32, #tpu.memory_space<hbm>>) dst(%arg6 : memref<80xi32, #tpu.memory_space<vmem>>)
    %dma_wait3A_57 = arith.constant 0 : i32
    %dma_wait3A_58 = tpu.memref_slice %arg2[%mul3A_2, %dma_wait3A_57] : memref<158720x128xf32, #tpu.memory_space<hbm>> -> memref<80x128xf32, #tpu.memory_space<hbm>>
    %dma_wait3A_59 = arith.constant 0 : i32
    %dma_wait3A_60 = tpu.memref_slice %arg2[%mul3A_2, %dma_wait3A_59] : memref<158720x128xf32, #tpu.memory_space<hbm>> -> memref<80x128xf32, #tpu.memory_space<hbm>>
    tpu.wait_dma2 semaphore(%arg14 : memref<!tpu.dma_semaphore, #tpu.memory_space<semaphore_mem>>) src(%dma_wait3A_60 : memref<80x128xf32, #tpu.memory_space<hbm>>) dst(%arg8 : memref<80x128xf32, #tpu.memory_space<vmem>>)
    "tpu.region"() ({
      %run_scoped3A = tpu.sem_alloc : memref<!tpu.dma_semaphore, #tpu.memory_space<semaphore_mem>>
      %dma_start3A_64 = arith.constant 0 : i32
      %dma_start3A_65 = arith.constant 0 : i32
      %dma_start3A_66 = tpu.memref_slice %arg10[%dma_start3A_64, %dma_start3A_65] : memref<10000x128xf32, #tpu.memory_space<vmem_shared>> -> memref<10000x128xf32, #tpu.memory_space<vmem_shared>>
      tpu.enqueue_indirect_dma source(%arg8 : memref<80x128xf32, #tpu.memory_space<vmem>>) target(%dma_start3A_66 : memref<10000x128xf32, #tpu.memory_space<vmem_shared>>) offsets(%arg6 : memref<80xi32, #tpu.memory_space<vmem>>) semaphore(%run_scoped3A : memref<!tpu.dma_semaphore, #tpu.memory_space<semaphore_mem>>) {add = true}
      %dma_wait3A_67 = arith.constant 0 : i32
      %dma_wait3A_68 = arith.constant 0 : i32
      %dma_wait3A_69 = tpu.memref_slice %arg10[%dma_wait3A_67, %dma_wait3A_68] : memref<10000x128xf32, #tpu.memory_space<vmem_shared>> -> memref<10000x128xf32, #tpu.memory_space<vmem_shared>>
      tpu.wait_indirect_dma semaphore(%run_scoped3A : memref<!tpu.dma_semaphore, #tpu.memory_space<semaphore_mem>>) src(%arg8 : memref<80x128xf32, #tpu.memory_space<vmem>>) dst(%dma_wait3A_69 : memref<10000x128xf32, #tpu.memory_space<vmem_shared>>)
      tpu.yield
    }) : () -> ()
    %barrier3A_61 = arith.constant 0 : index
    tpu.barrier barrier_id(%barrier3A_61)
    %mul3A_62 = arith.constant 625 : i32
    %mul3A_63 = arith.muli %arg1, %mul3A_62 : i32
    "tpu.region"() ({
      %run_scoped3A = tpu.sem_alloc : memref<!tpu.dma_semaphore, #tpu.memory_space<semaphore_mem>>
      %dma_start3A_64 = arith.constant 0 : i32
      %dma_start3A_65 = arith.constant 0 : i32
      %dma_start3A_66 = tpu.memref_slice %arg4[%arg0, %arg1, %dma_start3A_64, %dma_start3A_65] : memref<2x16x625x128xf32, #tpu.memory_space<hbm>> -> memref<1x1x625x128xf32, #tpu.memory_space<hbm>>
      %dma_start3A_67 = tpu.memref_squeeze %dma_start3A_66 : memref<1x1x625x128xf32, #tpu.memory_space<hbm>> -> memref<625x128xf32, #tpu.memory_space<hbm>>
      %dma_start3A_68 = arith.constant 0 : i32
      %dma_start3A_69 = tpu.memref_slice %arg10[%mul3A_63, %dma_start3A_68] : memref<10000x128xf32, #tpu.memory_space<vmem_shared>> -> memref<625x128xf32, #tpu.memory_space<vmem_shared>>
      tpu.enqueue_dma source(%dma_start3A_69 : memref<625x128xf32, #tpu.memory_space<vmem_shared>>) target(%dma_start3A_67 : memref<625x128xf32, #tpu.memory_space<hbm>>) target_semaphore(%run_scoped3A : memref<!tpu.dma_semaphore, #tpu.memory_space<semaphore_mem>>)
      %dma_wait3A_70 = arith.constant 0 : i32
      %dma_wait3A_71 = arith.constant 0 : i32
      %dma_wait3A_72 = tpu.memref_slice %arg4[%arg0, %arg1, %dma_wait3A_70, %dma_wait3A_71] : memref<2x16x625x128xf32, #tpu.memory_space<hbm>> -> memref<1x1x625x128xf32, #tpu.memory_space<hbm>>
      %dma_wait3A_73 = tpu.memref_squeeze %dma_wait3A_72 : memref<1x1x625x128xf32, #tpu.memory_space<hbm>> -> memref<625x128xf32, #tpu.memory_space<hbm>>
      %dma_wait3A_74 = arith.constant 0 : i32
      %dma_wait3A_75 = tpu.memref_slice %arg10[%mul3A_63, %dma_wait3A_74] : memref<10000x128xf32, #tpu.memory_space<vmem_shared>> -> memref<625x128xf32, #tpu.memory_space<vmem_shared>>
      tpu.wait_dma2 semaphore(%run_scoped3A : memref<!tpu.dma_semaphore, #tpu.memory_space<semaphore_mem>>) src(%dma_wait3A_75 : memref<625x128xf32, #tpu.memory_space<vmem_shared>>) dst(%dma_wait3A_73 : memref<625x128xf32, #tpu.memory_space<hbm>>)
      tpu.yield
    }) : () -> ()
    return
  }
}

module attributes {stable_mosaic.version = 14 : i64} {
  func.func @_node_tables_body(%arg0: i32, %arg1: memref<2000x128xf32, #tpu.memory_space<vmem>>, %arg2: memref<2000x3xf32, #tpu.memory_space<vmem>>, %arg3: memref<128x128xf32, #tpu.memory_space<vmem>>, %arg4: memref<128x128xf32, #tpu.memory_space<vmem>>, %arg5: memref<1x128xf32, #tpu.memory_space<vmem>>, %arg6: memref<1x128xf32, #tpu.memory_space<vmem>>, %arg7: memref<2000x128xf32, #tpu.memory_space<vmem>>, %arg8: memref<2000x128xf32, #tpu.memory_space<vmem>>) attributes {dimension_semantics = [#tpu.dimension_semantics<arbitrary>], iteration_bounds = array<i64: 5>, scalar_prefetch = 0 : i64, scratch_operands = 0 : i64, tpu.core_type = #tpu.core_type<tc>, window_params = [{transform_indices = @transform_0, window_bounds = array<i64: 2000, 128>}, {transform_indices = @transform_1, window_bounds = array<i64: 2000, 3>}, {pipeline_mode = #tpu.pipeline_mode<synchronous>, transform_indices = @transform_2, window_bounds = array<i64: 128, 128>}, {pipeline_mode = #tpu.pipeline_mode<synchronous>, transform_indices = @transform_3, window_bounds = array<i64: 128, 128>}, {pipeline_mode = #tpu.pipeline_mode<synchronous>, transform_indices = @transform_4, window_bounds = array<i64: 1, 128>}, {pipeline_mode = #tpu.pipeline_mode<synchronous>, transform_indices = @transform_5, window_bounds = array<i64: 1, 128>}, {transform_indices = @transform_6, window_bounds = array<i64: 2000, 128>}, {transform_indices = @transform_7, window_bounds = array<i64: 2000, 128>}]} {
    %get3A = arith.constant 0 : index
    %get3A_0 = arith.constant 0 : index
    %get3A_1 = vector.load %arg1[%get3A, %get3A_0] : memref<2000x128xf32, #tpu.memory_space<vmem>>, vector<2000x128xf32>
    %get3A_2 = arith.constant 0 : index
    %get3A_3 = arith.constant 0 : index
    %get3A_4 = vector.load %arg2[%get3A_2, %get3A_3] : memref<2000x3xf32, #tpu.memory_space<vmem>>, vector<2000x3xf32>
    %mul3A = arith.mulf %get3A_4, %get3A_4 : vector<2000x3xf32>
    %reduce_sum3A = arith.constant dense<0.000000e+00> : vector<2000xf32>
    %reduce_sum3A_5 = vector.multi_reduction <add>, %mul3A, %reduce_sum3A [1] : vector<2000x3xf32> to vector<2000xf32>
    %broadcast_in_dim3A = vector.shape_cast %reduce_sum3A_5 : vector<2000xf32> to vector<2000x1xf32>
    %get3A_6 = arith.constant 0 : index
    %get3A_7 = arith.constant 0 : index
    %get3A_8 = vector.load %arg5[%get3A_6, %get3A_7] : memref<1x128xf32, #tpu.memory_space<vmem>>, vector<1x128xf32>
    %mul3A_9 = vector.broadcast %broadcast_in_dim3A : vector<2000x1xf32> to vector<2000x128xf32>
    %mul3A_10 = vector.broadcast %get3A_8 : vector<1x128xf32> to vector<2000x128xf32>
    %mul3A_11 = arith.mulf %mul3A_9, %mul3A_10 : vector<2000x128xf32>
    %get3A_12 = arith.constant 0 : index
    %get3A_13 = arith.constant 0 : index
    %get3A_14 = vector.load %arg3[%get3A_12, %get3A_13] : memref<128x128xf32, #tpu.memory_space<vmem>>, vector<128x128xf32>
    %dot_general3A = arith.constant dense<0.000000e+00> : vector<2000x128xf32>
    %dot_general3A_15 = tpu.matmul %get3A_1, %get3A_14, %dot_general3A {dimension_numbers = #tpu.dot_dimension_numbers<[1], [0], [0], [1], [0, 0, 1, 1], [], []>, transpose_lhs_hint = false} : vector<2000x128xf32>, vector<128x128xf32>, vector<2000x128xf32> -> vector<2000x128xf32>
    %add3A = arith.addf %dot_general3A_15, %mul3A_11 : vector<2000x128xf32>
    %get3A_16 = arith.constant 0 : index
    %get3A_17 = arith.constant 0 : index
    %get3A_18 = vector.load %arg6[%get3A_16, %get3A_17] : memref<1x128xf32, #tpu.memory_space<vmem>>, vector<1x128xf32>
    %add3A_19 = vector.broadcast %get3A_18 : vector<1x128xf32> to vector<2000x128xf32>
    %add3A_20 = arith.addf %add3A, %add3A_19 : vector<2000x128xf32>
    %swap3A = arith.constant 0 : index
    %swap3A_21 = arith.constant 0 : index
    %swap3A_22 = vector.load %arg7[%swap3A, %swap3A_21] : memref<2000x128xf32, #tpu.memory_space<vmem>>, vector<2000x128xf32>
    tpu.vector_store %arg7[%swap3A, %swap3A_21], %add3A_20 {strides = array<i32>} : memref<2000x128xf32, #tpu.memory_space<vmem>>, vector<2000x128xf32>,
    %get3A_23 = arith.constant 0 : index
    %get3A_24 = arith.constant 0 : index
    %get3A_25 = vector.load %arg4[%get3A_23, %get3A_24] : memref<128x128xf32, #tpu.memory_space<vmem>>, vector<128x128xf32>
    %dot_general3A_26 = arith.constant dense<0.000000e+00> : vector<2000x128xf32>
    %dot_general3A_27 = tpu.matmul %get3A_1, %get3A_25, %dot_general3A_26 {dimension_numbers = #tpu.dot_dimension_numbers<[1], [0], [0], [1], [0, 0, 1, 1], [], []>, transpose_lhs_hint = false} : vector<2000x128xf32>, vector<128x128xf32>, vector<2000x128xf32> -> vector<2000x128xf32>
    %add3A_28 = arith.addf %dot_general3A_27, %mul3A_11 : vector<2000x128xf32>
    %swap3A_29 = arith.constant 0 : index
    %swap3A_30 = arith.constant 0 : index
    %swap3A_31 = vector.load %arg8[%swap3A_29, %swap3A_30] : memref<2000x128xf32, #tpu.memory_space<vmem>>, vector<2000x128xf32>
    tpu.vector_store %arg8[%swap3A_29, %swap3A_30], %add3A_28 {strides = array<i32>} : memref<2000x128xf32, #tpu.memory_space<vmem>>, vector<2000x128xf32>,
    return
  }
  func.func @transform_0(%arg0: i32) -> (i32, i32) {
    %c0_i32 = arith.constant 0 : i32
    %c0_i32_0 = arith.constant 0 : i32
    return %arg0, %c0_i32 : i32, i32
  }
  func.func @transform_1(%arg0: i32) -> (i32, i32) {
    %c0_i32 = arith.constant 0 : i32
    %c0_i32_0 = arith.constant 0 : i32
    return %arg0, %c0_i32 : i32, i32
  }
  func.func @transform_2(%arg0: i32) -> (i32, i32) {
    %c0_i32 = arith.constant 0 : i32
    %c0_i32_0 = arith.constant 0 : i32
    %c0_i32_1 = arith.constant 0 : i32
    return %c0_i32, %c0_i32_0 : i32, i32
  }
  func.func @transform_3(%arg0: i32) -> (i32, i32) {
    %c0_i32 = arith.constant 0 : i32
    %c0_i32_0 = arith.constant 0 : i32
    %c0_i32_1 = arith.constant 0 : i32
    return %c0_i32, %c0_i32_0 : i32, i32
  }
  func.func @transform_4(%arg0: i32) -> (i32, i32) {
    %c0_i32 = arith.constant 0 : i32
    %c0_i32_0 = arith.constant 0 : i32
    %c0_i32_1 = arith.constant 0 : i32
    return %c0_i32, %c0_i32_0 : i32, i32
  }
  func.func @transform_5(%arg0: i32) -> (i32, i32) {
    %c0_i32 = arith.constant 0 : i32
    %c0_i32_0 = arith.constant 0 : i32
    %c0_i32_1 = arith.constant 0 : i32
    return %c0_i32, %c0_i32_0 : i32, i32
  }
  func.func @transform_6(%arg0: i32) -> (i32, i32) {
    %c0_i32 = arith.constant 0 : i32
    %c0_i32_0 = arith.constant 0 : i32
    return %arg0, %c0_i32 : i32, i32
  }
  func.func @transform_7(%arg0: i32) -> (i32, i32) {
    %c0_i32 = arith.constant 0 : i32
    %c0_i32_0 = arith.constant 0 : i32
    return %arg0, %c0_i32 : i32, i32
  }
}

module attributes {stable_mosaic.version = 14 : i64} {
  func.func @_edge_mlp_body(%arg0: i32, %arg1: memref<2480x128xf32, #tpu.memory_space<vmem>>, %arg2: memref<128x128xf32, #tpu.memory_space<vmem>>, %arg3: memref<1x128xf32, #tpu.memory_space<vmem>>, %arg4: memref<2480x128xf32, #tpu.memory_space<vmem>>) attributes {dimension_semantics = [#tpu.dimension_semantics<arbitrary>], iteration_bounds = array<i64: 64>, scalar_prefetch = 0 : i64, scratch_operands = 0 : i64, tpu.core_type = #tpu.core_type<tc>, window_params = [{transform_indices = @transform_0, window_bounds = array<i64: 2480, 128>}, {pipeline_mode = #tpu.pipeline_mode<synchronous>, transform_indices = @transform_1, window_bounds = array<i64: 128, 128>}, {pipeline_mode = #tpu.pipeline_mode<synchronous>, transform_indices = @transform_2, window_bounds = array<i64: 1, 128>}, {transform_indices = @transform_3, window_bounds = array<i64: 2480, 128>}]} {
    %get3A = arith.constant 0 : index
    %get3A_0 = arith.constant 0 : index
    %get3A_1 = vector.load %arg1[%get3A, %get3A_0] : memref<2480x128xf32, #tpu.memory_space<vmem>>, vector<2480x128xf32>
    %convert_element_type3A = arith.truncf %get3A_1 : vector<2480x128xf32> to vector<2480x128xbf16>
    %get3A_2 = arith.constant 0 : index
    %get3A_3 = arith.constant 0 : index
    %get3A_4 = vector.load %arg2[%get3A_2, %get3A_3] : memref<128x128xf32, #tpu.memory_space<vmem>>, vector<128x128xf32>
    %convert_element_type3A_5 = arith.truncf %get3A_4 : vector<128x128xf32> to vector<128x128xbf16>
    %dot_general3A = arith.constant dense<0.000000e+00> : vector<2480x128xf32>
    %dot_general3A_6 = tpu.matmul %convert_element_type3A, %convert_element_type3A_5, %dot_general3A {dimension_numbers = #tpu.dot_dimension_numbers<[1], [0], [0], [1], [0, 0, 1, 1], [], []>, transpose_lhs_hint = false} : vector<2480x128xbf16>, vector<128x128xbf16>, vector<2480x128xf32> -> vector<2480x128xf32>
    %get3A_7 = arith.constant 0 : index
    %get3A_8 = arith.constant 0 : index
    %get3A_9 = vector.load %arg3[%get3A_7, %get3A_8] : memref<1x128xf32, #tpu.memory_space<vmem>>, vector<1x128xf32>
    %add3A = vector.broadcast %get3A_9 : vector<1x128xf32> to vector<2480x128xf32>
    %add3A_10 = arith.addf %dot_general3A_6, %add3A : vector<2480x128xf32>
    %max3A = arith.constant 0.000000e+00 : f32
    %max3A_11 = vector.broadcast %max3A : f32 to vector<2480x128xf32>
    %max3A_12 = arith.maximumf %add3A_10, %max3A_11 : vector<2480x128xf32>
    %swap3A = arith.constant 0 : index
    %swap3A_13 = arith.constant 0 : index
    %swap3A_14 = vector.load %arg4[%swap3A, %swap3A_13] : memref<2480x128xf32, #tpu.memory_space<vmem>>, vector<2480x128xf32>
    tpu.vector_store %arg4[%swap3A, %swap3A_13], %max3A_12 {strides = array<i32>} : memref<2480x128xf32, #tpu.memory_space<vmem>>, vector<2480x128xf32>,
    return
  }
  func.func @transform_0(%arg0: i32) -> (i32, i32) {
    %c0_i32 = arith.constant 0 : i32
    %c0_i32_0 = arith.constant 0 : i32
    return %arg0, %c0_i32 : i32, i32
  }
  func.func @transform_1(%arg0: i32) -> (i32, i32) {
    %c0_i32 = arith.constant 0 : i32
    %c0_i32_0 = arith.constant 0 : i32
    %c0_i32_1 = arith.constant 0 : i32
    return %c0_i32, %c0_i32_0 : i32, i32
  }
  func.func @transform_2(%arg0: i32) -> (i32, i32) {
    %c0_i32 = arith.constant 0 : i32
    %c0_i32_0 = arith.constant 0 : i32
    %c0_i32_1 = arith.constant 0 : i32
    return %c0_i32, %c0_i32_0 : i32, i32
  }
  func.func @transform_3(%arg0: i32) -> (i32, i32) {
    %c0_i32 = arith.constant 0 : i32
    %c0_i32_0 = arith.constant 0 : i32
    return %arg0, %c0_i32 : i32, i32
  }
}

module attributes {stable_mosaic.version = 14 : i64} {
  func.func @_edge_mlp_body(%arg0: i32, %arg1: memref<2520x128xf32, #tpu.memory_space<vmem>>, %arg2: memref<128x128xf32, #tpu.memory_space<vmem>>, %arg3: memref<1x128xf32, #tpu.memory_space<vmem>>, %arg4: memref<2520x128xf32, #tpu.memory_space<vmem>>) attributes {dimension_semantics = [#tpu.dimension_semantics<arbitrary>], iteration_bounds = array<i64: 64>, scalar_prefetch = 0 : i64, scratch_operands = 0 : i64, tpu.core_type = #tpu.core_type<tc>, window_params = [{transform_indices = @transform_0, window_bounds = array<i64: 2520, 128>}, {pipeline_mode = #tpu.pipeline_mode<synchronous>, transform_indices = @transform_1, window_bounds = array<i64: 128, 128>}, {pipeline_mode = #tpu.pipeline_mode<synchronous>, transform_indices = @transform_2, window_bounds = array<i64: 1, 128>}, {transform_indices = @transform_3, window_bounds = array<i64: 2520, 128>}]} {
    %get3A = arith.constant 0 : index
    %get3A_0 = arith.constant 0 : index
    %get3A_1 = vector.load %arg1[%get3A, %get3A_0] : memref<2520x128xf32, #tpu.memory_space<vmem>>, vector<2520x128xf32>
    %convert_element_type3A = arith.truncf %get3A_1 : vector<2520x128xf32> to vector<2520x128xbf16>
    %get3A_2 = arith.constant 0 : index
    %get3A_3 = arith.constant 0 : index
    %get3A_4 = vector.load %arg2[%get3A_2, %get3A_3] : memref<128x128xf32, #tpu.memory_space<vmem>>, vector<128x128xf32>
    %convert_element_type3A_5 = arith.truncf %get3A_4 : vector<128x128xf32> to vector<128x128xbf16>
    %dot_general3A = arith.constant dense<0.000000e+00> : vector<2520x128xf32>
    %dot_general3A_6 = tpu.matmul %convert_element_type3A, %convert_element_type3A_5, %dot_general3A {dimension_numbers = #tpu.dot_dimension_numbers<[1], [0], [0], [1], [0, 0, 1, 1], [], []>, transpose_lhs_hint = false} : vector<2520x128xbf16>, vector<128x128xbf16>, vector<2520x128xf32> -> vector<2520x128xf32>
    %get3A_7 = arith.constant 0 : index
    %get3A_8 = arith.constant 0 : index
    %get3A_9 = vector.load %arg3[%get3A_7, %get3A_8] : memref<1x128xf32, #tpu.memory_space<vmem>>, vector<1x128xf32>
    %add3A = vector.broadcast %get3A_9 : vector<1x128xf32> to vector<2520x128xf32>
    %add3A_10 = arith.addf %dot_general3A_6, %add3A : vector<2520x128xf32>
    %max3A = arith.constant 0.000000e+00 : f32
    %max3A_11 = vector.broadcast %max3A : f32 to vector<2520x128xf32>
    %max3A_12 = arith.maximumf %add3A_10, %max3A_11 : vector<2520x128xf32>
    %swap3A = arith.constant 0 : index
    %swap3A_13 = arith.constant 0 : index
    %swap3A_14 = vector.load %arg4[%swap3A, %swap3A_13] : memref<2520x128xf32, #tpu.memory_space<vmem>>, vector<2520x128xf32>
    tpu.vector_store %arg4[%swap3A, %swap3A_13], %max3A_12 {strides = array<i32>} : memref<2520x128xf32, #tpu.memory_space<vmem>>, vector<2520x128xf32>,
    return
  }
  func.func @transform_0(%arg0: i32) -> (i32, i32) {
    %c0_i32 = arith.constant 0 : i32
    %c0_i32_0 = arith.constant 0 : i32
    return %arg0, %c0_i32 : i32, i32
  }
  func.func @transform_1(%arg0: i32) -> (i32, i32) {
    %c0_i32 = arith.constant 0 : i32
    %c0_i32_0 = arith.constant 0 : i32
    %c0_i32_1 = arith.constant 0 : i32
    return %c0_i32, %c0_i32_0 : i32, i32
  }
  func.func @transform_2(%arg0: i32) -> (i32, i32) {
    %c0_i32 = arith.constant 0 : i32
    %c0_i32_0 = arith.constant 0 : i32
    %c0_i32_1 = arith.constant 0 : i32
    return %c0_i32, %c0_i32_0 : i32, i32
  }
  func.func @transform_3(%arg0: i32) -> (i32, i32) {
    %c0_i32 = arith.constant 0 : i32
    %c0_i32_0 = arith.constant 0 : i32
    return %arg0, %c0_i32 : i32, i32
  }
}

module attributes {stable_mosaic.version = 14 : i64} {
  func.func @_node_mlp_body(%arg0: i32, %arg1: memref<5000x128xf32, #tpu.memory_space<vmem>>, %arg2: memref<2x8x625x128xf32, #tpu.memory_space<vmem>>, %arg3: memref<2x8x625x128xf32, #tpu.memory_space<vmem>>, %arg4: memref<128x128xf32, #tpu.memory_space<vmem>>, %arg5: memref<128x128xf32, #tpu.memory_space<vmem>>, %arg6: memref<1x128xf32, #tpu.memory_space<vmem>>, %arg7: memref<128x128xf32, #tpu.memory_space<vmem>>, %arg8: memref<1x128xf32, #tpu.memory_space<vmem>>, %arg9: memref<5000x128xf32, #tpu.memory_space<vmem>>) attributes {dimension_semantics = [#tpu.dimension_semantics<arbitrary>], iteration_bounds = array<i64: 2>, scalar_prefetch = 0 : i64, scratch_operands = 0 : i64, tpu.core_type = #tpu.core_type<tc>, window_params = [{transform_indices = @transform_0, window_bounds = array<i64: 5000, 128>}, {transform_indices = @transform_1, window_bounds = array<i64: 2, 8, 625, 128>}, {transform_indices = @transform_2, window_bounds = array<i64: 2, 8, 625, 128>}, {pipeline_mode = #tpu.pipeline_mode<synchronous>, transform_indices = @transform_3, window_bounds = array<i64: 128, 128>}, {pipeline_mode = #tpu.pipeline_mode<synchronous>, transform_indices = @transform_4, window_bounds = array<i64: 128, 128>}, {pipeline_mode = #tpu.pipeline_mode<synchronous>, transform_indices = @transform_5, window_bounds = array<i64: 1, 128>}, {pipeline_mode = #tpu.pipeline_mode<synchronous>, transform_indices = @transform_6, window_bounds = array<i64: 128, 128>}, {pipeline_mode = #tpu.pipeline_mode<synchronous>, transform_indices = @transform_7, window_bounds = array<i64: 1, 128>}, {transform_indices = @transform_8, window_bounds = array<i64: 5000, 128>}]} {
    %get3A = arith.constant 0 : index
    %get3A_0 = arith.constant 0 : index
    %get3A_1 = vector.load %arg1[%get3A, %get3A_0] : memref<5000x128xf32, #tpu.memory_space<vmem>>, vector<5000x128xf32>
    %get3A_2 = arith.constant 0 : index
    %get3A_3 = arith.constant 0 : index
    %get3A_4 = arith.constant 0 : index
    %get3A_5 = arith.constant 0 : index
    %get3A_6 = vector.load %arg2[%get3A_2, %get3A_3, %get3A_4, %get3A_5] : memref<2x8x625x128xf32, #tpu.memory_space<vmem>>, vector<1x8x625x128xf32>
    %get3A_7 = vector.shape_cast %get3A_6 : vector<1x8x625x128xf32> to vector<8x625x128xf32>
    %get3A_8 = arith.constant 1 : index
    %get3A_9 = arith.constant 0 : index
    %get3A_10 = arith.constant 0 : index
    %get3A_11 = arith.constant 0 : index
    %get3A_12 = vector.load %arg2[%get3A_8, %get3A_9, %get3A_10, %get3A_11] : memref<2x8x625x128xf32, #tpu.memory_space<vmem>>, vector<1x8x625x128xf32>
    %get3A_13 = vector.shape_cast %get3A_12 : vector<1x8x625x128xf32> to vector<8x625x128xf32>
    %add3A = arith.addf %get3A_7, %get3A_13 : vector<8x625x128xf32>
    %get3A_14 = arith.constant 0 : index
    %get3A_15 = arith.constant 0 : index
    %get3A_16 = arith.constant 0 : index
    %get3A_17 = arith.constant 0 : index
    %get3A_18 = vector.load %arg3[%get3A_14, %get3A_15, %get3A_16, %get3A_17] : memref<2x8x625x128xf32, #tpu.memory_space<vmem>>, vector<1x8x625x128xf32>
    %get3A_19 = vector.shape_cast %get3A_18 : vector<1x8x625x128xf32> to vector<8x625x128xf32>
    %add3A_20 = arith.addf %add3A, %get3A_19 : vector<8x625x128xf32>
    %get3A_21 = arith.constant 1 : index
    %get3A_22 = arith.constant 0 : index
    %get3A_23 = arith.constant 0 : index
    %get3A_24 = arith.constant 0 : index
    %get3A_25 = vector.load %arg3[%get3A_21, %get3A_22, %get3A_23, %get3A_24] : memref<2x8x625x128xf32, #tpu.memory_space<vmem>>, vector<1x8x625x128xf32>
    %get3A_26 = vector.shape_cast %get3A_25 : vector<1x8x625x128xf32> to vector<8x625x128xf32>
    %add3A_27 = arith.addf %add3A_20, %get3A_26 : vector<8x625x128xf32>
    %reshape3A = vector.shape_cast %add3A_27 : vector<8x625x128xf32> to vector<5000x128xf32>
    %get3A_28 = arith.constant 0 : index
    %get3A_29 = arith.constant 0 : index
    %get3A_30 = vector.load %arg4[%get3A_28, %get3A_29] : memref<128x128xf32, #tpu.memory_space<vmem>>, vector<128x128xf32>
    %dot_general3A = arith.constant dense<0.000000e+00> : vector<5000x128xf32>
    %dot_general3A_31 = tpu.matmul %get3A_1, %get3A_30, %dot_general3A {dimension_numbers = #tpu.dot_dimension_numbers<[1], [0], [0], [1], [0, 0, 1, 1], [], []>, transpose_lhs_hint = false} : vector<5000x128xf32>, vector<128x128xf32>, vector<5000x128xf32> -> vector<5000x128xf32>
    %get3A_32 = arith.constant 0 : index
    %get3A_33 = arith.constant 0 : index
    %get3A_34 = vector.load %arg5[%get3A_32, %get3A_33] : memref<128x128xf32, #tpu.memory_space<vmem>>, vector<128x128xf32>
    %dot_general3A_35 = arith.constant dense<0.000000e+00> : vector<5000x128xf32>
    %dot_general3A_36 = tpu.matmul %reshape3A, %get3A_34, %dot_general3A_35 {dimension_numbers = #tpu.dot_dimension_numbers<[1], [0], [0], [1], [0, 0, 1, 1], [], []>, transpose_lhs_hint = false} : vector<5000x128xf32>, vector<128x128xf32>, vector<5000x128xf32> -> vector<5000x128xf32>
    %add3A_37 = arith.addf %dot_general3A_31, %dot_general3A_36 : vector<5000x128xf32>
    %get3A_38 = arith.constant 0 : index
    %get3A_39 = arith.constant 0 : index
    %get3A_40 = vector.load %arg6[%get3A_38, %get3A_39] : memref<1x128xf32, #tpu.memory_space<vmem>>, vector<1x128xf32>
    %add3A_41 = vector.broadcast %get3A_40 : vector<1x128xf32> to vector<5000x128xf32>
    %add3A_42 = arith.addf %add3A_37, %add3A_41 : vector<5000x128xf32>
    %max3A = arith.constant 0.000000e+00 : f32
    %max3A_43 = vector.broadcast %max3A : f32 to vector<5000x128xf32>
    %max3A_44 = arith.maximumf %add3A_42, %max3A_43 : vector<5000x128xf32>
    %get3A_45 = arith.constant 0 : index
    %get3A_46 = arith.constant 0 : index
    %get3A_47 = vector.load %arg7[%get3A_45, %get3A_46] : memref<128x128xf32, #tpu.memory_space<vmem>>, vector<128x128xf32>
    %dot_general3A_48 = arith.constant dense<0.000000e+00> : vector<5000x128xf32>
    %dot_general3A_49 = tpu.matmul %max3A_44, %get3A_47, %dot_general3A_48 {dimension_numbers = #tpu.dot_dimension_numbers<[1], [0], [0], [1], [0, 0, 1, 1], [], []>, transpose_lhs_hint = false} : vector<5000x128xf32>, vector<128x128xf32>, vector<5000x128xf32> -> vector<5000x128xf32>
    %add3A_50 = arith.addf %get3A_1, %dot_general3A_49 : vector<5000x128xf32>
    %get3A_51 = arith.constant 0 : index
    %get3A_52 = arith.constant 0 : index
    %get3A_53 = vector.load %arg8[%get3A_51, %get3A_52] : memref<1x128xf32, #tpu.memory_space<vmem>>, vector<1x128xf32>
    %add3A_54 = vector.broadcast %get3A_53 : vector<1x128xf32> to vector<5000x128xf32>
    %add3A_55 = arith.addf %add3A_50, %add3A_54 : vector<5000x128xf32>
    %swap3A = arith.constant 0 : index
    %swap3A_56 = arith.constant 0 : index
    %swap3A_57 = vector.load %arg9[%swap3A, %swap3A_56] : memref<5000x128xf32, #tpu.memory_space<vmem>>, vector<5000x128xf32>
    tpu.vector_store %arg9[%swap3A, %swap3A_56], %add3A_55 {strides = array<i32>} : memref<5000x128xf32, #tpu.memory_space<vmem>>, vector<5000x128xf32>,
    return
  }
  func.func @transform_0(%arg0: i32) -> (i32, i32) {
    %c0_i32 = arith.constant 0 : i32
    %c0_i32_0 = arith.constant 0 : i32
    return %arg0, %c0_i32 : i32, i32
  }
  func.func @transform_1(%arg0: i32) -> (i32, i32, i32, i32) {
    %c0_i32 = arith.constant 0 : i32
    %c0_i32_0 = arith.constant 0 : i32
    %c0_i32_1 = arith.constant 0 : i32
    %c0_i32_2 = arith.constant 0 : i32
    return %c0_i32, %arg0, %c0_i32_0, %c0_i32_1 : i32, i32, i32, i32
  }
  func.func @transform_2(%arg0: i32) -> (i32, i32, i32, i32) {
    %c0_i32 = arith.constant 0 : i32
    %c0_i32_0 = arith.constant 0 : i32
    %c0_i32_1 = arith.constant 0 : i32
    %c0_i32_2 = arith.constant 0 : i32
    return %c0_i32, %arg0, %c0_i32_0, %c0_i32_1 : i32, i32, i32, i32
  }
  func.func @transform_3(%arg0: i32) -> (i32, i32) {
    %c0_i32 = arith.constant 0 : i32
    %c0_i32_0 = arith.constant 0 : i32
    %c0_i32_1 = arith.constant 0 : i32
    return %c0_i32, %c0_i32_0 : i32, i32
  }
  func.func @transform_4(%arg0: i32) -> (i32, i32) {
    %c0_i32 = arith.constant 0 : i32
    %c0_i32_0 = arith.constant 0 : i32
    %c0_i32_1 = arith.constant 0 : i32
    return %c0_i32, %c0_i32_0 : i32, i32
  }
  func.func @transform_5(%arg0: i32) -> (i32, i32) {
    %c0_i32 = arith.constant 0 : i32
    %c0_i32_0 = arith.constant 0 : i32
    %c0_i32_1 = arith.constant 0 : i32
    return %c0_i32, %c0_i32_0 : i32, i32
  }
  func.func @transform_6(%arg0: i32) -> (i32, i32) {
    %c0_i32 = arith.constant 0 : i32
    %c0_i32_0 = arith.constant 0 : i32
    %c0_i32_1 = arith.constant 0 : i32
    return %c0_i32, %c0_i32_0 : i32, i32
  }
  func.func @transform_7(%arg0: i32) -> (i32, i32) {
    %c0_i32 = arith.constant 0 : i32
    %c0_i32_0 = arith.constant 0 : i32
    %c0_i32_1 = arith.constant 0 : i32
    return %c0_i32, %c0_i32_0 : i32, i32
  }
  func.func @transform_8(%arg0: i32) -> (i32, i32) {
    %c0_i32 = arith.constant 0 : i32
    %c0_i32_0 = arith.constant 0 : i32
    return %arg0, %c0_i32 : i32, i32
  }
}

</mosaic_0001>

<sc_bundles>
// kernel: kernel.10.cloned.1.call-start
scs
__scs_entry_jumppad:
0x0: {  	(pc) =	sbr.rel $0x88, $3  }
0x1: {  	(tag) =	ssettag $0x0;
	lr =	simm.s32 $0x1  }
0x2: {  	[smem:$0x3F96] =	sst lr;
	_ =	strace $0xD0000000  }
0x3: {  	_ = 	snop  }
0x4: {  	_ = 	snop  }
0x5: {  	_ = 	snop  }
0x6: {  	_ = 	snop  }
0x7: {  	_ = 	snop  }
__scs_overlays_trampoline_lowered:
0x8: {  	[smem:$0x3FA5] =	sst s0  }
0x9: {  	[smem:$0x3FA6] =	sst s1  }
0xa: {  	[smem:$0x3FA7] =	sst s2  }
0xb: {  	[smem:$0x3FA8] =	sst s3  }
0xc: {  	[smem:$0x3FA9] =	sst s4  }
0xd: {  	[smem:$0x3FAA] =	sst s5  }
0xe: {  	[smem:$0x3FAB] =	sst s6  }
0xf: {  	[smem:$0x3FAC] =	sst s7  }
0x10: {  	[smem:$0x3FAD] =	sst s8  }
0x11: {  	[smem:$0x3FAE] =	sst s9;
	s0 =	simm.s32 @!p0 $0x0  }
0x12: {  	s1 =	sld [smem:$0x3F94];
	s0 =	simm.s32 @p0 $0x1  }
0x13: {  	[smem:$0x3FAF] =	sst s0;
	s0 =	simm.s32 @!p1 $0x0  }
0x14: {  	s2 =	sld [smem:$0x3F93];
	s0 =	simm.s32 @p1 $0x1  }
0x15: {  	[smem:$0x3FB0] =	sst s0;
	s0 =	simm.s32 @!p2 $0x0  }
0x16: {  	s3 =	sld [smem:$0x3FDB];
	s0 =	simm.s32 @p2 $0x1  }
0x17: {  	s4 =	simm.s32 $0x1BF5;
	[smem:$0x3FB2] =	sst s0  }
0x18: {  	s0 =	sld [smem:$0x3F95];
	_ =	swait.ge [sflag:s4], $0x0  }
0x19: {  	s7 =	sld [smem:$0x3F96]  }
0x1a: {  	s8 =	sadd.s32 $0xFFFFE003, lr  }
0x1b: {  	s9 =	sadd.s32 $0xFFFFFEF7, lr;
	s5 =	simm.s32 $0xFFFFFFFF;
	p2 =	slt.u32 s8, $0xFFFFF086  }
0x1c: {  	p1 =	slt.u32 s9, $0xF7A;
	s5 =	simm.s32 @!p2 $0x0  }
0x1d: {  	s5 =	simm.s32 @p1 $0x1;
	p0 =	seq.s32 s7, s2  }
0x1e: {  	s7 =	smul.u32 @!p0 $0xF7A, s2;
	p2 =	seq.s32 @!p0 s5, $0x0  }
0x1f: {  	s9 =	smul.u32 $0xF7A, s1;
	s8 =	simm.s32 @!p0 $0x1BF5;
	p2 =	por !p2, p0  }
0x20: {  	[sflag:s8] =	ssyncset.s32 @!p0 $0xFFFFF086;
	s6 =	sadd.s32 @!p0 s3, s7;
	s7 =	simm.s32 @!p0 $0x108  }
0x21: {  	s3 =	sadd.s32 s3, s9;
	s6 =	sadd.s32 @!p0 $0x88, s6;
	s7 =	simm.s32 @p2 $0x1082  }
0x22: {  	[simem:s7], [sflag:s8] =	dma.local @!p0 [hbm:s6], $0xF7A  }
0x23: {  	s9 =	sor.u32 $0xD0000000, s2;
	s6 =	simm.s32 $0x108;
	_ =	swait.ge @!p0 [sflag:s8], $0x0  }
0x24: {  	s3 =	sadd.s32 $0x88, s3;
	s6 =	simm.s32 @!p1 $0x1082;
	[sflag:s4] =	ssyncset.s32 $0xFFFFF086  }
0x25: {  	[simem:s6], [sflag:s4] =	dma.local [hbm:s3], $0xF7A  }
0x26: {  	[smem:$0x3F96] =	sst s1;
	(tag) =	ssettag s2;
	_ =	strace s9  }
0x27: {  	s1 =	sld [smem:$0x3FA6]  }
0x28: {  	s2 =	sld [smem:$0x3FA7]  }
0x29: {  	s4 =	sld [smem:$0x3FA9]  }
0x2a: {  	p0 =	seq.s32 s5, $0x0;
	s5 =	sld [smem:$0x3FAA]  }
0x2b: {  	s6 =	sld [smem:$0x3FAB]  }
0x2c: {  	s7 =	sld [smem:$0x3FAC]  }
0x2d: {  	s3 =	simm.s32 $0x108;
	s8 =	sld [smem:$0x3FAD]  }
0x2e: {  	s3 =	simm.s32 @!p0 $0x1082;
	s9 =	sld [smem:$0x3FAE]  }
0x2f: {  	lr =	sadd.s32 s0, s3;
	s0 =	sld [smem:$0x3FA5]  }
0x30: {  	s3 =	sld [smem:$0x3FA8]  }
0x31: {  	[smem:$0x3FB1] =	sst s10  }
0x32: {  	s10 =	sld [smem:$0x3FAF];
	_ =	sdelay $0x3  }
0x33: {  	p0 =	seq.s32 s10, $0x1;
	s10 =	sld [smem:$0x3FB1];
	_ =	sdelay $0x3  }
0x34: {  	[smem:$0x3FB1] =	sst s10  }
0x35: {  	s10 =	sld [smem:$0x3FB0];
	_ =	sdelay $0x3  }
0x36: {  	p1 =	seq.s32 s10, $0x1;
	s10 =	sld [smem:$0x3FB1];
	_ =	sdelay $0x3  }
0x37: {  	[smem:$0x3FB1] =	sst s10  }
0x38: {  	s10 =	sld [smem:$0x3FB2]  }
0x39: {  	_ = 	snop;
	(pc) =	sbr.ind lr, $3  }
0x3a: {  	_ = 	snop  }
0x3b: {  	_ = 	snop  }
0x3c: {  	p2 =	seq.s32 s10, $0x1;
	s10 =	sld [smem:$0x3FB1]  }
0x3d: {  	_ =	shalt  }
0x3e: {  	_ =	shalt  }
0x3f: {  	_ =	shalt  }
0x40: {  	_ =	shalt  }
0x41: {  	_ =	shalt  }
0x42: {  	_ =	shalt  }
0x43: {  	_ =	shalt  }
0x44: {  	_ =	shalt  }
0x45: {  	_ =	shalt  }
0x46: {  	_ =	shalt  }
0x47: {  	_ =	shalt  }
0x48: {  	_ =	shalt  }
0x49: {  	_ =	shalt  }
0x4a: {  	_ =	shalt  }
0x4b: {  	_ =	shalt  }
0x4c: {  	_ =	shalt  }
0x4d: {  	_ =	shalt  }
0x4e: {  	_ =	shalt  }
0x4f: {  	_ =	shalt  }
0x50: {  	_ =	shalt  }
0x51: {  	_ =	shalt  }
0x52: {  	_ =	shalt  }
0x53: {  	_ =	shalt  }
0x54: {  	_ =	shalt  }
0x55: {  	_ =	shalt  }
0x56: {  	_ =	shalt  }
0x57: {  	_ =	shalt  }
0x58: {  	_ =	shalt  }
0x59: {  	_ =	shalt  }
0x5a: {  	_ =	shalt  }
0x5b: {  	_ =	shalt  }
0x5c: {  	_ =	shalt  }
0x5d: {  	_ =	shalt  }
0x5e: {  	_ =	shalt  }
0x5f: {  	_ =	shalt  }
0x60: {  	_ =	shalt  }
0x61: {  	_ =	shalt  }
0x62: {  	_ =	shalt  }
0x63: {  	_ =	shalt  }
0x64: {  	_ =	shalt  }
0x65: {  	_ =	shalt  }
0x66: {  	_ =	shalt  }
0x67: {  	_ =	shalt  }
0x68: {  	_ =	shalt  }
0x69: {  	_ =	shalt  }
0x6a: {  	_ =	shalt  }
0x6b: {  	_ =	shalt  }
0x6c: {  	_ =	shalt  }
0x6d: {  	_ =	shalt  }
0x6e: {  	_ =	shalt  }
0x6f: {  	_ =	shalt  }
0x70: {  	_ =	shalt  }
0x71: {  	_ =	shalt  }
0x72: {  	_ =	shalt  }
0x73: {  	_ =	shalt  }
0x74: {  	_ =	shalt  }
0x75: {  	_ =	shalt  }
0x76: {  	_ =	shalt  }
0x77: {  	_ =	shalt  }
0x78: {  	_ =	shalt  }
0x79: {  	_ =	shalt  }
0x7a: {  	_ =	shalt  }
0x7b: {  	_ =	shalt  }
0x7c: {  	_ =	shalt  }
0x7d: {  	_ =	shalt  }
0x7e: {  	_ =	shalt  }
0x7f: {  	_ =	shalt  }
0x80: {  	_ =	shalt  }
0x81: {  	_ =	shalt  }
0x82: {  	_ =	shalt  }
0x83: {  	_ =	shalt  }
0x84: {  	_ =	shalt  }
0x85: {  	_ =	shalt  }
0x86: {  	_ =	shalt  }
0x87: {  	_ =	shalt  }
.Lfunc_end0:
.L_simem_size_0:
called_computation_lowered:
.L_overlay_start_0:
0x88: {  	s2 =	sld [smem:$0x3FD9]  }
0x89: {  	s3 =	sld [smem:$0x3FFE];
	_ =	sdelay $0x1  }
0x8a: {  	s1 =	srdreg.scid  }
0x8b: {  	s0 =	sand.u32 $0x1, s1  }
0x8c: {  	s15 =	sshll.u32 s0, $0xA;
	s2 =	sadd.s32 s3, s2  }
0x8d: {  	s2 =	sadd.s32 s2, s15  }
0x8e: {  	[smem:$0x3FBD] =	sst s2  }
0x8f: {  	_ = 	snop  }
0x90: {  	s2 =	sld [smem:$0x3FD0];
	_ =	sdelay $0x2  }
0x91: {  	s4 =	simm.s32 $0xB;
	s16 =	simm.s32 $0x10  }
0x92: {  	[smem:s16], [sflag:s4] =	dma.local [hbm:s2], $0x1  }
0x93: {  	_ =	swait.eq [sflag:s4], $0x1  }
0x94: {  	[sflag:s4] =	ssyncset.done $0x0  }
0x95: {  	s17 =	sld [smem:$0x10];
	[sflag:s4] =	ssyncadd.s32 $0xFFFFFFFF  }
0x96: {  	s18 =	sld [smem:$0x11];
	(tm) =	ssettm $0x1  }
0x97: {  	s19 =	sld [smem:$0x3FFB];
	_ =	sdelay $0x3  }
0x98: {  	_ =	strace s19  }
0x99: {  	s2 =	sld [smem:$0x3FFC];
	_ =	sdelay $0x3  }
0x9a: {  	_ =	strace s2  }
0x9b: {  	s2 =	sld [smem:$0x3FFD];
	_ =	sdelay $0x3  }
0x9c: {  	_ =	strace s2  }
0x9d: {  	_ =	strace $0x8FFFFFFF  }
0x9e: {  	s20 =	sld [smem:$0x3FDB];
	_ =	sdelay $0x1  }
0x9f: {  	s5 =	simm.s32 $_scs_section_size  }
0xa0: {  	s6 =	simm.s32 $_size__tile_overlayer_lowered;
	s7 =	simm.s32 $_tile_overlayer_lowered  }
0xa1: {  	s8 =	simm.s32 $0x1BFF;
	s21 =	sshll.u32 s7, $0x1;
	s5 =	sadd.s32 s5, s20  }
0xa2: {  	s22 =	simm.s32 $0x0;
	s6 =	sshll.u32 s6, $0x1;
	s7 =	sadd.s32 s21, s5  }
0xa3: {  	[timem:s22], [sflag:s8] =	dma.local [hbm:s7], s6  }
0xa4: {  	_ =	swait.ge [sflag:s8], s6  }
0xa5: {  	s6 =	ssub.s32 $0x0, s6;
	[sflag:s8] =	ssyncset.done $0x0  }
0xa6: {  	[sflag:s8] =	ssyncadd.s32 s6;
	_ =	sdelay $0x1  }
0xa7: {  	s23 =	simm.s32 $0x1B8B  }
0xa8: {  	_ =	swait.ge [sflag:s23], $0x1  }
0xa9: {  	[sflag:s23] =	ssyncset.done $0x0  }
0xaa: {  	[sflag:s23] =	ssyncadd.s32 $0xFFFFFFFF  }
0xab: {  	s6 =	sld [smem:$0x0]  }
0xac: {  	s7 =	sand.u32 $0xFFFFFFFE, s1  }
0xad: {  	p0 =	sne.s32 s1, s7  }
0xae: {  	s7 =	sshll.u32 @p0 s7, $0xE  }
0xaf: {  	s7 =	sadd.s32 @p0 $0x11B8D, s7;
	s8 =	sshll.u32 @p0 s6, $0x11  }
0xb0: {  	s7 =	sor.u32 @p0 s8, s7  }
0xb1: {  	[sflag:s7] =	ssyncadd.remote.s32 @p0 $0x1;
	_ =	sdelay $0x1  }
0xb2: {  	s7 =	simm.s32 @p0 $0x1B8D  }
0xb3: {  	_ =	swait.eq @p0 [sflag:s7], $0x1  }
0xb4: {  	[sflag:s7] =	ssyncadd.s32 @p0 $0xFFFFFFFF  }
0xb5: {  	s8 =	sshll.u32 @!p0 s1, $0xE  }
0xb6: {  	s8 =	sor.u32 @!p0 $0x4000, s8;
	s7 =	simm.s32 @!p0 $0x1B8D  }
0xb7: {  	s6 =	sshll.u32 @!p0 s6, $0x11;
	s8 =	sadd.s32 @!p0 $0x11B8D, s8;
	_ =	swait.eq @!p0 [sflag:s7], $0x1  }
0xb8: {  	s6 =	sor.u32 @!p0 s6, s8;
	[sflag:s7] =	ssyncadd.s32 @!p0 $0xFFFFFFFF  }
0xb9: {  	s25 =	simm.s32 $0x1B8E;
	s24 =	sld [smem:$0x3FFE];
	[sflag:s6] =	ssyncadd.remote.s32 @!p0 $0x1  }
0xba: {  	s26 =	simm.s32 $execute0_lowered;
	[smem:$0x3FD2] =	sst s25  }
0xbb: {  	s7 =	sshll.u32 s26, $0x1;
	_ =	strace $0x80000049;
	[dreg:$0x1] =	wrdreg $0xFFFFFFFF  }
0xbc: {  	s28 =	simm.s32 $_size_execute0_lowered;
	s5 =	sadd.s32 s5, s7;
	[dreg:$0x0] =	wrdreg $0x0  }
0xbd: {  	s7 =	sshll.u32 s28, $0x1;
	[dreg:$0x2] =	wrdreg s5  }
0xbe: {  	[dreg:$0x3] =	wrdreg s7  }
0xbf: {  	[dreg:$0x4] =	wrdreg $0xC0  }
0xc0: {  	_ =	task [dreg:s22], $0x5FFFF  }
0xc1: {  	[dreg:$0x1] =	wrdreg $0xFFFFFFFF  }
0xc2: {  	[dreg:$0x0] =	wrdreg $0x60  }
0xc3: {  	[dreg:$0x2] =	wrdreg s17  }
0xc4: {  	[dreg:$0x3] =	wrdreg s24  }
0xc5: {  	[dreg:$0x4] =	wrdreg s18  }
0xc6: {  	[dreg:$0x5] =	wrdreg $0x9  }
0xc7: {  	_ =	task.clear_ibuf [dreg:s22], $0x6FFFF;
	_ =	strace $0x90000049  }
0xc8: {  	s29 =	simm.s32 $0x9;
	_ =	strace $0x8000004B  }
0xc9: {  	_ =	swait.ge [sflag:s29], $0x1  }
0xca: {  	[sflag:s29] =	ssyncadd.s32 $0xFFFFFFFF  }
0xcb: {  	_ =	strace $0x9000004B  }
0xcc: {  	_ =	sfence  }
0xcd: {  	s30 =	sld [smem:$0x0];
	_ =	sdelay $0x2  }
0xce: {  	s31 =	sshll.u32 s1, $0xD;
	s1 =	sshrl.u32 s1, $0x2  }
0xcf: {  	s4 =	sand.u32 $0x4000, s31;
	s1 =	sadd.s32 s1, s30  }
0xd0: {  	s0 =	sor.u32 s4, s0;
	s1 =	sshll.u32 s1, $0x11  }
0xd1: {  	s0 =	sor.u32 s1, s0  }
0xd2: {  	s0 =	sadd.s32 $0x8F2B, s0  }
0xd3: {  	[sflag:s0] =	ssyncadd.remote.s32 $0x1  }
0xd4: {  	_ =	sfence.sel $0xFFFF  }
0xd5: {  	[dreg:$0x0] =	wrdreg $0xFFFFFFFF;
	(pc) =	sbr.abs _section_cstart, $3  }
0xd6: {  	[dreg:$0x1] =	wrdreg $0xFFFFFFFF  }
0xd7: {  	_ =	task.clear_ibuf [dreg:s22], $0x2FFFF;
	_ =	strace $0x9FFFFFFF  }
0xd8: {  	(tm) =	ssettm $0x7FFFFFFF  }
0xd9: {  	_ =	shalt  }
tec
execute0_lowered:
.L_overlay_start_1:
0x0: {  	(tag) =	ssettag $0x1  }
0x1: {  	s1 =	rddreg [dreg:$0x0]  }
0x2: {  	s0 =	rddreg [dreg:$0x1]  }
0x3: {  	s2 =	srdreg.scid;
	s3 =	stileid.u32  }
0x4: {  	s4 =	simm.s32 $0x0;
	s15 =	simm.s32 $0x6;
	s17 =	simm.s32 $0x10880  }
0x5: {  	s18 =	simm.s32 $0x13000;
	s19 =	simm.s32 $0x15780;
	s28 =	simm.s32 $0x2  }
0x6: {  	s29 =	simm.s32 $0xE000;
	s30 =	simm.s32 $0x3;
	s31 =	simm.s32 $0x4  }
0x7: {  	s2 =	sand.u32 $0x1, s2;
	s3 =	sshll.u32 s3, $0x1;
	[smem:$0x7FF] =	sst s4  }
0x8: {  	s5 =	sadd.s32 $0x13C00, s0;
	s7 =	sadd.s32 $0x3600, s0;
	s8 =	sadd.s32 $0x3000, s0  }
0x9: {  	s21 =	sadd.s32 $0x2E00, s0;
	_ =	strace $0x8000004A;
	[dreg:$0x4] =	wrdreg s7  }
0xa: {  	s9 =	sadd.s32 $0x2B6E00, s0;
	s3 =	sor.u32 s2, s3;
	[dreg:$0x5] =	wrdreg s8  }
0xb: {  	s2 =	ssub.s32 $0x2, s2;
	[dreg:$0x6] =	wrdreg s21;
	s21 =	simm.s32 $0x50  }
0xc: {  	s6 =	sshll.u32 s3, $0xA;
	s20 =	smul.u32 $0x9D800, s3;
	s22 =	sshrl.u32 s2, $0x1  }
0xd: {  	s10 =	smul.u32 $0x13B0, s3;
	s6 =	sadd.s32 s6, s0;
	s23 =	ssub.s32 s2, s22  }
0xe: {  	s22 =	simm.s32 $0x4000;
	s0 =	simm.s32 $0x0;
	s24 =	sshrl.u32 s20, $0x3  }
0xf: {  	s25 =	sadd.s32 $0x2AEE00, s6;
	s26 =	sadd.s32 $0x2A6E00, s6;
	s14 =	smax.u32 s23, $0x1  }
0x10: {  	s23 =	simm.s32 $0x6800;
	[dreg:$0x7] =	wrdreg s25;
	s2 =	sadd.s32 s9, s24  }
0x11: {  	[dreg:$0x8] =	wrdreg s26;
	s24 =	simm.s32 $0x9000;
	s25 =	simm.s32 $0xB800  }
0x12: {  	s26 =	simm.s32 $0x1;
	s13 =	sadd.s32 $0x13600, s2;
	s2 =	simm.s32 $0x5  }
.LBB2_1:
0x13: {  	s3 =	rddreg [dreg:$0x7]  }
0x14: {  	[tilespmem:s4], [sflag:$0x6] =	stream.linear.gather [hbm4b:s3+s4], $0x1F80, $0x38;
	[tilespmem:$0x17F80] =	vst v63  }
0x15: {  	_ =	swait.ge [sflag:s15], $0x1F80  }
0x16: {  	[sflag:s15] =	ssyncset.done $0x0  }
0x17: {  	s6 =	simm.s32 $0x2000;
	s8 =	rddreg [dreg:$0x8];
	[sflag:s15] =	ssyncadd.s32 $0xFFFFE080  }
0x18: {  	[tilespmem:s6], [sflag:$0x6] =	stream.linear.gather [hbm4b:s8+s4], $0x1F80, $0x38;
	[tilespmem:$0x17F80] =	vst v63  }
0x19: {  	_ =	swait.ge [sflag:s15], $0x1F80  }
0x1a: {  	[sflag:s15] =	ssyncset.done $0x0  }
0x1b: {  	s11 =	rddreg [dreg:$0x4];
	[sflag:s15] =	ssyncadd.s32 $0xFFFFE080  }
0x1c: {  	[tilespmem:s17], [sflag:$0x6] =	stream.linear.gather [hbm4b:s11+s4], $0x2780, $0x38;
	[tilespmem:$0x17F80] =	vst v63  }
0x1d: {  	_ =	swait.ge [sflag:s15], $0x2780  }
0x1e: {  	[sflag:s15] =	ssyncset.done $0x0  }
0x1f: {  	s12 =	rddreg [dreg:$0x5];
	[sflag:s15] =	ssyncadd.s32 $0xFFFFD880  }
0x20: {  	[tilespmem:s18], [sflag:$0x6] =	stream.linear.gather [hbm4b:s12+s4], $0x2780, $0x38;
	[tilespmem:$0x17F80] =	vst v63  }
0x21: {  	_ =	swait.ge [sflag:s15], $0x2780  }
0x22: {  	[sflag:s15] =	ssyncset.done $0x0  }
0x23: {  	[sflag:s15] =	ssyncadd.s32 $0xFFFFD880  }
0x24: {  	s16 =	rddreg [dreg:$0x2]  }
0x25: {  	[tilespmem:s19], [sflag:$0x6] =	stream.linear.gather [hbm4b:s16+s4], $0x2780, $0x38;
	[tilespmem:$0x17F80] =	vst v63  }
0x26: {  	_ =	swait.ge [sflag:s15], $0x2780  }
0x27: {  	[sflag:s15] =	ssyncset.done $0x0  }
0x28: {  	s7 =	simm.s32 $0x17F00;
	s20 =	rddreg [dreg:$0x6];
	[sflag:s15] =	ssyncadd.s32 $0xFFFFD880  }
0x29: {  	[tilespmem:s7], [sflag:$0x6] =	stream.linear.gather [hbm4b:s20+s4], $0x80, $0x38;
	[tilespmem:$0x17F80] =	vst v63  }
0x2a: {  	_ =	swait.ge [sflag:s15], $0x80  }
0x2b: {  	[sflag:s15] =	ssyncset.done $0x0  }
0x2c: {  	[sflag:s15] =	ssyncadd.s32 $0xFFFFFF80  }
0x2d: {  	v7 =	vld [tilespmem:$0x17F00]  }
0x2e: {  	v6 =	vld [tilespmem:$0x17F10]  }
0x2f: {  	v5 =	vld [tilespmem:$0x17F20]  }
0x30: {  	v4 =	vld [tilespmem:$0x17F30]  }
0x31: {  	v3 =	vld [tilespmem:$0x17F40]  }
0x32: {  	v2 =	vld [tilespmem:$0x17F50]  }
0x33: {  	v1 =	vld [tilespmem:$0x17F60]  }
0x34: {  	v0 =	vld [tilespmem:$0x17F70];
	[tilespmem:s22], [sflag:$0x1] =	stream.indirect.gather [hbm4b:s1+s21], $0x80, s4, s21, $0xb8  }
0x35: {  	s3 =	simm.s32 $0x0  }
0x36: {  	[tilespmem:s23], [sflag:$0x2] =	stream.indirect.gather [hbm4b:s5+s21], $0x80, s6, s21, $0xb8;
	[tilespmem:$0x17F80] =	vst v63  }
.LBB2_2:
0x37: {  	s20 =	sshllo.u32 s3, $0x1  }
0x38: {  	s6 =	sshll.u32 s20, $0x7  }
0x39: {  	[tilespmem:s24], [sflag:$0x3] =	stream.indirect.gather [hbm4b:s1+s21], $0x80, s6, s21, $0xb8;
	[tilespmem:$0x17F80] =	vst v63  }
0x3a: {  	s7 =	sadd.s32 $0x2000, s6  }
0x3b: {  	[tilespmem:s25], [sflag:$0x4] =	stream.indirect.gather [hbm4b:s5+s21], $0x80, s7, s21, $0xb8;
	[tilespmem:$0x17F80] =	vst v63  }
0x3c: {  	_ =	swait.ge [sflag:s26], $0x2800  }
0x3d: {  	[sflag:s26] =	ssyncset.done $0x0  }
0x3e: {  	[sflag:s26] =	ssyncadd.s32 $0xFFFFD800  }
0x3f: {  	_ =	swait.ge [sflag:s28], $0x2800  }
0x40: {  	[sflag:s28] =	ssyncset.done $0x0  }
0x41: {  	s7 =	sshll.u32 s3, $0x8;
	[sflag:s28] =	ssyncadd.s32 $0xFFFFD800  }
0x42: {  	v8 =	vld [tilespmem:s7+$0x0]  }
0x43: {  	v9 =	vld [tilespmem:s7+$0x2000];
	_ =	sdelay $0x6  }
0x44: {  	v10 =	vld.idx.msk [tilespmem:v8+s17+$0x0], $0xffff  }
0x45: {  	v11 =	vld.idx.msk [tilespmem:v9+s17+$0x0], $0xffff  }
0x46: {  	v12 =	vld.idx.msk [tilespmem:v8+s18+$0x0], $0xffff  }
0x47: {  	v13 =	vld.idx.msk [tilespmem:v9+s18+$0x0], $0xffff  }
0x48: {  	v8 =	vld.idx.msk [tilespmem:v8+s19+$0x0], $0xffff  }
0x49: {  	v9 =	vld.idx.msk [tilespmem:v9+s19+$0x0], $0xffff;
	_ =	sdelay $0x2  }
0x4a: {  	v10 =	vmul.f32 v11, v10;
	v11 =	vmul.f32 v13, v12;
	_ =	sdelay $0x1  }
0x4b: {  	v8 =	vmul.f32 v9, v8;
	v10 =	vadd.f32 v11, v10;
	_ =	sdelay $0x1  }
0x4c: {  	v8 =	vadd.f32 v8, v10;
	_ =	sdelay $0x1  }
0x4d: {  	v8 =	vmul.f32 $-2.000000000e+00, v8;
	_ =	sdelay $0x1  }
0x4e: {  	[tilespmem:$0x10800] =	vst v8  }
0x4f: {  	v8 =	vld [tilespmem:s7+$0x10]  }
0x50: {  	v9 =	vld [tilespmem:s7+$0x2010];
	_ =	sdelay $0x6  }
0x51: {  	v10 =	vld.idx.msk [tilespmem:v8+s17+$0x0], $0xffff  }
0x52: {  	v11 =	vld.idx.msk [tilespmem:v9+s17+$0x0], $0xffff  }
0x53: {  	v12 =	vld.idx.msk [tilespmem:v8+s18+$0x0], $0xffff  }
0x54: {  	v13 =	vld.idx.msk [tilespmem:v9+s18+$0x0], $0xffff  }
0x55: {  	v8 =	vld.idx.msk [tilespmem:v8+s19+$0x0], $0xffff  }
0x56: {  	v9 =	vld.idx.msk [tilespmem:v9+s19+$0x0], $0xffff;
	_ =	sdelay $0x2  }
0x57: {  	v10 =	vmul.f32 v11, v10;
	v11 =	vmul.f32 v13, v12;
	_ =	sdelay $0x1  }
0x58: {  	v8 =	vmul.f32 v9, v8;
	v10 =	vadd.f32 v11, v10;
	_ =	sdelay $0x1  }
0x59: {  	v8 =	vadd.f32 v8, v10;
	_ =	sdelay $0x1  }
0x5a: {  	v8 =	vmul.f32 $-2.000000000e+00, v8;
	_ =	sdelay $0x1  }
0x5b: {  	[tilespmem:$0x10810] =	vst v8  }
0x5c: {  	v8 =	vld [tilespmem:s7+$0x20]  }
0x5d: {  	v9 =	vld [tilespmem:s7+$0x2020];
	_ =	sdelay $0x6  }
0x5e: {  	v10 =	vld.idx.msk [tilespmem:v8+s17+$0x0], $0xffff  }
0x5f: {  	v11 =	vld.idx.msk [tilespmem:v9+s17+$0x0], $0xffff  }
0x60: {  	v12 =	vld.idx.msk [tilespmem:v8+s18+$0x0], $0xffff  }
0x61: {  	v13 =	vld.idx.msk [tilespmem:v9+s18+$0x0], $0xffff  }
0x62: {  	v8 =	vld.idx.msk [tilespmem:v8+s19+$0x0], $0xffff  }
0x63: {  	v9 =	vld.idx.msk [tilespmem:v9+s19+$0x0], $0xffff;
	_ =	sdelay $0x2  }
0x64: {  	v10 =	vmul.f32 v11, v10;
	v11 =	vmul.f32 v13, v12;
	_ =	sdelay $0x1  }
0x65: {  	v8 =	vmul.f32 v9, v8;
	v10 =	vadd.f32 v11, v10;
	_ =	sdelay $0x1  }
0x66: {  	v8 =	vadd.f32 v8, v10;
	_ =	sdelay $0x1  }
0x67: {  	v8 =	vmul.f32 $-2.000000000e+00, v8;
	_ =	sdelay $0x1  }
0x68: {  	[tilespmem:$0x10820] =	vst v8  }
0x69: {  	v8 =	vld [tilespmem:s7+$0x30]  }
0x6a: {  	v9 =	vld [tilespmem:s7+$0x2030];
	_ =	sdelay $0x6  }
0x6b: {  	v10 =	vld.idx.msk [tilespmem:v8+s17+$0x0], $0xffff  }
0x6c: {  	v11 =	vld.idx.msk [tilespmem:v9+s17+$0x0], $0xffff  }
0x6d: {  	v12 =	vld.idx.msk [tilespmem:v8+s18+$0x0], $0xffff  }
0x6e: {  	v13 =	vld.idx.msk [tilespmem:v9+s18+$0x0], $0xffff  }
0x6f: {  	v8 =	vld.idx.msk [tilespmem:v8+s19+$0x0], $0xffff  }
0x70: {  	v9 =	vld.idx.msk [tilespmem:v9+s19+$0x0], $0xffff;
	_ =	sdelay $0x2  }
0x71: {  	v10 =	vmul.f32 v11, v10;
	v11 =	vmul.f32 v13, v12;
	_ =	sdelay $0x1  }
0x72: {  	v8 =	vmul.f32 v9, v8;
	v10 =	vadd.f32 v11, v10;
	_ =	sdelay $0x1  }
0x73: {  	v8 =	vadd.f32 v8, v10;
	_ =	sdelay $0x1  }
0x74: {  	v8 =	vmul.f32 $-2.000000000e+00, v8;
	_ =	sdelay $0x1  }
0x75: {  	[tilespmem:$0x10830] =	vst v8  }
0x76: {  	v8 =	vld [tilespmem:s7+$0x40]  }
0x77: {  	v9 =	vld [tilespmem:s7+$0x2040];
	_ =	sdelay $0x6  }
0x78: {  	v10 =	vld.idx.msk [tilespmem:v8+s17+$0x0], $0xffff  }
0x79: {  	v11 =	vld.idx.msk [tilespmem:v9+s17+$0x0], $0xffff  }
0x7a: {  	v12 =	vld.idx.msk [tilespmem:v8+s18+$0x0], $0xffff  }
0x7b: {  	v13 =	vld.idx.msk [tilespmem:v9+s18+$0x0], $0xffff  }
0x7c: {  	v8 =	vld.idx.msk [tilespmem:v8+s19+$0x0], $0xffff  }
0x7d: {  	v9 =	vld.idx.msk [tilespmem:v9+s19+$0x0], $0xffff;
	_ =	sdelay $0x2  }
0x7e: {  	v10 =	vmul.f32 v11, v10;
	v11 =	vmul.f32 v13, v12;
	_ =	sdelay $0x1  }
0x7f: {  	v8 =	vmul.f32 v9, v8;
	v10 =	vadd.f32 v11, v10;
	_ =	sdelay $0x1  }
0x80: {  	v8 =	vadd.f32 v8, v10;
	_ =	sdelay $0x1  }
0x81: {  	v8 =	vmul.f32 $-2.000000000e+00, v8  }
0x82: {  	p0 =	seq.s32 s3, $0x0  }
0x83: {  	s8 =	simm.s32 @!p0 $0x5;
	[tilespmem:$0x10840] =	vst v8  }
0x84: {  	_ =	swait.ge @!p0 [sflag:s8], $0x2800  }
0x85: {  	[sflag:s8] =	ssyncset.done @!p0 $0x0  }
0x86: {  	s16 =	simm.s32 $0x0;
	[sflag:s8] =	ssyncadd.s32 @!p0 $0xFFFFD800  }
0x87: {  	v8 =	vld [tilespmem:s16+$0x4000]  }
0x88: {  	v9 =	vld [tilespmem:s16+$0x6800]  }
0x89: {  	v11 =	vld [tilespmem:s16+$0x4010]  }
0x8a: {  	v12 =	vld [tilespmem:s16+$0x6810]  }
0x8b: {  	v13 =	vld [tilespmem:s16+$0x4020]  }
0x8c: {  	v14 =	vld [tilespmem:s16+$0x6820]  }
0x8d: {  	v15 =	vld [tilespmem:s16+$0x4030]  }
0x8e: {  	v16 =	vld [tilespmem:s16+$0x6830]  }
0x8f: {  	v17 =	vld [tilespmem:s16+$0x4040]  }
0x90: {  	v18 =	vld [tilespmem:s16+$0x6840]  }
0x91: {  	v19 =	vld [tilespmem:s16+$0x4050]  }
0x92: {  	v21 =	vld [tilespmem:s16+$0x6850]  }
0x93: {  	v20 =	vld [tilespmem:s16+$0x4060]  }
0x94: {  	s8 =	simm.s32 $0x10800;
	v22 =	vld [tilespmem:s16+$0x6860]  }
0x95: {  	s11 =	simm.s32 $0x200;
	v10 =	vld.msk [tilespmem:s8+$0x0 ss:$0x0], $0xffff  }
.LBB2_3:
0x96: {  	p0 =	sne.s32 s11, $0x9E00;
	v23 =	vld [tilespmem:s16+$0x4070]  }
0x97: {  	v24 =	vld [tilespmem:s16+$0x6870]  }
0x98: {  	v25 =	vadd.f32 v9, v8;
	v26 =	vadd.f32 v12, v11  }
0x99: {  	s12 =	sshra.s32 s11, $0x2;
	v14 =	vadd.f32 v14, v13;
	v15 =	vadd.f32 v16, v15  }
0x9a: {  	v16 =	vadd.f32 v18, v17;
	v17 =	vadd.f32 v21, v19;
	v8 =	vld [tilespmem:s12+$0x4000]  }
0x9b: {  	v19 =	vadd.f32 v22, v20;
	v13 =	vmul.f32 v10, v7;
	v18 =	vmul.f32 v10, v6;
	v9 =	vld [tilespmem:s12+$0x6800]  }
0x9c: {  	v20 =	vmul.f32 v10, v5;
	v21 =	vmul.f32 v10, v4;
	v11 =	vld [tilespmem:s12+$0x4010];
	v22 =	vadd.f32 v24, v23  }
0x9d: {  	v23 =	vadd.f32 v25, v13;
	v18 =	vadd.f32 v26, v18;
	v24 =	vmul.f32 v10, v3;
	v12 =	vld [tilespmem:s12+$0x6810]  }
0x9e: {  	v20 =	vadd.f32 v14, v20;
	v21 =	vadd.f32 v15, v21;
	v25 =	vmul.f32 v10, v2;
	v13 =	vld [tilespmem:s12+$0x4020]  }
0x9f: {  	v23 =	vmax.f32 v23, $0.0e+00;
	v18 =	vmax.f32 v18, $0.0e+00;
	v24 =	vadd.f32 v16, v24;
	v14 =	vld [tilespmem:s12+$0x6820]  }
0xa0: {  	v20 =	vmax.f32 v20, $0.0e+00;
	v21 =	vmax.f32 v21, $0.0e+00;
	v15 =	vld [tilespmem:s12+$0x4030];
	[tilespmem:s16+$0xE000] =	vst v23;
	v23 =	vadd.f32 v17, v25  }
0xa1: {  	v24 =	vmax.f32 v24, $0.0e+00;
	v25 =	vmul.f32 v10, v1;
	v10 =	vmul.f32 v10, v0;
	v16 =	vld [tilespmem:s12+$0x6830];
	[tilespmem:s16+$0xE010] =	vst v18  }
0xa2: {  	v17 =	vld [tilespmem:s12+$0x4040];
	[tilespmem:s16+$0xE020] =	vst v20;
	v20 =	vmax.f32 v23, $0.0e+00  }
0xa3: {  	v23 =	vadd.f32 v19, v25;
	v10 =	vadd.f32 v22, v10;
	v18 =	vld [tilespmem:s12+$0x6840];
	[tilespmem:s16+$0xE030] =	vst v21  }
.Ltmp0:
0xa4: {  	v19 =	vld [tilespmem:s12+$0x4050];
	[tilespmem:s16+$0xE040] =	vst v24;
	(pc) =	sbr.rel @p0 .LBB2_3-.Ltmp0, $4  }
0xa5: {  	v22 =	vmax.f32 v23, $0.0e+00;
	v10 =	vmax.f32 v10, $0.0e+00;
	v21 =	vld [tilespmem:s12+$0x6850];
	[tilespmem:s16+$0xE050] =	vst v20  }
0xa6: {  	v20 =	vld [tilespmem:s12+$0x4060];
	[tilespmem:s16+$0xE060] =	vst v22  }
0xa7: {  	s8 =	sadd.s32 $0x1, s8;
	v22 =	vld [tilespmem:s12+$0x6860];
	[tilespmem:s16+$0xE070] =	vst v10;
	s16 =	smov.u32 s12  }
0xa8: {  	s11 =	sadd.s32 $0x200, s11;
	v10 =	vld.msk [tilespmem:s8+$0x0 ss:$0x0], $0xffff  }
0xa9: {  	_ = 	snop  }
0xaa: {  	v23 =	vld [tilespmem:s16+$0x4070]  }
0xab: {  	v24 =	vld [tilespmem:s16+$0x6870]  }
0xac: {  	v8 =	vadd.f32 v9, v8;
	v9 =	vadd.f32 v12, v11  }
0xad: {  	v11 =	vadd.f32 v14, v13;
	v12 =	vadd.f32 v16, v15;
	v13 =	vmul.f32 v10, v7  }
0xae: {  	v14 =	vadd.f32 v18, v17;
	v15 =	vadd.f32 v21, v19;
	v16 =	vmul.f32 v10, v6  }
0xaf: {  	v17 =	vadd.f32 v22, v20;
	v18 =	vmul.f32 v10, v5;
	v8 =	vadd.f32 v8, v13  }
0xb0: {  	v19 =	vadd.f32 v24, v23;
	v13 =	vmul.f32 v10, v4;
	v9 =	vadd.f32 v9, v16  }
0xb1: {  	v16 =	vmul.f32 v10, v3;
	v11 =	vadd.f32 v11, v18;
	v8 =	vmax.f32 v8, $0.0e+00  }
0xb2: {  	v12 =	vadd.f32 v12, v13;
	v13 =	vmul.f32 v10, v2;
	v9 =	vmax.f32 v9, $0.0e+00;
	[tilespmem:s16+$0xE000] =	vst v8  }
0xb3: {  	v11 =	vmax.f32 v11, $0.0e+00;
	v8 =	vadd.f32 v14, v16;
	[tilespmem:s16+$0xE010] =	vst v9;
	v9 =	vmul.f32 v10, v1  }
0xb4: {  	v10 =	vmul.f32 v10, v0;
	[tilespmem:s16+$0xE020] =	vst v11;
	v12 =	vmax.f32 v12, $0.0e+00;
	v13 =	vadd.f32 v15, v13  }
0xb5: {  	s8 =	smul.u32 $0xA0, s3;
	v8 =	vmax.f32 v8, $0.0e+00;
	[tilespmem:s16+$0xE030] =	vst v12;
	v9 =	vadd.f32 v17, v9  }
0xb6: {  	v10 =	vadd.f32 v19, v10;
	v11 =	vmax.f32 v13, $0.0e+00;
	[tilespmem:s16+$0xE040] =	vst v8  }
0xb7: {  	s8 =	sadd.s32 s10, s8;
	[tilespmem:s16+$0xE050] =	vst v11;
	v8 =	vmax.f32 v9, $0.0e+00  }
0xb8: {  	s8 =	sshll.u32 s8, $0x4;
	v9 =	vmax.f32 v10, $0.0e+00;
	[tilespmem:s16+$0xE060] =	vst v8  }
0xb9: {  	s11 =	simm.s32 $0x0;
	s8 =	sadd.s32 s9, s8;
	[tilespmem:s16+$0xE070] =	vst v9  }
0xba: {  	[hbm4b:s8+s11] =	stream.linear.scatter [tilespmem:s29], [sflag:$0x5], $0x2800, $0x38;
	[tilespmem:$0x17F80] =	vst v63  }
0xbb: {  	s12 =	sadd.s32 $0x100, s7  }
0xbc: {  	[tilespmem:s22], [sflag:$0x1] =	stream.indirect.gather [hbm4b:s1+s21], $0x80, s12, s21, $0xb8;
	[tilespmem:$0x17F80] =	vst v63  }
0xbd: {  	s16 =	sadd.s32 $0x2100, s7  }
0xbe: {  	[tilespmem:s23], [sflag:$0x2] =	stream.indirect.gather [hbm4b:s5+s21], $0x80, s16, s21, $0xb8;
	[tilespmem:$0x17F80] =	vst v63  }
0xbf: {  	_ =	swait.ge [sflag:s30], $0x2800  }
0xc0: {  	[sflag:s30] =	ssyncset.done $0x0  }
0xc1: {  	[sflag:s30] =	ssyncadd.s32 $0xFFFFD800  }
0xc2: {  	_ =	swait.ge [sflag:s31], $0x2800  }
0xc3: {  	[sflag:s31] =	ssyncset.done $0x0  }
0xc4: {  	[sflag:s31] =	ssyncadd.s32 $0xFFFFD800  }
0xc5: {  	v8 =	vld [tilespmem:s6+$0x0]  }
0xc6: {  	v9 =	vld [tilespmem:s6+$0x2000];
	_ =	sdelay $0x6  }
0xc7: {  	v10 =	vld.idx.msk [tilespmem:v8+s17+$0x0], $0xffff  }
0xc8: {  	v11 =	vld.idx.msk [tilespmem:v9+s17+$0x0], $0xffff  }
0xc9: {  	v12 =	vld.idx.msk [tilespmem:v8+s18+$0x0], $0xffff  }
0xca: {  	v13 =	vld.idx.msk [tilespmem:v9+s18+$0x0], $0xffff  }
0xcb: {  	v8 =	vld.idx.msk [tilespmem:v8+s19+$0x0], $0xffff  }
0xcc: {  	v9 =	vld.idx.msk [tilespmem:v9+s19+$0x0], $0xffff;
	_ =	sdelay $0x2  }
0xcd: {  	v10 =	vmul.f32 v11, v10;
	v11 =	vmul.f32 v13, v12;
	_ =	sdelay $0x1  }
0xce: {  	v8 =	vmul.f32 v9, v8;
	v10 =	vadd.f32 v11, v10;
	_ =	sdelay $0x1  }
0xcf: {  	v8 =	vadd.f32 v8, v10;
	_ =	sdelay $0x1  }
0xd0: {  	v8 =	vmul.f32 $-2.000000000e+00, v8;
	_ =	sdelay $0x1  }
0xd1: {  	s8 =	sor.u32 $0x10, s6;
	[tilespmem:$0x10800] =	vst v8  }
0xd2: {  	v8 =	vld [tilespmem:s8+$0x0]  }
0xd3: {  	v9 =	vld [tilespmem:s6+$0x2010];
	_ =	sdelay $0x6  }
0xd4: {  	v10 =	vld.idx.msk [tilespmem:v8+s17+$0x0], $0xffff  }
0xd5: {  	v11 =	vld.idx.msk [tilespmem:v9+s17+$0x0], $0xffff  }
0xd6: {  	v12 =	vld.idx.msk [tilespmem:v8+s18+$0x0], $0xffff  }
0xd7: {  	v13 =	vld.idx.msk [tilespmem:v9+s18+$0x0], $0xffff  }
0xd8: {  	v8 =	vld.idx.msk [tilespmem:v8+s19+$0x0], $0xffff  }
0xd9: {  	v9 =	vld.idx.msk [tilespmem:v9+s19+$0x0], $0xffff;
	_ =	sdelay $0x2  }
0xda: {  	v10 =	vmul.f32 v11, v10;
	v11 =	vmul.f32 v13, v12;
	_ =	sdelay $0x1  }
0xdb: {  	v8 =	vmul.f32 v9, v8;
	v10 =	vadd.f32 v11, v10;
	_ =	sdelay $0x1  }
0xdc: {  	v8 =	vadd.f32 v8, v10;
	_ =	sdelay $0x1  }
0xdd: {  	v8 =	vmul.f32 $-2.000000000e+00, v8;
	_ =	sdelay $0x1  }
0xde: {  	s11 =	sor.u32 $0x20, s6;
	[tilespmem:$0x10810] =	vst v8  }
0xdf: {  	v8 =	vld [tilespmem:s11+$0x0]  }
0xe0: {  	v9 =	vld [tilespmem:s6+$0x2020];
	_ =	sdelay $0x6  }
0xe1: {  	v10 =	vld.idx.msk [tilespmem:v8+s17+$0x0], $0xffff  }
0xe2: {  	v11 =	vld.idx.msk [tilespmem:v9+s17+$0x0], $0xffff  }
0xe3: {  	v12 =	vld.idx.msk [tilespmem:v8+s18+$0x0], $0xffff  }
0xe4: {  	v13 =	vld.idx.msk [tilespmem:v9+s18+$0x0], $0xffff  }
0xe5: {  	v8 =	vld.idx.msk [tilespmem:v8+s19+$0x0], $0xffff  }
0xe6: {  	v9 =	vld.idx.msk [tilespmem:v9+s19+$0x0], $0xffff;
	_ =	sdelay $0x2  }
0xe7: {  	v10 =	vmul.f32 v11, v10;
	v11 =	vmul.f32 v13, v12;
	_ =	sdelay $0x1  }
0xe8: {  	v8 =	vmul.f32 v9, v8;
	v10 =	vadd.f32 v11, v10;
	_ =	sdelay $0x1  }
0xe9: {  	v8 =	vadd.f32 v8, v10;
	_ =	sdelay $0x1  }
0xea: {  	v8 =	vmul.f32 $-2.000000000e+00, v8;
	_ =	sdelay $0x1  }
0xeb: {  	s12 =	sor.u32 $0x30, s6;
	[tilespmem:$0x10820] =	vst v8  }
0xec: {  	v8 =	vld [tilespmem:s12+$0x0]  }
0xed: {  	v9 =	vld [tilespmem:s6+$0x2030];
	_ =	sdelay $0x6  }
0xee: {  	v10 =	vld.idx.msk [tilespmem:v8+s17+$0x0], $0xffff  }
0xef: {  	v11 =	vld.idx.msk [tilespmem:v9+s17+$0x0], $0xffff  }
0xf0: {  	v12 =	vld.idx.msk [tilespmem:v8+s18+$0x0], $0xffff  }
0xf1: {  	v13 =	vld.idx.msk [tilespmem:v9+s18+$0x0], $0xffff  }
0xf2: {  	v8 =	vld.idx.msk [tilespmem:v8+s19+$0x0], $0xffff  }
0xf3: {  	v9 =	vld.idx.msk [tilespmem:v9+s19+$0x0], $0xffff;
	_ =	sdelay $0x2  }
0xf4: {  	v10 =	vmul.f32 v11, v10;
	v11 =	vmul.f32 v13, v12;
	_ =	sdelay $0x1  }
0xf5: {  	v8 =	vmul.f32 v9, v8;
	v10 =	vadd.f32 v11, v10;
	_ =	sdelay $0x1  }
0xf6: {  	v8 =	vadd.f32 v8, v10;
	_ =	sdelay $0x1  }
0xf7: {  	v8 =	vmul.f32 $-2.000000000e+00, v8;
	_ =	sdelay $0x1  }
0xf8: {  	s16 =	sor.u32 $0x40, s6;
	[tilespmem:$0x10830] =	vst v8  }
0xf9: {  	v8 =	vld [tilespmem:s16+$0x0]  }
0xfa: {  	v9 =	vld [tilespmem:s6+$0x2040];
	_ =	sdelay $0x6  }
0xfb: {  	v10 =	vld.idx.msk [tilespmem:v8+s17+$0x0], $0xffff  }
0xfc: {  	v11 =	vld.idx.msk [tilespmem:v9+s17+$0x0], $0xffff  }
0xfd: {  	v12 =	vld.idx.msk [tilespmem:v8+s18+$0x0], $0xffff  }
0xfe: {  	v13 =	vld.idx.msk [tilespmem:v9+s18+$0x0], $0xffff  }
0xff: {  	v8 =	vld.idx.msk [tilespmem:v8+s19+$0x0], $0xffff  }
0x100: {  	v9 =	vld.idx.msk [tilespmem:v9+s19+$0x0], $0xffff;
	_ =	sdelay $0x2  }
0x101: {  	v10 =	vmul.f32 v11, v10;
	v11 =	vmul.f32 v13, v12;
	_ =	sdelay $0x1  }
0x102: {  	v8 =	vmul.f32 v9, v8;
	v10 =	vadd.f32 v11, v10;
	_ =	sdelay $0x1  }
0x103: {  	v8 =	vadd.f32 v8, v10;
	_ =	sdelay $0x1  }
0x104: {  	v8 =	vmul.f32 $-2.000000000e+00, v8;
	_ =	sdelay $0x1  }
0x105: {  	[tilespmem:$0x10840] =	vst v8  }
0x106: {  	_ =	swait.ge [sflag:s2], $0x2800  }
0x107: {  	[sflag:s2] =	ssyncset.done $0x0  }
0x108: {  	s6 =	simm.s32 $0x0;
	[sflag:s2] =	ssyncadd.s32 $0xFFFFD800  }
0x109: {  	v8 =	vld [tilespmem:s6+$0x9000]  }
0x10a: {  	v9 =	vld [tilespmem:s6+$0xB800]  }
0x10b: {  	v11 =	vld [tilespmem:s6+$0x9010]  }
0x10c: {  	v12 =	vld [tilespmem:s6+$0xB810]  }
0x10d: {  	v13 =	vld [tilespmem:s6+$0x9020]  }
0x10e: {  	v14 =	vld [tilespmem:s6+$0xB820]  }
0x10f: {  	v15 =	vld [tilespmem:s6+$0x9030]  }
0x110: {  	v16 =	vld [tilespmem:s6+$0xB830]  }
0x111: {  	v17 =	vld [tilespmem:s6+$0x9040]  }
0x112: {  	v18 =	vld [tilespmem:s6+$0xB840]  }
0x113: {  	v19 =	vld [tilespmem:s6+$0x9050]  }
0x114: {  	v21 =	vld [tilespmem:s6+$0xB850]  }
0x115: {  	v20 =	vld [tilespmem:s6+$0x9060]  }
0x116: {  	s7 =	simm.s32 $0x10800;
	v22 =	vld [tilespmem:s6+$0xB860]  }
0x117: {  	s8 =	simm.s32 $0x200;
	v10 =	vld.msk [tilespmem:s7+$0x0 ss:$0x0], $0xffff  }
.LBB2_5:
0x118: {  	p0 =	sne.s32 s8, $0x9E00;
	v23 =	vld [tilespmem:s6+$0x9070]  }
0x119: {  	v24 =	vld [tilespmem:s6+$0xB870]  }
0x11a: {  	v25 =	vadd.f32 v9, v8;
	v26 =	vadd.f32 v12, v11  }
0x11b: {  	s11 =	sshra.s32 s8, $0x2;
	v14 =	vadd.f32 v14, v13;
	v15 =	vadd.f32 v16, v15  }
0x11c: {  	v16 =	vadd.f32 v18, v17;
	v17 =	vadd.f32 v21, v19;
	v8 =	vld [tilespmem:s11+$0x9000]  }
0x11d: {  	v19 =	vadd.f32 v22, v20;
	v13 =	vmul.f32 v10, v7;
	v18 =	vmul.f32 v10, v6;
	v9 =	vld [tilespmem:s11+$0xB800]  }
0x11e: {  	v20 =	vmul.f32 v10, v5;
	v21 =	vmul.f32 v10, v4;
	v11 =	vld [tilespmem:s11+$0x9010];
	v22 =	vadd.f32 v24, v23  }
0x11f: {  	v23 =	vadd.f32 v25, v13;
	v18 =	vadd.f32 v26, v18;
	v24 =	vmul.f32 v10, v3;
	v12 =	vld [tilespmem:s11+$0xB810]  }
0x120: {  	v20 =	vadd.f32 v14, v20;
	v21 =	vadd.f32 v15, v21;
	v25 =	vmul.f32 v10, v2;
	v13 =	vld [tilespmem:s11+$0x9020]  }
0x121: {  	v23 =	vmax.f32 v23, $0.0e+00;
	v18 =	vmax.f32 v18, $0.0e+00;
	v24 =	vadd.f32 v16, v24;
	v14 =	vld [tilespmem:s11+$0xB820]  }
0x122: {  	v20 =	vmax.f32 v20, $0.0e+00;
	v21 =	vmax.f32 v21, $0.0e+00;
	v15 =	vld [tilespmem:s11+$0x9030];
	[tilespmem:s6+$0xE000] =	vst v23;
	v23 =	vadd.f32 v17, v25  }
0x123: {  	v24 =	vmax.f32 v24, $0.0e+00;
	v25 =	vmul.f32 v10, v1;
	v10 =	vmul.f32 v10, v0;
	v16 =	vld [tilespmem:s11+$0xB830];
	[tilespmem:s6+$0xE010] =	vst v18  }
0x124: {  	v17 =	vld [tilespmem:s11+$0x9040];
	[tilespmem:s6+$0xE020] =	vst v20;
	v20 =	vmax.f32 v23, $0.0e+00  }
0x125: {  	v23 =	vadd.f32 v19, v25;
	v10 =	vadd.f32 v22, v10;
	v18 =	vld [tilespmem:s11+$0xB840];
	[tilespmem:s6+$0xE030] =	vst v21  }
.Ltmp1:
0x126: {  	v19 =	vld [tilespmem:s11+$0x9050];
	[tilespmem:s6+$0xE040] =	vst v24;
	(pc) =	sbr.rel @p0 .LBB2_5-.Ltmp1, $4  }
0x127: {  	v22 =	vmax.f32 v23, $0.0e+00;
	v10 =	vmax.f32 v10, $0.0e+00;
	v21 =	vld [tilespmem:s11+$0xB850];
	[tilespmem:s6+$0xE050] =	vst v20  }
0x128: {  	v20 =	vld [tilespmem:s11+$0x9060];
	[tilespmem:s6+$0xE060] =	vst v22  }
0x129: {  	s7 =	sadd.s32 $0x1, s7;
	v22 =	vld [tilespmem:s11+$0xB860];
	[tilespmem:s6+$0xE070] =	vst v10;
	s6 =	smov.u32 s11  }
0x12a: {  	s8 =	sadd.s32 $0x200, s8;
	v10 =	vld.msk [tilespmem:s7+$0x0 ss:$0x0], $0xffff  }
0x12b: {  	_ =	sdelay $0x2  }
0x12c: {  	v23 =	vld [tilespmem:s6+$0x9070];
	v8 =	vadd.f32 v9, v8;
	v47 =	vadd.f32 v12, v11  }
0x12d: {  	v24 =	vld [tilespmem:s6+$0xB870];
	v48 =	vadd.f32 v14, v13;
	v49 =	vadd.f32 v16, v15;
	v50 =	vmul.f32 v10, v7  }
0x12e: {  	v51 =	vadd.f32 v18, v17;
	v52 =	vadd.f32 v21, v19;
	v53 =	vmul.f32 v10, v6  }
0x12f: {  	v54 =	vadd.f32 v22, v20;
	v55 =	vmul.f32 v10, v5;
	v8 =	vadd.f32 v8, v50  }
0x130: {  	v56 =	vmul.f32 v10, v4;
	v59 =	vmul.f32 v10, v2;
	v9 =	vadd.f32 v47, v53  }
0x131: {  	v61 =	vmul.f32 v10, v0;
	v11 =	vadd.f32 v48, v55;
	v8 =	vmax.f32 v8, $0.0e+00  }
0x132: {  	v57 =	vadd.f32 v24, v23;
	v12 =	vadd.f32 v49, v56;
	v9 =	vmax.f32 v9, $0.0e+00;
	[tilespmem:s6+$0xE000] =	vst v8  }
0x133: {  	v58 =	vmul.f32 v10, v3;
	v13 =	vadd.f32 v52, v59;
	v11 =	vmax.f32 v11, $0.0e+00;
	[tilespmem:s6+$0xE010] =	vst v9  }
0x134: {  	s3 =	sadd.s32 $0x1, s3;
	v60 =	vmul.f32 v10, v1;
	v10 =	vadd.f32 v57, v61;
	v12 =	vmax.f32 v12, $0.0e+00;
	[tilespmem:s6+$0xE020] =	vst v11  }
0x135: {  	s7 =	smul.u32 $0x50, s20;
	p0 =	sne.s32 s3, $0x1F;
	v62 =	vmax.f32 v13, $0.0e+00;
	v8 =	vadd.f32 v51, v58;
	[tilespmem:s6+$0xE030] =	vst v12  }
.Ltmp2:
0x136: {  	v9 =	vadd.f32 v54, v60;
	[tilespmem:s6+$0xE050] =	vst v62;
	v63 =	vmax.f32 v10, $0.0e+00;
	(pc) =	sbr.rel @p0 .LBB2_2-.Ltmp2, $4  }
0x137: {  	s7 =	sadd.s32 s10, s7;
	[tilespmem:s6+$0xE070] =	vst v63;
	v8 =	vmax.f32 v8, $0.0e+00  }
0x138: {  	s7 =	sshll.u32 s7, $0x4;
	[tilespmem:s6+$0xE040] =	vst v8;
	v8 =	vmax.f32 v9, $0.0e+00  }
0x139: {  	s20 =	sadd.s32 s9, s7;
	[tilespmem:s6+$0xE060] =	vst v8  }
0x13a: {  	[hbm4b:s20+s4] =	stream.linear.scatter [tilespmem:s29], [sflag:$0x5], $0x2800, $0x38;
	[tilespmem:$0x17F80] =	vst v63  }
0x13b: {  	_ =	swait.ge [sflag:s26], $0x2800  }
0x13c: {  	[sflag:s26] =	ssyncset.done $0x0  }
0x13d: {  	[sflag:s26] =	ssyncadd.s32 $0xFFFFD800  }
0x13e: {  	_ =	swait.ge [sflag:s28], $0x2800  }
0x13f: {  	[sflag:s28] =	ssyncset.done $0x0  }
0x140: {  	[sflag:s28] =	ssyncadd.s32 $0xFFFFD800  }
0x141: {  	v8 =	vld [tilespmem:$0x1F00]  }
0x142: {  	v9 =	vld [tilespmem:$0x3F00];
	_ =	sdelay $0x6  }
0x143: {  	v10 =	vld.idx.msk [tilespmem:v8+s17+$0x0], $0xffff  }
0x144: {  	v11 =	vld.idx.msk [tilespmem:v9+s17+$0x0], $0xffff  }
0x145: {  	v12 =	vld.idx.msk [tilespmem:v8+s18+$0x0], $0xffff  }
0x146: {  	v13 =	vld.idx.msk [tilespmem:v9+s18+$0x0], $0xffff  }
0x147: {  	v8 =	vld.idx.msk [tilespmem:v8+s19+$0x0], $0xffff  }
0x148: {  	v9 =	vld.idx.msk [tilespmem:v9+s19+$0x0], $0xffff;
	_ =	sdelay $0x2  }
0x149: {  	v10 =	vmul.f32 v11, v10;
	v11 =	vmul.f32 v13, v12  }
0x14a: {  	v12 =	vld [tilespmem:$0x1F10]  }
0x14b: {  	v8 =	vmul.f32 v9, v8;
	v9 =	vld [tilespmem:$0x3F10];
	v10 =	vadd.f32 v11, v10;
	_ =	sdelay $0x1  }
0x14c: {  	v8 =	vadd.f32 v8, v10;
	_ =	sdelay $0x1  }
0x14d: {  	v8 =	vmul.f32 $-2.000000000e+00, v8;
	_ =	sdelay $0x1  }
0x14e: {  	[tilespmem:$0x10800] =	vst v8  }
0x14f: {  	v8 =	vld.idx.msk [tilespmem:v12+s17+$0x0], $0xffff  }
0x150: {  	v10 =	vld.idx.msk [tilespmem:v9+s17+$0x0], $0xffff  }
0x151: {  	v11 =	vld.idx.msk [tilespmem:v12+s18+$0x0], $0xffff  }
0x152: {  	v13 =	vld.idx.msk [tilespmem:v9+s18+$0x0], $0xffff  }
0x153: {  	v12 =	vld.idx.msk [tilespmem:v12+s19+$0x0], $0xffff  }
0x154: {  	v9 =	vld.idx.msk [tilespmem:v9+s19+$0x0], $0xffff;
	_ =	sdelay $0x2  }
0x155: {  	v8 =	vmul.f32 v10, v8;
	v10 =	vmul.f32 v13, v11  }
0x156: {  	v11 =	vld [tilespmem:$0x1F20]  }
0x157: {  	v9 =	vmul.f32 v9, v12;
	v8 =	vadd.f32 v10, v8  }
0x158: {  	v10 =	vld [tilespmem:$0x3F20]  }
0x159: {  	v8 =	vadd.f32 v9, v8;
	_ =	sdelay $0x1  }
0x15a: {  	v8 =	vmul.f32 $-2.000000000e+00, v8;
	_ =	sdelay $0x1  }
0x15b: {  	[tilespmem:$0x10810] =	vst v8  }
0x15c: {  	v8 =	vld.idx.msk [tilespmem:v11+s17+$0x0], $0xffff  }
0x15d: {  	v12 =	vld.idx.msk [tilespmem:v11+s18+$0x0], $0xffff  }
0x15e: {  	v9 =	vld.idx.msk [tilespmem:v10+s17+$0x0], $0xffff  }
0x15f: {  	v13 =	vld.idx.msk [tilespmem:v10+s18+$0x0], $0xffff  }
0x160: {  	v11 =	vld.idx.msk [tilespmem:v11+s19+$0x0], $0xffff  }
0x161: {  	v10 =	vld.idx.msk [tilespmem:v10+s19+$0x0], $0xffff;
	_ =	sdelay $0x2  }
0x162: {  	v8 =	vmul.f32 v9, v8;
	v9 =	vmul.f32 v13, v12  }
0x163: {  	v12 =	vld [tilespmem:$0x1F30]  }
0x164: {  	v8 =	vadd.f32 v9, v8;
	v9 =	vmul.f32 v10, v11  }
0x165: {  	v10 =	vld [tilespmem:$0x3F30]  }
0x166: {  	v8 =	vadd.f32 v9, v8;
	_ =	sdelay $0x1  }
0x167: {  	v8 =	vmul.f32 $-2.000000000e+00, v8;
	_ =	sdelay $0x1  }
0x168: {  	[tilespmem:$0x10820] =	vst v8  }
0x169: {  	v8 =	vld.idx.msk [tilespmem:v12+s17+$0x0], $0xffff  }
0x16a: {  	v11 =	vld.idx.msk [tilespmem:v12+s18+$0x0], $0xffff  }
0x16b: {  	v9 =	vld.idx.msk [tilespmem:v10+s17+$0x0], $0xffff  }
0x16c: {  	v13 =	vld.idx.msk [tilespmem:v10+s18+$0x0], $0xffff  }
0x16d: {  	v12 =	vld.idx.msk [tilespmem:v12+s19+$0x0], $0xffff  }
0x16e: {  	v10 =	vld.idx.msk [tilespmem:v10+s19+$0x0], $0xffff;
	_ =	sdelay $0x2  }
0x16f: {  	v8 =	vmul.f32 v9, v8;
	v9 =	vmul.f32 v13, v11  }
0x170: {  	v11 =	vld [tilespmem:$0x1F40]  }
0x171: {  	v8 =	vadd.f32 v9, v8;
	v9 =	vmul.f32 v10, v12  }
0x172: {  	v10 =	vld [tilespmem:$0x3F40]  }
0x173: {  	v8 =	vadd.f32 v9, v8;
	_ =	sdelay $0x1  }
0x174: {  	v8 =	vmul.f32 $-2.000000000e+00, v8;
	_ =	sdelay $0x1  }
0x175: {  	[tilespmem:$0x10830] =	vst v8  }
0x176: {  	v8 =	vld.idx.msk [tilespmem:v11+s17+$0x0], $0xffff  }
0x177: {  	v12 =	vld.idx.msk [tilespmem:v11+s18+$0x0], $0xffff  }
0x178: {  	v9 =	vld.idx.msk [tilespmem:v10+s17+$0x0], $0xffff  }
0x179: {  	v13 =	vld.idx.msk [tilespmem:v10+s18+$0x0], $0xffff  }
0x17a: {  	v11 =	vld.idx.msk [tilespmem:v11+s19+$0x0], $0xffff  }
0x17b: {  	v10 =	vld.idx.msk [tilespmem:v10+s19+$0x0], $0xffff;
	_ =	sdelay $0x2  }
0x17c: {  	v8 =	vmul.f32 v9, v8;
	v9 =	vmul.f32 v13, v12;
	_ =	sdelay $0x1  }
0x17d: {  	v8 =	vadd.f32 v9, v8;
	v9 =	vmul.f32 v10, v11;
	_ =	sdelay $0x1  }
0x17e: {  	v8 =	vadd.f32 v9, v8;
	_ =	sdelay $0x1  }
0x17f: {  	v8 =	vmul.f32 $-2.000000000e+00, v8;
	_ =	sdelay $0x1  }
0x180: {  	[tilespmem:$0x10840] =	vst v8  }
0x181: {  	_ =	swait.ge [sflag:s2], $0x2800  }
0x182: {  	[sflag:s2] =	ssyncset.done $0x0  }
0x183: {  	s3 =	simm.s32 $0x0;
	[sflag:s2] =	ssyncadd.s32 $0xFFFFD800  }
0x184: {  	v8 =	vld [tilespmem:s3+$0x4000]  }
0x185: {  	v9 =	vld [tilespmem:s3+$0x6800]  }
0x186: {  	v11 =	vld [tilespmem:s3+$0x4010]  }
0x187: {  	v12 =	vld [tilespmem:s3+$0x6810]  }
0x188: {  	v13 =	vld [tilespmem:s3+$0x4020]  }
0x189: {  	v14 =	vld [tilespmem:s3+$0x6820]  }
0x18a: {  	v15 =	vld [tilespmem:s3+$0x4030]  }
0x18b: {  	v16 =	vld [tilespmem:s3+$0x6830]  }
0x18c: {  	v17 =	vld [tilespmem:s3+$0x4040]  }
0x18d: {  	v18 =	vld [tilespmem:s3+$0x6840]  }
0x18e: {  	v19 =	vld [tilespmem:s3+$0x4050]  }
0x18f: {  	v21 =	vld [tilespmem:s3+$0x6850]  }
0x190: {  	v20 =	vld [tilespmem:s3+$0x4060]  }
0x191: {  	s6 =	simm.s32 $0x10800;
	v22 =	vld [tilespmem:s3+$0x6860]  }
0x192: {  	s7 =	simm.s32 $0x200;
	v10 =	vld.msk [tilespmem:s6+$0x0 ss:$0x0], $0xffff  }
.LBB2_8:
0x193: {  	p0 =	sne.s32 s7, $0x9E00;
	v23 =	vld [tilespmem:s3+$0x4070]  }
0x194: {  	v24 =	vld [tilespmem:s3+$0x6870]  }
0x195: {  	v25 =	vadd.f32 v9, v8;
	v26 =	vadd.f32 v12, v11  }
0x196: {  	s8 =	sshra.s32 s7, $0x2;
	v14 =	vadd.f32 v14, v13;
	v15 =	vadd.f32 v16, v15  }
0x197: {  	v16 =	vadd.f32 v18, v17;
	v17 =	vadd.f32 v21, v19;
	v8 =	vld [tilespmem:s8+$0x4000]  }
0x198: {  	v19 =	vadd.f32 v22, v20;
	v13 =	vmul.f32 v10, v7;
	v18 =	vmul.f32 v10, v6;
	v9 =	vld [tilespmem:s8+$0x6800]  }
0x199: {  	v20 =	vmul.f32 v10, v5;
	v21 =	vmul.f32 v10, v4;
	v11 =	vld [tilespmem:s8+$0x4010];
	v22 =	vadd.f32 v24, v23  }
0x19a: {  	v23 =	vadd.f32 v25, v13;
	v18 =	vadd.f32 v26, v18;
	v24 =	vmul.f32 v10, v3;
	v12 =	vld [tilespmem:s8+$0x6810]  }
0x19b: {  	v20 =	vadd.f32 v14, v20;
	v21 =	vadd.f32 v15, v21;
	v25 =	vmul.f32 v10, v2;
	v13 =	vld [tilespmem:s8+$0x4020]  }
0x19c: {  	v23 =	vmax.f32 v23, $0.0e+00;
	v18 =	vmax.f32 v18, $0.0e+00;
	v24 =	vadd.f32 v16, v24;
	v14 =	vld [tilespmem:s8+$0x6820]  }
0x19d: {  	v20 =	vmax.f32 v20, $0.0e+00;
	v21 =	vmax.f32 v21, $0.0e+00;
	v15 =	vld [tilespmem:s8+$0x4030];
	[tilespmem:s3+$0xE000] =	vst v23;
	v23 =	vadd.f32 v17, v25  }
0x19e: {  	v24 =	vmax.f32 v24, $0.0e+00;
	v25 =	vmul.f32 v10, v1;
	v10 =	vmul.f32 v10, v0;
	v16 =	vld [tilespmem:s8+$0x6830];
	[tilespmem:s3+$0xE010] =	vst v18  }
0x19f: {  	v17 =	vld [tilespmem:s8+$0x4040];
	[tilespmem:s3+$0xE020] =	vst v20;
	v20 =	vmax.f32 v23, $0.0e+00  }
0x1a0: {  	v23 =	vadd.f32 v19, v25;
	v10 =	vadd.f32 v22, v10;
	v18 =	vld [tilespmem:s8+$0x6840];
	[tilespmem:s3+$0xE030] =	vst v21  }
.Ltmp3:
0x1a1: {  	v19 =	vld [tilespmem:s8+$0x4050];
	[tilespmem:s3+$0xE040] =	vst v24;
	(pc) =	sbr.rel @p0 .LBB2_8-.Ltmp3, $4  }
0x1a2: {  	v22 =	vmax.f32 v23, $0.0e+00;
	v10 =	vmax.f32 v10, $0.0e+00;
	v21 =	vld [tilespmem:s8+$0x6850];
	[tilespmem:s3+$0xE050] =	vst v20  }
0x1a3: {  	v20 =	vld [tilespmem:s8+$0x4060];
	[tilespmem:s3+$0xE060] =	vst v22  }
0x1a4: {  	s6 =	sadd.s32 $0x1, s6;
	v22 =	vld [tilespmem:s8+$0x6860];
	[tilespmem:s3+$0xE070] =	vst v10;
	s3 =	smov.u32 s8  }
0x1a5: {  	s7 =	sadd.s32 $0x200, s7;
	v10 =	vld.msk [tilespmem:s6+$0x0 ss:$0x0], $0xffff  }
0x1a6: {  	_ =	sdelay $0x2  }
0x1a7: {  	v8 =	vadd.f32 v9, v8;
	v57 =	vadd.f32 v12, v11  }
0x1a8: {  	v58 =	vadd.f32 v14, v13;
	v59 =	vadd.f32 v16, v15;
	v7 =	vmul.f32 v10, v7  }
0x1a9: {  	v23 =	vld [tilespmem:s3+$0x4070];
	v60 =	vadd.f32 v18, v17;
	v61 =	vadd.f32 v21, v19;
	v6 =	vmul.f32 v10, v6  }
0x1aa: {  	v24 =	vld [tilespmem:s3+$0x6870];
	v62 =	vadd.f32 v22, v20;
	v5 =	vmul.f32 v10, v5;
	v7 =	vadd.f32 v8, v7  }
0x1ab: {  	v4 =	vmul.f32 v10, v4;
	v3 =	vmul.f32 v10, v3;
	v6 =	vadd.f32 v57, v6  }
0x1ac: {  	v2 =	vmul.f32 v10, v2;
	v5 =	vadd.f32 v58, v5;
	v7 =	vmax.f32 v7, $0.0e+00  }
0x1ad: {  	v1 =	vmul.f32 v10, v1;
	v4 =	vadd.f32 v59, v4;
	v6 =	vmax.f32 v6, $0.0e+00;
	[tilespmem:s3+$0xE000] =	vst v7  }
0x1ae: {  	v0 =	vmul.f32 v10, v0;
	v3 =	vadd.f32 v60, v3;
	v5 =	vmax.f32 v5, $0.0e+00;
	[tilespmem:s3+$0xE010] =	vst v6  }
0x1af: {  	v63 =	vadd.f32 v24, v23;
	v2 =	vadd.f32 v61, v2;
	v4 =	vmax.f32 v4, $0.0e+00;
	[tilespmem:s3+$0xE020] =	vst v5  }
0x1b0: {  	v1 =	vadd.f32 v62, v1;
	v3 =	vmax.f32 v3, $0.0e+00;
	[tilespmem:s3+$0xE030] =	vst v4  }
0x1b1: {  	v0 =	vadd.f32 v63, v0;
	v2 =	vmax.f32 v2, $0.0e+00;
	[tilespmem:s3+$0xE040] =	vst v3  }
0x1b2: {  	s0 =	sadd.s32 $0x1, s0;
	v1 =	vmax.f32 v1, $0.0e+00;
	[tilespmem:s3+$0xE050] =	vst v2  }
0x1b3: {  	p0 =	sne.s32 s0, s14;
	v0 =	vmax.f32 v0, $0.0e+00;
	[tilespmem:s3+$0xE060] =	vst v1  }
.Ltmp4:
0x1b4: {  	[tilespmem:s3+$0xE070] =	vst v0;
	(pc) =	sbr.rel @p0 .LBB2_1-.Ltmp4, $4  }
0x1b5: {  	[hbm4b:s13+s4] =	stream.linear.scatter [tilespmem:s29], [sflag:$0x5], $0x2800, $0x38;
	[tilespmem:$0x17F80] =	vst v63  }
0x1b6: {  	_ =	swait.ge [sflag:s2], $0x2800  }
0x1b7: {  	[sflag:s2] =	ssyncset.done $0x0  }
0x1b8: {  	[sflag:s2] =	ssyncadd.s32 $0xFFFFD800  }
0x1b9: {  	_ =	sfence.sel $0x180000  }
0x1ba: {  	[bflag:$0x0] =	sbarrier.arrive $0xFFFF  }
0x1bb: {  	_ =	strace $0x9000004A  }
0x1bc: {  	s0 =	stileid.u32;
	[bflag:$0x2] =	sbarrier.arrive $0xFFFF  }
0x1bd: {  	p0 =	sne.s32 s0, $0x0;
	s0 =	rddreg [dreg:$0x3]  }
0x1be: {  	s0 =	sadd.s32 @!p0 $0x100000, s0  }
0x1bf: {  	[sflag:s0] =	ssyncadd.tile.s32 @!p0 $0x1;
	_ =	shalt  }
.Lfunc_end2:
_tile_overlayer_lowered:
.L_overlay_start_2:
0x1c0: {  	(tag) =	ssettag $0x2  }
0x1c1: {  	s0 =	rddreg [dreg:$0x0];
	s2 =	stileid.u32  }
0x1c2: {  	s1 =	rddreg [dreg:$0x1];
	p0 =	sne.s32 s2, $0x0  }
0x1c3: {  	s3 =	rddreg [dreg:$0x2];
	[bflag:$0x3] =	sbarrier.arrive $0xFFFF;
	s2 =	simm.s32 @!p0 $0x1C06  }
0x1c4: {  	[timem:s3], [sflag:s2] =	dma.local @!p0 [hbm:s0], s1  }
0x1c5: {  	s0 =	simm.s32 @!p0 $0x6  }
0x1c6: {  	_ =	swait.ge @!p0 [sflag:s0], s1  }
0x1c7: {  	s1 =	ssub.s32 @!p0 $0x0, s1;
	[sflag:s0] =	ssyncset.done @!p0 $0x0  }
0x1c8: {  	[sflag:s0] =	ssyncadd.s32 @!p0 s1  }
0x1c9: {  	[bflag:$0x3] =	sbarrier.arrive $0xFFFF  }
0x1ca: {  	_ =	shalt  }

// kernel: kernel.13.cloned.1.call-start
scs
__scs_entry_jumppad:
0x0: {  	(pc) =	sbr.rel $0x88, $3  }
0x1: {  	(tag) =	ssettag $0x0;
	lr =	simm.s32 $0x1  }
0x2: {  	[smem:$0x3F96] =	sst lr;
	_ =	strace $0xD0000000  }
0x3: {  	_ = 	snop  }
0x4: {  	_ = 	snop  }
0x5: {  	_ = 	snop  }
0x6: {  	_ = 	snop  }
0x7: {  	_ = 	snop  }
__scs_overlays_trampoline_lowered:
0x8: {  	[smem:$0x3FA5] =	sst s0  }
0x9: {  	[smem:$0x3FA6] =	sst s1  }
0xa: {  	[smem:$0x3FA7] =	sst s2  }
0xb: {  	[smem:$0x3FA8] =	sst s3  }
0xc: {  	[smem:$0x3FA9] =	sst s4  }
0xd: {  	[smem:$0x3FAA] =	sst s5  }
0xe: {  	[smem:$0x3FAB] =	sst s6  }
0xf: {  	[smem:$0x3FAC] =	sst s7  }
0x10: {  	[smem:$0x3FAD] =	sst s8  }
0x11: {  	[smem:$0x3FAE] =	sst s9;
	s0 =	simm.s32 @!p0 $0x0  }
0x12: {  	s1 =	sld [smem:$0x3F94];
	s0 =	simm.s32 @p0 $0x1  }
0x13: {  	[smem:$0x3FAF] =	sst s0;
	s0 =	simm.s32 @!p1 $0x0  }
0x14: {  	s2 =	sld [smem:$0x3F93];
	s0 =	simm.s32 @p1 $0x1  }
0x15: {  	[smem:$0x3FB0] =	sst s0;
	s0 =	simm.s32 @!p2 $0x0  }
0x16: {  	s3 =	sld [smem:$0x3FDB];
	s0 =	simm.s32 @p2 $0x1  }
0x17: {  	s4 =	simm.s32 $0x1BF5;
	[smem:$0x3FB2] =	sst s0  }
0x18: {  	s0 =	sld [smem:$0x3F95];
	_ =	swait.ge [sflag:s4], $0x0  }
0x19: {  	s7 =	sld [smem:$0x3F96]  }
0x1a: {  	s8 =	sadd.s32 $0xFFFFE003, lr  }
0x1b: {  	s9 =	sadd.s32 $0xFFFFFEF7, lr;
	s5 =	simm.s32 $0xFFFFFFFF;
	p2 =	slt.u32 s8, $0xFFFFF086  }
0x1c: {  	p1 =	slt.u32 s9, $0xF7A;
	s5 =	simm.s32 @!p2 $0x0  }
0x1d: {  	s5 =	simm.s32 @p1 $0x1;
	p0 =	seq.s32 s7, s2  }
0x1e: {  	s7 =	smul.u32 @!p0 $0xF7A, s2;
	p2 =	seq.s32 @!p0 s5, $0x0  }
0x1f: {  	s9 =	smul.u32 $0xF7A, s1;
	s8 =	simm.s32 @!p0 $0x1BF5;
	p2 =	por !p2, p0  }
0x20: {  	[sflag:s8] =	ssyncset.s32 @!p0 $0xFFFFF086;
	s6 =	sadd.s32 @!p0 s3, s7;
	s7 =	simm.s32 @!p0 $0x108  }
0x21: {  	s3 =	sadd.s32 s3, s9;
	s6 =	sadd.s32 @!p0 $0x88, s6;
	s7 =	simm.s32 @p2 $0x1082  }
0x22: {  	[simem:s7], [sflag:s8] =	dma.local @!p0 [hbm:s6], $0xF7A  }
0x23: {  	s9 =	sor.u32 $0xD0000000, s2;
	s6 =	simm.s32 $0x108;
	_ =	swait.ge @!p0 [sflag:s8], $0x0  }
0x24: {  	s3 =	sadd.s32 $0x88, s3;
	s6 =	simm.s32 @!p1 $0x1082;
	[sflag:s4] =	ssyncset.s32 $0xFFFFF086  }
0x25: {  	[simem:s6], [sflag:s4] =	dma.local [hbm:s3], $0xF7A  }
0x26: {  	[smem:$0x3F96] =	sst s1;
	(tag) =	ssettag s2;
	_ =	strace s9  }
0x27: {  	s1 =	sld [smem:$0x3FA6]  }
0x28: {  	s2 =	sld [smem:$0x3FA7]  }
0x29: {  	s4 =	sld [smem:$0x3FA9]  }
0x2a: {  	p0 =	seq.s32 s5, $0x0;
	s5 =	sld [smem:$0x3FAA]  }
0x2b: {  	s6 =	sld [smem:$0x3FAB]  }
0x2c: {  	s7 =	sld [smem:$0x3FAC]  }
0x2d: {  	s3 =	simm.s32 $0x108;
	s8 =	sld [smem:$0x3FAD]  }
0x2e: {  	s3 =	simm.s32 @!p0 $0x1082;
	s9 =	sld [smem:$0x3FAE]  }
0x2f: {  	lr =	sadd.s32 s0, s3;
	s0 =	sld [smem:$0x3FA5]  }
0x30: {  	s3 =	sld [smem:$0x3FA8]  }
0x31: {  	[smem:$0x3FB1] =	sst s10  }
0x32: {  	s10 =	sld [smem:$0x3FAF];
	_ =	sdelay $0x3  }
0x33: {  	p0 =	seq.s32 s10, $0x1;
	s10 =	sld [smem:$0x3FB1];
	_ =	sdelay $0x3  }
0x34: {  	[smem:$0x3FB1] =	sst s10  }
0x35: {  	s10 =	sld [smem:$0x3FB0];
	_ =	sdelay $0x3  }
0x36: {  	p1 =	seq.s32 s10, $0x1;
	s10 =	sld [smem:$0x3FB1];
	_ =	sdelay $0x3  }
0x37: {  	[smem:$0x3FB1] =	sst s10  }
0x38: {  	s10 =	sld [smem:$0x3FB2]  }
0x39: {  	_ = 	snop;
	(pc) =	sbr.ind lr, $3  }
0x3a: {  	_ = 	snop  }
0x3b: {  	_ = 	snop  }
0x3c: {  	p2 =	seq.s32 s10, $0x1;
	s10 =	sld [smem:$0x3FB1]  }
0x3d: {  	_ =	shalt  }
0x3e: {  	_ =	shalt  }
0x3f: {  	_ =	shalt  }
0x40: {  	_ =	shalt  }
0x41: {  	_ =	shalt  }
0x42: {  	_ =	shalt  }
0x43: {  	_ =	shalt  }
0x44: {  	_ =	shalt  }
0x45: {  	_ =	shalt  }
0x46: {  	_ =	shalt  }
0x47: {  	_ =	shalt  }
0x48: {  	_ =	shalt  }
0x49: {  	_ =	shalt  }
0x4a: {  	_ =	shalt  }
0x4b: {  	_ =	shalt  }
0x4c: {  	_ =	shalt  }
0x4d: {  	_ =	shalt  }
0x4e: {  	_ =	shalt  }
0x4f: {  	_ =	shalt  }
0x50: {  	_ =	shalt  }
0x51: {  	_ =	shalt  }
0x52: {  	_ =	shalt  }
0x53: {  	_ =	shalt  }
0x54: {  	_ =	shalt  }
0x55: {  	_ =	shalt  }
0x56: {  	_ =	shalt  }
0x57: {  	_ =	shalt  }
0x58: {  	_ =	shalt  }
0x59: {  	_ =	shalt  }
0x5a: {  	_ =	shalt  }
0x5b: {  	_ =	shalt  }
0x5c: {  	_ =	shalt  }
0x5d: {  	_ =	shalt  }
0x5e: {  	_ =	shalt  }
0x5f: {  	_ =	shalt  }
0x60: {  	_ =	shalt  }
0x61: {  	_ =	shalt  }
0x62: {  	_ =	shalt  }
0x63: {  	_ =	shalt  }
0x64: {  	_ =	shalt  }
0x65: {  	_ =	shalt  }
0x66: {  	_ =	shalt  }
0x67: {  	_ =	shalt  }
0x68: {  	_ =	shalt  }
0x69: {  	_ =	shalt  }
0x6a: {  	_ =	shalt  }
0x6b: {  	_ =	shalt  }
0x6c: {  	_ =	shalt  }
0x6d: {  	_ =	shalt  }
0x6e: {  	_ =	shalt  }
0x6f: {  	_ =	shalt  }
0x70: {  	_ =	shalt  }
0x71: {  	_ =	shalt  }
0x72: {  	_ =	shalt  }
0x73: {  	_ =	shalt  }
0x74: {  	_ =	shalt  }
0x75: {  	_ =	shalt  }
0x76: {  	_ =	shalt  }
0x77: {  	_ =	shalt  }
0x78: {  	_ =	shalt  }
0x79: {  	_ =	shalt  }
0x7a: {  	_ =	shalt  }
0x7b: {  	_ =	shalt  }
0x7c: {  	_ =	shalt  }
0x7d: {  	_ =	shalt  }
0x7e: {  	_ =	shalt  }
0x7f: {  	_ =	shalt  }
0x80: {  	_ =	shalt  }
0x81: {  	_ =	shalt  }
0x82: {  	_ =	shalt  }
0x83: {  	_ =	shalt  }
0x84: {  	_ =	shalt  }
0x85: {  	_ =	shalt  }
0x86: {  	_ =	shalt  }
0x87: {  	_ =	shalt  }
.Lfunc_end0:
.L_simem_size_0:
called_computation.1_lowered:
.L_overlay_start_0:
0x88: {  	s2 =	sld [smem:$0x3FD9]  }
0x89: {  	s3 =	sld [smem:$0x3FFE];
	_ =	sdelay $0x1  }
0x8a: {  	s1 =	srdreg.scid  }
0x8b: {  	s0 =	sand.u32 $0x1, s1  }
0x8c: {  	s14 =	sshll.u32 s0, $0xA;
	s2 =	sadd.s32 s3, s2  }
0x8d: {  	s2 =	sadd.s32 s2, s14  }
0x8e: {  	[smem:$0x3FBD] =	sst s2  }
0x8f: {  	_ = 	snop  }
0x90: {  	s2 =	sld [smem:$0x3FD0];
	_ =	sdelay $0x2  }
0x91: {  	s15 =	simm.s32 $0xB;
	s4 =	simm.s32 $0x10  }
0x92: {  	[smem:s4], [sflag:s15] =	dma.local [hbm:s2], $0x1  }
0x93: {  	_ =	swait.eq [sflag:s15], $0x1  }
0x94: {  	[sflag:s15] =	ssyncset.done $0x0  }
0x95: {  	s16 =	sld [smem:$0x10];
	[sflag:s15] =	ssyncadd.s32 $0xFFFFFFFF  }
0x96: {  	s17 =	sld [smem:$0x11];
	(tm) =	ssettm $0x1  }
0x97: {  	s18 =	sld [smem:$0x3FFB];
	_ =	sdelay $0x3  }
0x98: {  	_ =	strace s18  }
0x99: {  	s4 =	sld [smem:$0x3FFC];
	_ =	sdelay $0x3  }
0x9a: {  	_ =	strace s4  }
0x9b: {  	s4 =	sld [smem:$0x3FFD];
	_ =	sdelay $0x3  }
0x9c: {  	_ =	strace s4  }
0x9d: {  	_ =	strace $0x8FFFFFFF  }
0x9e: {  	s19 =	sld [smem:$0x3FDB];
	_ =	sdelay $0x1  }
0x9f: {  	s5 =	simm.s32 $_scs_section_size  }
0xa0: {  	s6 =	simm.s32 $_size__tile_overlayer_lowered;
	s7 =	simm.s32 $_tile_overlayer_lowered  }
0xa1: {  	s22 =	simm.s32 $0x1BFF;
	s21 =	sshll.u32 s7, $0x1;
	s4 =	sadd.s32 s5, s19  }
0xa2: {  	s8 =	simm.s32 $0x0;
	s20 =	sshll.u32 s6, $0x1;
	s6 =	sadd.s32 s21, s4  }
0xa3: {  	[timem:s8], [sflag:s22] =	dma.local [hbm:s6], s20  }
0xa4: {  	_ =	swait.ge [sflag:s22], s20  }
0xa5: {  	s5 =	ssub.s32 $0x0, s20;
	[sflag:s22] =	ssyncset.done $0x0  }
0xa6: {  	[sflag:s22] =	ssyncadd.s32 s5;
	_ =	sdelay $0x1  }
0xa7: {  	s23 =	simm.s32 $0x1B8B  }
0xa8: {  	_ =	swait.ge [sflag:s23], $0x1  }
0xa9: {  	[sflag:s23] =	ssyncset.done $0x0  }
0xaa: {  	s25 =	simm.s32 $0x1B8E;
	s24 =	sld [smem:$0x3FFE];
	[sflag:s23] =	ssyncadd.s32 $0xFFFFFFFF  }
0xab: {  	s26 =	simm.s32 $execute0_lowered;
	[smem:$0x3FD2] =	sst s25  }
0xac: {  	s6 =	sshll.u32 s26, $0x1;
	_ =	strace $0x80000046;
	[dreg:$0x1] =	wrdreg $0xFFFFFFFF  }
0xad: {  	s28 =	simm.s32 $_size_execute0_lowered;
	s4 =	sadd.s32 s4, s6;
	[dreg:$0x0] =	wrdreg $0x0  }
0xae: {  	s6 =	sshll.u32 s28, $0x1;
	[dreg:$0x2] =	wrdreg s4  }
0xaf: {  	[dreg:$0x3] =	wrdreg s6  }
0xb0: {  	[dreg:$0x4] =	wrdreg $0xC0  }
0xb1: {  	_ =	task [dreg:s8], $0x5FFFF  }
0xb2: {  	[dreg:$0x1] =	wrdreg $0xFFFFFFFF  }
0xb3: {  	[dreg:$0x0] =	wrdreg $0x60  }
0xb4: {  	[dreg:$0x2] =	wrdreg s16  }
0xb5: {  	[dreg:$0x3] =	wrdreg s24  }
0xb6: {  	[dreg:$0x4] =	wrdreg s17  }
0xb7: {  	[dreg:$0x5] =	wrdreg $0xA  }
0xb8: {  	_ =	task.clear_ibuf [dreg:s8], $0x6FFFF;
	_ =	strace $0x90000046  }
0xb9: {  	s29 =	simm.s32 $0xA;
	_ =	strace $0x80000048  }
0xba: {  	_ =	swait.ge [sflag:s29], $0x1  }
0xbb: {  	[sflag:s29] =	ssyncadd.s32 $0xFFFFFFFF  }
0xbc: {  	_ =	strace $0x90000048  }
0xbd: {  	_ =	sfence  }
0xbe: {  	s30 =	sld [smem:$0x0];
	_ =	sdelay $0x2  }
0xbf: {  	s31 =	sshll.u32 s1, $0xD;
	s1 =	sshrl.u32 s1, $0x2  }
0xc0: {  	s3 =	sand.u32 $0x4000, s31;
	s1 =	sadd.s32 s1, s30  }
0xc1: {  	s0 =	sor.u32 s3, s0;
	s1 =	sshll.u32 s1, $0x11  }
0xc2: {  	s0 =	sor.u32 s1, s0  }
0xc3: {  	s0 =	sadd.s32 $0x8F2B, s0  }
0xc4: {  	[sflag:s0] =	ssyncadd.remote.s32 $0x1  }
0xc5: {  	_ =	sfence.sel $0xFFFF  }
0xc6: {  	[dreg:$0x0] =	wrdreg $0xFFFFFFFF;
	(pc) =	sbr.abs _section_cstart, $3  }
0xc7: {  	[dreg:$0x1] =	wrdreg $0xFFFFFFFF  }
0xc8: {  	_ =	task.clear_ibuf [dreg:s8], $0x2FFFF;
	_ =	strace $0x9FFFFFFF  }
0xc9: {  	(tm) =	ssettm $0x7FFFFFFF  }
tec
execute0_lowered:
.L_overlay_start_1:
0x0: {  	(tag) =	ssettag $0x1  }
0x1: {  	s1 =	rddreg [dreg:$0x0]  }
0x2: {  	s0 =	rddreg [dreg:$0x1];
	s2 =	srdreg.scid  }
0x3: {  	s3 =	stileid.u32;
	s4 =	simm.s32 $0x0;
	s16 =	simm.s32 $0x6  }
0x4: {  	s18 =	simm.s32 $0x10880;
	s28 =	simm.s32 $0x1;
	s29 =	simm.s32 $0x2  }
0x5: {  	s30 =	simm.s32 $0xE000;
	s31 =	simm.s32 $0x3;
	s2 =	sand.u32 $0x1, s2  }
0x6: {  	s3 =	sshll.u32 s3, $0x1;
	[smem:$0x7FF] =	sst s4;
	s5 =	sadd.s32 $0x13C00, s0  }
0x7: {  	s7 =	sadd.s32 $0x3600, s0;
	s8 =	sadd.s32 $0x3000, s0;
	s20 =	sadd.s32 $0x2E00, s0  }
0x8: {  	s9 =	sadd.s32 $0x3AE00, s0;
	_ =	strace $0x80000047;
	[dreg:$0x4] =	wrdreg s7  }
0x9: {  	s3 =	sor.u32 s2, s3;
	s2 =	ssub.s32 $0x2, s2;
	[dreg:$0x5] =	wrdreg s8  }
0xa: {  	[dreg:$0x6] =	wrdreg s20;
	s20 =	simm.s32 $0x15780;
	s19 =	smul.u32 $0x9B000, s3  }
0xb: {  	s6 =	sshll.u32 s3, $0xA;
	s21 =	sshrl.u32 s2, $0x1;
	s10 =	smul.u32 $0x1360, s3  }
0xc: {  	s3 =	simm.s32 $0x0;
	s6 =	sadd.s32 s6, s0;
	s22 =	ssub.s32 s2, s21  }
0xd: {  	s0 =	simm.s32 $0x5;
	s23 =	sshrl.u32 s19, $0x3;
	s24 =	sadd.s32 $0xBC00, s6  }
0xe: {  	s25 =	sadd.s32 $0x3C00, s6;
	s15 =	smax.u32 s22, $0x1;
	s19 =	simm.s32 $0x13000  }
0xf: {  	s22 =	simm.s32 $0x50;
	[dreg:$0x7] =	wrdreg s24;
	s2 =	sadd.s32 s9, s23  }
0x10: {  	[dreg:$0x8] =	wrdreg s25;
	s23 =	simm.s32 $0x4000;
	s24 =	simm.s32 $0x6800  }
0x11: {  	s25 =	simm.s32 $0x9000;
	s26 =	sadd.s32 $0x12C00, s2;
	s14 =	sadd.s32 $0x13100, s2  }
0x12: {  	s2 =	simm.s32 $0x4;
	[dreg:$0x9] =	wrdreg s26;
	s26 =	simm.s32 $0xB800  }
.LBB2_1:
0x13: {  	s6 =	rddreg [dreg:$0x7]  }
0x14: {  	[tilespmem:s4], [sflag:$0x6] =	stream.linear.gather [hbm4b:s6+s4], $0x1F00, $0x38;
	[tilespmem:$0x17F80] =	vst v63  }
0x15: {  	_ =	swait.ge [sflag:s16], $0x1F00  }
0x16: {  	[sflag:s16] =	ssyncset.done $0x0  }
0x17: {  	s7 =	simm.s32 $0x2000;
	s11 =	rddreg [dreg:$0x8];
	[sflag:s16] =	ssyncadd.s32 $0xFFFFE100  }
0x18: {  	[tilespmem:s7], [sflag:$0x6] =	stream.linear.gather [hbm4b:s11+s4], $0x1F00, $0x38;
	[tilespmem:$0x17F80] =	vst v63  }
0x19: {  	_ =	swait.ge [sflag:s16], $0x1F00  }
0x1a: {  	[sflag:s16] =	ssyncset.done $0x0  }
0x1b: {  	s12 =	rddreg [dreg:$0x4];
	[sflag:s16] =	ssyncadd.s32 $0xFFFFE100  }
0x1c: {  	[tilespmem:s18], [sflag:$0x6] =	stream.linear.gather [hbm4b:s12+s4], $0x2780, $0x38;
	[tilespmem:$0x17F80] =	vst v63  }
0x1d: {  	_ =	swait.ge [sflag:s16], $0x2780  }
0x1e: {  	[sflag:s16] =	ssyncset.done $0x0  }
0x1f: {  	s13 =	rddreg [dreg:$0x5];
	[sflag:s16] =	ssyncadd.s32 $0xFFFFD880  }
0x20: {  	[tilespmem:s19], [sflag:$0x6] =	stream.linear.gather [hbm4b:s13+s4], $0x2780, $0x38;
	[tilespmem:$0x17F80] =	vst v63  }
0x21: {  	_ =	swait.ge [sflag:s16], $0x2780  }
0x22: {  	[sflag:s16] =	ssyncset.done $0x0  }
0x23: {  	[sflag:s16] =	ssyncadd.s32 $0xFFFFD880  }
0x24: {  	s17 =	rddreg [dreg:$0x2]  }
0x25: {  	[tilespmem:s20], [sflag:$0x6] =	stream.linear.gather [hbm4b:s17+s4], $0x2780, $0x38;
	[tilespmem:$0x17F80] =	vst v63  }
0x26: {  	_ =	swait.ge [sflag:s16], $0x2780  }
0x27: {  	[sflag:s16] =	ssyncset.done $0x0  }
0x28: {  	s8 =	simm.s32 $0x17F00;
	s21 =	rddreg [dreg:$0x6];
	[sflag:s16] =	ssyncadd.s32 $0xFFFFD880  }
0x29: {  	[tilespmem:s8], [sflag:$0x6] =	stream.linear.gather [hbm4b:s21+s4], $0x80, $0x38;
	[tilespmem:$0x17F80] =	vst v63  }
0x2a: {  	_ =	swait.ge [sflag:s16], $0x80  }
0x2b: {  	[sflag:s16] =	ssyncset.done $0x0  }
0x2c: {  	[sflag:s16] =	ssyncadd.s32 $0xFFFFFF80  }
0x2d: {  	v7 =	vld [tilespmem:$0x17F00]  }
0x2e: {  	v6 =	vld [tilespmem:$0x17F10]  }
0x2f: {  	v5 =	vld [tilespmem:$0x17F20]  }
0x30: {  	v4 =	vld [tilespmem:$0x17F30]  }
0x31: {  	v3 =	vld [tilespmem:$0x17F40]  }
0x32: {  	v2 =	vld [tilespmem:$0x17F50]  }
0x33: {  	v1 =	vld [tilespmem:$0x17F60]  }
0x34: {  	v0 =	vld [tilespmem:$0x17F70];
	[tilespmem:s23], [sflag:$0x1] =	stream.indirect.gather [hbm4b:s1+s22], $0x80, s4, s22, $0xb8  }
0x35: {  	s21 =	simm.s32 $0x0  }
0x36: {  	[tilespmem:s24], [sflag:$0x2] =	stream.indirect.gather [hbm4b:s5+s22], $0x80, s7, s22, $0xb8;
	[tilespmem:$0x17F80] =	vst v63  }
.LBB2_2:
0x37: {  	s6 =	sshllo.u32 s21, $0x1  }
0x38: {  	s17 =	sshll.u32 s6, $0x7  }
0x39: {  	[tilespmem:s25], [sflag:$0x3] =	stream.indirect.gather [hbm4b:s1+s22], $0x80, s17, s22, $0xb8;
	[tilespmem:$0x17F80] =	vst v63  }
0x3a: {  	s7 =	sadd.s32 $0x2000, s17  }
0x3b: {  	[tilespmem:s26], [sflag:$0x4] =	stream.indirect.gather [hbm4b:s5+s22], $0x80, s7, s22, $0xb8;
	[tilespmem:$0x17F80] =	vst v63  }
0x3c: {  	_ =	swait.ge [sflag:s28], $0x2800  }
0x3d: {  	[sflag:s28] =	ssyncset.done $0x0  }
0x3e: {  	[sflag:s28] =	ssyncadd.s32 $0xFFFFD800  }
0x3f: {  	_ =	swait.ge [sflag:s29], $0x2800  }
0x40: {  	[sflag:s29] =	ssyncset.done $0x0  }
0x41: {  	s7 =	sshll.u32 s21, $0x8;
	[sflag:s29] =	ssyncadd.s32 $0xFFFFD800  }
0x42: {  	v8 =	vld [tilespmem:s7+$0x0]  }
0x43: {  	v9 =	vld [tilespmem:s7+$0x2000];
	_ =	sdelay $0x6  }
0x44: {  	v10 =	vld.idx.msk [tilespmem:v8+s18+$0x0], $0xffff  }
0x45: {  	v11 =	vld.idx.msk [tilespmem:v9+s18+$0x0], $0xffff  }
0x46: {  	v12 =	vld.idx.msk [tilespmem:v8+s19+$0x0], $0xffff  }
0x47: {  	v13 =	vld.idx.msk [tilespmem:v9+s19+$0x0], $0xffff  }
0x48: {  	v8 =	vld.idx.msk [tilespmem:v8+s20+$0x0], $0xffff  }
0x49: {  	v9 =	vld.idx.msk [tilespmem:v9+s20+$0x0], $0xffff;
	_ =	sdelay $0x2  }
0x4a: {  	v10 =	vmul.f32 v11, v10;
	v11 =	vmul.f32 v13, v12;
	_ =	sdelay $0x1  }
0x4b: {  	v8 =	vmul.f32 v9, v8;
	v10 =	vadd.f32 v11, v10;
	_ =	sdelay $0x1  }
0x4c: {  	v8 =	vadd.f32 v8, v10;
	_ =	sdelay $0x1  }
0x4d: {  	v8 =	vmul.f32 $-2.000000000e+00, v8;
	_ =	sdelay $0x1  }
0x4e: {  	[tilespmem:$0x10800] =	vst v8  }
0x4f: {  	v8 =	vld [tilespmem:s7+$0x10]  }
0x50: {  	v9 =	vld [tilespmem:s7+$0x2010];
	_ =	sdelay $0x6  }
0x51: {  	v10 =	vld.idx.msk [tilespmem:v8+s18+$0x0], $0xffff  }
0x52: {  	v11 =	vld.idx.msk [tilespmem:v9+s18+$0x0], $0xffff  }
0x53: {  	v12 =	vld.idx.msk [tilespmem:v8+s19+$0x0], $0xffff  }
0x54: {  	v13 =	vld.idx.msk [tilespmem:v9+s19+$0x0], $0xffff  }
0x55: {  	v8 =	vld.idx.msk [tilespmem:v8+s20+$0x0], $0xffff  }
0x56: {  	v9 =	vld.idx.msk [tilespmem:v9+s20+$0x0], $0xffff;
	_ =	sdelay $0x2  }
0x57: {  	v10 =	vmul.f32 v11, v10;
	v11 =	vmul.f32 v13, v12;
	_ =	sdelay $0x1  }
0x58: {  	v8 =	vmul.f32 v9, v8;
	v10 =	vadd.f32 v11, v10;
	_ =	sdelay $0x1  }
0x59: {  	v8 =	vadd.f32 v8, v10;
	_ =	sdelay $0x1  }
0x5a: {  	v8 =	vmul.f32 $-2.000000000e+00, v8;
	_ =	sdelay $0x1  }
0x5b: {  	[tilespmem:$0x10810] =	vst v8  }
0x5c: {  	v8 =	vld [tilespmem:s7+$0x20]  }
0x5d: {  	v9 =	vld [tilespmem:s7+$0x2020];
	_ =	sdelay $0x6  }
0x5e: {  	v10 =	vld.idx.msk [tilespmem:v8+s18+$0x0], $0xffff  }
0x5f: {  	v11 =	vld.idx.msk [tilespmem:v9+s18+$0x0], $0xffff  }
0x60: {  	v12 =	vld.idx.msk [tilespmem:v8+s19+$0x0], $0xffff  }
0x61: {  	v13 =	vld.idx.msk [tilespmem:v9+s19+$0x0], $0xffff  }
0x62: {  	v8 =	vld.idx.msk [tilespmem:v8+s20+$0x0], $0xffff  }
0x63: {  	v9 =	vld.idx.msk [tilespmem:v9+s20+$0x0], $0xffff;
	_ =	sdelay $0x2  }
0x64: {  	v10 =	vmul.f32 v11, v10;
	v11 =	vmul.f32 v13, v12;
	_ =	sdelay $0x1  }
0x65: {  	v8 =	vmul.f32 v9, v8;
	v10 =	vadd.f32 v11, v10;
	_ =	sdelay $0x1  }
0x66: {  	v8 =	vadd.f32 v8, v10;
	_ =	sdelay $0x1  }
0x67: {  	v8 =	vmul.f32 $-2.000000000e+00, v8;
	_ =	sdelay $0x1  }
0x68: {  	[tilespmem:$0x10820] =	vst v8  }
0x69: {  	v8 =	vld [tilespmem:s7+$0x30]  }
0x6a: {  	v9 =	vld [tilespmem:s7+$0x2030];
	_ =	sdelay $0x6  }
0x6b: {  	v10 =	vld.idx.msk [tilespmem:v8+s18+$0x0], $0xffff  }
0x6c: {  	v11 =	vld.idx.msk [tilespmem:v9+s18+$0x0], $0xffff  }
0x6d: {  	v12 =	vld.idx.msk [tilespmem:v8+s19+$0x0], $0xffff  }
0x6e: {  	v13 =	vld.idx.msk [tilespmem:v9+s19+$0x0], $0xffff  }
0x6f: {  	v8 =	vld.idx.msk [tilespmem:v8+s20+$0x0], $0xffff  }
0x70: {  	v9 =	vld.idx.msk [tilespmem:v9+s20+$0x0], $0xffff;
	_ =	sdelay $0x2  }
0x71: {  	v10 =	vmul.f32 v11, v10;
	v11 =	vmul.f32 v13, v12;
	_ =	sdelay $0x1  }
0x72: {  	v8 =	vmul.f32 v9, v8;
	v10 =	vadd.f32 v11, v10;
	_ =	sdelay $0x1  }
0x73: {  	v8 =	vadd.f32 v8, v10;
	_ =	sdelay $0x1  }
0x74: {  	v8 =	vmul.f32 $-2.000000000e+00, v8;
	_ =	sdelay $0x1  }
0x75: {  	[tilespmem:$0x10830] =	vst v8  }
0x76: {  	v8 =	vld [tilespmem:s7+$0x40]  }
0x77: {  	v9 =	vld [tilespmem:s7+$0x2040];
	_ =	sdelay $0x6  }
0x78: {  	v10 =	vld.idx.msk [tilespmem:v8+s18+$0x0], $0xffff  }
0x79: {  	v11 =	vld.idx.msk [tilespmem:v9+s18+$0x0], $0xffff  }
0x7a: {  	v12 =	vld.idx.msk [tilespmem:v8+s19+$0x0], $0xffff  }
0x7b: {  	v13 =	vld.idx.msk [tilespmem:v9+s19+$0x0], $0xffff  }
0x7c: {  	v8 =	vld.idx.msk [tilespmem:v8+s20+$0x0], $0xffff  }
0x7d: {  	v9 =	vld.idx.msk [tilespmem:v9+s20+$0x0], $0xffff;
	_ =	sdelay $0x2  }
0x7e: {  	v10 =	vmul.f32 v11, v10;
	v11 =	vmul.f32 v13, v12;
	_ =	sdelay $0x1  }
0x7f: {  	v8 =	vmul.f32 v9, v8;
	v10 =	vadd.f32 v11, v10;
	_ =	sdelay $0x1  }
0x80: {  	v8 =	vadd.f32 v8, v10;
	_ =	sdelay $0x1  }
0x81: {  	v8 =	vmul.f32 $-2.000000000e+00, v8  }
0x82: {  	p0 =	seq.s32 s21, $0x0  }
0x83: {  	s8 =	simm.s32 @!p0 $0x5;
	[tilespmem:$0x10840] =	vst v8  }
0x84: {  	_ =	swait.ge @!p0 [sflag:s8], $0x2800  }
0x85: {  	[sflag:s8] =	ssyncset.done @!p0 $0x0  }
0x86: {  	[sflag:s8] =	ssyncadd.s32 @!p0 $0xFFFFD800;
	s8 =	simm.s32 $0x0  }
0x87: {  	v8 =	vld [tilespmem:s8+$0x4000]  }
0x88: {  	v9 =	vld [tilespmem:s8+$0x6800]  }
0x89: {  	v11 =	vld [tilespmem:s8+$0x4010]  }
0x8a: {  	v12 =	vld [tilespmem:s8+$0x6810]  }
0x8b: {  	v13 =	vld [tilespmem:s8+$0x4020]  }
0x8c: {  	v14 =	vld [tilespmem:s8+$0x6820]  }
0x8d: {  	v15 =	vld [tilespmem:s8+$0x4030]  }
0x8e: {  	v16 =	vld [tilespmem:s8+$0x6830]  }
0x8f: {  	v17 =	vld [tilespmem:s8+$0x4040]  }
0x90: {  	v18 =	vld [tilespmem:s8+$0x6840]  }
0x91: {  	v19 =	vld [tilespmem:s8+$0x4050]  }
0x92: {  	v21 =	vld [tilespmem:s8+$0x6850]  }
0x93: {  	v20 =	vld [tilespmem:s8+$0x4060]  }
0x94: {  	s11 =	simm.s32 $0x10800;
	v22 =	vld [tilespmem:s8+$0x6860]  }
0x95: {  	s12 =	simm.s32 $0x200;
	v10 =	vld.msk [tilespmem:s11+$0x0 ss:$0x0], $0xffff  }
.LBB2_3:
0x96: {  	p0 =	sne.s32 s12, $0x9E00;
	v23 =	vld [tilespmem:s8+$0x4070]  }
0x97: {  	v24 =	vld [tilespmem:s8+$0x6870]  }
0x98: {  	v25 =	vadd.f32 v9, v8;
	v26 =	vadd.f32 v12, v11  }
0x99: {  	s13 =	sshra.s32 s12, $0x2;
	v14 =	vadd.f32 v14, v13;
	v15 =	vadd.f32 v16, v15  }
0x9a: {  	v16 =	vadd.f32 v18, v17;
	v17 =	vadd.f32 v21, v19;
	v8 =	vld [tilespmem:s13+$0x4000]  }
0x9b: {  	v19 =	vadd.f32 v22, v20;
	v13 =	vmul.f32 v10, v7;
	v18 =	vmul.f32 v10, v6;
	v9 =	vld [tilespmem:s13+$0x6800]  }
0x9c: {  	v20 =	vmul.f32 v10, v5;
	v21 =	vmul.f32 v10, v4;
	v11 =	vld [tilespmem:s13+$0x4010];
	v22 =	vadd.f32 v24, v23  }
0x9d: {  	v23 =	vadd.f32 v25, v13;
	v18 =	vadd.f32 v26, v18;
	v24 =	vmul.f32 v10, v3;
	v12 =	vld [tilespmem:s13+$0x6810]  }
0x9e: {  	v20 =	vadd.f32 v14, v20;
	v21 =	vadd.f32 v15, v21;
	v25 =	vmul.f32 v10, v2;
	v13 =	vld [tilespmem:s13+$0x4020]  }
0x9f: {  	v23 =	vmax.f32 v23, $0.0e+00;
	v18 =	vmax.f32 v18, $0.0e+00;
	v24 =	vadd.f32 v16, v24;
	v14 =	vld [tilespmem:s13+$0x6820]  }
0xa0: {  	v20 =	vmax.f32 v20, $0.0e+00;
	v21 =	vmax.f32 v21, $0.0e+00;
	v15 =	vld [tilespmem:s13+$0x4030];
	[tilespmem:s8+$0xE000] =	vst v23;
	v23 =	vadd.f32 v17, v25  }
0xa1: {  	v24 =	vmax.f32 v24, $0.0e+00;
	v25 =	vmul.f32 v10, v1;
	v10 =	vmul.f32 v10, v0;
	v16 =	vld [tilespmem:s13+$0x6830];
	[tilespmem:s8+$0xE010] =	vst v18  }
0xa2: {  	v17 =	vld [tilespmem:s13+$0x4040];
	[tilespmem:s8+$0xE020] =	vst v20;
	v20 =	vmax.f32 v23, $0.0e+00  }
0xa3: {  	v23 =	vadd.f32 v19, v25;
	v10 =	vadd.f32 v22, v10;
	v18 =	vld [tilespmem:s13+$0x6840];
	[tilespmem:s8+$0xE030] =	vst v21  }
.Ltmp0:
0xa4: {  	v19 =	vld [tilespmem:s13+$0x4050];
	[tilespmem:s8+$0xE040] =	vst v24;
	(pc) =	sbr.rel @p0 .LBB2_3-.Ltmp0, $4  }
0xa5: {  	v22 =	vmax.f32 v23, $0.0e+00;
	v10 =	vmax.f32 v10, $0.0e+00;
	v21 =	vld [tilespmem:s13+$0x6850];
	[tilespmem:s8+$0xE050] =	vst v20  }
0xa6: {  	v20 =	vld [tilespmem:s13+$0x4060];
	[tilespmem:s8+$0xE060] =	vst v22  }
0xa7: {  	s11 =	sadd.s32 $0x1, s11;
	v22 =	vld [tilespmem:s13+$0x6860];
	[tilespmem:s8+$0xE070] =	vst v10;
	s8 =	smov.u32 s13  }
0xa8: {  	s12 =	sadd.s32 $0x200, s12;
	v10 =	vld.msk [tilespmem:s11+$0x0 ss:$0x0], $0xffff  }
0xa9: {  	_ = 	snop  }
0xaa: {  	v23 =	vld [tilespmem:s8+$0x4070]  }
0xab: {  	v24 =	vld [tilespmem:s8+$0x6870]  }
0xac: {  	v8 =	vadd.f32 v9, v8;
	v9 =	vadd.f32 v12, v11  }
0xad: {  	v11 =	vadd.f32 v14, v13;
	v12 =	vadd.f32 v16, v15;
	v13 =	vmul.f32 v10, v7  }
0xae: {  	v14 =	vadd.f32 v18, v17;
	v15 =	vadd.f32 v21, v19;
	v16 =	vmul.f32 v10, v6  }
0xaf: {  	v17 =	vadd.f32 v22, v20;
	v18 =	vmul.f32 v10, v5;
	v8 =	vadd.f32 v8, v13  }
0xb0: {  	v19 =	vadd.f32 v24, v23;
	v13 =	vmul.f32 v10, v4;
	v9 =	vadd.f32 v9, v16  }
0xb1: {  	v16 =	vmul.f32 v10, v3;
	v11 =	vadd.f32 v11, v18;
	v8 =	vmax.f32 v8, $0.0e+00  }
0xb2: {  	v12 =	vadd.f32 v12, v13;
	v13 =	vmul.f32 v10, v2;
	v9 =	vmax.f32 v9, $0.0e+00;
	[tilespmem:s8+$0xE000] =	vst v8  }
0xb3: {  	v11 =	vmax.f32 v11, $0.0e+00;
	v8 =	vadd.f32 v14, v16;
	[tilespmem:s8+$0xE010] =	vst v9;
	v9 =	vmul.f32 v10, v1  }
0xb4: {  	v10 =	vmul.f32 v10, v0;
	[tilespmem:s8+$0xE020] =	vst v11;
	v12 =	vmax.f32 v12, $0.0e+00;
	v13 =	vadd.f32 v15, v13  }
0xb5: {  	s11 =	smul.u32 $0xA0, s21;
	v8 =	vmax.f32 v8, $0.0e+00;
	[tilespmem:s8+$0xE030] =	vst v12;
	v9 =	vadd.f32 v17, v9  }
0xb6: {  	v10 =	vadd.f32 v19, v10;
	v11 =	vmax.f32 v13, $0.0e+00;
	[tilespmem:s8+$0xE040] =	vst v8  }
0xb7: {  	s11 =	sadd.s32 s10, s11;
	[tilespmem:s8+$0xE050] =	vst v11;
	v8 =	vmax.f32 v9, $0.0e+00  }
0xb8: {  	s11 =	sshll.u32 s11, $0x4;
	v9 =	vmax.f32 v10, $0.0e+00;
	[tilespmem:s8+$0xE060] =	vst v8  }
0xb9: {  	s13 =	simm.s32 $0x0;
	s12 =	sadd.s32 s9, s11;
	[tilespmem:s8+$0xE070] =	vst v9  }
0xba: {  	[hbm4b:s12+s13] =	stream.linear.scatter [tilespmem:s30], [sflag:$0x5], $0x2800, $0x38;
	[tilespmem:$0x17F80] =	vst v63  }
0xbb: {  	s12 =	sadd.s32 $0x100, s7  }
0xbc: {  	[tilespmem:s23], [sflag:$0x1] =	stream.indirect.gather [hbm4b:s1+s22], $0x80, s12, s22, $0xb8;
	[tilespmem:$0x17F80] =	vst v63  }
0xbd: {  	s13 =	sadd.s32 $0x2100, s7  }
0xbe: {  	[tilespmem:s24], [sflag:$0x2] =	stream.indirect.gather [hbm4b:s5+s22], $0x80, s13, s22, $0xb8;
	[tilespmem:$0x17F80] =	vst v63  }
0xbf: {  	_ =	swait.ge [sflag:s31], $0x2800  }
0xc0: {  	[sflag:s31] =	ssyncset.done $0x0  }
0xc1: {  	[sflag:s31] =	ssyncadd.s32 $0xFFFFD800  }
0xc2: {  	_ =	swait.ge [sflag:s2], $0x2800  }
0xc3: {  	[sflag:s2] =	ssyncset.done $0x0  }
0xc4: {  	[sflag:s2] =	ssyncadd.s32 $0xFFFFD800  }
0xc5: {  	v8 =	vld [tilespmem:s17+$0x0]  }
0xc6: {  	v9 =	vld [tilespmem:s17+$0x2000];
	_ =	sdelay $0x6  }
0xc7: {  	v10 =	vld.idx.msk [tilespmem:v8+s18+$0x0], $0xffff  }
0xc8: {  	v11 =	vld.idx.msk [tilespmem:v9+s18+$0x0], $0xffff  }
0xc9: {  	v12 =	vld.idx.msk [tilespmem:v8+s19+$0x0], $0xffff  }
0xca: {  	v13 =	vld.idx.msk [tilespmem:v9+s19+$0x0], $0xffff  }
0xcb: {  	v8 =	vld.idx.msk [tilespmem:v8+s20+$0x0], $0xffff  }
0xcc: {  	v9 =	vld.idx.msk [tilespmem:v9+s20+$0x0], $0xffff;
	_ =	sdelay $0x2  }
0xcd: {  	v10 =	vmul.f32 v11, v10;
	v11 =	vmul.f32 v13, v12;
	_ =	sdelay $0x1  }
0xce: {  	v8 =	vmul.f32 v9, v8;
	v10 =	vadd.f32 v11, v10;
	_ =	sdelay $0x1  }
0xcf: {  	v8 =	vadd.f32 v8, v10;
	_ =	sdelay $0x1  }
0xd0: {  	v8 =	vmul.f32 $-2.000000000e+00, v8;
	_ =	sdelay $0x1  }
0xd1: {  	s8 =	sor.u32 $0x10, s17;
	[tilespmem:$0x10800] =	vst v8  }
0xd2: {  	v8 =	vld [tilespmem:s8+$0x0]  }
0xd3: {  	v9 =	vld [tilespmem:s17+$0x2010];
	_ =	sdelay $0x6  }
0xd4: {  	v10 =	vld.idx.msk [tilespmem:v8+s18+$0x0], $0xffff  }
0xd5: {  	v11 =	vld.idx.msk [tilespmem:v9+s18+$0x0], $0xffff  }
0xd6: {  	v12 =	vld.idx.msk [tilespmem:v8+s19+$0x0], $0xffff  }
0xd7: {  	v13 =	vld.idx.msk [tilespmem:v9+s19+$0x0], $0xffff  }
0xd8: {  	v8 =	vld.idx.msk [tilespmem:v8+s20+$0x0], $0xffff  }
0xd9: {  	v9 =	vld.idx.msk [tilespmem:v9+s20+$0x0], $0xffff;
	_ =	sdelay $0x2  }
0xda: {  	v10 =	vmul.f32 v11, v10;
	v11 =	vmul.f32 v13, v12;
	_ =	sdelay $0x1  }
0xdb: {  	v8 =	vmul.f32 v9, v8;
	v10 =	vadd.f32 v11, v10;
	_ =	sdelay $0x1  }
0xdc: {  	v8 =	vadd.f32 v8, v10;
	_ =	sdelay $0x1  }
0xdd: {  	v8 =	vmul.f32 $-2.000000000e+00, v8;
	_ =	sdelay $0x1  }
0xde: {  	s11 =	sor.u32 $0x20, s17;
	[tilespmem:$0x10810] =	vst v8  }
0xdf: {  	v8 =	vld [tilespmem:s11+$0x0]  }
0xe0: {  	v9 =	vld [tilespmem:s17+$0x2020];
	_ =	sdelay $0x6  }
0xe1: {  	v10 =	vld.idx.msk [tilespmem:v8+s18+$0x0], $0xffff  }
0xe2: {  	v11 =	vld.idx.msk [tilespmem:v9+s18+$0x0], $0xffff  }
0xe3: {  	v12 =	vld.idx.msk [tilespmem:v8+s19+$0x0], $0xffff  }
0xe4: {  	v13 =	vld.idx.msk [tilespmem:v9+s19+$0x0], $0xffff  }
0xe5: {  	v8 =	vld.idx.msk [tilespmem:v8+s20+$0x0], $0xffff  }
0xe6: {  	v9 =	vld.idx.msk [tilespmem:v9+s20+$0x0], $0xffff;
	_ =	sdelay $0x2  }
0xe7: {  	v10 =	vmul.f32 v11, v10;
	v11 =	vmul.f32 v13, v12;
	_ =	sdelay $0x1  }
0xe8: {  	v8 =	vmul.f32 v9, v8;
	v10 =	vadd.f32 v11, v10;
	_ =	sdelay $0x1  }
0xe9: {  	v8 =	vadd.f32 v8, v10;
	_ =	sdelay $0x1  }
0xea: {  	v8 =	vmul.f32 $-2.000000000e+00, v8;
	_ =	sdelay $0x1  }
0xeb: {  	s12 =	sor.u32 $0x30, s17;
	[tilespmem:$0x10820] =	vst v8  }
0xec: {  	v8 =	vld [tilespmem:s12+$0x0]  }
0xed: {  	v9 =	vld [tilespmem:s17+$0x2030];
	_ =	sdelay $0x6  }
0xee: {  	v10 =	vld.idx.msk [tilespmem:v8+s18+$0x0], $0xffff  }
0xef: {  	v11 =	vld.idx.msk [tilespmem:v9+s18+$0x0], $0xffff  }
0xf0: {  	v12 =	vld.idx.msk [tilespmem:v8+s19+$0x0], $0xffff  }
0xf1: {  	v13 =	vld.idx.msk [tilespmem:v9+s19+$0x0], $0xffff  }
0xf2: {  	v8 =	vld.idx.msk [tilespmem:v8+s20+$0x0], $0xffff  }
0xf3: {  	v9 =	vld.idx.msk [tilespmem:v9+s20+$0x0], $0xffff;
	_ =	sdelay $0x2  }
0xf4: {  	v10 =	vmul.f32 v11, v10;
	v11 =	vmul.f32 v13, v12;
	_ =	sdelay $0x1  }
0xf5: {  	v8 =	vmul.f32 v9, v8;
	v10 =	vadd.f32 v11, v10;
	_ =	sdelay $0x1  }
0xf6: {  	v8 =	vadd.f32 v8, v10;
	_ =	sdelay $0x1  }
0xf7: {  	v8 =	vmul.f32 $-2.000000000e+00, v8;
	_ =	sdelay $0x1  }
0xf8: {  	s13 =	sor.u32 $0x40, s17;
	[tilespmem:$0x10830] =	vst v8  }
0xf9: {  	v8 =	vld [tilespmem:s13+$0x0]  }
0xfa: {  	v9 =	vld [tilespmem:s17+$0x2040];
	_ =	sdelay $0x6  }
0xfb: {  	v10 =	vld.idx.msk [tilespmem:v8+s18+$0x0], $0xffff  }
0xfc: {  	v11 =	vld.idx.msk [tilespmem:v9+s18+$0x0], $0xffff  }
0xfd: {  	v12 =	vld.idx.msk [tilespmem:v8+s19+$0x0], $0xffff  }
0xfe: {  	v13 =	vld.idx.msk [tilespmem:v9+s19+$0x0], $0xffff  }
0xff: {  	v8 =	vld.idx.msk [tilespmem:v8+s20+$0x0], $0xffff  }
0x100: {  	v9 =	vld.idx.msk [tilespmem:v9+s20+$0x0], $0xffff;
	_ =	sdelay $0x2  }
0x101: {  	v10 =	vmul.f32 v11, v10;
	v11 =	vmul.f32 v13, v12;
	_ =	sdelay $0x1  }
0x102: {  	v8 =	vmul.f32 v9, v8;
	v10 =	vadd.f32 v11, v10;
	_ =	sdelay $0x1  }
0x103: {  	v8 =	vadd.f32 v8, v10;
	_ =	sdelay $0x1  }
0x104: {  	v8 =	vmul.f32 $-2.000000000e+00, v8;
	_ =	sdelay $0x1  }
0x105: {  	[tilespmem:$0x10840] =	vst v8  }
0x106: {  	_ =	swait.ge [sflag:s0], $0x2800  }
0x107: {  	[sflag:s0] =	ssyncset.done $0x0  }
0x108: {  	s7 =	simm.s32 $0x0;
	[sflag:s0] =	ssyncadd.s32 $0xFFFFD800  }
0x109: {  	v8 =	vld [tilespmem:s7+$0x9000]  }
0x10a: {  	v9 =	vld [tilespmem:s7+$0xB800]  }
0x10b: {  	v11 =	vld [tilespmem:s7+$0x9010]  }
0x10c: {  	v12 =	vld [tilespmem:s7+$0xB810]  }
0x10d: {  	v13 =	vld [tilespmem:s7+$0x9020]  }
0x10e: {  	v14 =	vld [tilespmem:s7+$0xB820]  }
0x10f: {  	v15 =	vld [tilespmem:s7+$0x9030]  }
0x110: {  	v16 =	vld [tilespmem:s7+$0xB830]  }
0x111: {  	v17 =	vld [tilespmem:s7+$0x9040]  }
0x112: {  	v18 =	vld [tilespmem:s7+$0xB840]  }
0x113: {  	v19 =	vld [tilespmem:s7+$0x9050]  }
0x114: {  	v21 =	vld [tilespmem:s7+$0xB850]  }
0x115: {  	v20 =	vld [tilespmem:s7+$0x9060]  }
0x116: {  	s8 =	simm.s32 $0x10800;
	v22 =	vld [tilespmem:s7+$0xB860]  }
0x117: {  	s11 =	simm.s32 $0x200;
	v10 =	vld.msk [tilespmem:s8+$0x0 ss:$0x0], $0xffff  }
.LBB2_5:
0x118: {  	p0 =	sne.s32 s11, $0x9E00;
	v23 =	vld [tilespmem:s7+$0x9070]  }
0x119: {  	v24 =	vld [tilespmem:s7+$0xB870]  }
0x11a: {  	v25 =	vadd.f32 v9, v8;
	v26 =	vadd.f32 v12, v11  }
0x11b: {  	s12 =	sshra.s32 s11, $0x2;
	v14 =	vadd.f32 v14, v13;
	v15 =	vadd.f32 v16, v15  }
0x11c: {  	v16 =	vadd.f32 v18, v17;
	v17 =	vadd.f32 v21, v19;
	v8 =	vld [tilespmem:s12+$0x9000]  }
0x11d: {  	v19 =	vadd.f32 v22, v20;
	v13 =	vmul.f32 v10, v7;
	v18 =	vmul.f32 v10, v6;
	v9 =	vld [tilespmem:s12+$0xB800]  }
0x11e: {  	v20 =	vmul.f32 v10, v5;
	v21 =	vmul.f32 v10, v4;
	v11 =	vld [tilespmem:s12+$0x9010];
	v22 =	vadd.f32 v24, v23  }
0x11f: {  	v23 =	vadd.f32 v25, v13;
	v18 =	vadd.f32 v26, v18;
	v24 =	vmul.f32 v10, v3;
	v12 =	vld [tilespmem:s12+$0xB810]  }
0x120: {  	v20 =	vadd.f32 v14, v20;
	v21 =	vadd.f32 v15, v21;
	v25 =	vmul.f32 v10, v2;
	v13 =	vld [tilespmem:s12+$0x9020]  }
0x121: {  	v23 =	vmax.f32 v23, $0.0e+00;
	v18 =	vmax.f32 v18, $0.0e+00;
	v24 =	vadd.f32 v16, v24;
	v14 =	vld [tilespmem:s12+$0xB820]  }
0x122: {  	v20 =	vmax.f32 v20, $0.0e+00;
	v21 =	vmax.f32 v21, $0.0e+00;
	v15 =	vld [tilespmem:s12+$0x9030];
	[tilespmem:s7+$0xE000] =	vst v23;
	v23 =	vadd.f32 v17, v25  }
0x123: {  	v24 =	vmax.f32 v24, $0.0e+00;
	v25 =	vmul.f32 v10, v1;
	v10 =	vmul.f32 v10, v0;
	v16 =	vld [tilespmem:s12+$0xB830];
	[tilespmem:s7+$0xE010] =	vst v18  }
0x124: {  	v17 =	vld [tilespmem:s12+$0x9040];
	[tilespmem:s7+$0xE020] =	vst v20;
	v20 =	vmax.f32 v23, $0.0e+00  }
0x125: {  	v23 =	vadd.f32 v19, v25;
	v10 =	vadd.f32 v22, v10;
	v18 =	vld [tilespmem:s12+$0xB840];
	[tilespmem:s7+$0xE030] =	vst v21  }
.Ltmp1:
0x126: {  	v19 =	vld [tilespmem:s12+$0x9050];
	[tilespmem:s7+$0xE040] =	vst v24;
	(pc) =	sbr.rel @p0 .LBB2_5-.Ltmp1, $4  }
0x127: {  	v22 =	vmax.f32 v23, $0.0e+00;
	v10 =	vmax.f32 v10, $0.0e+00;
	v21 =	vld [tilespmem:s12+$0xB850];
	[tilespmem:s7+$0xE050] =	vst v20  }
0x128: {  	v20 =	vld [tilespmem:s12+$0x9060];
	[tilespmem:s7+$0xE060] =	vst v22  }
0x129: {  	s8 =	sadd.s32 $0x1, s8;
	v22 =	vld [tilespmem:s12+$0xB860];
	[tilespmem:s7+$0xE070] =	vst v10;
	s7 =	smov.u32 s12  }
0x12a: {  	s11 =	sadd.s32 $0x200, s11;
	v10 =	vld.msk [tilespmem:s8+$0x0 ss:$0x0], $0xffff  }
0x12b: {  	_ =	sdelay $0x2  }
0x12c: {  	v23 =	vld [tilespmem:s7+$0x9070];
	v8 =	vadd.f32 v9, v8;
	v47 =	vadd.f32 v12, v11  }
0x12d: {  	v24 =	vld [tilespmem:s7+$0xB870];
	v48 =	vadd.f32 v14, v13;
	v49 =	vadd.f32 v16, v15;
	v50 =	vmul.f32 v10, v7  }
0x12e: {  	v51 =	vadd.f32 v18, v17;
	v52 =	vadd.f32 v21, v19;
	v53 =	vmul.f32 v10, v6  }
0x12f: {  	v54 =	vadd.f32 v22, v20;
	v55 =	vmul.f32 v10, v5;
	v8 =	vadd.f32 v8, v50  }
0x130: {  	v56 =	vmul.f32 v10, v4;
	v59 =	vmul.f32 v10, v2;
	v9 =	vadd.f32 v47, v53  }
0x131: {  	v61 =	vmul.f32 v10, v0;
	v11 =	vadd.f32 v48, v55;
	v8 =	vmax.f32 v8, $0.0e+00  }
0x132: {  	v57 =	vadd.f32 v24, v23;
	v12 =	vadd.f32 v49, v56;
	v9 =	vmax.f32 v9, $0.0e+00;
	[tilespmem:s7+$0xE000] =	vst v8  }
0x133: {  	v58 =	vmul.f32 v10, v3;
	v13 =	vadd.f32 v52, v59;
	v11 =	vmax.f32 v11, $0.0e+00;
	[tilespmem:s7+$0xE010] =	vst v9  }
0x134: {  	s21 =	sadd.s32 $0x1, s21;
	v60 =	vmul.f32 v10, v1;
	v10 =	vadd.f32 v57, v61;
	v12 =	vmax.f32 v12, $0.0e+00;
	[tilespmem:s7+$0xE020] =	vst v11  }
0x135: {  	s6 =	smul.u32 $0x50, s6;
	p0 =	sne.s32 s21, $0x1E;
	v62 =	vmax.f32 v13, $0.0e+00;
	v8 =	vadd.f32 v51, v58;
	[tilespmem:s7+$0xE030] =	vst v12  }
.Ltmp2:
0x136: {  	v9 =	vadd.f32 v54, v60;
	[tilespmem:s7+$0xE050] =	vst v62;
	v63 =	vmax.f32 v10, $0.0e+00;
	(pc) =	sbr.rel @p0 .LBB2_2-.Ltmp2, $4  }
0x137: {  	s6 =	sadd.s32 s10, s6;
	[tilespmem:s7+$0xE070] =	vst v63;
	v8 =	vmax.f32 v8, $0.0e+00  }
0x138: {  	s6 =	sshll.u32 s6, $0x4;
	[tilespmem:s7+$0xE040] =	vst v8;
	v8 =	vmax.f32 v9, $0.0e+00  }
0x139: {  	s6 =	sadd.s32 s9, s6;
	[tilespmem:s7+$0xE060] =	vst v8  }
0x13a: {  	[hbm4b:s6+s4] =	stream.linear.scatter [tilespmem:s30], [sflag:$0x5], $0x2800, $0x38;
	[tilespmem:$0x17F80] =	vst v63  }
0x13b: {  	s6 =	simm.s32 $0x1E80  }
0x13c: {  	[tilespmem:s25], [sflag:$0x3] =	stream.indirect.gather [hbm4b:s1+s22], $0x80, s6, s22, $0xb8;
	[tilespmem:$0x17F80] =	vst v63  }
0x13d: {  	s21 =	simm.s32 $0x3E80  }
0x13e: {  	[tilespmem:s26], [sflag:$0x4] =	stream.indirect.gather [hbm4b:s5+s22], $0x80, s21, s22, $0xb8;
	[tilespmem:$0x17F80] =	vst v63  }
0x13f: {  	_ =	swait.ge [sflag:s28], $0x2800  }
0x140: {  	[sflag:s28] =	ssyncset.done $0x0  }
0x141: {  	[sflag:s28] =	ssyncadd.s32 $0xFFFFD800  }
0x142: {  	_ =	swait.ge [sflag:s29], $0x2800  }
0x143: {  	[sflag:s29] =	ssyncset.done $0x0  }
0x144: {  	[sflag:s29] =	ssyncadd.s32 $0xFFFFD800  }
0x145: {  	v8 =	vld [tilespmem:$0x1E00]  }
0x146: {  	v9 =	vld [tilespmem:$0x3E00];
	_ =	sdelay $0x6  }
0x147: {  	v10 =	vld.idx.msk [tilespmem:v8+s18+$0x0], $0xffff  }
0x148: {  	v11 =	vld.idx.msk [tilespmem:v9+s18+$0x0], $0xffff  }
0x149: {  	v12 =	vld.idx.msk [tilespmem:v8+s19+$0x0], $0xffff  }
0x14a: {  	v13 =	vld.idx.msk [tilespmem:v9+s19+$0x0], $0xffff  }
0x14b: {  	v8 =	vld.idx.msk [tilespmem:v8+s20+$0x0], $0xffff  }
0x14c: {  	v9 =	vld.idx.msk [tilespmem:v9+s20+$0x0], $0xffff;
	_ =	sdelay $0x2  }
0x14d: {  	v10 =	vmul.f32 v11, v10;
	v11 =	vmul.f32 v13, v12  }
0x14e: {  	v12 =	vld [tilespmem:$0x1E10]  }
0x14f: {  	v8 =	vmul.f32 v9, v8;
	v9 =	vld [tilespmem:$0x3E10];
	v10 =	vadd.f32 v11, v10;
	_ =	sdelay $0x1  }
0x150: {  	v8 =	vadd.f32 v8, v10;
	_ =	sdelay $0x1  }
0x151: {  	v8 =	vmul.f32 $-2.000000000e+00, v8;
	_ =	sdelay $0x1  }
0x152: {  	[tilespmem:$0x10800] =	vst v8  }
0x153: {  	v8 =	vld.idx.msk [tilespmem:v12+s18+$0x0], $0xffff  }
0x154: {  	v10 =	vld.idx.msk [tilespmem:v9+s18+$0x0], $0xffff  }
0x155: {  	v11 =	vld.idx.msk [tilespmem:v12+s19+$0x0], $0xffff  }
0x156: {  	v13 =	vld.idx.msk [tilespmem:v9+s19+$0x0], $0xffff  }
0x157: {  	v12 =	vld.idx.msk [tilespmem:v12+s20+$0x0], $0xffff  }
0x158: {  	v9 =	vld.idx.msk [tilespmem:v9+s20+$0x0], $0xffff;
	_ =	sdelay $0x2  }
0x159: {  	v8 =	vmul.f32 v10, v8;
	v10 =	vmul.f32 v13, v11  }
0x15a: {  	v11 =	vld [tilespmem:$0x1E20]  }
0x15b: {  	v9 =	vmul.f32 v9, v12;
	v8 =	vadd.f32 v10, v8  }
0x15c: {  	v10 =	vld [tilespmem:$0x3E20]  }
0x15d: {  	v8 =	vadd.f32 v9, v8;
	_ =	sdelay $0x1  }
0x15e: {  	v8 =	vmul.f32 $-2.000000000e+00, v8;
	_ =	sdelay $0x1  }
0x15f: {  	[tilespmem:$0x10810] =	vst v8  }
0x160: {  	v8 =	vld.idx.msk [tilespmem:v11+s18+$0x0], $0xffff  }
0x161: {  	v12 =	vld.idx.msk [tilespmem:v11+s19+$0x0], $0xffff  }
0x162: {  	v9 =	vld.idx.msk [tilespmem:v10+s18+$0x0], $0xffff  }
0x163: {  	v13 =	vld.idx.msk [tilespmem:v10+s19+$0x0], $0xffff  }
0x164: {  	v11 =	vld.idx.msk [tilespmem:v11+s20+$0x0], $0xffff  }
0x165: {  	v10 =	vld.idx.msk [tilespmem:v10+s20+$0x0], $0xffff;
	_ =	sdelay $0x2  }
0x166: {  	v8 =	vmul.f32 v9, v8;
	v9 =	vmul.f32 v13, v12  }
0x167: {  	v12 =	vld [tilespmem:$0x1E30]  }
0x168: {  	v8 =	vadd.f32 v9, v8;
	v9 =	vmul.f32 v10, v11  }
0x169: {  	v10 =	vld [tilespmem:$0x3E30]  }
0x16a: {  	v8 =	vadd.f32 v9, v8;
	_ =	sdelay $0x1  }
0x16b: {  	v8 =	vmul.f32 $-2.000000000e+00, v8;
	_ =	sdelay $0x1  }
0x16c: {  	[tilespmem:$0x10820] =	vst v8  }
0x16d: {  	v8 =	vld.idx.msk [tilespmem:v12+s18+$0x0], $0xffff  }
0x16e: {  	v11 =	vld.idx.msk [tilespmem:v12+s19+$0x0], $0xffff  }
0x16f: {  	v9 =	vld.idx.msk [tilespmem:v10+s18+$0x0], $0xffff  }
0x170: {  	v13 =	vld.idx.msk [tilespmem:v10+s19+$0x0], $0xffff  }
0x171: {  	v12 =	vld.idx.msk [tilespmem:v12+s20+$0x0], $0xffff  }
0x172: {  	v10 =	vld.idx.msk [tilespmem:v10+s20+$0x0], $0xffff;
	_ =	sdelay $0x2  }
0x173: {  	v8 =	vmul.f32 v9, v8;
	v9 =	vmul.f32 v13, v11  }
0x174: {  	v11 =	vld [tilespmem:$0x1E40]  }
0x175: {  	v8 =	vadd.f32 v9, v8;
	v9 =	vmul.f32 v10, v12  }
0x176: {  	v10 =	vld [tilespmem:$0x3E40]  }
0x177: {  	v8 =	vadd.f32 v9, v8;
	_ =	sdelay $0x1  }
0x178: {  	v8 =	vmul.f32 $-2.000000000e+00, v8;
	_ =	sdelay $0x1  }
0x179: {  	[tilespmem:$0x10830] =	vst v8  }
0x17a: {  	v8 =	vld.idx.msk [tilespmem:v11+s18+$0x0], $0xffff  }
0x17b: {  	v12 =	vld.idx.msk [tilespmem:v11+s19+$0x0], $0xffff  }
0x17c: {  	v9 =	vld.idx.msk [tilespmem:v10+s18+$0x0], $0xffff  }
0x17d: {  	v13 =	vld.idx.msk [tilespmem:v10+s19+$0x0], $0xffff  }
0x17e: {  	v11 =	vld.idx.msk [tilespmem:v11+s20+$0x0], $0xffff  }
0x17f: {  	v10 =	vld.idx.msk [tilespmem:v10+s20+$0x0], $0xffff;
	_ =	sdelay $0x2  }
0x180: {  	v8 =	vmul.f32 v9, v8;
	v9 =	vmul.f32 v13, v12;
	_ =	sdelay $0x1  }
0x181: {  	v8 =	vadd.f32 v9, v8;
	v9 =	vmul.f32 v10, v11;
	_ =	sdelay $0x1  }
0x182: {  	v8 =	vadd.f32 v9, v8;
	_ =	sdelay $0x1  }
0x183: {  	v8 =	vmul.f32 $-2.000000000e+00, v8;
	_ =	sdelay $0x1  }
0x184: {  	[tilespmem:$0x10840] =	vst v8  }
0x185: {  	_ =	swait.ge [sflag:s0], $0x2800  }
0x186: {  	[sflag:s0] =	ssyncset.done $0x0  }
0x187: {  	s6 =	simm.s32 $0x0;
	[sflag:s0] =	ssyncadd.s32 $0xFFFFD800  }
0x188: {  	v8 =	vld [tilespmem:s6+$0x4000]  }
0x189: {  	v9 =	vld [tilespmem:s6+$0x6800]  }
0x18a: {  	v11 =	vld [tilespmem:s6+$0x4010]  }
0x18b: {  	v12 =	vld [tilespmem:s6+$0x6810]  }
0x18c: {  	v13 =	vld [tilespmem:s6+$0x4020]  }
0x18d: {  	v14 =	vld [tilespmem:s6+$0x6820]  }
0x18e: {  	v15 =	vld [tilespmem:s6+$0x4030]  }
0x18f: {  	v16 =	vld [tilespmem:s6+$0x6830]  }
0x190: {  	v17 =	vld [tilespmem:s6+$0x4040]  }
0x191: {  	v18 =	vld [tilespmem:s6+$0x6840]  }
0x192: {  	v19 =	vld [tilespmem:s6+$0x4050]  }
0x193: {  	v21 =	vld [tilespmem:s6+$0x6850]  }
0x194: {  	v20 =	vld [tilespmem:s6+$0x4060]  }
0x195: {  	s7 =	simm.s32 $0x10800;
	v22 =	vld [tilespmem:s6+$0x6860]  }
0x196: {  	s8 =	simm.s32 $0x200;
	v10 =	vld.msk [tilespmem:s7+$0x0 ss:$0x0], $0xffff  }
.LBB2_8:
0x197: {  	p0 =	sne.s32 s8, $0x9E00;
	v23 =	vld [tilespmem:s6+$0x4070]  }
0x198: {  	v24 =	vld [tilespmem:s6+$0x6870]  }
0x199: {  	v25 =	vadd.f32 v9, v8;
	v26 =	vadd.f32 v12, v11  }
0x19a: {  	s11 =	sshra.s32 s8, $0x2;
	v14 =	vadd.f32 v14, v13;
	v15 =	vadd.f32 v16, v15  }
0x19b: {  	v16 =	vadd.f32 v18, v17;
	v17 =	vadd.f32 v21, v19;
	v8 =	vld [tilespmem:s11+$0x4000]  }
0x19c: {  	v19 =	vadd.f32 v22, v20;
	v13 =	vmul.f32 v10, v7;
	v18 =	vmul.f32 v10, v6;
	v9 =	vld [tilespmem:s11+$0x6800]  }
0x19d: {  	v20 =	vmul.f32 v10, v5;
	v21 =	vmul.f32 v10, v4;
	v11 =	vld [tilespmem:s11+$0x4010];
	v22 =	vadd.f32 v24, v23  }
0x19e: {  	v23 =	vadd.f32 v25, v13;
	v18 =	vadd.f32 v26, v18;
	v24 =	vmul.f32 v10, v3;
	v12 =	vld [tilespmem:s11+$0x6810]  }
0x19f: {  	v20 =	vadd.f32 v14, v20;
	v21 =	vadd.f32 v15, v21;
	v25 =	vmul.f32 v10, v2;
	v13 =	vld [tilespmem:s11+$0x4020]  }
0x1a0: {  	v23 =	vmax.f32 v23, $0.0e+00;
	v18 =	vmax.f32 v18, $0.0e+00;
	v24 =	vadd.f32 v16, v24;
	v14 =	vld [tilespmem:s11+$0x6820]  }
0x1a1: {  	v20 =	vmax.f32 v20, $0.0e+00;
	v21 =	vmax.f32 v21, $0.0e+00;
	v15 =	vld [tilespmem:s11+$0x4030];
	[tilespmem:s6+$0xE000] =	vst v23;
	v23 =	vadd.f32 v17, v25  }
0x1a2: {  	v24 =	vmax.f32 v24, $0.0e+00;
	v25 =	vmul.f32 v10, v1;
	v10 =	vmul.f32 v10, v0;
	v16 =	vld [tilespmem:s11+$0x6830];
	[tilespmem:s6+$0xE010] =	vst v18  }
0x1a3: {  	v17 =	vld [tilespmem:s11+$0x4040];
	[tilespmem:s6+$0xE020] =	vst v20;
	v20 =	vmax.f32 v23, $0.0e+00  }
0x1a4: {  	v23 =	vadd.f32 v19, v25;
	v10 =	vadd.f32 v22, v10;
	v18 =	vld [tilespmem:s11+$0x6840];
	[tilespmem:s6+$0xE030] =	vst v21  }
.Ltmp3:
0x1a5: {  	v19 =	vld [tilespmem:s11+$0x4050];
	[tilespmem:s6+$0xE040] =	vst v24;
	(pc) =	sbr.rel @p0 .LBB2_8-.Ltmp3, $4  }
0x1a6: {  	v22 =	vmax.f32 v23, $0.0e+00;
	v10 =	vmax.f32 v10, $0.0e+00;
	v21 =	vld [tilespmem:s11+$0x6850];
	[tilespmem:s6+$0xE050] =	vst v20  }
0x1a7: {  	v20 =	vld [tilespmem:s11+$0x4060];
	[tilespmem:s6+$0xE060] =	vst v22  }
0x1a8: {  	s7 =	sadd.s32 $0x1, s7;
	v22 =	vld [tilespmem:s11+$0x6860];
	[tilespmem:s6+$0xE070] =	vst v10;
	s6 =	smov.u32 s11  }
0x1a9: {  	s8 =	sadd.s32 $0x200, s8;
	v10 =	vld.msk [tilespmem:s7+$0x0 ss:$0x0], $0xffff  }
0x1aa: {  	_ = 	snop  }
0x1ab: {  	v23 =	vld [tilespmem:s6+$0x4070]  }
0x1ac: {  	v24 =	vld [tilespmem:s6+$0x6870]  }
0x1ad: {  	v8 =	vadd.f32 v9, v8;
	v9 =	vadd.f32 v12, v11  }
0x1ae: {  	v11 =	vadd.f32 v14, v13;
	v12 =	vadd.f32 v16, v15;
	v13 =	vmul.f32 v10, v7  }
0x1af: {  	v14 =	vadd.f32 v18, v17;
	v15 =	vadd.f32 v21, v19;
	v16 =	vmul.f32 v10, v6  }
0x1b0: {  	v17 =	vadd.f32 v22, v20;
	v18 =	vmul.f32 v10, v5;
	v8 =	vadd.f32 v8, v13  }
0x1b1: {  	v19 =	vadd.f32 v24, v23;
	v13 =	vmul.f32 v10, v4;
	v9 =	vadd.f32 v9, v16  }
0x1b2: {  	v16 =	vmul.f32 v10, v3;
	v11 =	vadd.f32 v11, v18;
	v8 =	vmax.f32 v8, $0.0e+00  }
0x1b3: {  	v12 =	vadd.f32 v12, v13;
	v13 =	vmul.f32 v10, v2;
	v9 =	vmax.f32 v9, $0.0e+00;
	[tilespmem:s6+$0xE000] =	vst v8  }
0x1b4: {  	v11 =	vmax.f32 v11, $0.0e+00;
	v8 =	vadd.f32 v14, v16;
	[tilespmem:s6+$0xE010] =	vst v9;
	v9 =	vmul.f32 v10, v1  }
0x1b5: {  	v10 =	vmul.f32 v10, v0;
	[tilespmem:s6+$0xE020] =	vst v11;
	v12 =	vmax.f32 v12, $0.0e+00;
	v13 =	vadd.f32 v15, v13  }
0x1b6: {  	v8 =	vmax.f32 v8, $0.0e+00;
	[tilespmem:s6+$0xE030] =	vst v12;
	v9 =	vadd.f32 v17, v9  }
0x1b7: {  	v10 =	vadd.f32 v19, v10;
	v11 =	vmax.f32 v13, $0.0e+00;
	[tilespmem:s6+$0xE040] =	vst v8  }
0x1b8: {  	[tilespmem:s6+$0xE050] =	vst v11;
	v8 =	vmax.f32 v9, $0.0e+00  }
0x1b9: {  	v9 =	vmax.f32 v10, $0.0e+00;
	[tilespmem:s6+$0xE060] =	vst v8  }
0x1ba: {  	s21 =	simm.s32 $0x0;
	s7 =	rddreg [dreg:$0x9];
	[tilespmem:s6+$0xE070] =	vst v9  }
0x1bb: {  	[hbm4b:s7+s21] =	stream.linear.scatter [tilespmem:s30], [sflag:$0x5], $0x2800, $0x38;
	[tilespmem:$0x17F80] =	vst v63  }
0x1bc: {  	_ =	swait.ge [sflag:s31], $0x2800  }
0x1bd: {  	[sflag:s31] =	ssyncset.done $0x0  }
0x1be: {  	[sflag:s31] =	ssyncadd.s32 $0xFFFFD800  }
0x1bf: {  	_ =	swait.ge [sflag:s2], $0x2800  }
0x1c0: {  	[sflag:s2] =	ssyncset.done $0x0  }
0x1c1: {  	[sflag:s2] =	ssyncadd.s32 $0xFFFFD800  }
0x1c2: {  	v8 =	vld [tilespmem:$0x1E80]  }
0x1c3: {  	v9 =	vld [tilespmem:$0x3E80];
	_ =	sdelay $0x6  }
0x1c4: {  	v10 =	vld.idx.msk [tilespmem:v8+s18+$0x0], $0xffff  }
0x1c5: {  	v11 =	vld.idx.msk [tilespmem:v9+s18+$0x0], $0xffff  }
0x1c6: {  	v12 =	vld.idx.msk [tilespmem:v8+s19+$0x0], $0xffff  }
0x1c7: {  	v13 =	vld.idx.msk [tilespmem:v9+s19+$0x0], $0xffff  }
0x1c8: {  	v8 =	vld.idx.msk [tilespmem:v8+s20+$0x0], $0xffff  }
0x1c9: {  	v9 =	vld.idx.msk [tilespmem:v9+s20+$0x0], $0xffff;
	_ =	sdelay $0x2  }
0x1ca: {  	v10 =	vmul.f32 v11, v10;
	v11 =	vmul.f32 v13, v12  }
0x1cb: {  	v12 =	vld [tilespmem:$0x1E90]  }
0x1cc: {  	v8 =	vmul.f32 v9, v8;
	v9 =	vld [tilespmem:$0x3E90];
	v10 =	vadd.f32 v11, v10;
	_ =	sdelay $0x1  }
0x1cd: {  	v8 =	vadd.f32 v8, v10;
	_ =	sdelay $0x1  }
0x1ce: {  	v8 =	vmul.f32 $-2.000000000e+00, v8;
	_ =	sdelay $0x1  }
0x1cf: {  	[tilespmem:$0x10800] =	vst v8  }
0x1d0: {  	v8 =	vld.idx.msk [tilespmem:v12+s18+$0x0], $0xffff  }
0x1d1: {  	v10 =	vld.idx.msk [tilespmem:v9+s18+$0x0], $0xffff  }
0x1d2: {  	v11 =	vld.idx.msk [tilespmem:v12+s19+$0x0], $0xffff  }
0x1d3: {  	v13 =	vld.idx.msk [tilespmem:v9+s19+$0x0], $0xffff  }
0x1d4: {  	v12 =	vld.idx.msk [tilespmem:v12+s20+$0x0], $0xffff  }
0x1d5: {  	v9 =	vld.idx.msk [tilespmem:v9+s20+$0x0], $0xffff;
	_ =	sdelay $0x2  }
0x1d6: {  	v8 =	vmul.f32 v10, v8;
	v10 =	vmul.f32 v13, v11  }
0x1d7: {  	v11 =	vld [tilespmem:$0x1EA0]  }
0x1d8: {  	v9 =	vmul.f32 v9, v12;
	v8 =	vadd.f32 v10, v8  }
0x1d9: {  	v10 =	vld [tilespmem:$0x3EA0]  }
0x1da: {  	v8 =	vadd.f32 v9, v8;
	_ =	sdelay $0x1  }
0x1db: {  	v8 =	vmul.f32 $-2.000000000e+00, v8;
	_ =	sdelay $0x1  }
0x1dc: {  	[tilespmem:$0x10810] =	vst v8  }
0x1dd: {  	v8 =	vld.idx.msk [tilespmem:v11+s18+$0x0], $0xffff  }
0x1de: {  	v12 =	vld.idx.msk [tilespmem:v11+s19+$0x0], $0xffff  }
0x1df: {  	v9 =	vld.idx.msk [tilespmem:v10+s18+$0x0], $0xffff  }
0x1e0: {  	v13 =	vld.idx.msk [tilespmem:v10+s19+$0x0], $0xffff  }
0x1e1: {  	v11 =	vld.idx.msk [tilespmem:v11+s20+$0x0], $0xffff  }
0x1e2: {  	v10 =	vld.idx.msk [tilespmem:v10+s20+$0x0], $0xffff;
	_ =	sdelay $0x2  }
0x1e3: {  	v8 =	vmul.f32 v9, v8;
	v9 =	vmul.f32 v13, v12  }
0x1e4: {  	v12 =	vld [tilespmem:$0x1EB0]  }
0x1e5: {  	v8 =	vadd.f32 v9, v8;
	v9 =	vmul.f32 v10, v11  }
0x1e6: {  	v10 =	vld [tilespmem:$0x3EB0]  }
0x1e7: {  	v8 =	vadd.f32 v9, v8;
	_ =	sdelay $0x1  }
0x1e8: {  	v8 =	vmul.f32 $-2.000000000e+00, v8;
	_ =	sdelay $0x1  }
0x1e9: {  	[tilespmem:$0x10820] =	vst v8  }
0x1ea: {  	v8 =	vld.idx.msk [tilespmem:v12+s18+$0x0], $0xffff  }
0x1eb: {  	v11 =	vld.idx.msk [tilespmem:v12+s19+$0x0], $0xffff  }
0x1ec: {  	v9 =	vld.idx.msk [tilespmem:v10+s18+$0x0], $0xffff  }
0x1ed: {  	v13 =	vld.idx.msk [tilespmem:v10+s19+$0x0], $0xffff  }
0x1ee: {  	v12 =	vld.idx.msk [tilespmem:v12+s20+$0x0], $0xffff  }
0x1ef: {  	v10 =	vld.idx.msk [tilespmem:v10+s20+$0x0], $0xffff;
	_ =	sdelay $0x2  }
0x1f0: {  	v8 =	vmul.f32 v9, v8;
	v9 =	vmul.f32 v13, v11  }
0x1f1: {  	v11 =	vld [tilespmem:$0x1EC0]  }
0x1f2: {  	v8 =	vadd.f32 v9, v8;
	v9 =	vmul.f32 v10, v12  }
0x1f3: {  	v10 =	vld [tilespmem:$0x3EC0]  }
0x1f4: {  	v8 =	vadd.f32 v9, v8;
	_ =	sdelay $0x1  }
0x1f5: {  	v8 =	vmul.f32 $-2.000000000e+00, v8;
	_ =	sdelay $0x1  }
0x1f6: {  	[tilespmem:$0x10830] =	vst v8  }
0x1f7: {  	v8 =	vld.idx.msk [tilespmem:v11+s18+$0x0], $0xffff  }
0x1f8: {  	v12 =	vld.idx.msk [tilespmem:v11+s19+$0x0], $0xffff  }
0x1f9: {  	v9 =	vld.idx.msk [tilespmem:v10+s18+$0x0], $0xffff  }
0x1fa: {  	v13 =	vld.idx.msk [tilespmem:v10+s19+$0x0], $0xffff  }
0x1fb: {  	v11 =	vld.idx.msk [tilespmem:v11+s20+$0x0], $0xffff  }
0x1fc: {  	v10 =	vld.idx.msk [tilespmem:v10+s20+$0x0], $0xffff;
	_ =	sdelay $0x2  }
0x1fd: {  	v8 =	vmul.f32 v9, v8;
	v9 =	vmul.f32 v13, v12;
	_ =	sdelay $0x1  }
0x1fe: {  	v8 =	vadd.f32 v9, v8;
	v9 =	vmul.f32 v10, v11;
	_ =	sdelay $0x1  }
0x1ff: {  	v8 =	vadd.f32 v9, v8;
	_ =	sdelay $0x1  }
0x200: {  	v8 =	vmul.f32 $-2.000000000e+00, v8;
	_ =	sdelay $0x1  }
0x201: {  	[tilespmem:$0x10840] =	vst v8  }
0x202: {  	_ =	swait.ge [sflag:s0], $0x2800  }
0x203: {  	[sflag:s0] =	ssyncset.done $0x0  }
0x204: {  	s6 =	simm.s32 $0x0;
	[sflag:s0] =	ssyncadd.s32 $0xFFFFD800  }
0x205: {  	v8 =	vld [tilespmem:s6+$0x9000]  }
0x206: {  	v9 =	vld [tilespmem:s6+$0xB800]  }
0x207: {  	v11 =	vld [tilespmem:s6+$0x9010]  }
0x208: {  	v12 =	vld [tilespmem:s6+$0xB810]  }
0x209: {  	v13 =	vld [tilespmem:s6+$0x9020]  }
0x20a: {  	v14 =	vld [tilespmem:s6+$0xB820]  }
0x20b: {  	v15 =	vld [tilespmem:s6+$0x9030]  }
0x20c: {  	v16 =	vld [tilespmem:s6+$0xB830]  }
0x20d: {  	v17 =	vld [tilespmem:s6+$0x9040]  }
0x20e: {  	v18 =	vld [tilespmem:s6+$0xB840]  }
0x20f: {  	v19 =	vld [tilespmem:s6+$0x9050]  }
0x210: {  	v21 =	vld [tilespmem:s6+$0xB850]  }
0x211: {  	v20 =	vld [tilespmem:s6+$0x9060]  }
0x212: {  	s7 =	simm.s32 $0x10800;
	v22 =	vld [tilespmem:s6+$0xB860]  }
0x213: {  	s8 =	simm.s32 $0x200;
	v10 =	vld.msk [tilespmem:s7+$0x0 ss:$0x0], $0xffff  }
.LBB2_10:
0x214: {  	p0 =	sne.s32 s8, $0x9E00;
	v23 =	vld [tilespmem:s6+$0x9070]  }
0x215: {  	v24 =	vld [tilespmem:s6+$0xB870]  }
0x216: {  	v25 =	vadd.f32 v9, v8;
	v26 =	vadd.f32 v12, v11  }
0x217: {  	s11 =	sshra.s32 s8, $0x2;
	v14 =	vadd.f32 v14, v13;
	v15 =	vadd.f32 v16, v15  }
0x218: {  	v16 =	vadd.f32 v18, v17;
	v17 =	vadd.f32 v21, v19;
	v8 =	vld [tilespmem:s11+$0x9000]  }
0x219: {  	v19 =	vadd.f32 v22, v20;
	v13 =	vmul.f32 v10, v7;
	v18 =	vmul.f32 v10, v6;
	v9 =	vld [tilespmem:s11+$0xB800]  }
0x21a: {  	v20 =	vmul.f32 v10, v5;
	v21 =	vmul.f32 v10, v4;
	v11 =	vld [tilespmem:s11+$0x9010];
	v22 =	vadd.f32 v24, v23  }
0x21b: {  	v23 =	vadd.f32 v25, v13;
	v18 =	vadd.f32 v26, v18;
	v24 =	vmul.f32 v10, v3;
	v12 =	vld [tilespmem:s11+$0xB810]  }
0x21c: {  	v20 =	vadd.f32 v14, v20;
	v21 =	vadd.f32 v15, v21;
	v25 =	vmul.f32 v10, v2;
	v13 =	vld [tilespmem:s11+$0x9020]  }
0x21d: {  	v23 =	vmax.f32 v23, $0.0e+00;
	v18 =	vmax.f32 v18, $0.0e+00;
	v24 =	vadd.f32 v16, v24;
	v14 =	vld [tilespmem:s11+$0xB820]  }
0x21e: {  	v20 =	vmax.f32 v20, $0.0e+00;
	v21 =	vmax.f32 v21, $0.0e+00;
	v15 =	vld [tilespmem:s11+$0x9030];
	[tilespmem:s6+$0xE000] =	vst v23;
	v23 =	vadd.f32 v17, v25  }
0x21f: {  	v24 =	vmax.f32 v24, $0.0e+00;
	v25 =	vmul.f32 v10, v1;
	v10 =	vmul.f32 v10, v0;
	v16 =	vld [tilespmem:s11+$0xB830];
	[tilespmem:s6+$0xE010] =	vst v18  }
0x220: {  	v17 =	vld [tilespmem:s11+$0x9040];
	[tilespmem:s6+$0xE020] =	vst v20;
	v20 =	vmax.f32 v23, $0.0e+00  }
0x221: {  	v23 =	vadd.f32 v19, v25;
	v10 =	vadd.f32 v22, v10;
	v18 =	vld [tilespmem:s11+$0xB840];
	[tilespmem:s6+$0xE030] =	vst v21  }
.Ltmp4:
0x222: {  	v19 =	vld [tilespmem:s11+$0x9050];
	[tilespmem:s6+$0xE040] =	vst v24;
	(pc) =	sbr.rel @p0 .LBB2_10-.Ltmp4, $4  }
0x223: {  	v22 =	vmax.f32 v23, $0.0e+00;
	v10 =	vmax.f32 v10, $0.0e+00;
	v21 =	vld [tilespmem:s11+$0xB850];
	[tilespmem:s6+$0xE050] =	vst v20  }
0x224: {  	v20 =	vld [tilespmem:s11+$0x9060];
	[tilespmem:s6+$0xE060] =	vst v22  }
0x225: {  	s7 =	sadd.s32 $0x1, s7;
	v22 =	vld [tilespmem:s11+$0xB860];
	[tilespmem:s6+$0xE070] =	vst v10;
	s6 =	smov.u32 s11  }
0x226: {  	s8 =	sadd.s32 $0x200, s8;
	v10 =	vld.msk [tilespmem:s7+$0x0 ss:$0x0], $0xffff  }
0x227: {  	_ =	sdelay $0x2  }
0x228: {  	v8 =	vadd.f32 v9, v8;
	v57 =	vadd.f32 v12, v11  }
0x229: {  	v58 =	vadd.f32 v14, v13;
	v59 =	vadd.f32 v16, v15;
	v7 =	vmul.f32 v10, v7  }
0x22a: {  	v23 =	vld [tilespmem:s6+$0x9070];
	v60 =	vadd.f32 v18, v17;
	v61 =	vadd.f32 v21, v19;
	v6 =	vmul.f32 v10, v6  }
0x22b: {  	v24 =	vld [tilespmem:s6+$0xB870];
	v62 =	vadd.f32 v22, v20;
	v5 =	vmul.f32 v10, v5;
	v7 =	vadd.f32 v8, v7  }
0x22c: {  	v4 =	vmul.f32 v10, v4;
	v3 =	vmul.f32 v10, v3;
	v6 =	vadd.f32 v57, v6  }
0x22d: {  	v2 =	vmul.f32 v10, v2;
	v5 =	vadd.f32 v58, v5;
	v7 =	vmax.f32 v7, $0.0e+00  }
0x22e: {  	v1 =	vmul.f32 v10, v1;
	v4 =	vadd.f32 v59, v4;
	v6 =	vmax.f32 v6, $0.0e+00;
	[tilespmem:s6+$0xE000] =	vst v7  }
0x22f: {  	v0 =	vmul.f32 v10, v0;
	v3 =	vadd.f32 v60, v3;
	v5 =	vmax.f32 v5, $0.0e+00;
	[tilespmem:s6+$0xE010] =	vst v6  }
0x230: {  	v63 =	vadd.f32 v24, v23;
	v2 =	vadd.f32 v61, v2;
	v4 =	vmax.f32 v4, $0.0e+00;
	[tilespmem:s6+$0xE020] =	vst v5  }
0x231: {  	v1 =	vadd.f32 v62, v1;
	v3 =	vmax.f32 v3, $0.0e+00;
	[tilespmem:s6+$0xE030] =	vst v4  }
0x232: {  	v0 =	vadd.f32 v63, v0;
	v2 =	vmax.f32 v2, $0.0e+00;
	[tilespmem:s6+$0xE040] =	vst v3  }
0x233: {  	s3 =	sadd.s32 $0x1, s3;
	v1 =	vmax.f32 v1, $0.0e+00;
	[tilespmem:s6+$0xE050] =	vst v2  }
0x234: {  	p0 =	sne.s32 s3, s15;
	v0 =	vmax.f32 v0, $0.0e+00;
	[tilespmem:s6+$0xE060] =	vst v1  }
.Ltmp5:
0x235: {  	[tilespmem:s6+$0xE070] =	vst v0;
	(pc) =	sbr.rel @p0 .LBB2_1-.Ltmp5, $4  }
0x236: {  	[hbm4b:s14+s4] =	stream.linear.scatter [tilespmem:s30], [sflag:$0x5], $0x2800, $0x38;
	[tilespmem:$0x17F80] =	vst v63  }
0x237: {  	_ =	swait.ge [sflag:s0], $0x2800  }
0x238: {  	[sflag:s0] =	ssyncset.done $0x0  }
0x239: {  	[sflag:s0] =	ssyncadd.s32 $0xFFFFD800  }
0x23a: {  	_ =	sfence.sel $0x180000  }
0x23b: {  	[bflag:$0x0] =	sbarrier.arrive $0xFFFF  }
0x23c: {  	_ =	strace $0x90000047  }
0x23d: {  	s0 =	stileid.u32;
	[bflag:$0x2] =	sbarrier.arrive $0xFFFF  }
0x23e: {  	p0 =	sne.s32 s0, $0x0;
	s0 =	rddreg [dreg:$0x3]  }
0x23f: {  	s0 =	sadd.s32 @!p0 $0x100000, s0  }
0x240: {  	[sflag:s0] =	ssyncadd.tile.s32 @!p0 $0x1;
	_ =	shalt  }
.Lfunc_end2:
_tile_overlayer_lowered:
.L_overlay_start_2:
0x241: {  	(tag) =	ssettag $0x2  }
0x242: {  	s0 =	rddreg [dreg:$0x0];
	s2 =	stileid.u32  }
0x243: {  	s1 =	rddreg [dreg:$0x1];
	p0 =	sne.s32 s2, $0x0  }
0x244: {  	s3 =	rddreg [dreg:$0x2];
	[bflag:$0x3] =	sbarrier.arrive $0xFFFF;
	s2 =	simm.s32 @!p0 $0x1C06  }
0x245: {  	[timem:s3], [sflag:s2] =	dma.local @!p0 [hbm:s0], s1  }
0x246: {  	s0 =	simm.s32 @!p0 $0x6  }
0x247: {  	_ =	swait.ge @!p0 [sflag:s0], s1  }
0x248: {  	s1 =	ssub.s32 @!p0 $0x0, s1;
	[sflag:s0] =	ssyncset.done @!p0 $0x0  }
0x249: {  	[sflag:s0] =	ssyncadd.s32 @!p0 s1  }
0x24a: {  	[bflag:$0x3] =	sbarrier.arrive $0xFFFF  }
0x24b: {  	_ =	shalt  }

// kernel: kernel.16.cloned.1.call-start
scs
__scs_entry_jumppad:
0x0: {  	(pc) =	sbr.rel $0x88, $3  }
0x1: {  	(tag) =	ssettag $0x0;
	lr =	simm.s32 $0x1  }
0x2: {  	[smem:$0x3F96] =	sst lr;
	_ =	strace $0xD0000000  }
0x3: {  	_ = 	snop  }
0x4: {  	_ = 	snop  }
0x5: {  	_ = 	snop  }
0x6: {  	_ = 	snop  }
0x7: {  	_ = 	snop  }
__scs_overlays_trampoline_lowered:
0x8: {  	[smem:$0x3FA5] =	sst s0  }
0x9: {  	[smem:$0x3FA6] =	sst s1  }
0xa: {  	[smem:$0x3FA7] =	sst s2  }
0xb: {  	[smem:$0x3FA8] =	sst s3  }
0xc: {  	[smem:$0x3FA9] =	sst s4  }
0xd: {  	[smem:$0x3FAA] =	sst s5  }
0xe: {  	[smem:$0x3FAB] =	sst s6  }
0xf: {  	[smem:$0x3FAC] =	sst s7  }
0x10: {  	[smem:$0x3FAD] =	sst s8  }
0x11: {  	[smem:$0x3FAE] =	sst s9;
	s0 =	simm.s32 @!p0 $0x0  }
0x12: {  	s1 =	sld [smem:$0x3F94];
	s0 =	simm.s32 @p0 $0x1  }
0x13: {  	[smem:$0x3FAF] =	sst s0;
	s0 =	simm.s32 @!p1 $0x0  }
0x14: {  	s2 =	sld [smem:$0x3F93];
	s0 =	simm.s32 @p1 $0x1  }
0x15: {  	[smem:$0x3FB0] =	sst s0;
	s0 =	simm.s32 @!p2 $0x0  }
0x16: {  	s3 =	sld [smem:$0x3FDB];
	s0 =	simm.s32 @p2 $0x1  }
0x17: {  	s4 =	simm.s32 $0x1BF5;
	[smem:$0x3FB2] =	sst s0  }
0x18: {  	s0 =	sld [smem:$0x3F95];
	_ =	swait.ge [sflag:s4], $0x0  }
0x19: {  	s7 =	sld [smem:$0x3F96]  }
0x1a: {  	s8 =	sadd.s32 $0xFFFFE003, lr  }
0x1b: {  	s9 =	sadd.s32 $0xFFFFFEF7, lr;
	s5 =	simm.s32 $0xFFFFFFFF;
	p2 =	slt.u32 s8, $0xFFFFF086  }
0x1c: {  	p1 =	slt.u32 s9, $0xF7A;
	s5 =	simm.s32 @!p2 $0x0  }
0x1d: {  	s5 =	simm.s32 @p1 $0x1;
	p0 =	seq.s32 s7, s2  }
0x1e: {  	s7 =	smul.u32 @!p0 $0xF7A, s2;
	p2 =	seq.s32 @!p0 s5, $0x0  }
0x1f: {  	s9 =	smul.u32 $0xF7A, s1;
	s8 =	simm.s32 @!p0 $0x1BF5;
	p2 =	por !p2, p0  }
0x20: {  	[sflag:s8] =	ssyncset.s32 @!p0 $0xFFFFF086;
	s6 =	sadd.s32 @!p0 s3, s7;
	s7 =	simm.s32 @!p0 $0x108  }
0x21: {  	s3 =	sadd.s32 s3, s9;
	s6 =	sadd.s32 @!p0 $0x88, s6;
	s7 =	simm.s32 @p2 $0x1082  }
0x22: {  	[simem:s7], [sflag:s8] =	dma.local @!p0 [hbm:s6], $0xF7A  }
0x23: {  	s9 =	sor.u32 $0xD0000000, s2;
	s6 =	simm.s32 $0x108;
	_ =	swait.ge @!p0 [sflag:s8], $0x0  }
0x24: {  	s3 =	sadd.s32 $0x88, s3;
	s6 =	simm.s32 @!p1 $0x1082;
	[sflag:s4] =	ssyncset.s32 $0xFFFFF086  }
0x25: {  	[simem:s6], [sflag:s4] =	dma.local [hbm:s3], $0xF7A  }
0x26: {  	[smem:$0x3F96] =	sst s1;
	(tag) =	ssettag s2;
	_ =	strace s9  }
0x27: {  	s1 =	sld [smem:$0x3FA6]  }
0x28: {  	s2 =	sld [smem:$0x3FA7]  }
0x29: {  	s4 =	sld [smem:$0x3FA9]  }
0x2a: {  	p0 =	seq.s32 s5, $0x0;
	s5 =	sld [smem:$0x3FAA]  }
0x2b: {  	s6 =	sld [smem:$0x3FAB]  }
0x2c: {  	s7 =	sld [smem:$0x3FAC]  }
0x2d: {  	s3 =	simm.s32 $0x108;
	s8 =	sld [smem:$0x3FAD]  }
0x2e: {  	s3 =	simm.s32 @!p0 $0x1082;
	s9 =	sld [smem:$0x3FAE]  }
0x2f: {  	lr =	sadd.s32 s0, s3;
	s0 =	sld [smem:$0x3FA5]  }
0x30: {  	s3 =	sld [smem:$0x3FA8]  }
0x31: {  	[smem:$0x3FB1] =	sst s10  }
0x32: {  	s10 =	sld [smem:$0x3FAF];
	_ =	sdelay $0x3  }
0x33: {  	p0 =	seq.s32 s10, $0x1;
	s10 =	sld [smem:$0x3FB1];
	_ =	sdelay $0x3  }
0x34: {  	[smem:$0x3FB1] =	sst s10  }
0x35: {  	s10 =	sld [smem:$0x3FB0];
	_ =	sdelay $0x3  }
0x36: {  	p1 =	seq.s32 s10, $0x1;
	s10 =	sld [smem:$0x3FB1];
	_ =	sdelay $0x3  }
0x37: {  	[smem:$0x3FB1] =	sst s10  }
0x38: {  	s10 =	sld [smem:$0x3FB2]  }
0x39: {  	_ = 	snop;
	(pc) =	sbr.ind lr, $3  }
0x3a: {  	_ = 	snop  }
0x3b: {  	_ = 	snop  }
0x3c: {  	p2 =	seq.s32 s10, $0x1;
	s10 =	sld [smem:$0x3FB1]  }
0x3d: {  	_ =	shalt  }
0x3e: {  	_ =	shalt  }
0x3f: {  	_ =	shalt  }
0x40: {  	_ =	shalt  }
0x41: {  	_ =	shalt  }
0x42: {  	_ =	shalt  }
0x43: {  	_ =	shalt  }
0x44: {  	_ =	shalt  }
0x45: {  	_ =	shalt  }
0x46: {  	_ =	shalt  }
0x47: {  	_ =	shalt  }
0x48: {  	_ =	shalt  }
0x49: {  	_ =	shalt  }
0x4a: {  	_ =	shalt  }
0x4b: {  	_ =	shalt  }
0x4c: {  	_ =	shalt  }
0x4d: {  	_ =	shalt  }
0x4e: {  	_ =	shalt  }
0x4f: {  	_ =	shalt  }
0x50: {  	_ =	shalt  }
0x51: {  	_ =	shalt  }
0x52: {  	_ =	shalt  }
0x53: {  	_ =	shalt  }
0x54: {  	_ =	shalt  }
0x55: {  	_ =	shalt  }
0x56: {  	_ =	shalt  }
0x57: {  	_ =	shalt  }
0x58: {  	_ =	shalt  }
0x59: {  	_ =	shalt  }
0x5a: {  	_ =	shalt  }
0x5b: {  	_ =	shalt  }
0x5c: {  	_ =	shalt  }
0x5d: {  	_ =	shalt  }
0x5e: {  	_ =	shalt  }
0x5f: {  	_ =	shalt  }
0x60: {  	_ =	shalt  }
0x61: {  	_ =	shalt  }
0x62: {  	_ =	shalt  }
0x63: {  	_ =	shalt  }
0x64: {  	_ =	shalt  }
0x65: {  	_ =	shalt  }
0x66: {  	_ =	shalt  }
0x67: {  	_ =	shalt  }
0x68: {  	_ =	shalt  }
0x69: {  	_ =	shalt  }
0x6a: {  	_ =	shalt  }
0x6b: {  	_ =	shalt  }
0x6c: {  	_ =	shalt  }
0x6d: {  	_ =	shalt  }
0x6e: {  	_ =	shalt  }
0x6f: {  	_ =	shalt  }
0x70: {  	_ =	shalt  }
0x71: {  	_ =	shalt  }
0x72: {  	_ =	shalt  }
0x73: {  	_ =	shalt  }
0x74: {  	_ =	shalt  }
0x75: {  	_ =	shalt  }
0x76: {  	_ =	shalt  }
0x77: {  	_ =	shalt  }
0x78: {  	_ =	shalt  }
0x79: {  	_ =	shalt  }
0x7a: {  	_ =	shalt  }
0x7b: {  	_ =	shalt  }
0x7c: {  	_ =	shalt  }
0x7d: {  	_ =	shalt  }
0x7e: {  	_ =	shalt  }
0x7f: {  	_ =	shalt  }
0x80: {  	_ =	shalt  }
0x81: {  	_ =	shalt  }
0x82: {  	_ =	shalt  }
0x83: {  	_ =	shalt  }
0x84: {  	_ =	shalt  }
0x85: {  	_ =	shalt  }
0x86: {  	_ =	shalt  }
0x87: {  	_ =	shalt  }
.Lfunc_end0:
.L_simem_size_0:
called_computation.2_lowered:
.L_overlay_start_0:
0x88: {  	s2 =	sld [smem:$0x3FD9]  }
0x89: {  	s3 =	sld [smem:$0x3FFE];
	_ =	sdelay $0x1  }
0x8a: {  	s1 =	srdreg.scid  }
0x8b: {  	s0 =	sand.u32 $0x1, s1  }
0x8c: {  	s17 =	sshll.u32 s0, $0xA;
	s2 =	sadd.s32 s3, s2  }
0x8d: {  	s2 =	sadd.s32 s2, s17  }
0x8e: {  	[smem:$0x3FBD] =	sst s2  }
0x8f: {  	_ = 	snop  }
0x90: {  	(tm) =	ssettm $0x1  }
0x91: {  	s18 =	sld [smem:$0x3FFB];
	_ =	sdelay $0x3  }
0x92: {  	_ =	strace s18  }
0x93: {  	s2 =	sld [smem:$0x3FFC];
	_ =	sdelay $0x3  }
0x94: {  	_ =	strace s2  }
0x95: {  	s2 =	sld [smem:$0x3FFD];
	_ =	sdelay $0x3  }
0x96: {  	_ =	strace s2  }
0x97: {  	_ =	strace $0x8FFFFFFF  }
0x98: {  	s19 =	sld [smem:$0x3FDB];
	_ =	sdelay $0x1  }
0x99: {  	s20 =	simm.s32 $_scs_section_size  }
0x9a: {  	s4 =	simm.s32 $_size__tile_overlayer_lowered;
	s5 =	simm.s32 $_tile_overlayer_lowered  }
0x9b: {  	s6 =	simm.s32 $0x1BFF;
	s21 =	sshll.u32 s5, $0x1;
	s3 =	sadd.s32 s20, s19  }
0x9c: {  	s22 =	simm.s32 $0x0;
	s4 =	sshll.u32 s4, $0x1;
	s5 =	sadd.s32 s21, s3  }
0x9d: {  	[timem:s22], [sflag:s6] =	dma.local [hbm:s5], s4  }
0x9e: {  	_ =	swait.ge [sflag:s6], s4  }
0x9f: {  	s4 =	ssub.s32 $0x0, s4;
	[sflag:s6] =	ssyncset.done $0x0  }
0xa0: {  	[sflag:s6] =	ssyncadd.s32 s4;
	_ =	sdelay $0x1  }
0xa1: {  	s23 =	simm.s32 $0x1B8B  }
0xa2: {  	_ =	swait.ge [sflag:s23], $0x1  }
0xa3: {  	[sflag:s23] =	ssyncset.done $0x0  }
0xa4: {  	[sflag:s23] =	ssyncadd.s32 $0xFFFFFFFF  }
0xa5: {  	s4 =	sld [smem:$0x0]  }
0xa6: {  	s5 =	sand.u32 $0xFFFFFFFE, s1  }
0xa7: {  	p0 =	sne.s32 s1, s5  }
0xa8: {  	s5 =	sshll.u32 @p0 s5, $0xE  }
0xa9: {  	s5 =	sadd.s32 @p0 $0x11B8D, s5;
	s6 =	sshll.u32 @p0 s4, $0x11  }
0xaa: {  	s5 =	sor.u32 @p0 s6, s5  }
0xab: {  	[sflag:s5] =	ssyncadd.remote.s32 @p0 $0x1;
	_ =	sdelay $0x1  }
0xac: {  	s5 =	simm.s32 @p0 $0x1B8D  }
0xad: {  	_ =	swait.eq @p0 [sflag:s5], $0x1  }
0xae: {  	[sflag:s5] =	ssyncadd.s32 @p0 $0xFFFFFFFF  }
0xaf: {  	s6 =	sshll.u32 @!p0 s1, $0xE  }
0xb0: {  	s6 =	sor.u32 @!p0 $0x4000, s6;
	s5 =	simm.s32 @!p0 $0x1B8D  }
0xb1: {  	s4 =	sshll.u32 @!p0 s4, $0x11;
	s6 =	sadd.s32 @!p0 $0x11B8D, s6;
	_ =	swait.eq @!p0 [sflag:s5], $0x1  }
0xb2: {  	s4 =	sor.u32 @!p0 s4, s6;
	[sflag:s5] =	ssyncadd.s32 @!p0 $0xFFFFFFFF  }
0xb3: {  	s25 =	simm.s32 $0x1B8E;
	s24 =	sld [smem:$0x3FFE];
	[sflag:s4] =	ssyncadd.remote.s32 @!p0 $0x1  }
0xb4: {  	s26 =	simm.s32 $execute0_lowered;
	[smem:$0x3FD2] =	sst s25  }
0xb5: {  	s5 =	sshll.u32 s26, $0x1;
	_ =	strace $0x8000004F;
	[dreg:$0x1] =	wrdreg $0xFFFFFFFF  }
0xb6: {  	s28 =	simm.s32 $_size_execute0_lowered;
	s3 =	sadd.s32 s3, s5;
	[dreg:$0x0] =	wrdreg $0x0  }
0xb7: {  	s5 =	sshll.u32 s28, $0x1;
	[dreg:$0x2] =	wrdreg s3  }
0xb8: {  	[dreg:$0x3] =	wrdreg s5  }
0xb9: {  	[dreg:$0x4] =	wrdreg $0xC0  }
0xba: {  	_ =	task [dreg:s22], $0x5FFFF  }
0xbb: {  	[dreg:$0x1] =	wrdreg $0xFFFFFFFF  }
0xbc: {  	[dreg:$0x0] =	wrdreg $0x60  }
0xbd: {  	[dreg:$0x2] =	wrdreg s24  }
0xbe: {  	[dreg:$0x3] =	wrdreg $0x91000  }
0xbf: {  	[dreg:$0x4] =	wrdreg $0x9  }
0xc0: {  	_ =	task.clear_ibuf [dreg:s22], $0x5FFFF;
	_ =	strace $0x9000004F  }
0xc1: {  	s29 =	simm.s32 $0x9;
	_ =	strace $0x80000051  }
0xc2: {  	_ =	swait.ge [sflag:s29], $0x1  }
0xc3: {  	[sflag:s29] =	ssyncadd.s32 $0xFFFFFFFF  }
0xc4: {  	_ =	strace $0x90000051  }
0xc5: {  	_ =	sfence  }
0xc6: {  	s30 =	sld [smem:$0x0];
	_ =	sdelay $0x2  }
0xc7: {  	s31 =	sshll.u32 s1, $0xD;
	s1 =	sshrl.u32 s1, $0x2  }
0xc8: {  	s4 =	sand.u32 $0x4000, s31;
	s1 =	sadd.s32 s1, s30  }
0xc9: {  	s0 =	sor.u32 s4, s0;
	s1 =	sshll.u32 s1, $0x11  }
0xca: {  	s0 =	sor.u32 s1, s0  }
0xcb: {  	s0 =	sadd.s32 $0x8F2B, s0  }
0xcc: {  	[sflag:s0] =	ssyncadd.remote.s32 $0x1  }
0xcd: {  	_ =	sfence.sel $0xFFFF  }
0xce: {  	[dreg:$0x0] =	wrdreg $0xFFFFFFFF;
	(pc) =	sbr.abs _section_cstart, $3  }
0xcf: {  	[dreg:$0x1] =	wrdreg $0xFFFFFFFF  }
0xd0: {  	_ =	task.clear_ibuf [dreg:s22], $0x2FFFF;
	_ =	strace $0x9FFFFFFF  }
0xd1: {  	(tm) =	ssettm $0x7FFFFFFF  }
tec
execute0_lowered:
.L_overlay_start_1:
0x0: {  	(tag) =	ssettag $0x1  }
0x1: {  	s0 =	rddreg [dreg:$0x0];
	s21 =	stileid.u32  }
0x2: {  	s1 =	rddreg [dreg:$0x1];
	s6 =	smul.u32 $0x13C00, s21  }
0x3: {  	s2 =	srdreg.scid;
	s3 =	simm.s32 $0x0;
	s9 =	smul.u32 $0x4E200, s21  }
0x4: {  	s19 =	simm.s32 $0x5;
	s20 =	simm.s32 $0x80;
	s15 =	smul.u32 $0x27600, s21  }
0x5: {  	s28 =	simm.s32 $0x0;
	s12 =	sand.u32 $0x1, s2;
	s16 =	smul.u32 $0x2760, s21  }
0x6: {  	[smem:$0x7FF] =	sst s3;
	s13 =	sadd.s32 $0x79DC00, s0;
	s5 =	smul.u32 $0x13C000, s12  }
0x7: {  	s7 =	sshll.u32 s21, $0x1;
	s4 =	sadd.s32 $0x3C00, s0;
	s17 =	smul.u32 $0x13B0, s12  }
0x8: {  	s21 =	simm.s32 $0x2900;
	s22 =	sor.u32 s12, s7;
	s18 =	smul.u32 $0x13B00, s12  }
0x9: {  	_ =	strace $0x80000050;
	s23 =	ssub.s32 $0x2, s12;
	s8 =	smul.u32 $0x13B0, s22  }
0xa: {  	s24 =	sshrl.u32 s23, $0x1;
	s26 =	sshrl.u32 s9, $0x2;
	s29 =	sadd.s32 s15, s13  }
0xb: {  	s5 =	sadd.s32 s6, s5;
	s14 =	ssub.s32 s23, s24;
	s6 =	smul.u32 $0x13B00, s22  }
0xc: {  	s7 =	sadd.s32 s26, s1;
	s30 =	sadd.s32 s17, s16;
	s17 =	simm.s32 $0x100  }
0xd: {  	s22 =	simm.s32 $0x1;
	s23 =	simm.s32 $0x3;
	s24 =	simm.s32 $0x50  }
0xe: {  	s26 =	simm.s32 $0x4;
	s5 =	sshrl.u32 s5, $0x3;
	s25 =	sshrl.u32 s8, $0x3  }
0xf: {  	s8 =	sadd.s32 $0x3E80, s7;
	s9 =	sadd.s32 $0x7D00, s7;
	s10 =	sadd.s32 $0xBB80, s7  }
0x10: {  	s11 =	sadd.s32 $0xFA00, s7;
	s16 =	sadd.s32 $0x50, s30;
	s15 =	sadd.s32 $0xA0, s30  }
0x11: {  	s0 =	sadd.s32 s5, s0;
	s5 =	sadd.s32 s4, s25;
	s6 =	sadd.s32 s13, s6  }
0x12: {  	s13 =	smax.u32 s14, $0x1;
	s31 =	sshrl.u32 s16, $0x3;
	s25 =	simm.s32 $0x2  }
0x13: {  	[dreg:$0x3] =	wrdreg s5;
	s12 =	sadd.s32 $0x89E00, s0;
	s0 =	sadd.s32 s18, s29  }
0x14: {  	v0 =	vimm.f32 $0.0e+00;
	s16 =	sadd.s32 s31, s4;
	s18 =	simm.s32 $0x5100;
	s14 =	sadd.s32 $0xA00, s0  }
.LBB2_1:
0x15: {  	s0 =	rddreg [dreg:$0x3]  }
0x16: {  	[tilespmem:s3], [sflag:$0x1] =	stream.linear.gather [hbm4b:s0+s3], $0x50, $0x38;
	[tilespmem:$0x1C980] =	vst v63  }
0x17: {  	s29 =	simm.s32 $0x0;
	s30 =	simm.s32 $0x200  }
0x18: {  	[tilespmem:s17], [sflag:$0x3] =	stream.linear.gather [hbm4b:s6+s3], $0x2800, $0x38;
	[tilespmem:$0x1C980] =	vst v63  }
.LBB2_2:
0x19: {  	p0 =	sne.s32 s30, $0xF800;
	[tilespmem:s29+$0x5170] =	vst v0  }
0x1a: {  	[tilespmem:s29+$0x5100] =	vst v0  }
0x1b: {  	[tilespmem:s29+$0x5110] =	vst v0  }
.Ltmp0:
0x1c: {  	[tilespmem:s29+$0x5120] =	vst v0;
	(pc) =	sbr.rel @p0 .LBB2_2-.Ltmp0, $4  }
0x1d: {  	[tilespmem:s29+$0x5130] =	vst v0  }
0x1e: {  	[tilespmem:s29+$0x5140] =	vst v0  }
0x1f: {  	[tilespmem:s29+$0x5150] =	vst v0  }
0x20: {  	[tilespmem:s29+$0x5160] =	vst v0;
	s29 =	sshra.s32 s30, $0x2;
	s30 =	sadd.s32 $0x200, s30  }
0x21: {  	[tilespmem:s29+$0x5170] =	vst v0  }
0x22: {  	[tilespmem:s29+$0x5100] =	vst v0  }
0x23: {  	[tilespmem:s29+$0x5110] =	vst v0  }
0x24: {  	[tilespmem:s29+$0x5120] =	vst v0  }
0x25: {  	[tilespmem:s29+$0x5130] =	vst v0  }
0x26: {  	[tilespmem:s29+$0x5140] =	vst v0  }
0x27: {  	[tilespmem:s29+$0x5150] =	vst v0  }
0x28: {  	[tilespmem:s29+$0x5160] =	vst v0  }
0x29: {  	[spmem:s7] =	stream.linear.scatter [tilespmem:s18], [sflag:$0x5], $0x3E80, $0x38;
	[tilespmem:$0x1C980] =	vst v63  }
0x2a: {  	_ =	swait.ge [sflag:s19], $0x3E80  }
0x2b: {  	[sflag:s19] =	ssyncset.done $0x0  }
0x2c: {  	[sflag:s19] =	ssyncadd.s32 $0xFFFFC180  }
0x2d: {  	[spmem:s8] =	stream.linear.scatter [tilespmem:s18], [sflag:$0x5], $0x3E80, $0x38;
	[tilespmem:$0x1C980] =	vst v63  }
0x2e: {  	_ =	swait.ge [sflag:s19], $0x3E80  }
0x2f: {  	[sflag:s19] =	ssyncset.done $0x0  }
0x30: {  	[sflag:s19] =	ssyncadd.s32 $0xFFFFC180  }
0x31: {  	[spmem:s9] =	stream.linear.scatter [tilespmem:s18], [sflag:$0x5], $0x3E80, $0x38;
	[tilespmem:$0x1C980] =	vst v63  }
0x32: {  	_ =	swait.ge [sflag:s19], $0x3E80  }
0x33: {  	[sflag:s19] =	ssyncset.done $0x0  }
0x34: {  	[sflag:s19] =	ssyncadd.s32 $0xFFFFC180  }
0x35: {  	[spmem:s10] =	stream.linear.scatter [tilespmem:s18], [sflag:$0x5], $0x3E80, $0x38;
	[tilespmem:$0x1C980] =	vst v63  }
0x36: {  	_ =	swait.ge [sflag:s19], $0x3E80  }
0x37: {  	[sflag:s19] =	ssyncset.done $0x0  }
0x38: {  	[sflag:s19] =	ssyncadd.s32 $0xFFFFC180  }
0x39: {  	[spmem:s11] =	stream.linear.scatter [tilespmem:s18], [sflag:$0x5], $0x3E80, $0x38;
	[tilespmem:$0x1C980] =	vst v63  }
0x3a: {  	_ =	swait.ge [sflag:s19], $0x3E80  }
0x3b: {  	[sflag:s19] =	ssyncset.done $0x0  }
0x3c: {  	[sflag:s19] =	ssyncadd.s32 $0xFFFFC180  }
0x3d: {  	s0 =	sadd.s32 $0x0, s16;
	[bflag:$0x0] =	sbarrier.arrive $0xFFFF  }
0x3e: {  	[tilespmem:s20], [sflag:$0x2] =	stream.linear.gather [hbm4b:s0+s3], $0x50, $0x38;
	[tilespmem:$0x1C980] =	vst v63  }
0x3f: {  	s2 =	sadd.s32 $0xFFFFFB00, s14  }
0x40: {  	[tilespmem:s21], [sflag:$0x4] =	stream.linear.gather [hbm4b:s2+s3], $0x2800, $0x38;
	[tilespmem:$0x1C980] =	vst v63  }
0x41: {  	_ =	swait.ge [sflag:s22], $0x50  }
0x42: {  	[sflag:s22] =	ssyncset.done $0x0  }
0x43: {  	[sflag:s22] =	ssyncadd.s32 $0xFFFFFFB0  }
0x44: {  	_ =	swait.ge [sflag:s23], $0x2800  }
0x45: {  	[sflag:s23] =	ssyncset.done $0x0  }
0x46: {  	[sflag:s23] =	ssyncadd.s32 $0xFFFFD800  }
0x47: {  	[spmem:s1] =	stream.indirect.scatter.add.f32 [tilespmem:s17], [sflag:$0x5], $0x80, s3, s24, $0xb8;
	[tilespmem:$0x1C980] =	vst v63  }
0x48: {  	_ =	swait.ge [sflag:s19], $0x2800  }
0x49: {  	s5 =	sshrl.u32 s15, $0x3;
	[sflag:s19] =	ssyncset.done $0x0  }
0x4a: {  	s0 =	sadd.s32 s4, s5;
	[sflag:s19] =	ssyncadd.s32 $0xFFFFD800  }
0x4b: {  	[tilespmem:s3], [sflag:$0x1] =	stream.linear.gather [hbm4b:s0+s3], $0x50, $0x38;
	[tilespmem:$0x1C980] =	vst v63  }
0x4c: {  	_ = 	snop  }
0x4d: {  	[tilespmem:s17], [sflag:$0x3] =	stream.linear.gather [hbm4b:s14+s3], $0x2800, $0x38;
	[tilespmem:$0x1C980] =	vst v63  }
0x4e: {  	_ =	swait.ge [sflag:s25], $0x50  }
0x4f: {  	[sflag:s25] =	ssyncset.done $0x0  }
0x50: {  	[sflag:s25] =	ssyncadd.s32 $0xFFFFFFB0  }
0x51: {  	_ =	swait.ge [sflag:s26], $0x2800  }
0x52: {  	[sflag:s26] =	ssyncset.done $0x0  }
0x53: {  	[sflag:s26] =	ssyncadd.s32 $0xFFFFD800  }
0x54: {  	[spmem:s1] =	stream.indirect.scatter.add.f32 [tilespmem:s21], [sflag:$0x5], $0x80, s20, s24, $0xb8;
	[tilespmem:$0x1C980] =	vst v63  }
0x55: {  	s31 =	simm.s32 $0x14;
	s29 =	sadd.s32 $0xA00, s14;
	_ =	swait.ge [sflag:s19], $0x2800  }
0x56: {  	s30 =	sadd.s32 $0xA0, s15;
	s0 =	simm.s32 $0x28;
	[sflag:s19] =	ssyncset.done $0x0  }
.LBB2_4:
0x57: {  	s2 =	sadd.s32 s31, s16  }
0x58: {  	[sflag:s19] =	ssyncadd.s32 $0xFFFFD800;
	s31 =	smov.u32 s0;
	s5 =	sadd.s32 $0x14, s0  }
0x59: {  	[tilespmem:s20], [sflag:$0x2] =	stream.linear.gather [hbm4b:s2+s3], $0x50, $0x38;
	[tilespmem:$0x1C980] =	vst v63  }
0x5a: {  	p0 =	sne.s32 s0, $0x258;
	s0 =	sadd.s32 $0xFFFFFB00, s29  }
0x5b: {  	[tilespmem:s21], [sflag:$0x4] =	stream.linear.gather [hbm4b:s0+s3], $0x2800, $0x38;
	[tilespmem:$0x1C980] =	vst v63  }
0x5c: {  	_ =	swait.ge [sflag:s22], $0x50  }
0x5d: {  	[sflag:s22] =	ssyncset.done $0x0  }
0x5e: {  	[sflag:s22] =	ssyncadd.s32 $0xFFFFFFB0  }
0x5f: {  	_ =	swait.ge [sflag:s23], $0x2800  }
0x60: {  	[sflag:s23] =	ssyncset.done $0x0  }
0x61: {  	[sflag:s23] =	ssyncadd.s32 $0xFFFFD800  }
0x62: {  	[spmem:s1] =	stream.indirect.scatter.add.f32 [tilespmem:s17], [sflag:$0x5], $0x80, s3, s24, $0xb8;
	[tilespmem:$0x1C980] =	vst v63  }
0x63: {  	_ =	swait.ge [sflag:s19], $0x2800  }
0x64: {  	s0 =	sshrl.u32 s30, $0x3;
	[sflag:s19] =	ssyncset.done $0x0  }
0x65: {  	s0 =	sadd.s32 s4, s0;
	[sflag:s19] =	ssyncadd.s32 $0xFFFFD800  }
0x66: {  	[tilespmem:s3], [sflag:$0x1] =	stream.linear.gather [hbm4b:s0+s3], $0x50, $0x38;
	[tilespmem:$0x1C980] =	vst v63  }
0x67: {  	_ = 	snop  }
0x68: {  	[tilespmem:s17], [sflag:$0x3] =	stream.linear.gather [hbm4b:s29+s3], $0x2800, $0x38;
	[tilespmem:$0x1C980] =	vst v63  }
0x69: {  	_ =	swait.ge [sflag:s25], $0x50  }
0x6a: {  	[sflag:s25] =	ssyncset.done $0x0  }
0x6b: {  	[sflag:s25] =	ssyncadd.s32 $0xFFFFFFB0  }
0x6c: {  	_ =	swait.ge [sflag:s26], $0x2800  }
.Ltmp1:
0x6d: {  	[sflag:s26] =	ssyncset.done $0x0;
	(pc) =	sbr.rel @p0 .LBB2_4-.Ltmp1, $4  }
0x6e: {  	[sflag:s26] =	ssyncadd.s32 $0xFFFFD800  }
0x6f: {  	[spmem:s1] =	stream.indirect.scatter.add.f32 [tilespmem:s21], [sflag:$0x5], $0x80, s20, s24, $0xb8;
	[tilespmem:$0x1C980] =	vst v63  }
0x70: {  	s30 =	sadd.s32 $0xA0, s30;
	_ =	swait.ge [sflag:s19], $0x2800  }
0x71: {  	s0 =	smov.u32 s5;
	s29 =	sadd.s32 $0xA00, s29;
	[sflag:s19] =	ssyncset.done $0x0  }
0x72: {  	s0 =	sadd.s32 s31, s16;
	[sflag:s19] =	ssyncadd.s32 $0xFFFFD800  }
0x73: {  	[tilespmem:s20], [sflag:$0x2] =	stream.linear.gather [hbm4b:s0+s3], $0x50, $0x38;
	[tilespmem:$0x1C980] =	vst v63  }
0x74: {  	s5 =	sadd.s32 $0xFFFFFB00, s29  }
0x75: {  	[tilespmem:s21], [sflag:$0x4] =	stream.linear.gather [hbm4b:s5+s3], $0x2800, $0x38;
	[tilespmem:$0x1C980] =	vst v63  }
0x76: {  	_ =	swait.ge [sflag:s22], $0x50  }
0x77: {  	[sflag:s22] =	ssyncset.done $0x0  }
0x78: {  	[sflag:s22] =	ssyncadd.s32 $0xFFFFFFB0  }
0x79: {  	_ =	swait.ge [sflag:s23], $0x2800  }
0x7a: {  	[sflag:s23] =	ssyncset.done $0x0  }
0x7b: {  	[sflag:s23] =	ssyncadd.s32 $0xFFFFD800  }
0x7c: {  	[spmem:s1] =	stream.indirect.scatter.add.f32 [tilespmem:s17], [sflag:$0x5], $0x80, s3, s24, $0xb8;
	[tilespmem:$0x1C980] =	vst v63  }
0x7d: {  	_ =	swait.ge [sflag:s19], $0x2800  }
0x7e: {  	s30 =	sshrl.u32 s30, $0x3;
	[sflag:s19] =	ssyncset.done $0x0  }
0x7f: {  	s0 =	sadd.s32 s4, s30;
	[sflag:s19] =	ssyncadd.s32 $0xFFFFD800  }
0x80: {  	[tilespmem:s3], [sflag:$0x1] =	stream.linear.gather [hbm4b:s0+s3], $0x50, $0x38;
	[tilespmem:$0x1C980] =	vst v63  }
0x81: {  	_ = 	snop  }
0x82: {  	[tilespmem:s17], [sflag:$0x3] =	stream.linear.gather [hbm4b:s29+s3], $0x2800, $0x38;
	[tilespmem:$0x1C980] =	vst v63  }
0x83: {  	_ =	swait.ge [sflag:s25], $0x50  }
0x84: {  	[sflag:s25] =	ssyncset.done $0x0  }
0x85: {  	[sflag:s25] =	ssyncadd.s32 $0xFFFFFFB0  }
0x86: {  	_ =	swait.ge [sflag:s26], $0x2800  }
0x87: {  	[sflag:s26] =	ssyncset.done $0x0  }
0x88: {  	[sflag:s26] =	ssyncadd.s32 $0xFFFFD800  }
0x89: {  	[spmem:s1] =	stream.indirect.scatter.add.f32 [tilespmem:s21], [sflag:$0x5], $0x80, s20, s24, $0xb8;
	[tilespmem:$0x1C980] =	vst v63  }
0x8a: {  	_ =	swait.ge [sflag:s19], $0x2800  }
0x8b: {  	[sflag:s19] =	ssyncset.done $0x0  }
0x8c: {  	[sflag:s19] =	ssyncadd.s32 $0xFFFFD800  }
0x8d: {  	_ =	swait.ge [sflag:s22], $0x50  }
0x8e: {  	[sflag:s22] =	ssyncset.done $0x0  }
0x8f: {  	[sflag:s22] =	ssyncadd.s32 $0xFFFFFFB0  }
0x90: {  	_ =	swait.ge [sflag:s23], $0x2800  }
0x91: {  	[sflag:s23] =	ssyncset.done $0x0  }
0x92: {  	[sflag:s23] =	ssyncadd.s32 $0xFFFFD800  }
0x93: {  	[spmem:s1] =	stream.indirect.scatter.add.f32 [tilespmem:s17], [sflag:$0x5], $0x80, s3, s24, $0xb8;
	[tilespmem:$0x1C980] =	vst v63  }
0x94: {  	s31 =	stileid.u32;
	_ =	swait.ge [sflag:s19], $0x2800  }
0x95: {  	s2 =	sshrl.u32 s7, $0x3;
	s28 =	sadd.s32 $0x1, s28;
	[sflag:s19] =	ssyncset.done $0x0  }
0x96: {  	p0 =	sne.s32 s28, s13;
	s0 =	sshll.u32 s31, $0x6;
	[sflag:s19] =	ssyncadd.s32 $0xFFFFD800  }
.Ltmp2:
0x97: {  	s0 =	sor.u32 $0x1C05, s0;
	[bflag:$0x0] =	sbarrier.arrive $0xFFFF;
	(pc) =	sbr.rel @p0 .LBB2_1-.Ltmp2, $4  }
0x98: {  	[hbm:s12], [sflag:s0] =	dma.local [spmem:s2], $0x2710  }
0x99: {  	_ =	swait.ge [sflag:s19], $0x2710  }
0x9a: {  	[sflag:s19] =	ssyncset.done $0x0  }
0x9b: {  	[sflag:s19] =	ssyncadd.s32 $0xFFFFD8F0  }
0x9c: {  	_ =	sfence.sel $0x180000  }
0x9d: {  	[bflag:$0x0] =	sbarrier.arrive $0xFFFF  }
0x9e: {  	_ =	strace $0x90000050  }
0x9f: {  	s0 =	stileid.u32;
	[bflag:$0x2] =	sbarrier.arrive $0xFFFF  }
0xa0: {  	p0 =	sne.s32 s0, $0x0;
	s0 =	rddreg [dreg:$0x2]  }
0xa1: {  	s0 =	sadd.s32 @!p0 $0x100000, s0  }
0xa2: {  	[sflag:s0] =	ssyncadd.tile.s32 @!p0 $0x1;
	_ =	shalt  }
.Lfunc_end2:
_tile_overlayer_lowered:
.L_overlay_start_2:
0xa3: {  	(tag) =	ssettag $0x2  }
0xa4: {  	s0 =	rddreg [dreg:$0x0];
	s2 =	stileid.u32  }
0xa5: {  	s1 =	rddreg [dreg:$0x1];
	p0 =	sne.s32 s2, $0x0  }
0xa6: {  	s3 =	rddreg [dreg:$0x2];
	[bflag:$0x3] =	sbarrier.arrive $0xFFFF;
	s2 =	simm.s32 @!p0 $0x1C05  }
0xa7: {  	[timem:s3], [sflag:s2] =	dma.local @!p0 [hbm:s0], s1  }
0xa8: {  	s0 =	simm.s32 @!p0 $0x5  }
0xa9: {  	_ =	swait.ge @!p0 [sflag:s0], s1  }
0xaa: {  	s1 =	ssub.s32 @!p0 $0x0, s1;
	[sflag:s0] =	ssyncset.done @!p0 $0x0  }
0xab: {  	[sflag:s0] =	ssyncadd.s32 @!p0 s1  }
0xac: {  	[bflag:$0x3] =	sbarrier.arrive $0xFFFF  }
0xad: {  	_ =	shalt  }

// kernel: kernel.19.cloned.1.call-start
scs
__scs_entry_jumppad:
0x0: {  	(pc) =	sbr.rel $0x88, $3  }
0x1: {  	(tag) =	ssettag $0x0;
	lr =	simm.s32 $0x1  }
0x2: {  	[smem:$0x3F96] =	sst lr;
	_ =	strace $0xD0000000  }
0x3: {  	_ = 	snop  }
0x4: {  	_ = 	snop  }
0x5: {  	_ = 	snop  }
0x6: {  	_ = 	snop  }
0x7: {  	_ = 	snop  }
__scs_overlays_trampoline_lowered:
0x8: {  	[smem:$0x3FA5] =	sst s0  }
0x9: {  	[smem:$0x3FA6] =	sst s1  }
0xa: {  	[smem:$0x3FA7] =	sst s2  }
0xb: {  	[smem:$0x3FA8] =	sst s3  }
0xc: {  	[smem:$0x3FA9] =	sst s4  }
0xd: {  	[smem:$0x3FAA] =	sst s5  }
0xe: {  	[smem:$0x3FAB] =	sst s6  }
0xf: {  	[smem:$0x3FAC] =	sst s7  }
0x10: {  	[smem:$0x3FAD] =	sst s8  }
0x11: {  	[smem:$0x3FAE] =	sst s9;
	s0 =	simm.s32 @!p0 $0x0  }
0x12: {  	s1 =	sld [smem:$0x3F94];
	s0 =	simm.s32 @p0 $0x1  }
0x13: {  	[smem:$0x3FAF] =	sst s0;
	s0 =	simm.s32 @!p1 $0x0  }
0x14: {  	s2 =	sld [smem:$0x3F93];
	s0 =	simm.s32 @p1 $0x1  }
0x15: {  	[smem:$0x3FB0] =	sst s0;
	s0 =	simm.s32 @!p2 $0x0  }
0x16: {  	s3 =	sld [smem:$0x3FDB];
	s0 =	simm.s32 @p2 $0x1  }
0x17: {  	s4 =	simm.s32 $0x1BF5;
	[smem:$0x3FB2] =	sst s0  }
0x18: {  	s0 =	sld [smem:$0x3F95];
	_ =	swait.ge [sflag:s4], $0x0  }
0x19: {  	s7 =	sld [smem:$0x3F96]  }
0x1a: {  	s8 =	sadd.s32 $0xFFFFE003, lr  }
0x1b: {  	s9 =	sadd.s32 $0xFFFFFEF7, lr;
	s5 =	simm.s32 $0xFFFFFFFF;
	p2 =	slt.u32 s8, $0xFFFFF086  }
0x1c: {  	p1 =	slt.u32 s9, $0xF7A;
	s5 =	simm.s32 @!p2 $0x0  }
0x1d: {  	s5 =	simm.s32 @p1 $0x1;
	p0 =	seq.s32 s7, s2  }
0x1e: {  	s7 =	smul.u32 @!p0 $0xF7A, s2;
	p2 =	seq.s32 @!p0 s5, $0x0  }
0x1f: {  	s9 =	smul.u32 $0xF7A, s1;
	s8 =	simm.s32 @!p0 $0x1BF5;
	p2 =	por !p2, p0  }
0x20: {  	[sflag:s8] =	ssyncset.s32 @!p0 $0xFFFFF086;
	s6 =	sadd.s32 @!p0 s3, s7;
	s7 =	simm.s32 @!p0 $0x108  }
0x21: {  	s3 =	sadd.s32 s3, s9;
	s6 =	sadd.s32 @!p0 $0x88, s6;
	s7 =	simm.s32 @p2 $0x1082  }
0x22: {  	[simem:s7], [sflag:s8] =	dma.local @!p0 [hbm:s6], $0xF7A  }
0x23: {  	s9 =	sor.u32 $0xD0000000, s2;
	s6 =	simm.s32 $0x108;
	_ =	swait.ge @!p0 [sflag:s8], $0x0  }
0x24: {  	s3 =	sadd.s32 $0x88, s3;
	s6 =	simm.s32 @!p1 $0x1082;
	[sflag:s4] =	ssyncset.s32 $0xFFFFF086  }
0x25: {  	[simem:s6], [sflag:s4] =	dma.local [hbm:s3], $0xF7A  }
0x26: {  	[smem:$0x3F96] =	sst s1;
	(tag) =	ssettag s2;
	_ =	strace s9  }
0x27: {  	s1 =	sld [smem:$0x3FA6]  }
0x28: {  	s2 =	sld [smem:$0x3FA7]  }
0x29: {  	s4 =	sld [smem:$0x3FA9]  }
0x2a: {  	p0 =	seq.s32 s5, $0x0;
	s5 =	sld [smem:$0x3FAA]  }
0x2b: {  	s6 =	sld [smem:$0x3FAB]  }
0x2c: {  	s7 =	sld [smem:$0x3FAC]  }
0x2d: {  	s3 =	simm.s32 $0x108;
	s8 =	sld [smem:$0x3FAD]  }
0x2e: {  	s3 =	simm.s32 @!p0 $0x1082;
	s9 =	sld [smem:$0x3FAE]  }
0x2f: {  	lr =	sadd.s32 s0, s3;
	s0 =	sld [smem:$0x3FA5]  }
0x30: {  	s3 =	sld [smem:$0x3FA8]  }
0x31: {  	[smem:$0x3FB1] =	sst s10  }
0x32: {  	s10 =	sld [smem:$0x3FAF];
	_ =	sdelay $0x3  }
0x33: {  	p0 =	seq.s32 s10, $0x1;
	s10 =	sld [smem:$0x3FB1];
	_ =	sdelay $0x3  }
0x34: {  	[smem:$0x3FB1] =	sst s10  }
0x35: {  	s10 =	sld [smem:$0x3FB0];
	_ =	sdelay $0x3  }
0x36: {  	p1 =	seq.s32 s10, $0x1;
	s10 =	sld [smem:$0x3FB1];
	_ =	sdelay $0x3  }
0x37: {  	[smem:$0x3FB1] =	sst s10  }
0x38: {  	s10 =	sld [smem:$0x3FB2]  }
0x39: {  	_ = 	snop;
	(pc) =	sbr.ind lr, $3  }
0x3a: {  	_ = 	snop  }
0x3b: {  	_ = 	snop  }
0x3c: {  	p2 =	seq.s32 s10, $0x1;
	s10 =	sld [smem:$0x3FB1]  }
0x3d: {  	_ =	shalt  }
0x3e: {  	_ =	shalt  }
0x3f: {  	_ =	shalt  }
0x40: {  	_ =	shalt  }
0x41: {  	_ =	shalt  }
0x42: {  	_ =	shalt  }
0x43: {  	_ =	shalt  }
0x44: {  	_ =	shalt  }
0x45: {  	_ =	shalt  }
0x46: {  	_ =	shalt  }
0x47: {  	_ =	shalt  }
0x48: {  	_ =	shalt  }
0x49: {  	_ =	shalt  }
0x4a: {  	_ =	shalt  }
0x4b: {  	_ =	shalt  }
0x4c: {  	_ =	shalt  }
0x4d: {  	_ =	shalt  }
0x4e: {  	_ =	shalt  }
0x4f: {  	_ =	shalt  }
0x50: {  	_ =	shalt  }
0x51: {  	_ =	shalt  }
0x52: {  	_ =	shalt  }
0x53: {  	_ =	shalt  }
0x54: {  	_ =	shalt  }
0x55: {  	_ =	shalt  }
0x56: {  	_ =	shalt  }
0x57: {  	_ =	shalt  }
0x58: {  	_ =	shalt  }
0x59: {  	_ =	shalt  }
0x5a: {  	_ =	shalt  }
0x5b: {  	_ =	shalt  }
0x5c: {  	_ =	shalt  }
0x5d: {  	_ =	shalt  }
0x5e: {  	_ =	shalt  }
0x5f: {  	_ =	shalt  }
0x60: {  	_ =	shalt  }
0x61: {  	_ =	shalt  }
0x62: {  	_ =	shalt  }
0x63: {  	_ =	shalt  }
0x64: {  	_ =	shalt  }
0x65: {  	_ =	shalt  }
0x66: {  	_ =	shalt  }
0x67: {  	_ =	shalt  }
0x68: {  	_ =	shalt  }
0x69: {  	_ =	shalt  }
0x6a: {  	_ =	shalt  }
0x6b: {  	_ =	shalt  }
0x6c: {  	_ =	shalt  }
0x6d: {  	_ =	shalt  }
0x6e: {  	_ =	shalt  }
0x6f: {  	_ =	shalt  }
0x70: {  	_ =	shalt  }
0x71: {  	_ =	shalt  }
0x72: {  	_ =	shalt  }
0x73: {  	_ =	shalt  }
0x74: {  	_ =	shalt  }
0x75: {  	_ =	shalt  }
0x76: {  	_ =	shalt  }
0x77: {  	_ =	shalt  }
0x78: {  	_ =	shalt  }
0x79: {  	_ =	shalt  }
0x7a: {  	_ =	shalt  }
0x7b: {  	_ =	shalt  }
0x7c: {  	_ =	shalt  }
0x7d: {  	_ =	shalt  }
0x7e: {  	_ =	shalt  }
0x7f: {  	_ =	shalt  }
0x80: {  	_ =	shalt  }
0x81: {  	_ =	shalt  }
0x82: {  	_ =	shalt  }
0x83: {  	_ =	shalt  }
0x84: {  	_ =	shalt  }
0x85: {  	_ =	shalt  }
0x86: {  	_ =	shalt  }
0x87: {  	_ =	shalt  }
.Lfunc_end0:
.L_simem_size_0:
called_computation.3_lowered:
.L_overlay_start_0:
0x88: {  	s2 =	sld [smem:$0x3FD9]  }
0x89: {  	s3 =	sld [smem:$0x3FFE];
	_ =	sdelay $0x1  }
0x8a: {  	s1 =	srdreg.scid  }
0x8b: {  	s0 =	sand.u32 $0x1, s1  }
0x8c: {  	s17 =	sshll.u32 s0, $0xA;
	s2 =	sadd.s32 s3, s2  }
0x8d: {  	s2 =	sadd.s32 s2, s17  }
0x8e: {  	[smem:$0x3FBD] =	sst s2  }
0x8f: {  	_ = 	snop  }
0x90: {  	(tm) =	ssettm $0x1  }
0x91: {  	s18 =	sld [smem:$0x3FFB];
	_ =	sdelay $0x3  }
0x92: {  	_ =	strace s18  }
0x93: {  	s2 =	sld [smem:$0x3FFC];
	_ =	sdelay $0x3  }
0x94: {  	_ =	strace s2  }
0x95: {  	s2 =	sld [smem:$0x3FFD];
	_ =	sdelay $0x3  }
0x96: {  	_ =	strace s2  }
0x97: {  	_ =	strace $0x8FFFFFFF  }
0x98: {  	s19 =	sld [smem:$0x3FDB];
	_ =	sdelay $0x1  }
0x99: {  	s20 =	simm.s32 $_scs_section_size  }
0x9a: {  	s4 =	simm.s32 $_size__tile_overlayer_lowered;
	s5 =	simm.s32 $_tile_overlayer_lowered  }
0x9b: {  	s6 =	simm.s32 $0x1BFF;
	s21 =	sshll.u32 s5, $0x1;
	s3 =	sadd.s32 s20, s19  }
0x9c: {  	s22 =	simm.s32 $0x0;
	s4 =	sshll.u32 s4, $0x1;
	s5 =	sadd.s32 s21, s3  }
0x9d: {  	[timem:s22], [sflag:s6] =	dma.local [hbm:s5], s4  }
0x9e: {  	_ =	swait.ge [sflag:s6], s4  }
0x9f: {  	s4 =	ssub.s32 $0x0, s4;
	[sflag:s6] =	ssyncset.done $0x0  }
0xa0: {  	[sflag:s6] =	ssyncadd.s32 s4;
	_ =	sdelay $0x1  }
0xa1: {  	s23 =	simm.s32 $0x1B8B  }
0xa2: {  	_ =	swait.ge [sflag:s23], $0x1  }
0xa3: {  	[sflag:s23] =	ssyncset.done $0x0  }
0xa4: {  	[sflag:s23] =	ssyncadd.s32 $0xFFFFFFFF  }
0xa5: {  	s4 =	sld [smem:$0x0]  }
0xa6: {  	s5 =	sand.u32 $0xFFFFFFFE, s1  }
0xa7: {  	p0 =	sne.s32 s1, s5  }
0xa8: {  	s5 =	sshll.u32 @p0 s5, $0xE  }
0xa9: {  	s5 =	sadd.s32 @p0 $0x11B8D, s5;
	s6 =	sshll.u32 @p0 s4, $0x11  }
0xaa: {  	s5 =	sor.u32 @p0 s6, s5  }
0xab: {  	[sflag:s5] =	ssyncadd.remote.s32 @p0 $0x1;
	_ =	sdelay $0x1  }
0xac: {  	s5 =	simm.s32 @p0 $0x1B8D  }
0xad: {  	_ =	swait.eq @p0 [sflag:s5], $0x1  }
0xae: {  	[sflag:s5] =	ssyncadd.s32 @p0 $0xFFFFFFFF  }
0xaf: {  	s6 =	sshll.u32 @!p0 s1, $0xE  }
0xb0: {  	s6 =	sor.u32 @!p0 $0x4000, s6;
	s5 =	simm.s32 @!p0 $0x1B8D  }
0xb1: {  	s4 =	sshll.u32 @!p0 s4, $0x11;
	s6 =	sadd.s32 @!p0 $0x11B8D, s6;
	_ =	swait.eq @!p0 [sflag:s5], $0x1  }
0xb2: {  	s4 =	sor.u32 @!p0 s4, s6;
	[sflag:s5] =	ssyncadd.s32 @!p0 $0xFFFFFFFF  }
0xb3: {  	s25 =	simm.s32 $0x1B8E;
	s24 =	sld [smem:$0x3FFE];
	[sflag:s4] =	ssyncadd.remote.s32 @!p0 $0x1  }
0xb4: {  	s26 =	simm.s32 $execute0_lowered;
	[smem:$0x3FD2] =	sst s25  }
0xb5: {  	s5 =	sshll.u32 s26, $0x1;
	_ =	strace $0x8000004C;
	[dreg:$0x1] =	wrdreg $0xFFFFFFFF  }
0xb6: {  	s28 =	simm.s32 $_size_execute0_lowered;
	s3 =	sadd.s32 s3, s5;
	[dreg:$0x0] =	wrdreg $0x0  }
0xb7: {  	s5 =	sshll.u32 s28, $0x1;
	[dreg:$0x2] =	wrdreg s3  }
0xb8: {  	[dreg:$0x3] =	wrdreg s5  }
0xb9: {  	[dreg:$0x4] =	wrdreg $0xC0  }
0xba: {  	_ =	task [dreg:s22], $0x5FFFF  }
0xbb: {  	[dreg:$0x1] =	wrdreg $0xFFFFFFFF  }
0xbc: {  	[dreg:$0x0] =	wrdreg $0x60  }
0xbd: {  	[dreg:$0x2] =	wrdreg s24  }
0xbe: {  	[dreg:$0x3] =	wrdreg $0x91000  }
0xbf: {  	[dreg:$0x4] =	wrdreg $0xA  }
0xc0: {  	_ =	task.clear_ibuf [dreg:s22], $0x5FFFF;
	_ =	strace $0x9000004C  }
0xc1: {  	s29 =	simm.s32 $0xA;
	_ =	strace $0x8000004E  }
0xc2: {  	_ =	swait.ge [sflag:s29], $0x1  }
0xc3: {  	[sflag:s29] =	ssyncadd.s32 $0xFFFFFFFF  }
0xc4: {  	_ =	strace $0x9000004E  }
0xc5: {  	_ =	sfence  }
0xc6: {  	s30 =	sld [smem:$0x0];
	_ =	sdelay $0x2  }
0xc7: {  	s31 =	sshll.u32 s1, $0xD;
	s1 =	sshrl.u32 s1, $0x2  }
0xc8: {  	s4 =	sand.u32 $0x4000, s31;
	s1 =	sadd.s32 s1, s30  }
0xc9: {  	s0 =	sor.u32 s4, s0;
	s1 =	sshll.u32 s1, $0x11  }
0xca: {  	s0 =	sor.u32 s1, s0  }
0xcb: {  	s0 =	sadd.s32 $0x8F2B, s0  }
0xcc: {  	[sflag:s0] =	ssyncadd.remote.s32 $0x1  }
0xcd: {  	_ =	sfence.sel $0xFFFF  }
0xce: {  	[dreg:$0x0] =	wrdreg $0xFFFFFFFF;
	(pc) =	sbr.abs _section_cstart, $3  }
0xcf: {  	[dreg:$0x1] =	wrdreg $0xFFFFFFFF  }
0xd0: {  	_ =	task.clear_ibuf [dreg:s22], $0x2FFFF;
	_ =	strace $0x9FFFFFFF  }
0xd1: {  	(tm) =	ssettm $0x7FFFFFFF  }
tec
execute0_lowered:
.L_overlay_start_1:
0x0: {  	(tag) =	ssettag $0x1  }
0x1: {  	s0 =	rddreg [dreg:$0x0]  }
0x2: {  	s1 =	rddreg [dreg:$0x1]  }
0x3: {  	s2 =	srdreg.scid;
	s3 =	simm.s32 $0x0;
	s13 =	stileid.u32  }
0x4: {  	s28 =	simm.s32 $0x2;
	s29 =	simm.s32 $0x4;
	s6 =	smul.u32 $0x13C00, s13  }
0x5: {  	s2 =	sand.u32 $0x1, s2;
	[smem:$0x7FF] =	sst s3;
	s7 =	smul.u32 $0x4E200, s13  }
0x6: {  	s15 =	sadd.s32 $0x531C00, s0;
	s5 =	smul.u32 $0x13C000, s2;
	s18 =	ssub.s32 $0x2, s2  }
0x7: {  	s17 =	sshll.u32 s13, $0x1;
	s22 =	smul.u32 $0x26C00, s13;
	s8 =	sshrl.u32 s18, $0x1  }
0x8: {  	s5 =	sadd.s32 s6, s5;
	s6 =	sor.u32 s2, s17;
	s17 =	smul.u32 $0x26C0, s13  }
0x9: {  	s4 =	sadd.s32 $0x52CE00, s0;
	s16 =	ssub.s32 s18, s8;
	s18 =	smul.u32 $0x1360, s2  }
0xa: {  	s30 =	simm.s32 $0x0;
	_ =	strace $0x8000004D;
	s2 =	smul.u32 $0x13600, s2  }
0xb: {  	s7 =	sshrl.u32 s7, $0x2;
	s24 =	sadd.s32 s22, s15;
	s12 =	smul.u32 $0x1360, s6  }
0xc: {  	s22 =	simm.s32 $0x80;
	s5 =	sshrl.u32 s5, $0x3;
	s6 =	smul.u32 $0x13600, s6  }
0xd: {  	s0 =	sadd.s32 s5, s0;
	s5 =	sadd.s32 s7, s1;
	s25 =	sadd.s32 s18, s17  }
0xe: {  	s19 =	sshrl.u32 s12, $0x3;
	s6 =	sadd.s32 s15, s6;
	s21 =	sadd.s32 $0x3E80, s5  }
0xf: {  	s9 =	sadd.s32 $0x7D00, s5;
	s10 =	sadd.s32 $0xBB80, s5;
	s11 =	sadd.s32 $0xFA00, s5  }
0x10: {  	s12 =	sadd.s32 $0x1310, s12;
	s26 =	sadd.s32 $0x50, s25;
	s17 =	sadd.s32 $0xA0, s25  }
0x11: {  	s25 =	simm.s32 $0x3;
	s20 =	sadd.s32 s4, s19;
	[dreg:$0x4] =	wrdreg s6  }
0x12: {  	[dreg:$0x5] =	wrdreg s21;
	s23 =	sshrl.u32 s12, $0x3;
	s14 =	sshll.u32 s12, $0x4  }
0x13: {  	s31 =	sshrl.u32 s26, $0x3;
	s19 =	simm.s32 $0x100;
	s21 =	simm.s32 $0x5  }
0x14: {  	s26 =	simm.s32 $0x50;
	[dreg:$0x3] =	wrdreg s20;
	s12 =	sadd.s32 s4, s23  }
0x15: {  	s13 =	sadd.s32 s15, s14;
	s14 =	sadd.s32 $0x3AE00, s0;
	s15 =	smax.u32 s16, $0x1  }
0x16: {  	s0 =	sadd.s32 s2, s24;
	s18 =	sadd.s32 s31, s4;
	s20 =	simm.s32 $0x5100  }
0x17: {  	v0 =	vimm.f32 $0.0e+00;
	s23 =	simm.s32 $0x2900;
	s24 =	simm.s32 $0x1;
	s16 =	sadd.s32 $0xA00, s0  }
.LBB2_1:
0x18: {  	s0 =	rddreg [dreg:$0x3]  }
0x19: {  	[tilespmem:s3], [sflag:$0x1] =	stream.linear.gather [hbm4b:s0+s3], $0x50, $0x38;
	[tilespmem:$0x1C980] =	vst v63  }
0x1a: {  	s31 =	rddreg [dreg:$0x4];
	s2 =	simm.s32 $0x200;
	s0 =	simm.s32 $0x0  }
0x1b: {  	[tilespmem:s19], [sflag:$0x3] =	stream.linear.gather [hbm4b:s31+s3], $0x2800, $0x38;
	[tilespmem:$0x1C980] =	vst v63  }
.LBB2_2:
0x1c: {  	p0 =	sne.s32 s2, $0xF800;
	[tilespmem:s0+$0x5170] =	vst v0  }
0x1d: {  	[tilespmem:s0+$0x5100] =	vst v0  }
0x1e: {  	[tilespmem:s0+$0x5110] =	vst v0  }
.Ltmp0:
0x1f: {  	[tilespmem:s0+$0x5120] =	vst v0;
	(pc) =	sbr.rel @p0 .LBB2_2-.Ltmp0, $4  }
0x20: {  	[tilespmem:s0+$0x5130] =	vst v0  }
0x21: {  	[tilespmem:s0+$0x5140] =	vst v0  }
0x22: {  	[tilespmem:s0+$0x5150] =	vst v0  }
0x23: {  	[tilespmem:s0+$0x5160] =	vst v0;
	s0 =	sshra.s32 s2, $0x2;
	s2 =	sadd.s32 $0x200, s2  }
0x24: {  	[tilespmem:s0+$0x5170] =	vst v0  }
0x25: {  	[tilespmem:s0+$0x5100] =	vst v0  }
0x26: {  	[tilespmem:s0+$0x5110] =	vst v0  }
0x27: {  	[tilespmem:s0+$0x5120] =	vst v0  }
0x28: {  	[tilespmem:s0+$0x5130] =	vst v0  }
0x29: {  	[tilespmem:s0+$0x5140] =	vst v0  }
0x2a: {  	[tilespmem:s0+$0x5150] =	vst v0  }
0x2b: {  	[tilespmem:s0+$0x5160] =	vst v0  }
0x2c: {  	[spmem:s5] =	stream.linear.scatter [tilespmem:s20], [sflag:$0x5], $0x3E80, $0x38;
	[tilespmem:$0x1C980] =	vst v63  }
0x2d: {  	_ =	swait.ge [sflag:s21], $0x3E80  }
0x2e: {  	[sflag:s21] =	ssyncset.done $0x0  }
0x2f: {  	s2 =	rddreg [dreg:$0x5];
	[sflag:s21] =	ssyncadd.s32 $0xFFFFC180  }
0x30: {  	[spmem:s2] =	stream.linear.scatter [tilespmem:s20], [sflag:$0x5], $0x3E80, $0x38;
	[tilespmem:$0x1C980] =	vst v63  }
0x31: {  	_ =	swait.ge [sflag:s21], $0x3E80  }
0x32: {  	[sflag:s21] =	ssyncset.done $0x0  }
0x33: {  	[sflag:s21] =	ssyncadd.s32 $0xFFFFC180  }
0x34: {  	[spmem:s9] =	stream.linear.scatter [tilespmem:s20], [sflag:$0x5], $0x3E80, $0x38;
	[tilespmem:$0x1C980] =	vst v63  }
0x35: {  	_ =	swait.ge [sflag:s21], $0x3E80  }
0x36: {  	[sflag:s21] =	ssyncset.done $0x0  }
0x37: {  	[sflag:s21] =	ssyncadd.s32 $0xFFFFC180  }
0x38: {  	[spmem:s10] =	stream.linear.scatter [tilespmem:s20], [sflag:$0x5], $0x3E80, $0x38;
	[tilespmem:$0x1C980] =	vst v63  }
0x39: {  	_ =	swait.ge [sflag:s21], $0x3E80  }
0x3a: {  	[sflag:s21] =	ssyncset.done $0x0  }
0x3b: {  	[sflag:s21] =	ssyncadd.s32 $0xFFFFC180  }
0x3c: {  	[spmem:s11] =	stream.linear.scatter [tilespmem:s20], [sflag:$0x5], $0x3E80, $0x38;
	[tilespmem:$0x1C980] =	vst v63  }
0x3d: {  	_ =	swait.ge [sflag:s21], $0x3E80  }
0x3e: {  	[sflag:s21] =	ssyncset.done $0x0  }
0x3f: {  	[sflag:s21] =	ssyncadd.s32 $0xFFFFC180  }
0x40: {  	s6 =	sadd.s32 $0x0, s18;
	[bflag:$0x0] =	sbarrier.arrive $0xFFFF  }
0x41: {  	[tilespmem:s22], [sflag:$0x2] =	stream.linear.gather [hbm4b:s6+s3], $0x50, $0x38;
	[tilespmem:$0x1C980] =	vst v63  }
0x42: {  	s7 =	sadd.s32 $0xFFFFFB00, s16  }
0x43: {  	[tilespmem:s23], [sflag:$0x4] =	stream.linear.gather [hbm4b:s7+s3], $0x2800, $0x38;
	[tilespmem:$0x1C980] =	vst v63  }
0x44: {  	_ =	swait.ge [sflag:s24], $0x50  }
0x45: {  	[sflag:s24] =	ssyncset.done $0x0  }
0x46: {  	[sflag:s24] =	ssyncadd.s32 $0xFFFFFFB0  }
0x47: {  	_ =	swait.ge [sflag:s25], $0x2800  }
0x48: {  	[sflag:s25] =	ssyncset.done $0x0  }
0x49: {  	[sflag:s25] =	ssyncadd.s32 $0xFFFFD800  }
0x4a: {  	[spmem:s1] =	stream.indirect.scatter.add.f32 [tilespmem:s19], [sflag:$0x5], $0x80, s3, s26, $0xb8;
	[tilespmem:$0x1C980] =	vst v63  }
0x4b: {  	_ =	swait.ge [sflag:s21], $0x2800  }
0x4c: {  	s8 =	sshrl.u32 s17, $0x3;
	[sflag:s21] =	ssyncset.done $0x0  }
0x4d: {  	s0 =	sadd.s32 s4, s8;
	[sflag:s21] =	ssyncadd.s32 $0xFFFFD800  }
0x4e: {  	[tilespmem:s3], [sflag:$0x1] =	stream.linear.gather [hbm4b:s0+s3], $0x50, $0x38;
	[tilespmem:$0x1C980] =	vst v63  }
0x4f: {  	_ = 	snop  }
0x50: {  	[tilespmem:s19], [sflag:$0x3] =	stream.linear.gather [hbm4b:s16+s3], $0x2800, $0x38;
	[tilespmem:$0x1C980] =	vst v63  }
0x51: {  	_ =	swait.ge [sflag:s28], $0x50  }
0x52: {  	[sflag:s28] =	ssyncset.done $0x0  }
0x53: {  	[sflag:s28] =	ssyncadd.s32 $0xFFFFFFB0  }
0x54: {  	_ =	swait.ge [sflag:s29], $0x2800  }
0x55: {  	[sflag:s29] =	ssyncset.done $0x0  }
0x56: {  	[sflag:s29] =	ssyncadd.s32 $0xFFFFD800  }
0x57: {  	[spmem:s1] =	stream.indirect.scatter.add.f32 [tilespmem:s23], [sflag:$0x5], $0x80, s22, s26, $0xb8;
	[tilespmem:$0x1C980] =	vst v63  }
0x58: {  	s31 =	sadd.s32 $0xA00, s16;
	s2 =	simm.s32 $0x14;
	_ =	swait.ge [sflag:s21], $0x2800  }
0x59: {  	s6 =	simm.s32 $0x28;
	s0 =	sadd.s32 $0xA0, s17;
	[sflag:s21] =	ssyncset.done $0x0  }
.LBB2_4:
0x5a: {  	s7 =	sadd.s32 s2, s18  }
0x5b: {  	[sflag:s21] =	ssyncadd.s32 $0xFFFFD800;
	s2 =	smov.u32 s6;
	s8 =	sadd.s32 $0x14, s6  }
0x5c: {  	[tilespmem:s22], [sflag:$0x2] =	stream.linear.gather [hbm4b:s7+s3], $0x50, $0x38;
	[tilespmem:$0x1C980] =	vst v63  }
0x5d: {  	p0 =	sne.s32 s6, $0x244;
	s6 =	sadd.s32 $0xFFFFFB00, s31  }
0x5e: {  	[tilespmem:s23], [sflag:$0x4] =	stream.linear.gather [hbm4b:s6+s3], $0x2800, $0x38;
	[tilespmem:$0x1C980] =	vst v63  }
0x5f: {  	_ =	swait.ge [sflag:s24], $0x50  }
0x60: {  	[sflag:s24] =	ssyncset.done $0x0  }
0x61: {  	[sflag:s24] =	ssyncadd.s32 $0xFFFFFFB0  }
0x62: {  	_ =	swait.ge [sflag:s25], $0x2800  }
0x63: {  	[sflag:s25] =	ssyncset.done $0x0  }
0x64: {  	[sflag:s25] =	ssyncadd.s32 $0xFFFFD800  }
0x65: {  	[spmem:s1] =	stream.indirect.scatter.add.f32 [tilespmem:s19], [sflag:$0x5], $0x80, s3, s26, $0xb8;
	[tilespmem:$0x1C980] =	vst v63  }
0x66: {  	_ =	swait.ge [sflag:s21], $0x2800  }
0x67: {  	s6 =	sshrl.u32 s0, $0x3;
	[sflag:s21] =	ssyncset.done $0x0  }
0x68: {  	s6 =	sadd.s32 s4, s6;
	[sflag:s21] =	ssyncadd.s32 $0xFFFFD800  }
0x69: {  	[tilespmem:s3], [sflag:$0x1] =	stream.linear.gather [hbm4b:s6+s3], $0x50, $0x38;
	[tilespmem:$0x1C980] =	vst v63  }
0x6a: {  	_ = 	snop  }
0x6b: {  	[tilespmem:s19], [sflag:$0x3] =	stream.linear.gather [hbm4b:s31+s3], $0x2800, $0x38;
	[tilespmem:$0x1C980] =	vst v63  }
0x6c: {  	_ =	swait.ge [sflag:s28], $0x50  }
0x6d: {  	[sflag:s28] =	ssyncset.done $0x0  }
0x6e: {  	[sflag:s28] =	ssyncadd.s32 $0xFFFFFFB0  }
0x6f: {  	_ =	swait.ge [sflag:s29], $0x2800  }
.Ltmp1:
0x70: {  	[sflag:s29] =	ssyncset.done $0x0;
	(pc) =	sbr.rel @p0 .LBB2_4-.Ltmp1, $4  }
0x71: {  	[sflag:s29] =	ssyncadd.s32 $0xFFFFD800  }
0x72: {  	[spmem:s1] =	stream.indirect.scatter.add.f32 [tilespmem:s23], [sflag:$0x5], $0x80, s22, s26, $0xb8;
	[tilespmem:$0x1C980] =	vst v63  }
0x73: {  	s0 =	sadd.s32 $0xA0, s0;
	_ =	swait.ge [sflag:s21], $0x2800  }
0x74: {  	s6 =	smov.u32 s8;
	s31 =	sadd.s32 $0xA00, s31;
	[sflag:s21] =	ssyncset.done $0x0  }
0x75: {  	s2 =	sadd.s32 s2, s18;
	[sflag:s21] =	ssyncadd.s32 $0xFFFFD800  }
0x76: {  	[tilespmem:s22], [sflag:$0x2] =	stream.linear.gather [hbm4b:s2+s3], $0x50, $0x38;
	[tilespmem:$0x1C980] =	vst v63  }
0x77: {  	s7 =	sadd.s32 $0xFFFFFB00, s31  }
0x78: {  	[tilespmem:s23], [sflag:$0x4] =	stream.linear.gather [hbm4b:s7+s3], $0x2800, $0x38;
	[tilespmem:$0x1C980] =	vst v63  }
0x79: {  	_ =	swait.ge [sflag:s24], $0x50  }
0x7a: {  	[sflag:s24] =	ssyncset.done $0x0  }
0x7b: {  	[sflag:s24] =	ssyncadd.s32 $0xFFFFFFB0  }
0x7c: {  	_ =	swait.ge [sflag:s25], $0x2800  }
0x7d: {  	[sflag:s25] =	ssyncset.done $0x0  }
0x7e: {  	[sflag:s25] =	ssyncadd.s32 $0xFFFFD800  }
0x7f: {  	[spmem:s1] =	stream.indirect.scatter.add.f32 [tilespmem:s19], [sflag:$0x5], $0x80, s3, s26, $0xb8;
	[tilespmem:$0x1C980] =	vst v63  }
0x80: {  	_ =	swait.ge [sflag:s21], $0x2800  }
0x81: {  	s0 =	sshrl.u32 s0, $0x3;
	[sflag:s21] =	ssyncset.done $0x0  }
0x82: {  	s0 =	sadd.s32 s4, s0;
	[sflag:s21] =	ssyncadd.s32 $0xFFFFD800  }
0x83: {  	[tilespmem:s3], [sflag:$0x1] =	stream.linear.gather [hbm4b:s0+s3], $0x50, $0x38;
	[tilespmem:$0x1C980] =	vst v63  }
0x84: {  	_ = 	snop  }
0x85: {  	[tilespmem:s19], [sflag:$0x3] =	stream.linear.gather [hbm4b:s31+s3], $0x2800, $0x38;
	[tilespmem:$0x1C980] =	vst v63  }
0x86: {  	_ =	swait.ge [sflag:s28], $0x50  }
0x87: {  	[sflag:s28] =	ssyncset.done $0x0  }
0x88: {  	[sflag:s28] =	ssyncadd.s32 $0xFFFFFFB0  }
0x89: {  	_ =	swait.ge [sflag:s29], $0x2800  }
0x8a: {  	[sflag:s29] =	ssyncset.done $0x0  }
0x8b: {  	[sflag:s29] =	ssyncadd.s32 $0xFFFFD800  }
0x8c: {  	[spmem:s1] =	stream.indirect.scatter.add.f32 [tilespmem:s23], [sflag:$0x5], $0x80, s22, s26, $0xb8;
	[tilespmem:$0x1C980] =	vst v63  }
0x8d: {  	_ =	swait.ge [sflag:s21], $0x2800  }
0x8e: {  	[sflag:s21] =	ssyncset.done $0x0  }
0x8f: {  	[sflag:s21] =	ssyncadd.s32 $0xFFFFD800  }
0x90: {  	[tilespmem:s22], [sflag:$0x2] =	stream.linear.gather [hbm4b:s12+s3], $0x50, $0x38;
	[tilespmem:$0x1C980] =	vst v63  }
0x91: {  	_ = 	snop  }
0x92: {  	[tilespmem:s23], [sflag:$0x4] =	stream.linear.gather [hbm4b:s13+s3], $0x2800, $0x38;
	[tilespmem:$0x1C980] =	vst v63  }
0x93: {  	_ =	swait.ge [sflag:s24], $0x50  }
0x94: {  	[sflag:s24] =	ssyncset.done $0x0  }
0x95: {  	[sflag:s24] =	ssyncadd.s32 $0xFFFFFFB0  }
0x96: {  	_ =	swait.ge [sflag:s25], $0x2800  }
0x97: {  	[sflag:s25] =	ssyncset.done $0x0  }
0x98: {  	[sflag:s25] =	ssyncadd.s32 $0xFFFFD800  }
0x99: {  	[spmem:s1] =	stream.indirect.scatter.add.f32 [tilespmem:s19], [sflag:$0x5], $0x80, s3, s26, $0xb8;
	[tilespmem:$0x1C980] =	vst v63  }
0x9a: {  	_ =	swait.ge [sflag:s21], $0x2800  }
0x9b: {  	[sflag:s21] =	ssyncset.done $0x0  }
0x9c: {  	[sflag:s21] =	ssyncadd.s32 $0xFFFFD800  }
0x9d: {  	_ =	swait.ge [sflag:s28], $0x50  }
0x9e: {  	[sflag:s28] =	ssyncset.done $0x0  }
0x9f: {  	[sflag:s28] =	ssyncadd.s32 $0xFFFFFFB0  }
0xa0: {  	_ =	swait.ge [sflag:s29], $0x2800  }
0xa1: {  	[sflag:s29] =	ssyncset.done $0x0  }
0xa2: {  	[sflag:s29] =	ssyncadd.s32 $0xFFFFD800  }
0xa3: {  	[spmem:s1] =	stream.indirect.scatter.add.f32 [tilespmem:s23], [sflag:$0x5], $0x80, s22, s26, $0xb8;
	[tilespmem:$0x1C980] =	vst v63  }
0xa4: {  	s8 =	stileid.u32;
	_ =	swait.ge [sflag:s21], $0x2800  }
0xa5: {  	s30 =	sadd.s32 $0x1, s30;
	s0 =	sshll.u32 s8, $0x6;
	[sflag:s21] =	ssyncset.done $0x0  }
0xa6: {  	p0 =	sne.s32 s30, s15;
	s0 =	sor.u32 $0x1C05, s0;
	[sflag:s21] =	ssyncadd.s32 $0xFFFFD800  }
.Ltmp2:
0xa7: {  	s31 =	sshrl.u32 s5, $0x3;
	[bflag:$0x0] =	sbarrier.arrive $0xFFFF;
	(pc) =	sbr.rel @p0 .LBB2_1-.Ltmp2, $4  }
0xa8: {  	[hbm:s14], [sflag:s0] =	dma.local [spmem:s31], $0x2710  }
0xa9: {  	_ =	swait.ge [sflag:s21], $0x2710  }
0xaa: {  	[sflag:s21] =	ssyncset.done $0x0  }
0xab: {  	[sflag:s21] =	ssyncadd.s32 $0xFFFFD8F0  }
0xac: {  	_ =	sfence.sel $0x180000  }
0xad: {  	[bflag:$0x0] =	sbarrier.arrive $0xFFFF  }
0xae: {  	_ =	strace $0x9000004D  }
0xaf: {  	s0 =	stileid.u32;
	[bflag:$0x2] =	sbarrier.arrive $0xFFFF  }
0xb0: {  	p0 =	sne.s32 s0, $0x0;
	s0 =	rddreg [dreg:$0x2]  }
0xb1: {  	s0 =	sadd.s32 @!p0 $0x100000, s0  }
0xb2: {  	[sflag:s0] =	ssyncadd.tile.s32 @!p0 $0x1;
	_ =	shalt  }
.Lfunc_end2:
_tile_overlayer_lowered:
.L_overlay_start_2:
0xb3: {  	(tag) =	ssettag $0x2  }
0xb4: {  	s0 =	rddreg [dreg:$0x0];
	s2 =	stileid.u32  }
0xb5: {  	s1 =	rddreg [dreg:$0x1];
	p0 =	sne.s32 s2, $0x0  }
0xb6: {  	s3 =	rddreg [dreg:$0x2];
	[bflag:$0x3] =	sbarrier.arrive $0xFFFF;
	s2 =	simm.s32 @!p0 $0x1C05  }
0xb7: {  	[timem:s3], [sflag:s2] =	dma.local @!p0 [hbm:s0], s1  }
0xb8: {  	s0 =	simm.s32 @!p0 $0x5  }
0xb9: {  	_ =	swait.ge @!p0 [sflag:s0], s1  }
0xba: {  	s1 =	ssub.s32 @!p0 $0x0, s1;
	[sflag:s0] =	ssyncset.done @!p0 $0x0  }
0xbb: {  	[sflag:s0] =	ssyncadd.s32 @!p0 s1  }
0xbc: {  	[bflag:$0x3] =	sbarrier.arrive $0xFFFF  }
0xbd: {  	_ =	shalt  }

</sc_bundles>
